<compile_context>
chip_gen: v7x
topology: tpu7x:2x2x1
jax: 0.10.2.dev20260603
libtpu: 0.0.44.dev20260713+nightly
codegen_flags: <defaults>
</compile_context>

<pallas_src>
import functools

import jax
import jax.numpy as jnp
from jax import lax
from jax.experimental import pallas as pl
from jax.experimental.pallas import tpu as pltpu
from jax.experimental.pallas import tpu_sc as plsc

NU = 50000
NM = 50000
E = 800000
EL = 200000
DF = 128
H = 64

NS = 16
CH = 1024
NTC = 49
NCH_E = NS * NTC
EPAD = NCH_E * CH
NCH_L = (EL + CH - 1) // CH
LPAD = NCH_L * CH
NT_L = (NCH_L + NS - 1) // NS
NP = 51200
RPS = NP // NS
JUNK = 50000

_mesh = plsc.VectorSubcoreMesh(core_axis_name="c", subcore_axis_name="s")
_sc_params = pltpu.CompilerParams(use_tc_tiling_on_sc=False)


def _zero_q16(ref, rows):
    z = jnp.zeros((16,), jnp.float32)

    @pl.loop(0, rows)
    def _(i):
        ref[i, pl.ds(0, 16)] = z


def _zero_acc_via(buf, acc, s):
    _zero_q16(buf, CH)
    for k in range(3):
        pltpu.sync_copy(buf, acc.at[pl.ds(s * RPS + k * CH, CH)])
    pltpu.sync_copy(buf.at[pl.ds(0, RPS - 3 * CH)],
                    acc.at[pl.ds(s * RPS + 3 * CH, RPS - 3 * CH)])


@functools.partial(
    pl.kernel,
    mesh=_mesh,
    compiler_params=_sc_params,
    out_type=jax.ShapeDtypeStruct((2, 2, NP, 16), jnp.float32),
    scratch_types=[
        pltpu.VMEM((NTC, CH), jnp.int32),
        pltpu.VMEM((CH,), jnp.int32),
        pltpu.VMEM((CH, 16), jnp.float32),
        pltpu.VMEM_SHARED((NP, 16), jnp.float32),
        pltpu.SemaphoreType.DMA,
    ],
)
def _sc_segsum(tab, gidx, sidx, out, gsta, dv, rows, acc, semg):
    c = lax.axis_index("c")
    s = lax.axis_index("s")

    for p in range(2):
        _zero_acc_via(rows, acc, s)
        pltpu.sync_copy(gidx.at[c, p, pl.ds(s * NTC, NTC)], gsta)
        plsc.subcore_barrier()

        @pl.loop(0, NTC)
        def _(t):
            pltpu.async_copy(tab.at[gsta.at[t]], rows, semg).wait()
            pltpu.sync_copy(sidx.at[s * NTC + t], dv)
            pltpu.sync_copy(rows, acc.at[dv], add=True)

        plsc.subcore_barrier()
        pltpu.sync_copy(acc.at[pl.ds(s * RPS, RPS)],
                        out.at[c, p, pl.ds(s * RPS, RPS)])
        plsc.subcore_barrier()


@functools.partial(
    pl.kernel,
    mesh=_mesh,
    compiler_params=_sc_params,
    out_type=jax.ShapeDtypeStruct((2, NP, 16), jnp.float32),
    scratch_types=[
        pltpu.VMEM((CH,), jnp.int32),
        pltpu.VMEM((CH, 16), jnp.float32),
        pltpu.VMEM_SHARED((NP, 16), jnp.float32),
    ],
)
def _sc_hist(sidx, out, dv, ones, acc):
    c = lax.axis_index("c")
    s = lax.axis_index("s")

    _zero_acc_via(ones, acc, s)

    one = jnp.ones((16,), jnp.float32)

    @pl.loop(0, CH)
    def _(i):
        ones[i, pl.ds(0, 16)] = one

    plsc.subcore_barrier()

    @pl.loop(0, NTC)
    def _(t):
        pltpu.sync_copy(sidx.at[c, s * NTC + t], dv)
        pltpu.sync_copy(ones, acc.at[dv], add=True)

    plsc.subcore_barrier()
    pltpu.sync_copy(acc.at[pl.ds(s * RPS, RPS)],
                    out.at[c, pl.ds(s * RPS, RPS)])


@functools.partial(
    pl.kernel,
    mesh=_mesh,
    compiler_params=_sc_params,
    out_type=jax.ShapeDtypeStruct((2, LPAD, 32), jnp.float32),
    scratch_types=[
        pltpu.VMEM((CH,), jnp.int32),
        pltpu.VMEM((CH,), jnp.int32),
        pltpu.VMEM((CH, 32), jnp.float32),
        pltpu.VMEM((CH, 32), jnp.float32),
        pltpu.SemaphoreType.DMA,
        pltpu.SemaphoreType.DMA,
    ],
)
def _sc_decgather(pu, pm, i0, i1, out, iv0, iv1, bu, bm, sem0, sem1):
    c = lax.axis_index("c")
    s = lax.axis_index("s")

    @pl.loop(0, NT_L)
    def _(t):
        j = t * NS + s

        @pl.when(j < NCH_L)
        def _():
            pltpu.sync_copy(i0.at[c, pl.ds(j * CH, CH)], iv0)
            cp0 = pltpu.async_copy(pu.at[iv0], bu, sem0)
            pltpu.sync_copy(i1.at[c, pl.ds(j * CH, CH)], iv1)
            cp1 = pltpu.async_copy(pm.at[iv1], bm, sem1)
            cp0.wait()
            cp1.wait()

            @pl.loop(0, CH)
            def _(r):
                bu[r, pl.ds(0, 16)] = bu[r, pl.ds(0, 16)] + bm[r, pl.ds(0, 16)]
                bu[r, pl.ds(16, 16)] = (bu[r, pl.ds(16, 16)]
                                        + bm[r, pl.ds(16, 16)])

            pltpu.sync_copy(bu, out.at[c, pl.ds(j * CH, CH)])


_BK = 2000


def _proj_body(x_ref, w_ref, b_ref, o_ref):
    y = jax.nn.relu(jnp.dot(x_ref[...], w_ref[...],
                            preferred_element_type=jnp.float32) + b_ref[...])
    for q in range(4):
        o_ref[q] = y[:, 16 * q:16 * (q + 1)]


def _proj_movie(movie_x, proj_W, proj_b):
    return pl.pallas_call(
        _proj_body,
        grid=(NM // _BK,),
        in_specs=[
            pl.BlockSpec((_BK, DF), lambda i: (i, 0)),
            pl.BlockSpec((DF, H), lambda i: (0, 0)),
            pl.BlockSpec((1, H), lambda i: (0, 0)),
        ],
        out_specs=pl.BlockSpec((4, _BK, 16), lambda i: (0, i, 0)),
        out_shape=jax.ShapeDtypeStruct((4, NM, 16), jnp.float32),
    )(movie_x, proj_W, proj_b.reshape(1, H))


def _split_body(x_ref, o_ref):
    for q in range(4):
        o_ref[q] = x_ref[:, 16 * q:16 * (q + 1)]


def _split_user(x):
    return pl.pallas_call(
        _split_body,
        grid=(NU // _BK,),
        in_specs=[pl.BlockSpec((_BK, H), lambda i: (i, 0))],
        out_specs=pl.BlockSpec((4, _BK, 16), lambda i: (0, i, 0)),
        out_shape=jax.ShapeDtypeStruct((4, NU, 16), jnp.float32),
    )(x)


def _sage_linear(agg_ref, cnt_ref, x_ref, wl, bl, wr):
    inv = 1.0 / jnp.maximum(cnt_ref[...], 1.0)
    y = bl
    for q in range(4):
        y = y + jnp.dot(agg_ref[q // 2, q % 2] * inv, wl[16 * q:16 * (q + 1)],
                        preferred_element_type=jnp.float32)
        y = y + jnp.dot(x_ref[q], wr[16 * q:16 * (q + 1)],
                        preferred_element_type=jnp.float32)
    return y


def _conv1_body(agg_ref, cnt_ref, x_ref, wl_ref, bl_ref, wr_ref, o_ref):
    y = jax.nn.relu(_sage_linear(agg_ref, cnt_ref, x_ref,
                                 wl_ref[...], bl_ref[...], wr_ref[...]))
    for q in range(4):
        o_ref[q] = x_ref[q] + y[:, 16 * q:16 * (q + 1)]


def _conv1(agg, cnt, x, Wl, bl, Wr, n):
    return pl.pallas_call(
        _conv1_body,
        grid=(n // _BK,),
        in_specs=[
            pl.BlockSpec((2, 2, _BK, 16), lambda i: (0, 0, i, 0)),
            pl.BlockSpec((_BK, 1), lambda i: (i, 0)),
            pl.BlockSpec((4, _BK, 16), lambda i: (0, i, 0)),
            pl.BlockSpec((H, H), lambda i: (0, 0)),
            pl.BlockSpec((1, H), lambda i: (0, 0)),
            pl.BlockSpec((H, H), lambda i: (0, 0)),
        ],
        out_specs=pl.BlockSpec((4, _BK, 16), lambda i: (0, i, 0)),
        out_shape=jax.ShapeDtypeStruct((4, n, 16), jnp.float32),
    )(agg, cnt, x, Wl, bl.reshape(1, H), Wr)


def _conv2_body(agg_ref, cnt_ref, x_ref, wl_ref, bl_ref, wr_ref, w1_ref,
                o_ref):
    y = _sage_linear(agg_ref, cnt_ref, x_ref,
                     wl_ref[...], bl_ref[...], wr_ref[...])
    nrm = jnp.sqrt(jnp.sum(y * y, axis=-1, keepdims=True))
    yn = y / jnp.maximum(nrm, 1e-12)
    p = jnp.dot(yn, w1_ref[...], preferred_element_type=jnp.float32)
    o_ref[0] = p[:, :32]
    o_ref[1] = p[:, 32:]


def _conv2(agg, cnt, x, Wl, bl, Wr, W1half, n):
    return pl.pallas_call(
        _conv2_body,
        grid=(n // _BK,),
        in_specs=[
            pl.BlockSpec((2, 2, _BK, 16), lambda i: (0, 0, i, 0)),
            pl.BlockSpec((_BK, 1), lambda i: (i, 0)),
            pl.BlockSpec((4, _BK, 16), lambda i: (0, i, 0)),
            pl.BlockSpec((H, H), lambda i: (0, 0)),
            pl.BlockSpec((1, H), lambda i: (0, 0)),
            pl.BlockSpec((H, H), lambda i: (0, 0)),
            pl.BlockSpec((H, H), lambda i: (0, 0)),
        ],
        out_specs=pl.BlockSpec((2, _BK, 32), lambda i: (0, i, 0)),
        out_shape=jax.ShapeDtypeStruct((2, n, 32), jnp.float32),
    )(agg, cnt, x, Wl, bl.reshape(1, H), Wr, W1half)


_ZROWS = LPAD * 32 // 128
_DBK = 2000


def _dec_body(z_ref, b0_ref, b1_ref, m0_ref, m1_ref, b2_ref, o_ref):
    h0 = jax.nn.relu(z_ref[0] + b0_ref[...])
    h1 = jax.nn.relu(z_ref[1] + b1_ref[...])
    o_ref[...] = (jnp.dot(h0, m0_ref[...], preferred_element_type=jnp.float32)
                  + jnp.dot(h1, m1_ref[...],
                            preferred_element_type=jnp.float32)
                  + b2_ref[0, 0])


def _decoder(z, dec_b1, dec_W2, dec_b2):
    b0 = jnp.tile(dec_b1[:32], 4).reshape(1, 128)
    b1 = jnp.tile(dec_b1[32:], 4).reshape(1, 128)
    m0 = jnp.kron(jnp.eye(4, dtype=jnp.float32), dec_W2[:32])
    m1 = jnp.kron(jnp.eye(4, dtype=jnp.float32), dec_W2[32:])
    nrow = EL * 32 // 128
    out = pl.pallas_call(
        _dec_body,
        grid=(nrow // _DBK,),
        in_specs=[
            pl.BlockSpec((2, _DBK, 128), lambda i: (0, i, 0)),
            pl.BlockSpec((1, 128), lambda i: (0, 0)),
            pl.BlockSpec((1, 128), lambda i: (0, 0)),
            pl.BlockSpec((128, 4), lambda i: (0, 0)),
            pl.BlockSpec((128, 4), lambda i: (0, 0)),
            pl.BlockSpec((1, 1), lambda i: (0, 0)),
        ],
        out_specs=pl.BlockSpec((_DBK, 4), lambda i: (i, 0)),
        out_shape=jax.ShapeDtypeStruct((nrow, 4), jnp.float32),
    )(z.reshape(2, _ZROWS, 128), b0, b1, m0, m1, dec_b2.reshape(1, 1))
    return out.reshape(EL, 1)


def _prep_gidx4(idx):
    p = jnp.zeros((EPAD - idx.shape[0],), jnp.int32)
    a = jnp.concatenate([idx, p])
    return (a[None, None, :]
            + jnp.arange(4, dtype=jnp.int32).reshape(2, 2, 1) * 50000
            ).reshape(2, 2, NCH_E, CH)


def _prep_gidx2(idx):
    p = jnp.zeros((LPAD - idx.shape[0],), jnp.int32)
    a = jnp.concatenate([idx, p])
    return jnp.stack([a, a + 50000])


def _prep_sidx(idx):
    p = jnp.full((EPAD - E,), JUNK, jnp.int32)
    return jnp.concatenate([idx, p]).reshape(NCH_E, CH)


def kernel(movie_x, edge_index, edge_label_index, user_emb_w, proj_W, proj_b,
           c1_um_Wl, c1_um_bl, c1_um_Wr, c1_mu_Wl, c1_mu_bl, c1_mu_Wr,
           c2_um_Wl, c2_um_bl, c2_um_Wr, c2_mu_Wl, c2_mu_bl, c2_mu_Wr,
           dec_W1, dec_b1, dec_W2, dec_b2):
    src = edge_index[0]
    dst = edge_index[1]
    g_src = _prep_gidx4(src)
    g_dst = _prep_gidx4(dst)
    s_dst = _prep_sidx(dst)
    s_src = _prep_sidx(src)
    g_e0 = _prep_gidx2(edge_label_index[0])
    g_e1 = _prep_gidx2(edge_label_index[1])

    hist = _sc_hist(jnp.stack([s_dst, s_src]))
    cnt_m = hist[0, :NM, :1]
    cnt_u = hist[1, :NU, :1]

    xm = _proj_movie(movie_x, proj_W, proj_b)
    xu = _split_user(user_emb_w)

    agg_m1 = _sc_segsum(xu.reshape(4 * NU, 16), g_src, s_dst)
    agg_u1 = _sc_segsum(xm.reshape(4 * NM, 16), g_dst, s_src)

    rm = _conv1(agg_m1, cnt_m, xm, c1_um_Wl, c1_um_bl, c1_um_Wr, NM)
    ru = _conv1(agg_u1, cnt_u, xu, c1_mu_Wl, c1_mu_bl, c1_mu_Wr, NU)

    agg_m2 = _sc_segsum(ru.reshape(4 * NU, 16), g_src, s_dst)
    agg_u2 = _sc_segsum(rm.reshape(4 * NM, 16), g_dst, s_src)

    pm = _conv2(agg_m2, cnt_m, rm, c2_um_Wl, c2_um_bl, c2_um_Wr,
                dec_W1[H:], NM)
    pu = _conv2(agg_u2, cnt_u, ru, c2_mu_Wl, c2_mu_bl, c2_mu_Wr,
                dec_W1[:H], NU)

    z = _sc_decgather(pu.reshape(2 * NU, 32), pm.reshape(2 * NM, 32),
                      g_e0, g_e1)
    return _decoder(z, dec_b1, dec_W2, dec_b2)

# --- scband reference (transcript-rebuilt; emitter-appended) ---
"""Pipeline reference for scband-nova-gnn-50276887167330 (READ-ONLY COPY).

The authoritative reference and input builder live on the scoring server;
editing this copy changes nothing except your own understanding.
"""

import jax, jax.numpy as jnp
import numpy as np

NU = 50000
NM = 50000
E = 800000
EL = 200000
DF = 128
H = 64


def _sage(x_src, x_dst, src, dst, Wl, bl, Wr, n_dst):
    msg = jnp.take(x_src, src, axis=0)
    agg = jax.ops.segment_sum(msg, dst, num_segments=n_dst)
    cnt = jax.ops.segment_sum(jnp.ones((src.shape[0],), x_src.dtype), dst, num_segments=n_dst)
    mean = agg / jnp.maximum(cnt, 1.0)[:, None]
    return mean @ Wl + bl + x_dst @ Wr


def _normalize(x):
    n = jnp.sqrt(jnp.sum(x * x, axis=-1, keepdims=True))
    return x / jnp.maximum(n, 1e-12)


def _forward(movie_x, user_emb_w, proj_W, proj_b,
             c1_um_Wl, c1_um_bl, c1_um_Wr, c1_mu_Wl, c1_mu_bl, c1_mu_Wr,
             c2_um_Wl, c2_um_bl, c2_um_Wr, c2_mu_Wl, c2_mu_bl, c2_mu_Wr,
             dec_W1, dec_b1, dec_W2, dec_b2,
             edge_index, edge_label_index):
    # NodeEmbeddings (dropout=0.0)
    x_user = user_emb_w
    x_movie = jax.nn.relu(movie_x @ proj_W + proj_b)
    src = edge_index[0]
    dst = edge_index[1]
    h0u, h0m = x_user, x_movie
    # conv1 (HeteroConv of two bipartite SAGEConvs, mean aggr) + relu
    m1 = jax.nn.relu(_sage(x_user, x_movie, src, dst, c1_um_Wl, c1_um_bl, c1_um_Wr, NM))
    u1 = jax.nn.relu(_sage(x_movie, x_user, dst, src, c1_mu_Wl, c1_mu_bl, c1_mu_Wr, NU))
    # residual
    ru = h0u + u1
    rm = h0m + m1
    # conv2
    m2 = _sage(ru, rm, src, dst, c2_um_Wl, c2_um_bl, c2_um_Wr, NM)
    u2 = _sage(rm, ru, dst, src, c2_mu_Wl, c2_mu_bl, c2_mu_Wr, NU)
    # L2 normalize
    un = _normalize(u2)
    mn = _normalize(m2)
    # EdgeDecoder
    u = jnp.take(un, edge_label_index[0], axis=0)
    m = jnp.take(mn, edge_label_index[1], axis=0)
    x = jnp.concatenate([u, m], axis=-1)
    x = jax.nn.relu(x @ dec_W1 + dec_b1)
    return x @ dec_W2 + dec_b2


def setup_inputs(seed: int = 0):
    key = jax.random.key(seed)
    ks = jax.random.split(key, 32)
    inp = {}
    inp["movie_x"] = jax.random.normal(ks[0], (NM, DF), dtype=jnp.float32)
    inp["edge_index"] = jax.random.randint(ks[1], (2, E), 0, NU, dtype=jnp.int32)
    inp["edge_label_index"] = jax.random.randint(ks[2], (2, EL), 0, NU, dtype=jnp.int32)
    inp["user_emb_w"] = jax.random.normal(ks[3], (NU, H), dtype=jnp.float32)
    inp["proj_W"] = jax.random.normal(ks[4], (DF, H), dtype=jnp.float32) * 0.08
    inp["proj_b"] = jnp.zeros((H,), jnp.float32)
    names = ["c1_um", "c1_mu", "c2_um", "c2_mu"]
    for i, nm in enumerate(names):
        inp[nm + "_Wl"] = jax.random.normal(ks[5 + 3 * i], (H, H), dtype=jnp.float32) * 0.12
        inp[nm + "_bl"] = jnp.zeros((H,), jnp.float32)
        inp[nm + "_Wr"] = jax.random.normal(ks[6 + 3 * i], (H, H), dtype=jnp.float32) * 0.12
    inp["dec_W1"] = jax.random.normal(ks[20], (2 * H, H), dtype=jnp.float32) * 0.1
    inp["dec_b1"] = jnp.zeros((H,), jnp.float32)
    inp["dec_W2"] = jax.random.normal(ks[21], (H, 1), dtype=jnp.float32) * 0.1
    inp["dec_b2"] = jnp.zeros((1,), jnp.float32)
    return inp


def reference(movie_x, edge_index, edge_label_index, user_emb_w, proj_W, proj_b,
              c1_um_Wl, c1_um_bl, c1_um_Wr, c1_mu_Wl, c1_mu_bl, c1_mu_Wr,
              c2_um_Wl, c2_um_bl, c2_um_Wr, c2_mu_Wl, c2_mu_bl, c2_mu_Wr,
              dec_W1, dec_b1, dec_W2, dec_b2):
    return _forward(movie_x, user_emb_w, proj_W, proj_b,
                    c1_um_Wl, c1_um_bl, c1_um_Wr, c1_mu_Wl, c1_mu_bl, c1_mu_Wr,
                    c2_um_Wl, c2_um_bl, c2_um_Wr, c2_mu_Wl, c2_mu_bl, c2_mu_Wr,
                    dec_W1, dec_b1, dec_W2, dec_b2,
                    edge_index, edge_label_index)

if __name__ == "__main__":
    import jax
    _d = setup_inputs()
    print(jax.jit(kernel)(*tuple(_d.values())))

</pallas_src>

<mosaic_0001>
#map = affine_map<(d0, d1) -> (0, 0, 0)>
module attributes {stable_mosaic.version = 14 : i64} {
  func.func @_sc_hist(%arg0: i32, %arg1: i32, %arg2: memref<2x784x1024xi32, #tpu.memory_space<hbm>>, %arg3: memref<2x51200x16xf32, #tpu.memory_space<hbm>>, %arg4: memref<1024xi32, #tpu.memory_space<vmem>>, %arg5: memref<1024x16xf32, #tpu.memory_space<vmem>>, %arg6: memref<51200x16xf32, #tpu.memory_space<vmem_shared>>) attributes {dimension_semantics = [#tpu.dimension_semantics<core_parallel>, #tpu.dimension_semantics<subcore_parallel>], iteration_bounds = array<i64: 2, 16>, scalar_prefetch = 0 : i64, scratch_operands = 3 : i64, tpu.core_type = #tpu.core_type<sc_vector_subcore>, window_params = [{transform_indices = #map}, {transform_indices = #map}]} {
    %broadcast_in_dim3A = arith.constant 0.000000e+00 : f32
    %broadcast_in_dim3A_0 = vector.broadcast %broadcast_in_dim3A : f32 to vector<16xf32>
    %scan3A = arith.constant 0 : i32
    %scan3A_1 = arith.constant 1024 : i32
    %scan3A_2 = arith.addi %scan3A, %scan3A_1 : i32
    %scan3A_3 = arith.constant 1 : i32
    scf.for %scan3A_36 = %scan3A to %scan3A_2 step %scan3A_3  : i32 {
      %mul3A_37 = arith.constant 1 : i32
      %mul3A_38 = arith.muli %scan3A_36, %mul3A_37 : i32
      %add3A_39 = arith.constant 0 : i32
      %add3A_40 = arith.addi %add3A_39, %mul3A_38 : i32
      %swap3A = arith.index_cast %add3A_40 : i32 to index
      %swap3A_41 = arith.constant 0 : index
      %swap3A_42 = tpu.vector_load %arg5[%swap3A, %swap3A_41] {strides = array<i32>} : memref<1024x16xf32, #tpu.memory_space<vmem>>, vector<1x16xf32>,
      %swap3A_43 = vector.shape_cast %swap3A_42 : vector<1x16xf32> to vector<16xf32>
      %swap3A_44 = vector.shape_cast %broadcast_in_dim3A_0 : vector<16xf32> to vector<1x16xf32>
      tpu.vector_store %arg5[%swap3A, %swap3A_41], %swap3A_44 {strides = array<i32>} : memref<1024x16xf32, #tpu.memory_space<vmem>>, vector<1x16xf32>,
    }
    %scan3A_4 = arith.constant 1024 : i32
    %mul3A = arith.constant 3200 : i32
    %mul3A_5 = arith.muli %arg1, %mul3A : i32
    %add3A = arith.constant 0 : i32
    %add3A_6 = arith.addi %mul3A_5, %add3A : i32
    "tpu.region"() ({
      %run_scoped3A = tpu.sem_alloc : memref<!tpu.dma_semaphore, #tpu.memory_space<semaphore_mem>>
      %dma_start3A = arith.constant 0 : i32
      %dma_start3A_36 = tpu.memref_slice %arg6[%add3A_6, %dma_start3A] : memref<51200x16xf32, #tpu.memory_space<vmem_shared>> -> memref<1024x16xf32, #tpu.memory_space<vmem_shared>>
      %dma_start3A_37 = arith.constant 0 : i32
      %dma_start3A_38 = tpu.memref_slice %arg6[%add3A_6, %dma_start3A_37] : memref<51200x16xf32, #tpu.memory_space<vmem_shared>> -> memref<1024x16xf32, #tpu.memory_space<vmem_shared>>
      tpu.enqueue_dma source(%arg5 : memref<1024x16xf32, #tpu.memory_space<vmem>>) target(%dma_start3A_38 : memref<1024x16xf32, #tpu.memory_space<vmem_shared>>) target_semaphore(%run_scoped3A : memref<!tpu.dma_semaphore, #tpu.memory_space<semaphore_mem>>)
      %dma_wait3A = arith.constant 0 : i32
      %dma_wait3A_39 = tpu.memref_slice %arg6[%add3A_6, %dma_wait3A] : memref<51200x16xf32, #tpu.memory_space<vmem_shared>> -> memref<1024x16xf32, #tpu.memory_space<vmem_shared>>
      %dma_wait3A_40 = arith.constant 0 : i32
      %dma_wait3A_41 = tpu.memref_slice %arg6[%add3A_6, %dma_wait3A_40] : memref<51200x16xf32, #tpu.memory_space<vmem_shared>> -> memref<1024x16xf32, #tpu.memory_space<vmem_shared>>
      tpu.wait_dma2 semaphore(%run_scoped3A : memref<!tpu.dma_semaphore, #tpu.memory_space<semaphore_mem>>) src(%arg5 : memref<1024x16xf32, #tpu.memory_space<vmem>>) dst(%dma_wait3A_41 : memref<1024x16xf32, #tpu.memory_space<vmem_shared>>)
      tpu.yield
    }) : () -> ()
    %mul3A_7 = arith.constant 3200 : i32
    %mul3A_8 = arith.muli %arg1, %mul3A_7 : i32
    %add3A_9 = arith.constant 1024 : i32
    %add3A_10 = arith.addi %mul3A_8, %add3A_9 : i32
    "tpu.region"() ({
      %run_scoped3A = tpu.sem_alloc : memref<!tpu.dma_semaphore, #tpu.memory_space<semaphore_mem>>
      %dma_start3A = arith.constant 0 : i32
      %dma_start3A_36 = tpu.memref_slice %arg6[%add3A_10, %dma_start3A] : memref<51200x16xf32, #tpu.memory_space<vmem_shared>> -> memref<1024x16xf32, #tpu.memory_space<vmem_shared>>
      %dma_start3A_37 = arith.constant 0 : i32
      %dma_start3A_38 = tpu.memref_slice %arg6[%add3A_10, %dma_start3A_37] : memref<51200x16xf32, #tpu.memory_space<vmem_shared>> -> memref<1024x16xf32, #tpu.memory_space<vmem_shared>>
      tpu.enqueue_dma source(%arg5 : memref<1024x16xf32, #tpu.memory_space<vmem>>) target(%dma_start3A_38 : memref<1024x16xf32, #tpu.memory_space<vmem_shared>>) target_semaphore(%run_scoped3A : memref<!tpu.dma_semaphore, #tpu.memory_space<semaphore_mem>>)
      %dma_wait3A = arith.constant 0 : i32
      %dma_wait3A_39 = tpu.memref_slice %arg6[%add3A_10, %dma_wait3A] : memref<51200x16xf32, #tpu.memory_space<vmem_shared>> -> memref<1024x16xf32, #tpu.memory_space<vmem_shared>>
      %dma_wait3A_40 = arith.constant 0 : i32
      %dma_wait3A_41 = tpu.memref_slice %arg6[%add3A_10, %dma_wait3A_40] : memref<51200x16xf32, #tpu.memory_space<vmem_shared>> -> memref<1024x16xf32, #tpu.memory_space<vmem_shared>>
      tpu.wait_dma2 semaphore(%run_scoped3A : memref<!tpu.dma_semaphore, #tpu.memory_space<semaphore_mem>>) src(%arg5 : memref<1024x16xf32, #tpu.memory_space<vmem>>) dst(%dma_wait3A_41 : memref<1024x16xf32, #tpu.memory_space<vmem_shared>>)
      tpu.yield
    }) : () -> ()
    %mul3A_11 = arith.constant 3200 : i32
    %mul3A_12 = arith.muli %arg1, %mul3A_11 : i32
    %add3A_13 = arith.constant 2048 : i32
    %add3A_14 = arith.addi %mul3A_12, %add3A_13 : i32
    "tpu.region"() ({
      %run_scoped3A = tpu.sem_alloc : memref<!tpu.dma_semaphore, #tpu.memory_space<semaphore_mem>>
      %dma_start3A = arith.constant 0 : i32
      %dma_start3A_36 = tpu.memref_slice %arg6[%add3A_14, %dma_start3A] : memref<51200x16xf32, #tpu.memory_space<vmem_shared>> -> memref<1024x16xf32, #tpu.memory_space<vmem_shared>>
      %dma_start3A_37 = arith.constant 0 : i32
      %dma_start3A_38 = tpu.memref_slice %arg6[%add3A_14, %dma_start3A_37] : memref<51200x16xf32, #tpu.memory_space<vmem_shared>> -> memref<1024x16xf32, #tpu.memory_space<vmem_shared>>
      tpu.enqueue_dma source(%arg5 : memref<1024x16xf32, #tpu.memory_space<vmem>>) target(%dma_start3A_38 : memref<1024x16xf32, #tpu.memory_space<vmem_shared>>) target_semaphore(%run_scoped3A : memref<!tpu.dma_semaphore, #tpu.memory_space<semaphore_mem>>)
      %dma_wait3A = arith.constant 0 : i32
      %dma_wait3A_39 = tpu.memref_slice %arg6[%add3A_14, %dma_wait3A] : memref<51200x16xf32, #tpu.memory_space<vmem_shared>> -> memref<1024x16xf32, #tpu.memory_space<vmem_shared>>
      %dma_wait3A_40 = arith.constant 0 : i32
      %dma_wait3A_41 = tpu.memref_slice %arg6[%add3A_14, %dma_wait3A_40] : memref<51200x16xf32, #tpu.memory_space<vmem_shared>> -> memref<1024x16xf32, #tpu.memory_space<vmem_shared>>
      tpu.wait_dma2 semaphore(%run_scoped3A : memref<!tpu.dma_semaphore, #tpu.memory_space<semaphore_mem>>) src(%arg5 : memref<1024x16xf32, #tpu.memory_space<vmem>>) dst(%dma_wait3A_41 : memref<1024x16xf32, #tpu.memory_space<vmem_shared>>)
      tpu.yield
    }) : () -> ()
    %mul3A_15 = arith.constant 3200 : i32
    %mul3A_16 = arith.muli %arg1, %mul3A_15 : i32
    %add3A_17 = arith.constant 3072 : i32
    %add3A_18 = arith.addi %mul3A_16, %add3A_17 : i32
    "tpu.region"() ({
      %run_scoped3A = tpu.sem_alloc : memref<!tpu.dma_semaphore, #tpu.memory_space<semaphore_mem>>
      %dma_start3A = arith.constant 0 : i32
      %dma_start3A_36 = arith.constant 0 : i32
      %dma_start3A_37 = tpu.memref_slice %arg5[%dma_start3A, %dma_start3A_36] : memref<1024x16xf32, #tpu.memory_space<vmem>> -> memref<128x16xf32, #tpu.memory_space<vmem>>
      %dma_start3A_38 = arith.constant 0 : i32
      %dma_start3A_39 = tpu.memref_slice %arg6[%add3A_18, %dma_start3A_38] : memref<51200x16xf32, #tpu.memory_space<vmem_shared>> -> memref<128x16xf32, #tpu.memory_space<vmem_shared>>
      %dma_start3A_40 = arith.constant 0 : i32
      %dma_start3A_41 = tpu.memref_slice %arg6[%add3A_18, %dma_start3A_40] : memref<51200x16xf32, #tpu.memory_space<vmem_shared>> -> memref<128x16xf32, #tpu.memory_space<vmem_shared>>
      %dma_start3A_42 = arith.constant 0 : i32
      %dma_start3A_43 = arith.constant 0 : i32
      %dma_start3A_44 = tpu.memref_slice %arg5[%dma_start3A_42, %dma_start3A_43] : memref<1024x16xf32, #tpu.memory_space<vmem>> -> memref<128x16xf32, #tpu.memory_space<vmem>>
      tpu.enqueue_dma source(%dma_start3A_44 : memref<128x16xf32, #tpu.memory_space<vmem>>) target(%dma_start3A_41 : memref<128x16xf32, #tpu.memory_space<vmem_shared>>) target_semaphore(%run_scoped3A : memref<!tpu.dma_semaphore, #tpu.memory_space<semaphore_mem>>)
      %dma_wait3A = arith.constant 0 : i32
      %dma_wait3A_45 = arith.constant 0 : i32
      %dma_wait3A_46 = tpu.memref_slice %arg5[%dma_wait3A, %dma_wait3A_45] : memref<1024x16xf32, #tpu.memory_space<vmem>> -> memref<128x16xf32, #tpu.memory_space<vmem>>
      %dma_wait3A_47 = arith.constant 0 : i32
      %dma_wait3A_48 = tpu.memref_slice %arg6[%add3A_18, %dma_wait3A_47] : memref<51200x16xf32, #tpu.memory_space<vmem_shared>> -> memref<128x16xf32, #tpu.memory_space<vmem_shared>>
      %dma_wait3A_49 = arith.constant 0 : i32
      %dma_wait3A_50 = tpu.memref_slice %arg6[%add3A_18, %dma_wait3A_49] : memref<51200x16xf32, #tpu.memory_space<vmem_shared>> -> memref<128x16xf32, #tpu.memory_space<vmem_shared>>
      %dma_wait3A_51 = arith.constant 0 : i32
      %dma_wait3A_52 = arith.constant 0 : i32
      %dma_wait3A_53 = tpu.memref_slice %arg5[%dma_wait3A_51, %dma_wait3A_52] : memref<1024x16xf32, #tpu.memory_space<vmem>> -> memref<128x16xf32, #tpu.memory_space<vmem>>
      tpu.wait_dma2 semaphore(%run_scoped3A : memref<!tpu.dma_semaphore, #tpu.memory_space<semaphore_mem>>) src(%dma_wait3A_53 : memref<128x16xf32, #tpu.memory_space<vmem>>) dst(%dma_wait3A_50 : memref<128x16xf32, #tpu.memory_space<vmem_shared>>)
      tpu.yield
    }) : () -> ()
    %broadcast_in_dim3A_19 = arith.constant 1.000000e+00 : f32
    %broadcast_in_dim3A_20 = vector.broadcast %broadcast_in_dim3A_19 : f32 to vector<16xf32>
    %scan3A_21 = arith.constant 0 : i32
    %scan3A_22 = arith.constant 1024 : i32
    %scan3A_23 = arith.addi %scan3A_21, %scan3A_22 : i32
    %scan3A_24 = arith.constant 1 : i32
    scf.for %scan3A_36 = %scan3A_21 to %scan3A_23 step %scan3A_24  : i32 {
      %mul3A_37 = arith.constant 1 : i32
      %mul3A_38 = arith.muli %scan3A_36, %mul3A_37 : i32
      %add3A_39 = arith.constant 0 : i32
      %add3A_40 = arith.addi %add3A_39, %mul3A_38 : i32
      %swap3A = arith.index_cast %add3A_40 : i32 to index
      %swap3A_41 = arith.constant 0 : index
      %swap3A_42 = tpu.vector_load %arg5[%swap3A, %swap3A_41] {strides = array<i32>} : memref<1024x16xf32, #tpu.memory_space<vmem>>, vector<1x16xf32>,
      %swap3A_43 = vector.shape_cast %swap3A_42 : vector<1x16xf32> to vector<16xf32>
      %swap3A_44 = vector.shape_cast %broadcast_in_dim3A_20 : vector<16xf32> to vector<1x16xf32>
      tpu.vector_store %arg5[%swap3A, %swap3A_41], %swap3A_44 {strides = array<i32>} : memref<1024x16xf32, #tpu.memory_space<vmem>>, vector<1x16xf32>,
    }
    %scan3A_25 = arith.constant 1024 : i32
    %barrier3A = arith.constant 0 : index
    tpu.barrier barrier_id(%barrier3A)
    %scan3A_26 = arith.constant 0 : i32
    %scan3A_27 = arith.constant 49 : i32
    %scan3A_28 = arith.addi %scan3A_26, %scan3A_27 : i32
    %scan3A_29 = arith.constant 1 : i32
    scf.for %scan3A_36 = %scan3A_26 to %scan3A_28 step %scan3A_29  : i32 {
      %mul3A_37 = arith.constant 1 : i32
      %mul3A_38 = arith.muli %scan3A_36, %mul3A_37 : i32
      %add3A_39 = arith.constant 0 : i32
      %add3A_40 = arith.addi %add3A_39, %mul3A_38 : i32
      %mul3A_41 = arith.constant 49 : i32
      %mul3A_42 = arith.muli %arg1, %mul3A_41 : i32
      %add3A_43 = arith.addi %mul3A_42, %add3A_40 : i32
      "tpu.region"() ({
        %run_scoped3A = tpu.sem_alloc : memref<!tpu.dma_semaphore, #tpu.memory_space<semaphore_mem>>
        %dma_start3A = arith.constant 0 : i32
        %dma_start3A_44 = tpu.memref_slice %arg2[%arg0, %add3A_43, %dma_start3A] : memref<2x784x1024xi32, #tpu.memory_space<hbm>> -> memref<1x1x1024xi32, #tpu.memory_space<hbm>>
        %dma_start3A_45 = tpu.memref_squeeze %dma_start3A_44 : memref<1x1x1024xi32, #tpu.memory_space<hbm>> -> memref<1024xi32, #tpu.memory_space<hbm>>
        %dma_start3A_46 = arith.constant 0 : i32
        %dma_start3A_47 = tpu.memref_slice %arg2[%arg0, %add3A_43, %dma_start3A_46] : memref<2x784x1024xi32, #tpu.memory_space<hbm>> -> memref<1x1x1024xi32, #tpu.memory_space<hbm>>
        %dma_start3A_48 = tpu.memref_squeeze %dma_start3A_47 : memref<1x1x1024xi32, #tpu.memory_space<hbm>> -> memref<1024xi32, #tpu.memory_space<hbm>>
        tpu.enqueue_dma source(%dma_start3A_48 : memref<1024xi32, #tpu.memory_space<hbm>>) target(%arg4 : memref<1024xi32, #tpu.memory_space<vmem>>) target_semaphore(%run_scoped3A : memref<!tpu.dma_semaphore, #tpu.memory_space<semaphore_mem>>)
        %dma_wait3A = arith.constant 0 : i32
        %dma_wait3A_49 = tpu.memref_slice %arg2[%arg0, %add3A_43, %dma_wait3A] : memref<2x784x1024xi32, #tpu.memory_space<hbm>> -> memref<1x1x1024xi32, #tpu.memory_space<hbm>>
        %dma_wait3A_50 = tpu.memref_squeeze %dma_wait3A_49 : memref<1x1x1024xi32, #tpu.memory_space<hbm>> -> memref<1024xi32, #tpu.memory_space<hbm>>
        %dma_wait3A_51 = arith.constant 0 : i32
        %dma_wait3A_52 = tpu.memref_slice %arg2[%arg0, %add3A_43, %dma_wait3A_51] : memref<2x784x1024xi32, #tpu.memory_space<hbm>> -> memref<1x1x1024xi32, #tpu.memory_space<hbm>>
        %dma_wait3A_53 = tpu.memref_squeeze %dma_wait3A_52 : memref<1x1x1024xi32, #tpu.memory_space<hbm>> -> memref<1024xi32, #tpu.memory_space<hbm>>
        tpu.wait_dma2 semaphore(%run_scoped3A : memref<!tpu.dma_semaphore, #tpu.memory_space<semaphore_mem>>) src(%dma_wait3A_53 : memref<1024xi32, #tpu.memory_space<hbm>>) dst(%arg4 : memref<1024xi32, #tpu.memory_space<vmem>>)
        tpu.yield
      }) : () -> ()
      "tpu.region"() ({
        %run_scoped3A = tpu.sem_alloc : memref<!tpu.dma_semaphore, #tpu.memory_space<semaphore_mem>>
        %dma_start3A = arith.constant 0 : i32
        %dma_start3A_44 = arith.constant 0 : i32
        %dma_start3A_45 = tpu.memref_slice %arg6[%dma_start3A, %dma_start3A_44] : memref<51200x16xf32, #tpu.memory_space<vmem_shared>> -> memref<51200x16xf32, #tpu.memory_space<vmem_shared>>
        tpu.enqueue_indirect_dma source(%arg5 : memref<1024x16xf32, #tpu.memory_space<vmem>>) target(%dma_start3A_45 : memref<51200x16xf32, #tpu.memory_space<vmem_shared>>) offsets(%arg4 : memref<1024xi32, #tpu.memory_space<vmem>>) semaphore(%run_scoped3A : memref<!tpu.dma_semaphore, #tpu.memory_space<semaphore_mem>>) {add = true}
        %dma_wait3A = arith.constant 0 : i32
        %dma_wait3A_46 = arith.constant 0 : i32
        %dma_wait3A_47 = tpu.memref_slice %arg6[%dma_wait3A, %dma_wait3A_46] : memref<51200x16xf32, #tpu.memory_space<vmem_shared>> -> memref<51200x16xf32, #tpu.memory_space<vmem_shared>>
        tpu.wait_indirect_dma semaphore(%run_scoped3A : memref<!tpu.dma_semaphore, #tpu.memory_space<semaphore_mem>>) src(%arg5 : memref<1024x16xf32, #tpu.memory_space<vmem>>) dst(%dma_wait3A_47 : memref<51200x16xf32, #tpu.memory_space<vmem_shared>>)
        tpu.yield
      }) : () -> ()
    }
    %scan3A_30 = arith.constant 49 : i32
    %barrier3A_31 = arith.constant 0 : index
    tpu.barrier barrier_id(%barrier3A_31)
    %mul3A_32 = arith.constant 3200 : i32
    %mul3A_33 = arith.muli %arg1, %mul3A_32 : i32
    %mul3A_34 = arith.constant 3200 : i32
    %mul3A_35 = arith.muli %arg1, %mul3A_34 : i32
    "tpu.region"() ({
      %run_scoped3A = tpu.sem_alloc : memref<!tpu.dma_semaphore, #tpu.memory_space<semaphore_mem>>
      %dma_start3A = arith.constant 0 : i32
      %dma_start3A_36 = tpu.memref_slice %arg3[%arg0, %mul3A_35, %dma_start3A] : memref<2x51200x16xf32, #tpu.memory_space<hbm>> -> memref<1x3200x16xf32, #tpu.memory_space<hbm>>
      %dma_start3A_37 = tpu.memref_squeeze %dma_start3A_36 : memref<1x3200x16xf32, #tpu.memory_space<hbm>> -> memref<3200x16xf32, #tpu.memory_space<hbm>>
      %dma_start3A_38 = arith.constant 0 : i32
      %dma_start3A_39 = tpu.memref_slice %arg6[%mul3A_33, %dma_start3A_38] : memref<51200x16xf32, #tpu.memory_space<vmem_shared>> -> memref<3200x16xf32, #tpu.memory_space<vmem_shared>>
      tpu.enqueue_dma source(%dma_start3A_39 : memref<3200x16xf32, #tpu.memory_space<vmem_shared>>) target(%dma_start3A_37 : memref<3200x16xf32, #tpu.memory_space<hbm>>) target_semaphore(%run_scoped3A : memref<!tpu.dma_semaphore, #tpu.memory_space<semaphore_mem>>)
      %dma_wait3A = arith.constant 0 : i32
      %dma_wait3A_40 = tpu.memref_slice %arg3[%arg0, %mul3A_35, %dma_wait3A] : memref<2x51200x16xf32, #tpu.memory_space<hbm>> -> memref<1x3200x16xf32, #tpu.memory_space<hbm>>
      %dma_wait3A_41 = tpu.memref_squeeze %dma_wait3A_40 : memref<1x3200x16xf32, #tpu.memory_space<hbm>> -> memref<3200x16xf32, #tpu.memory_space<hbm>>
      %dma_wait3A_42 = arith.constant 0 : i32
      %dma_wait3A_43 = tpu.memref_slice %arg6[%mul3A_33, %dma_wait3A_42] : memref<51200x16xf32, #tpu.memory_space<vmem_shared>> -> memref<3200x16xf32, #tpu.memory_space<vmem_shared>>
      tpu.wait_dma2 semaphore(%run_scoped3A : memref<!tpu.dma_semaphore, #tpu.memory_space<semaphore_mem>>) src(%dma_wait3A_43 : memref<3200x16xf32, #tpu.memory_space<vmem_shared>>) dst(%dma_wait3A_41 : memref<3200x16xf32, #tpu.memory_space<hbm>>)
      tpu.yield
    }) : () -> ()
    return
  }
}

#map = affine_map<(d0, d1) -> (0, 0)>
#map1 = affine_map<(d0, d1) -> (0, 0, 0, 0)>
module attributes {stable_mosaic.version = 14 : i64} {
  func.func @_sc_segsum(%arg0: i32, %arg1: i32, %arg2: memref<200000x16xf32, #tpu.memory_space<hbm>>, %arg3: memref<2x2x784x1024xi32, #tpu.memory_space<hbm>>, %arg4: memref<784x1024xi32, #tpu.memory_space<hbm>>, %arg5: memref<2x2x51200x16xf32, #tpu.memory_space<hbm>>, %arg6: memref<49x1024xi32, #tpu.memory_space<vmem>>, %arg7: memref<1024xi32, #tpu.memory_space<vmem>>, %arg8: memref<1024x16xf32, #tpu.memory_space<vmem>>, %arg9: memref<51200x16xf32, #tpu.memory_space<vmem_shared>>, %arg10: memref<!tpu.dma_semaphore, #tpu.memory_space<semaphore_mem>>) attributes {dimension_semantics = [#tpu.dimension_semantics<core_parallel>, #tpu.dimension_semantics<subcore_parallel>], iteration_bounds = array<i64: 2, 16>, scalar_prefetch = 0 : i64, scratch_operands = 5 : i64, tpu.core_type = #tpu.core_type<sc_vector_subcore>, window_params = [{transform_indices = #map}, {transform_indices = #map1}, {transform_indices = #map}, {transform_indices = #map1}]} {
    %broadcast_in_dim3A = arith.constant 0.000000e+00 : f32
    %broadcast_in_dim3A_0 = vector.broadcast %broadcast_in_dim3A : f32 to vector<16xf32>
    %scan3A = arith.constant 0 : i32
    %scan3A_1 = arith.constant 1024 : i32
    %scan3A_2 = arith.addi %scan3A, %scan3A_1 : i32
    %scan3A_3 = arith.constant 1 : i32
    scf.for %scan3A_72 = %scan3A to %scan3A_2 step %scan3A_3  : i32 {
      %mul3A_73 = arith.constant 1 : i32
      %mul3A_74 = arith.muli %scan3A_72, %mul3A_73 : i32
      %add3A_75 = arith.constant 0 : i32
      %add3A_76 = arith.addi %add3A_75, %mul3A_74 : i32
      %swap3A = arith.index_cast %add3A_76 : i32 to index
      %swap3A_77 = arith.constant 0 : index
      %swap3A_78 = tpu.vector_load %arg8[%swap3A, %swap3A_77] {strides = array<i32>} : memref<1024x16xf32, #tpu.memory_space<vmem>>, vector<1x16xf32>,
      %swap3A_79 = vector.shape_cast %swap3A_78 : vector<1x16xf32> to vector<16xf32>
      %swap3A_80 = vector.shape_cast %broadcast_in_dim3A_0 : vector<16xf32> to vector<1x16xf32>
      tpu.vector_store %arg8[%swap3A, %swap3A_77], %swap3A_80 {strides = array<i32>} : memref<1024x16xf32, #tpu.memory_space<vmem>>, vector<1x16xf32>,
    }
    %scan3A_4 = arith.constant 1024 : i32
    %mul3A = arith.constant 3200 : i32
    %mul3A_5 = arith.muli %arg1, %mul3A : i32
    %add3A = arith.constant 0 : i32
    %add3A_6 = arith.addi %mul3A_5, %add3A : i32
    "tpu.region"() ({
      %run_scoped3A_72 = tpu.sem_alloc : memref<!tpu.dma_semaphore, #tpu.memory_space<semaphore_mem>>
      %dma_start3A = arith.constant 0 : i32
      %dma_start3A_73 = tpu.memref_slice %arg9[%add3A_6, %dma_start3A] : memref<51200x16xf32, #tpu.memory_space<vmem_shared>> -> memref<1024x16xf32, #tpu.memory_space<vmem_shared>>
      %dma_start3A_74 = arith.constant 0 : i32
      %dma_start3A_75 = tpu.memref_slice %arg9[%add3A_6, %dma_start3A_74] : memref<51200x16xf32, #tpu.memory_space<vmem_shared>> -> memref<1024x16xf32, #tpu.memory_space<vmem_shared>>
      tpu.enqueue_dma source(%arg8 : memref<1024x16xf32, #tpu.memory_space<vmem>>) target(%dma_start3A_75 : memref<1024x16xf32, #tpu.memory_space<vmem_shared>>) target_semaphore(%run_scoped3A_72 : memref<!tpu.dma_semaphore, #tpu.memory_space<semaphore_mem>>)
      %dma_wait3A = arith.constant 0 : i32
      %dma_wait3A_76 = tpu.memref_slice %arg9[%add3A_6, %dma_wait3A] : memref<51200x16xf32, #tpu.memory_space<vmem_shared>> -> memref<1024x16xf32, #tpu.memory_space<vmem_shared>>
      %dma_wait3A_77 = arith.constant 0 : i32
      %dma_wait3A_78 = tpu.memref_slice %arg9[%add3A_6, %dma_wait3A_77] : memref<51200x16xf32, #tpu.memory_space<vmem_shared>> -> memref<1024x16xf32, #tpu.memory_space<vmem_shared>>
      tpu.wait_dma2 semaphore(%run_scoped3A_72 : memref<!tpu.dma_semaphore, #tpu.memory_space<semaphore_mem>>) src(%arg8 : memref<1024x16xf32, #tpu.memory_space<vmem>>) dst(%dma_wait3A_78 : memref<1024x16xf32, #tpu.memory_space<vmem_shared>>)
      tpu.yield
    }) : () -> ()
    %mul3A_7 = arith.constant 3200 : i32
    %mul3A_8 = arith.muli %arg1, %mul3A_7 : i32
    %add3A_9 = arith.constant 1024 : i32
    %add3A_10 = arith.addi %mul3A_8, %add3A_9 : i32
    "tpu.region"() ({
      %run_scoped3A_72 = tpu.sem_alloc : memref<!tpu.dma_semaphore, #tpu.memory_space<semaphore_mem>>
      %dma_start3A = arith.constant 0 : i32
      %dma_start3A_73 = tpu.memref_slice %arg9[%add3A_10, %dma_start3A] : memref<51200x16xf32, #tpu.memory_space<vmem_shared>> -> memref<1024x16xf32, #tpu.memory_space<vmem_shared>>
      %dma_start3A_74 = arith.constant 0 : i32
      %dma_start3A_75 = tpu.memref_slice %arg9[%add3A_10, %dma_start3A_74] : memref<51200x16xf32, #tpu.memory_space<vmem_shared>> -> memref<1024x16xf32, #tpu.memory_space<vmem_shared>>
      tpu.enqueue_dma source(%arg8 : memref<1024x16xf32, #tpu.memory_space<vmem>>) target(%dma_start3A_75 : memref<1024x16xf32, #tpu.memory_space<vmem_shared>>) target_semaphore(%run_scoped3A_72 : memref<!tpu.dma_semaphore, #tpu.memory_space<semaphore_mem>>)
      %dma_wait3A = arith.constant 0 : i32
      %dma_wait3A_76 = tpu.memref_slice %arg9[%add3A_10, %dma_wait3A] : memref<51200x16xf32, #tpu.memory_space<vmem_shared>> -> memref<1024x16xf32, #tpu.memory_space<vmem_shared>>
      %dma_wait3A_77 = arith.constant 0 : i32
      %dma_wait3A_78 = tpu.memref_slice %arg9[%add3A_10, %dma_wait3A_77] : memref<51200x16xf32, #tpu.memory_space<vmem_shared>> -> memref<1024x16xf32, #tpu.memory_space<vmem_shared>>
      tpu.wait_dma2 semaphore(%run_scoped3A_72 : memref<!tpu.dma_semaphore, #tpu.memory_space<semaphore_mem>>) src(%arg8 : memref<1024x16xf32, #tpu.memory_space<vmem>>) dst(%dma_wait3A_78 : memref<1024x16xf32, #tpu.memory_space<vmem_shared>>)
      tpu.yield
    }) : () -> ()
    %mul3A_11 = arith.constant 3200 : i32
    %mul3A_12 = arith.muli %arg1, %mul3A_11 : i32
    %add3A_13 = arith.constant 2048 : i32
    %add3A_14 = arith.addi %mul3A_12, %add3A_13 : i32
    "tpu.region"() ({
      %run_scoped3A_72 = tpu.sem_alloc : memref<!tpu.dma_semaphore, #tpu.memory_space<semaphore_mem>>
      %dma_start3A = arith.constant 0 : i32
      %dma_start3A_73 = tpu.memref_slice %arg9[%add3A_14, %dma_start3A] : memref<51200x16xf32, #tpu.memory_space<vmem_shared>> -> memref<1024x16xf32, #tpu.memory_space<vmem_shared>>
      %dma_start3A_74 = arith.constant 0 : i32
      %dma_start3A_75 = tpu.memref_slice %arg9[%add3A_14, %dma_start3A_74] : memref<51200x16xf32, #tpu.memory_space<vmem_shared>> -> memref<1024x16xf32, #tpu.memory_space<vmem_shared>>
      tpu.enqueue_dma source(%arg8 : memref<1024x16xf32, #tpu.memory_space<vmem>>) target(%dma_start3A_75 : memref<1024x16xf32, #tpu.memory_space<vmem_shared>>) target_semaphore(%run_scoped3A_72 : memref<!tpu.dma_semaphore, #tpu.memory_space<semaphore_mem>>)
      %dma_wait3A = arith.constant 0 : i32
      %dma_wait3A_76 = tpu.memref_slice %arg9[%add3A_14, %dma_wait3A] : memref<51200x16xf32, #tpu.memory_space<vmem_shared>> -> memref<1024x16xf32, #tpu.memory_space<vmem_shared>>
      %dma_wait3A_77 = arith.constant 0 : i32
      %dma_wait3A_78 = tpu.memref_slice %arg9[%add3A_14, %dma_wait3A_77] : memref<51200x16xf32, #tpu.memory_space<vmem_shared>> -> memref<1024x16xf32, #tpu.memory_space<vmem_shared>>
      tpu.wait_dma2 semaphore(%run_scoped3A_72 : memref<!tpu.dma_semaphore, #tpu.memory_space<semaphore_mem>>) src(%arg8 : memref<1024x16xf32, #tpu.memory_space<vmem>>) dst(%dma_wait3A_78 : memref<1024x16xf32, #tpu.memory_space<vmem_shared>>)
      tpu.yield
    }) : () -> ()
    %mul3A_15 = arith.constant 3200 : i32
    %mul3A_16 = arith.muli %arg1, %mul3A_15 : i32
    %add3A_17 = arith.constant 3072 : i32
    %add3A_18 = arith.addi %mul3A_16, %add3A_17 : i32
    "tpu.region"() ({
      %run_scoped3A_72 = tpu.sem_alloc : memref<!tpu.dma_semaphore, #tpu.memory_space<semaphore_mem>>
      %dma_start3A = arith.constant 0 : i32
      %dma_start3A_73 = arith.constant 0 : i32
      %dma_start3A_74 = tpu.memref_slice %arg8[%dma_start3A, %dma_start3A_73] : memref<1024x16xf32, #tpu.memory_space<vmem>> -> memref<128x16xf32, #tpu.memory_space<vmem>>
      %dma_start3A_75 = arith.constant 0 : i32
      %dma_start3A_76 = tpu.memref_slice %arg9[%add3A_18, %dma_start3A_75] : memref<51200x16xf32, #tpu.memory_space<vmem_shared>> -> memref<128x16xf32, #tpu.memory_space<vmem_shared>>
      %dma_start3A_77 = arith.constant 0 : i32
      %dma_start3A_78 = tpu.memref_slice %arg9[%add3A_18, %dma_start3A_77] : memref<51200x16xf32, #tpu.memory_space<vmem_shared>> -> memref<128x16xf32, #tpu.memory_space<vmem_shared>>
      %dma_start3A_79 = arith.constant 0 : i32
      %dma_start3A_80 = arith.constant 0 : i32
      %dma_start3A_81 = tpu.memref_slice %arg8[%dma_start3A_79, %dma_start3A_80] : memref<1024x16xf32, #tpu.memory_space<vmem>> -> memref<128x16xf32, #tpu.memory_space<vmem>>
      tpu.enqueue_dma source(%dma_start3A_81 : memref<128x16xf32, #tpu.memory_space<vmem>>) target(%dma_start3A_78 : memref<128x16xf32, #tpu.memory_space<vmem_shared>>) target_semaphore(%run_scoped3A_72 : memref<!tpu.dma_semaphore, #tpu.memory_space<semaphore_mem>>)
      %dma_wait3A = arith.constant 0 : i32
      %dma_wait3A_82 = arith.constant 0 : i32
      %dma_wait3A_83 = tpu.memref_slice %arg8[%dma_wait3A, %dma_wait3A_82] : memref<1024x16xf32, #tpu.memory_space<vmem>> -> memref<128x16xf32, #tpu.memory_space<vmem>>
      %dma_wait3A_84 = arith.constant 0 : i32
      %dma_wait3A_85 = tpu.memref_slice %arg9[%add3A_18, %dma_wait3A_84] : memref<51200x16xf32, #tpu.memory_space<vmem_shared>> -> memref<128x16xf32, #tpu.memory_space<vmem_shared>>
      %dma_wait3A_86 = arith.constant 0 : i32
      %dma_wait3A_87 = tpu.memref_slice %arg9[%add3A_18, %dma_wait3A_86] : memref<51200x16xf32, #tpu.memory_space<vmem_shared>> -> memref<128x16xf32, #tpu.memory_space<vmem_shared>>
      %dma_wait3A_88 = arith.constant 0 : i32
      %dma_wait3A_89 = arith.constant 0 : i32
      %dma_wait3A_90 = tpu.memref_slice %arg8[%dma_wait3A_88, %dma_wait3A_89] : memref<1024x16xf32, #tpu.memory_space<vmem>> -> memref<128x16xf32, #tpu.memory_space<vmem>>
      tpu.wait_dma2 semaphore(%run_scoped3A_72 : memref<!tpu.dma_semaphore, #tpu.memory_space<semaphore_mem>>) src(%dma_wait3A_90 : memref<128x16xf32, #tpu.memory_space<vmem>>) dst(%dma_wait3A_87 : memref<128x16xf32, #tpu.memory_space<vmem_shared>>)
      tpu.yield
    }) : () -> ()
    %mul3A_19 = arith.constant 49 : i32
    %mul3A_20 = arith.muli %arg1, %mul3A_19 : i32
    %run_scoped3A = arith.constant 0 : i32
    "tpu.region"() ({
      %run_scoped3A_72 = tpu.sem_alloc : memref<!tpu.dma_semaphore, #tpu.memory_space<semaphore_mem>>
      %dma_start3A = arith.constant 0 : i32
      %dma_start3A_73 = tpu.memref_slice %arg3[%arg0, %run_scoped3A, %mul3A_20, %dma_start3A] : memref<2x2x784x1024xi32, #tpu.memory_space<hbm>> -> memref<1x1x49x1024xi32, #tpu.memory_space<hbm>>
      %dma_start3A_74 = tpu.memref_squeeze %dma_start3A_73 : memref<1x1x49x1024xi32, #tpu.memory_space<hbm>> -> memref<49x1024xi32, #tpu.memory_space<hbm>>
      %dma_start3A_75 = arith.constant 0 : i32
      %dma_start3A_76 = tpu.memref_slice %arg3[%arg0, %run_scoped3A, %mul3A_20, %dma_start3A_75] : memref<2x2x784x1024xi32, #tpu.memory_space<hbm>> -> memref<1x1x49x1024xi32, #tpu.memory_space<hbm>>
      %dma_start3A_77 = tpu.memref_squeeze %dma_start3A_76 : memref<1x1x49x1024xi32, #tpu.memory_space<hbm>> -> memref<49x1024xi32, #tpu.memory_space<hbm>>
      tpu.enqueue_dma source(%dma_start3A_77 : memref<49x1024xi32, #tpu.memory_space<hbm>>) target(%arg6 : memref<49x1024xi32, #tpu.memory_space<vmem>>) target_semaphore(%run_scoped3A_72 : memref<!tpu.dma_semaphore, #tpu.memory_space<semaphore_mem>>)
      %dma_wait3A = arith.constant 0 : i32
      %dma_wait3A_78 = tpu.memref_slice %arg3[%arg0, %run_scoped3A, %mul3A_20, %dma_wait3A] : memref<2x2x784x1024xi32, #tpu.memory_space<hbm>> -> memref<1x1x49x1024xi32, #tpu.memory_space<hbm>>
      %dma_wait3A_79 = tpu.memref_squeeze %dma_wait3A_78 : memref<1x1x49x1024xi32, #tpu.memory_space<hbm>> -> memref<49x1024xi32, #tpu.memory_space<hbm>>
      %dma_wait3A_80 = arith.constant 0 : i32
      %dma_wait3A_81 = tpu.memref_slice %arg3[%arg0, %run_scoped3A, %mul3A_20, %dma_wait3A_80] : memref<2x2x784x1024xi32, #tpu.memory_space<hbm>> -> memref<1x1x49x1024xi32, #tpu.memory_space<hbm>>
      %dma_wait3A_82 = tpu.memref_squeeze %dma_wait3A_81 : memref<1x1x49x1024xi32, #tpu.memory_space<hbm>> -> memref<49x1024xi32, #tpu.memory_space<hbm>>
      tpu.wait_dma2 semaphore(%run_scoped3A_72 : memref<!tpu.dma_semaphore, #tpu.memory_space<semaphore_mem>>) src(%dma_wait3A_82 : memref<49x1024xi32, #tpu.memory_space<hbm>>) dst(%arg6 : memref<49x1024xi32, #tpu.memory_space<vmem>>)
      tpu.yield
    }) : () -> ()
    %barrier3A = arith.constant 0 : index
    tpu.barrier barrier_id(%barrier3A)
    %scan3A_21 = arith.constant 0 : i32
    %scan3A_22 = arith.constant 49 : i32
    %scan3A_23 = arith.addi %scan3A_21, %scan3A_22 : i32
    %scan3A_24 = arith.constant 1 : i32
    scf.for %scan3A_72 = %scan3A_21 to %scan3A_23 step %scan3A_24  : i32 {
      %mul3A_73 = arith.constant 1 : i32
      %mul3A_74 = arith.muli %scan3A_72, %mul3A_73 : i32
      %add3A_75 = arith.constant 0 : i32
      %add3A_76 = arith.addi %add3A_75, %mul3A_74 : i32
      %dma_start3A = arith.constant 0 : i32
      %dma_start3A_77 = tpu.memref_slice %arg6[%add3A_76, %dma_start3A] : memref<49x1024xi32, #tpu.memory_space<vmem>> -> memref<1x1024xi32, #tpu.memory_space<vmem>>
      %dma_start3A_78 = tpu.memref_squeeze %dma_start3A_77 : memref<1x1024xi32, #tpu.memory_space<vmem>> -> memref<1024xi32, #tpu.memory_space<vmem>>
      %dma_start3A_79 = arith.constant 0 : i32
      %dma_start3A_80 = arith.constant 0 : i32
      %dma_start3A_81 = tpu.memref_slice %arg2[%dma_start3A_79, %dma_start3A_80] : memref<200000x16xf32, #tpu.memory_space<hbm>> -> memref<200000x16xf32, #tpu.memory_space<hbm>>
      tpu.enqueue_indirect_dma source(%dma_start3A_81 : memref<200000x16xf32, #tpu.memory_space<hbm>>) target(%arg8 : memref<1024x16xf32, #tpu.memory_space<vmem>>) offsets(%dma_start3A_78 : memref<1024xi32, #tpu.memory_space<vmem>>) semaphore(%arg10 : memref<!tpu.dma_semaphore, #tpu.memory_space<semaphore_mem>>)
      %dma_wait3A = arith.constant 0 : i32
      %dma_wait3A_82 = tpu.memref_slice %arg6[%add3A_76, %dma_wait3A] : memref<49x1024xi32, #tpu.memory_space<vmem>> -> memref<1x1024xi32, #tpu.memory_space<vmem>>
      %dma_wait3A_83 = tpu.memref_squeeze %dma_wait3A_82 : memref<1x1024xi32, #tpu.memory_space<vmem>> -> memref<1024xi32, #tpu.memory_space<vmem>>
      %dma_wait3A_84 = arith.constant 0 : i32
      %dma_wait3A_85 = arith.constant 0 : i32
      %dma_wait3A_86 = tpu.memref_slice %arg2[%dma_wait3A_84, %dma_wait3A_85] : memref<200000x16xf32, #tpu.memory_space<hbm>> -> memref<200000x16xf32, #tpu.memory_space<hbm>>
      tpu.wait_indirect_dma semaphore(%arg10 : memref<!tpu.dma_semaphore, #tpu.memory_space<semaphore_mem>>) src(%dma_wait3A_86 : memref<200000x16xf32, #tpu.memory_space<hbm>>) dst(%arg8 : memref<1024x16xf32, #tpu.memory_space<vmem>>)
      %mul3A_87 = arith.constant 49 : i32
      %mul3A_88 = arith.muli %arg1, %mul3A_87 : i32
      %add3A_89 = arith.addi %mul3A_88, %add3A_76 : i32
      "tpu.region"() ({
        %run_scoped3A_90 = tpu.sem_alloc : memref<!tpu.dma_semaphore, #tpu.memory_space<semaphore_mem>>
        %dma_start3A_91 = arith.constant 0 : i32
        %dma_start3A_92 = tpu.memref_slice %arg4[%add3A_89, %dma_start3A_91] : memref<784x1024xi32, #tpu.memory_space<hbm>> -> memref<1x1024xi32, #tpu.memory_space<hbm>>
        %dma_start3A_93 = tpu.memref_squeeze %dma_start3A_92 : memref<1x1024xi32, #tpu.memory_space<hbm>> -> memref<1024xi32, #tpu.memory_space<hbm>>
        %dma_start3A_94 = arith.constant 0 : i32
        %dma_start3A_95 = tpu.memref_slice %arg4[%add3A_89, %dma_start3A_94] : memref<784x1024xi32, #tpu.memory_space<hbm>> -> memref<1x1024xi32, #tpu.memory_space<hbm>>
        %dma_start3A_96 = tpu.memref_squeeze %dma_start3A_95 : memref<1x1024xi32, #tpu.memory_space<hbm>> -> memref<1024xi32, #tpu.memory_space<hbm>>
        tpu.enqueue_dma source(%dma_start3A_96 : memref<1024xi32, #tpu.memory_space<hbm>>) target(%arg7 : memref<1024xi32, #tpu.memory_space<vmem>>) target_semaphore(%run_scoped3A_90 : memref<!tpu.dma_semaphore, #tpu.memory_space<semaphore_mem>>)
        %dma_wait3A_97 = arith.constant 0 : i32
        %dma_wait3A_98 = tpu.memref_slice %arg4[%add3A_89, %dma_wait3A_97] : memref<784x1024xi32, #tpu.memory_space<hbm>> -> memref<1x1024xi32, #tpu.memory_space<hbm>>
        %dma_wait3A_99 = tpu.memref_squeeze %dma_wait3A_98 : memref<1x1024xi32, #tpu.memory_space<hbm>> -> memref<1024xi32, #tpu.memory_space<hbm>>
        %dma_wait3A_100 = arith.constant 0 : i32
        %dma_wait3A_101 = tpu.memref_slice %arg4[%add3A_89, %dma_wait3A_100] : memref<784x1024xi32, #tpu.memory_space<hbm>> -> memref<1x1024xi32, #tpu.memory_space<hbm>>
        %dma_wait3A_102 = tpu.memref_squeeze %dma_wait3A_101 : memref<1x1024xi32, #tpu.memory_space<hbm>> -> memref<1024xi32, #tpu.memory_space<hbm>>
        tpu.wait_dma2 semaphore(%run_scoped3A_90 : memref<!tpu.dma_semaphore, #tpu.memory_space<semaphore_mem>>) src(%dma_wait3A_102 : memref<1024xi32, #tpu.memory_space<hbm>>) dst(%arg7 : memref<1024xi32, #tpu.memory_space<vmem>>)
        tpu.yield
      }) : () -> ()
      "tpu.region"() ({
        %run_scoped3A_90 = tpu.sem_alloc : memref<!tpu.dma_semaphore, #tpu.memory_space<semaphore_mem>>
        %dma_start3A_91 = arith.constant 0 : i32
        %dma_start3A_92 = arith.constant 0 : i32
        %dma_start3A_93 = tpu.memref_slice %arg9[%dma_start3A_91, %dma_start3A_92] : memref<51200x16xf32, #tpu.memory_space<vmem_shared>> -> memref<51200x16xf32, #tpu.memory_space<vmem_shared>>
        tpu.enqueue_indirect_dma source(%arg8 : memref<1024x16xf32, #tpu.memory_space<vmem>>) target(%dma_start3A_93 : memref<51200x16xf32, #tpu.memory_space<vmem_shared>>) offsets(%arg7 : memref<1024xi32, #tpu.memory_space<vmem>>) semaphore(%run_scoped3A_90 : memref<!tpu.dma_semaphore, #tpu.memory_space<semaphore_mem>>) {add = true}
        %dma_wait3A_94 = arith.constant 0 : i32
        %dma_wait3A_95 = arith.constant 0 : i32
        %dma_wait3A_96 = tpu.memref_slice %arg9[%dma_wait3A_94, %dma_wait3A_95] : memref<51200x16xf32, #tpu.memory_space<vmem_shared>> -> memref<51200x16xf32, #tpu.memory_space<vmem_shared>>
        tpu.wait_indirect_dma semaphore(%run_scoped3A_90 : memref<!tpu.dma_semaphore, #tpu.memory_space<semaphore_mem>>) src(%arg8 : memref<1024x16xf32, #tpu.memory_space<vmem>>) dst(%dma_wait3A_96 : memref<51200x16xf32, #tpu.memory_space<vmem_shared>>)
        tpu.yield
      }) : () -> ()
    }
    %scan3A_25 = arith.constant 49 : i32
    %barrier3A_26 = arith.constant 0 : index
    tpu.barrier barrier_id(%barrier3A_26)
    %mul3A_27 = arith.constant 3200 : i32
    %mul3A_28 = arith.muli %arg1, %mul3A_27 : i32
    %mul3A_29 = arith.constant 3200 : i32
    %mul3A_30 = arith.muli %arg1, %mul3A_29 : i32
    %run_scoped3A_31 = arith.constant 0 : i32
    "tpu.region"() ({
      %run_scoped3A_72 = tpu.sem_alloc : memref<!tpu.dma_semaphore, #tpu.memory_space<semaphore_mem>>
      %dma_start3A = arith.constant 0 : i32
      %dma_start3A_73 = tpu.memref_slice %arg5[%arg0, %run_scoped3A_31, %mul3A_30, %dma_start3A] : memref<2x2x51200x16xf32, #tpu.memory_space<hbm>> -> memref<1x1x3200x16xf32, #tpu.memory_space<hbm>>
      %dma_start3A_74 = tpu.memref_squeeze %dma_start3A_73 : memref<1x1x3200x16xf32, #tpu.memory_space<hbm>> -> memref<3200x16xf32, #tpu.memory_space<hbm>>
      %dma_start3A_75 = arith.constant 0 : i32
      %dma_start3A_76 = tpu.memref_slice %arg9[%mul3A_28, %dma_start3A_75] : memref<51200x16xf32, #tpu.memory_space<vmem_shared>> -> memref<3200x16xf32, #tpu.memory_space<vmem_shared>>
      tpu.enqueue_dma source(%dma_start3A_76 : memref<3200x16xf32, #tpu.memory_space<vmem_shared>>) target(%dma_start3A_74 : memref<3200x16xf32, #tpu.memory_space<hbm>>) target_semaphore(%run_scoped3A_72 : memref<!tpu.dma_semaphore, #tpu.memory_space<semaphore_mem>>)
      %dma_wait3A = arith.constant 0 : i32
      %dma_wait3A_77 = tpu.memref_slice %arg5[%arg0, %run_scoped3A_31, %mul3A_30, %dma_wait3A] : memref<2x2x51200x16xf32, #tpu.memory_space<hbm>> -> memref<1x1x3200x16xf32, #tpu.memory_space<hbm>>
      %dma_wait3A_78 = tpu.memref_squeeze %dma_wait3A_77 : memref<1x1x3200x16xf32, #tpu.memory_space<hbm>> -> memref<3200x16xf32, #tpu.memory_space<hbm>>
      %dma_wait3A_79 = arith.constant 0 : i32
      %dma_wait3A_80 = tpu.memref_slice %arg9[%mul3A_28, %dma_wait3A_79] : memref<51200x16xf32, #tpu.memory_space<vmem_shared>> -> memref<3200x16xf32, #tpu.memory_space<vmem_shared>>
      tpu.wait_dma2 semaphore(%run_scoped3A_72 : memref<!tpu.dma_semaphore, #tpu.memory_space<semaphore_mem>>) src(%dma_wait3A_80 : memref<3200x16xf32, #tpu.memory_space<vmem_shared>>) dst(%dma_wait3A_78 : memref<3200x16xf32, #tpu.memory_space<hbm>>)
      tpu.yield
    }) : () -> ()
    %barrier3A_32 = arith.constant 0 : index
    tpu.barrier barrier_id(%barrier3A_32)
    %broadcast_in_dim3A_33 = arith.constant 0.000000e+00 : f32
    %broadcast_in_dim3A_34 = vector.broadcast %broadcast_in_dim3A_33 : f32 to vector<16xf32>
    %scan3A_35 = arith.constant 0 : i32
    %scan3A_36 = arith.constant 1024 : i32
    %scan3A_37 = arith.addi %scan3A_35, %scan3A_36 : i32
    %scan3A_38 = arith.constant 1 : i32
    scf.for %scan3A_72 = %scan3A_35 to %scan3A_37 step %scan3A_38  : i32 {
      %mul3A_73 = arith.constant 1 : i32
      %mul3A_74 = arith.muli %scan3A_72, %mul3A_73 : i32
      %add3A_75 = arith.constant 0 : i32
      %add3A_76 = arith.addi %add3A_75, %mul3A_74 : i32
      %swap3A = arith.index_cast %add3A_76 : i32 to index
      %swap3A_77 = arith.constant 0 : index
      %swap3A_78 = tpu.vector_load %arg8[%swap3A, %swap3A_77] {strides = array<i32>} : memref<1024x16xf32, #tpu.memory_space<vmem>>, vector<1x16xf32>,
      %swap3A_79 = vector.shape_cast %swap3A_78 : vector<1x16xf32> to vector<16xf32>
      %swap3A_80 = vector.shape_cast %broadcast_in_dim3A_34 : vector<16xf32> to vector<1x16xf32>
      tpu.vector_store %arg8[%swap3A, %swap3A_77], %swap3A_80 {strides = array<i32>} : memref<1024x16xf32, #tpu.memory_space<vmem>>, vector<1x16xf32>,
    }
    %scan3A_39 = arith.constant 1024 : i32
    %mul3A_40 = arith.constant 3200 : i32
    %mul3A_41 = arith.muli %arg1, %mul3A_40 : i32
    %add3A_42 = arith.constant 0 : i32
    %add3A_43 = arith.addi %mul3A_41, %add3A_42 : i32
    "tpu.region"() ({
      %run_scoped3A_72 = tpu.sem_alloc : memref<!tpu.dma_semaphore, #tpu.memory_space<semaphore_mem>>
      %dma_start3A = arith.constant 0 : i32
      %dma_start3A_73 = tpu.memref_slice %arg9[%add3A_43, %dma_start3A] : memref<51200x16xf32, #tpu.memory_space<vmem_shared>> -> memref<1024x16xf32, #tpu.memory_space<vmem_shared>>
      %dma_start3A_74 = arith.constant 0 : i32
      %dma_start3A_75 = tpu.memref_slice %arg9[%add3A_43, %dma_start3A_74] : memref<51200x16xf32, #tpu.memory_space<vmem_shared>> -> memref<1024x16xf32, #tpu.memory_space<vmem_shared>>
      tpu.enqueue_dma source(%arg8 : memref<1024x16xf32, #tpu.memory_space<vmem>>) target(%dma_start3A_75 : memref<1024x16xf32, #tpu.memory_space<vmem_shared>>) target_semaphore(%run_scoped3A_72 : memref<!tpu.dma_semaphore, #tpu.memory_space<semaphore_mem>>)
      %dma_wait3A = arith.constant 0 : i32
      %dma_wait3A_76 = tpu.memref_slice %arg9[%add3A_43, %dma_wait3A] : memref<51200x16xf32, #tpu.memory_space<vmem_shared>> -> memref<1024x16xf32, #tpu.memory_space<vmem_shared>>
      %dma_wait3A_77 = arith.constant 0 : i32
      %dma_wait3A_78 = tpu.memref_slice %arg9[%add3A_43, %dma_wait3A_77] : memref<51200x16xf32, #tpu.memory_space<vmem_shared>> -> memref<1024x16xf32, #tpu.memory_space<vmem_shared>>
      tpu.wait_dma2 semaphore(%run_scoped3A_72 : memref<!tpu.dma_semaphore, #tpu.memory_space<semaphore_mem>>) src(%arg8 : memref<1024x16xf32, #tpu.memory_space<vmem>>) dst(%dma_wait3A_78 : memref<1024x16xf32, #tpu.memory_space<vmem_shared>>)
      tpu.yield
    }) : () -> ()
    %mul3A_44 = arith.constant 3200 : i32
    %mul3A_45 = arith.muli %arg1, %mul3A_44 : i32
    %add3A_46 = arith.constant 1024 : i32
    %add3A_47 = arith.addi %mul3A_45, %add3A_46 : i32
    "tpu.region"() ({
      %run_scoped3A_72 = tpu.sem_alloc : memref<!tpu.dma_semaphore, #tpu.memory_space<semaphore_mem>>
      %dma_start3A = arith.constant 0 : i32
      %dma_start3A_73 = tpu.memref_slice %arg9[%add3A_47, %dma_start3A] : memref<51200x16xf32, #tpu.memory_space<vmem_shared>> -> memref<1024x16xf32, #tpu.memory_space<vmem_shared>>
      %dma_start3A_74 = arith.constant 0 : i32
      %dma_start3A_75 = tpu.memref_slice %arg9[%add3A_47, %dma_start3A_74] : memref<51200x16xf32, #tpu.memory_space<vmem_shared>> -> memref<1024x16xf32, #tpu.memory_space<vmem_shared>>
      tpu.enqueue_dma source(%arg8 : memref<1024x16xf32, #tpu.memory_space<vmem>>) target(%dma_start3A_75 : memref<1024x16xf32, #tpu.memory_space<vmem_shared>>) target_semaphore(%run_scoped3A_72 : memref<!tpu.dma_semaphore, #tpu.memory_space<semaphore_mem>>)
      %dma_wait3A = arith.constant 0 : i32
      %dma_wait3A_76 = tpu.memref_slice %arg9[%add3A_47, %dma_wait3A] : memref<51200x16xf32, #tpu.memory_space<vmem_shared>> -> memref<1024x16xf32, #tpu.memory_space<vmem_shared>>
      %dma_wait3A_77 = arith.constant 0 : i32
      %dma_wait3A_78 = tpu.memref_slice %arg9[%add3A_47, %dma_wait3A_77] : memref<51200x16xf32, #tpu.memory_space<vmem_shared>> -> memref<1024x16xf32, #tpu.memory_space<vmem_shared>>
      tpu.wait_dma2 semaphore(%run_scoped3A_72 : memref<!tpu.dma_semaphore, #tpu.memory_space<semaphore_mem>>) src(%arg8 : memref<1024x16xf32, #tpu.memory_space<vmem>>) dst(%dma_wait3A_78 : memref<1024x16xf32, #tpu.memory_space<vmem_shared>>)
      tpu.yield
    }) : () -> ()
    %mul3A_48 = arith.constant 3200 : i32
    %mul3A_49 = arith.muli %arg1, %mul3A_48 : i32
    %add3A_50 = arith.constant 2048 : i32
    %add3A_51 = arith.addi %mul3A_49, %add3A_50 : i32
    "tpu.region"() ({
      %run_scoped3A_72 = tpu.sem_alloc : memref<!tpu.dma_semaphore, #tpu.memory_space<semaphore_mem>>
      %dma_start3A = arith.constant 0 : i32
      %dma_start3A_73 = tpu.memref_slice %arg9[%add3A_51, %dma_start3A] : memref<51200x16xf32, #tpu.memory_space<vmem_shared>> -> memref<1024x16xf32, #tpu.memory_space<vmem_shared>>
      %dma_start3A_74 = arith.constant 0 : i32
      %dma_start3A_75 = tpu.memref_slice %arg9[%add3A_51, %dma_start3A_74] : memref<51200x16xf32, #tpu.memory_space<vmem_shared>> -> memref<1024x16xf32, #tpu.memory_space<vmem_shared>>
      tpu.enqueue_dma source(%arg8 : memref<1024x16xf32, #tpu.memory_space<vmem>>) target(%dma_start3A_75 : memref<1024x16xf32, #tpu.memory_space<vmem_shared>>) target_semaphore(%run_scoped3A_72 : memref<!tpu.dma_semaphore, #tpu.memory_space<semaphore_mem>>)
      %dma_wait3A = arith.constant 0 : i32
      %dma_wait3A_76 = tpu.memref_slice %arg9[%add3A_51, %dma_wait3A] : memref<51200x16xf32, #tpu.memory_space<vmem_shared>> -> memref<1024x16xf32, #tpu.memory_space<vmem_shared>>
      %dma_wait3A_77 = arith.constant 0 : i32
      %dma_wait3A_78 = tpu.memref_slice %arg9[%add3A_51, %dma_wait3A_77] : memref<51200x16xf32, #tpu.memory_space<vmem_shared>> -> memref<1024x16xf32, #tpu.memory_space<vmem_shared>>
      tpu.wait_dma2 semaphore(%run_scoped3A_72 : memref<!tpu.dma_semaphore, #tpu.memory_space<semaphore_mem>>) src(%arg8 : memref<1024x16xf32, #tpu.memory_space<vmem>>) dst(%dma_wait3A_78 : memref<1024x16xf32, #tpu.memory_space<vmem_shared>>)
      tpu.yield
    }) : () -> ()
    %mul3A_52 = arith.constant 3200 : i32
    %mul3A_53 = arith.muli %arg1, %mul3A_52 : i32
    %add3A_54 = arith.constant 3072 : i32
    %add3A_55 = arith.addi %mul3A_53, %add3A_54 : i32
    "tpu.region"() ({
      %run_scoped3A_72 = tpu.sem_alloc : memref<!tpu.dma_semaphore, #tpu.memory_space<semaphore_mem>>
      %dma_start3A = arith.constant 0 : i32
      %dma_start3A_73 = arith.constant 0 : i32
      %dma_start3A_74 = tpu.memref_slice %arg8[%dma_start3A, %dma_start3A_73] : memref<1024x16xf32, #tpu.memory_space<vmem>> -> memref<128x16xf32, #tpu.memory_space<vmem>>
      %dma_start3A_75 = arith.constant 0 : i32
      %dma_start3A_76 = tpu.memref_slice %arg9[%add3A_55, %dma_start3A_75] : memref<51200x16xf32, #tpu.memory_space<vmem_shared>> -> memref<128x16xf32, #tpu.memory_space<vmem_shared>>
      %dma_start3A_77 = arith.constant 0 : i32
      %dma_start3A_78 = tpu.memref_slice %arg9[%add3A_55, %dma_start3A_77] : memref<51200x16xf32, #tpu.memory_space<vmem_shared>> -> memref<128x16xf32, #tpu.memory_space<vmem_shared>>
      %dma_start3A_79 = arith.constant 0 : i32
      %dma_start3A_80 = arith.constant 0 : i32
      %dma_start3A_81 = tpu.memref_slice %arg8[%dma_start3A_79, %dma_start3A_80] : memref<1024x16xf32, #tpu.memory_space<vmem>> -> memref<128x16xf32, #tpu.memory_space<vmem>>
      tpu.enqueue_dma source(%dma_start3A_81 : memref<128x16xf32, #tpu.memory_space<vmem>>) target(%dma_start3A_78 : memref<128x16xf32, #tpu.memory_space<vmem_shared>>) target_semaphore(%run_scoped3A_72 : memref<!tpu.dma_semaphore, #tpu.memory_space<semaphore_mem>>)
      %dma_wait3A = arith.constant 0 : i32
      %dma_wait3A_82 = arith.constant 0 : i32
      %dma_wait3A_83 = tpu.memref_slice %arg8[%dma_wait3A, %dma_wait3A_82] : memref<1024x16xf32, #tpu.memory_space<vmem>> -> memref<128x16xf32, #tpu.memory_space<vmem>>
      %dma_wait3A_84 = arith.constant 0 : i32
      %dma_wait3A_85 = tpu.memref_slice %arg9[%add3A_55, %dma_wait3A_84] : memref<51200x16xf32, #tpu.memory_space<vmem_shared>> -> memref<128x16xf32, #tpu.memory_space<vmem_shared>>
      %dma_wait3A_86 = arith.constant 0 : i32
      %dma_wait3A_87 = tpu.memref_slice %arg9[%add3A_55, %dma_wait3A_86] : memref<51200x16xf32, #tpu.memory_space<vmem_shared>> -> memref<128x16xf32, #tpu.memory_space<vmem_shared>>
      %dma_wait3A_88 = arith.constant 0 : i32
      %dma_wait3A_89 = arith.constant 0 : i32
      %dma_wait3A_90 = tpu.memref_slice %arg8[%dma_wait3A_88, %dma_wait3A_89] : memref<1024x16xf32, #tpu.memory_space<vmem>> -> memref<128x16xf32, #tpu.memory_space<vmem>>
      tpu.wait_dma2 semaphore(%run_scoped3A_72 : memref<!tpu.dma_semaphore, #tpu.memory_space<semaphore_mem>>) src(%dma_wait3A_90 : memref<128x16xf32, #tpu.memory_space<vmem>>) dst(%dma_wait3A_87 : memref<128x16xf32, #tpu.memory_space<vmem_shared>>)
      tpu.yield
    }) : () -> ()
    %mul3A_56 = arith.constant 49 : i32
    %mul3A_57 = arith.muli %arg1, %mul3A_56 : i32
    %run_scoped3A_58 = arith.constant 1 : i32
    "tpu.region"() ({
      %run_scoped3A_72 = tpu.sem_alloc : memref<!tpu.dma_semaphore, #tpu.memory_space<semaphore_mem>>
      %dma_start3A = arith.constant 0 : i32
      %dma_start3A_73 = tpu.memref_slice %arg3[%arg0, %run_scoped3A_58, %mul3A_57, %dma_start3A] : memref<2x2x784x1024xi32, #tpu.memory_space<hbm>> -> memref<1x1x49x1024xi32, #tpu.memory_space<hbm>>
      %dma_start3A_74 = tpu.memref_squeeze %dma_start3A_73 : memref<1x1x49x1024xi32, #tpu.memory_space<hbm>> -> memref<49x1024xi32, #tpu.memory_space<hbm>>
      %dma_start3A_75 = arith.constant 0 : i32
      %dma_start3A_76 = tpu.memref_slice %arg3[%arg0, %run_scoped3A_58, %mul3A_57, %dma_start3A_75] : memref<2x2x784x1024xi32, #tpu.memory_space<hbm>> -> memref<1x1x49x1024xi32, #tpu.memory_space<hbm>>
      %dma_start3A_77 = tpu.memref_squeeze %dma_start3A_76 : memref<1x1x49x1024xi32, #tpu.memory_space<hbm>> -> memref<49x1024xi32, #tpu.memory_space<hbm>>
      tpu.enqueue_dma source(%dma_start3A_77 : memref<49x1024xi32, #tpu.memory_space<hbm>>) target(%arg6 : memref<49x1024xi32, #tpu.memory_space<vmem>>) target_semaphore(%run_scoped3A_72 : memref<!tpu.dma_semaphore, #tpu.memory_space<semaphore_mem>>)
      %dma_wait3A = arith.constant 0 : i32
      %dma_wait3A_78 = tpu.memref_slice %arg3[%arg0, %run_scoped3A_58, %mul3A_57, %dma_wait3A] : memref<2x2x784x1024xi32, #tpu.memory_space<hbm>> -> memref<1x1x49x1024xi32, #tpu.memory_space<hbm>>
      %dma_wait3A_79 = tpu.memref_squeeze %dma_wait3A_78 : memref<1x1x49x1024xi32, #tpu.memory_space<hbm>> -> memref<49x1024xi32, #tpu.memory_space<hbm>>
      %dma_wait3A_80 = arith.constant 0 : i32
      %dma_wait3A_81 = tpu.memref_slice %arg3[%arg0, %run_scoped3A_58, %mul3A_57, %dma_wait3A_80] : memref<2x2x784x1024xi32, #tpu.memory_space<hbm>> -> memref<1x1x49x1024xi32, #tpu.memory_space<hbm>>
      %dma_wait3A_82 = tpu.memref_squeeze %dma_wait3A_81 : memref<1x1x49x1024xi32, #tpu.memory_space<hbm>> -> memref<49x1024xi32, #tpu.memory_space<hbm>>
      tpu.wait_dma2 semaphore(%run_scoped3A_72 : memref<!tpu.dma_semaphore, #tpu.memory_space<semaphore_mem>>) src(%dma_wait3A_82 : memref<49x1024xi32, #tpu.memory_space<hbm>>) dst(%arg6 : memref<49x1024xi32, #tpu.memory_space<vmem>>)
      tpu.yield
    }) : () -> ()
    %barrier3A_59 = arith.constant 0 : index
    tpu.barrier barrier_id(%barrier3A_59)
    %scan3A_60 = arith.constant 0 : i32
    %scan3A_61 = arith.constant 49 : i32
    %scan3A_62 = arith.addi %scan3A_60, %scan3A_61 : i32
    %scan3A_63 = arith.constant 1 : i32
    scf.for %scan3A_72 = %scan3A_60 to %scan3A_62 step %scan3A_63  : i32 {
      %mul3A_73 = arith.constant 1 : i32
      %mul3A_74 = arith.muli %scan3A_72, %mul3A_73 : i32
      %add3A_75 = arith.constant 0 : i32
      %add3A_76 = arith.addi %add3A_75, %mul3A_74 : i32
      %dma_start3A = arith.constant 0 : i32
      %dma_start3A_77 = tpu.memref_slice %arg6[%add3A_76, %dma_start3A] : memref<49x1024xi32, #tpu.memory_space<vmem>> -> memref<1x1024xi32, #tpu.memory_space<vmem>>
      %dma_start3A_78 = tpu.memref_squeeze %dma_start3A_77 : memref<1x1024xi32, #tpu.memory_space<vmem>> -> memref<1024xi32, #tpu.memory_space<vmem>>
      %dma_start3A_79 = arith.constant 0 : i32
      %dma_start3A_80 = arith.constant 0 : i32
      %dma_start3A_81 = tpu.memref_slice %arg2[%dma_start3A_79, %dma_start3A_80] : memref<200000x16xf32, #tpu.memory_space<hbm>> -> memref<200000x16xf32, #tpu.memory_space<hbm>>
      tpu.enqueue_indirect_dma source(%dma_start3A_81 : memref<200000x16xf32, #tpu.memory_space<hbm>>) target(%arg8 : memref<1024x16xf32, #tpu.memory_space<vmem>>) offsets(%dma_start3A_78 : memref<1024xi32, #tpu.memory_space<vmem>>) semaphore(%arg10 : memref<!tpu.dma_semaphore, #tpu.memory_space<semaphore_mem>>)
      %dma_wait3A = arith.constant 0 : i32
      %dma_wait3A_82 = tpu.memref_slice %arg6[%add3A_76, %dma_wait3A] : memref<49x1024xi32, #tpu.memory_space<vmem>> -> memref<1x1024xi32, #tpu.memory_space<vmem>>
      %dma_wait3A_83 = tpu.memref_squeeze %dma_wait3A_82 : memref<1x1024xi32, #tpu.memory_space<vmem>> -> memref<1024xi32, #tpu.memory_space<vmem>>
      %dma_wait3A_84 = arith.constant 0 : i32
      %dma_wait3A_85 = arith.constant 0 : i32
      %dma_wait3A_86 = tpu.memref_slice %arg2[%dma_wait3A_84, %dma_wait3A_85] : memref<200000x16xf32, #tpu.memory_space<hbm>> -> memref<200000x16xf32, #tpu.memory_space<hbm>>
      tpu.wait_indirect_dma semaphore(%arg10 : memref<!tpu.dma_semaphore, #tpu.memory_space<semaphore_mem>>) src(%dma_wait3A_86 : memref<200000x16xf32, #tpu.memory_space<hbm>>) dst(%arg8 : memref<1024x16xf32, #tpu.memory_space<vmem>>)
      %mul3A_87 = arith.constant 49 : i32
      %mul3A_88 = arith.muli %arg1, %mul3A_87 : i32
      %add3A_89 = arith.addi %mul3A_88, %add3A_76 : i32
      "tpu.region"() ({
        %run_scoped3A_90 = tpu.sem_alloc : memref<!tpu.dma_semaphore, #tpu.memory_space<semaphore_mem>>
        %dma_start3A_91 = arith.constant 0 : i32
        %dma_start3A_92 = tpu.memref_slice %arg4[%add3A_89, %dma_start3A_91] : memref<784x1024xi32, #tpu.memory_space<hbm>> -> memref<1x1024xi32, #tpu.memory_space<hbm>>
        %dma_start3A_93 = tpu.memref_squeeze %dma_start3A_92 : memref<1x1024xi32, #tpu.memory_space<hbm>> -> memref<1024xi32, #tpu.memory_space<hbm>>
        %dma_start3A_94 = arith.constant 0 : i32
        %dma_start3A_95 = tpu.memref_slice %arg4[%add3A_89, %dma_start3A_94] : memref<784x1024xi32, #tpu.memory_space<hbm>> -> memref<1x1024xi32, #tpu.memory_space<hbm>>
        %dma_start3A_96 = tpu.memref_squeeze %dma_start3A_95 : memref<1x1024xi32, #tpu.memory_space<hbm>> -> memref<1024xi32, #tpu.memory_space<hbm>>
        tpu.enqueue_dma source(%dma_start3A_96 : memref<1024xi32, #tpu.memory_space<hbm>>) target(%arg7 : memref<1024xi32, #tpu.memory_space<vmem>>) target_semaphore(%run_scoped3A_90 : memref<!tpu.dma_semaphore, #tpu.memory_space<semaphore_mem>>)
        %dma_wait3A_97 = arith.constant 0 : i32
        %dma_wait3A_98 = tpu.memref_slice %arg4[%add3A_89, %dma_wait3A_97] : memref<784x1024xi32, #tpu.memory_space<hbm>> -> memref<1x1024xi32, #tpu.memory_space<hbm>>
        %dma_wait3A_99 = tpu.memref_squeeze %dma_wait3A_98 : memref<1x1024xi32, #tpu.memory_space<hbm>> -> memref<1024xi32, #tpu.memory_space<hbm>>
        %dma_wait3A_100 = arith.constant 0 : i32
        %dma_wait3A_101 = tpu.memref_slice %arg4[%add3A_89, %dma_wait3A_100] : memref<784x1024xi32, #tpu.memory_space<hbm>> -> memref<1x1024xi32, #tpu.memory_space<hbm>>
        %dma_wait3A_102 = tpu.memref_squeeze %dma_wait3A_101 : memref<1x1024xi32, #tpu.memory_space<hbm>> -> memref<1024xi32, #tpu.memory_space<hbm>>
        tpu.wait_dma2 semaphore(%run_scoped3A_90 : memref<!tpu.dma_semaphore, #tpu.memory_space<semaphore_mem>>) src(%dma_wait3A_102 : memref<1024xi32, #tpu.memory_space<hbm>>) dst(%arg7 : memref<1024xi32, #tpu.memory_space<vmem>>)
        tpu.yield
      }) : () -> ()
      "tpu.region"() ({
        %run_scoped3A_90 = tpu.sem_alloc : memref<!tpu.dma_semaphore, #tpu.memory_space<semaphore_mem>>
        %dma_start3A_91 = arith.constant 0 : i32
        %dma_start3A_92 = arith.constant 0 : i32
        %dma_start3A_93 = tpu.memref_slice %arg9[%dma_start3A_91, %dma_start3A_92] : memref<51200x16xf32, #tpu.memory_space<vmem_shared>> -> memref<51200x16xf32, #tpu.memory_space<vmem_shared>>
        tpu.enqueue_indirect_dma source(%arg8 : memref<1024x16xf32, #tpu.memory_space<vmem>>) target(%dma_start3A_93 : memref<51200x16xf32, #tpu.memory_space<vmem_shared>>) offsets(%arg7 : memref<1024xi32, #tpu.memory_space<vmem>>) semaphore(%run_scoped3A_90 : memref<!tpu.dma_semaphore, #tpu.memory_space<semaphore_mem>>) {add = true}
        %dma_wait3A_94 = arith.constant 0 : i32
        %dma_wait3A_95 = arith.constant 0 : i32
        %dma_wait3A_96 = tpu.memref_slice %arg9[%dma_wait3A_94, %dma_wait3A_95] : memref<51200x16xf32, #tpu.memory_space<vmem_shared>> -> memref<51200x16xf32, #tpu.memory_space<vmem_shared>>
        tpu.wait_indirect_dma semaphore(%run_scoped3A_90 : memref<!tpu.dma_semaphore, #tpu.memory_space<semaphore_mem>>) src(%arg8 : memref<1024x16xf32, #tpu.memory_space<vmem>>) dst(%dma_wait3A_96 : memref<51200x16xf32, #tpu.memory_space<vmem_shared>>)
        tpu.yield
      }) : () -> ()
    }
    %scan3A_64 = arith.constant 49 : i32
    %barrier3A_65 = arith.constant 0 : index
    tpu.barrier barrier_id(%barrier3A_65)
    %mul3A_66 = arith.constant 3200 : i32
    %mul3A_67 = arith.muli %arg1, %mul3A_66 : i32
    %mul3A_68 = arith.constant 3200 : i32
    %mul3A_69 = arith.muli %arg1, %mul3A_68 : i32
    %run_scoped3A_70 = arith.constant 1 : i32
    "tpu.region"() ({
      %run_scoped3A_72 = tpu.sem_alloc : memref<!tpu.dma_semaphore, #tpu.memory_space<semaphore_mem>>
      %dma_start3A = arith.constant 0 : i32
      %dma_start3A_73 = tpu.memref_slice %arg5[%arg0, %run_scoped3A_70, %mul3A_69, %dma_start3A] : memref<2x2x51200x16xf32, #tpu.memory_space<hbm>> -> memref<1x1x3200x16xf32, #tpu.memory_space<hbm>>
      %dma_start3A_74 = tpu.memref_squeeze %dma_start3A_73 : memref<1x1x3200x16xf32, #tpu.memory_space<hbm>> -> memref<3200x16xf32, #tpu.memory_space<hbm>>
      %dma_start3A_75 = arith.constant 0 : i32
      %dma_start3A_76 = tpu.memref_slice %arg9[%mul3A_67, %dma_start3A_75] : memref<51200x16xf32, #tpu.memory_space<vmem_shared>> -> memref<3200x16xf32, #tpu.memory_space<vmem_shared>>
      tpu.enqueue_dma source(%dma_start3A_76 : memref<3200x16xf32, #tpu.memory_space<vmem_shared>>) target(%dma_start3A_74 : memref<3200x16xf32, #tpu.memory_space<hbm>>) target_semaphore(%run_scoped3A_72 : memref<!tpu.dma_semaphore, #tpu.memory_space<semaphore_mem>>)
      %dma_wait3A = arith.constant 0 : i32
      %dma_wait3A_77 = tpu.memref_slice %arg5[%arg0, %run_scoped3A_70, %mul3A_69, %dma_wait3A] : memref<2x2x51200x16xf32, #tpu.memory_space<hbm>> -> memref<1x1x3200x16xf32, #tpu.memory_space<hbm>>
      %dma_wait3A_78 = tpu.memref_squeeze %dma_wait3A_77 : memref<1x1x3200x16xf32, #tpu.memory_space<hbm>> -> memref<3200x16xf32, #tpu.memory_space<hbm>>
      %dma_wait3A_79 = arith.constant 0 : i32
      %dma_wait3A_80 = tpu.memref_slice %arg9[%mul3A_67, %dma_wait3A_79] : memref<51200x16xf32, #tpu.memory_space<vmem_shared>> -> memref<3200x16xf32, #tpu.memory_space<vmem_shared>>
      tpu.wait_dma2 semaphore(%run_scoped3A_72 : memref<!tpu.dma_semaphore, #tpu.memory_space<semaphore_mem>>) src(%dma_wait3A_80 : memref<3200x16xf32, #tpu.memory_space<vmem_shared>>) dst(%dma_wait3A_78 : memref<3200x16xf32, #tpu.memory_space<hbm>>)
      tpu.yield
    }) : () -> ()
    %barrier3A_71 = arith.constant 0 : index
    tpu.barrier barrier_id(%barrier3A_71)
    return
  }
}

#map = affine_map<(d0, d1) -> (0, 0)>
#map1 = affine_map<(d0, d1) -> (0, 0, 0, 0)>
module attributes {stable_mosaic.version = 14 : i64} {
  func.func @_sc_segsum(%arg0: i32, %arg1: i32, %arg2: memref<200000x16xf32, #tpu.memory_space<hbm>>, %arg3: memref<2x2x784x1024xi32, #tpu.memory_space<hbm>>, %arg4: memref<784x1024xi32, #tpu.memory_space<hbm>>, %arg5: memref<2x2x51200x16xf32, #tpu.memory_space<hbm>>, %arg6: memref<49x1024xi32, #tpu.memory_space<vmem>>, %arg7: memref<1024xi32, #tpu.memory_space<vmem>>, %arg8: memref<1024x16xf32, #tpu.memory_space<vmem>>, %arg9: memref<51200x16xf32, #tpu.memory_space<vmem_shared>>, %arg10: memref<!tpu.dma_semaphore, #tpu.memory_space<semaphore_mem>>) attributes {dimension_semantics = [#tpu.dimension_semantics<core_parallel>, #tpu.dimension_semantics<subcore_parallel>], iteration_bounds = array<i64: 2, 16>, scalar_prefetch = 0 : i64, scratch_operands = 5 : i64, tpu.core_type = #tpu.core_type<sc_vector_subcore>, window_params = [{transform_indices = #map}, {transform_indices = #map1}, {transform_indices = #map}, {transform_indices = #map1}]} {
    %broadcast_in_dim3A = arith.constant 0.000000e+00 : f32
    %broadcast_in_dim3A_0 = vector.broadcast %broadcast_in_dim3A : f32 to vector<16xf32>
    %scan3A = arith.constant 0 : i32
    %scan3A_1 = arith.constant 1024 : i32
    %scan3A_2 = arith.addi %scan3A, %scan3A_1 : i32
    %scan3A_3 = arith.constant 1 : i32
    scf.for %scan3A_72 = %scan3A to %scan3A_2 step %scan3A_3  : i32 {
      %mul3A_73 = arith.constant 1 : i32
      %mul3A_74 = arith.muli %scan3A_72, %mul3A_73 : i32
      %add3A_75 = arith.constant 0 : i32
      %add3A_76 = arith.addi %add3A_75, %mul3A_74 : i32
      %swap3A = arith.index_cast %add3A_76 : i32 to index
      %swap3A_77 = arith.constant 0 : index
      %swap3A_78 = tpu.vector_load %arg8[%swap3A, %swap3A_77] {strides = array<i32>} : memref<1024x16xf32, #tpu.memory_space<vmem>>, vector<1x16xf32>,
      %swap3A_79 = vector.shape_cast %swap3A_78 : vector<1x16xf32> to vector<16xf32>
      %swap3A_80 = vector.shape_cast %broadcast_in_dim3A_0 : vector<16xf32> to vector<1x16xf32>
      tpu.vector_store %arg8[%swap3A, %swap3A_77], %swap3A_80 {strides = array<i32>} : memref<1024x16xf32, #tpu.memory_space<vmem>>, vector<1x16xf32>,
    }
    %scan3A_4 = arith.constant 1024 : i32
    %mul3A = arith.constant 3200 : i32
    %mul3A_5 = arith.muli %arg1, %mul3A : i32
    %add3A = arith.constant 0 : i32
    %add3A_6 = arith.addi %mul3A_5, %add3A : i32
    "tpu.region"() ({
      %run_scoped3A_72 = tpu.sem_alloc : memref<!tpu.dma_semaphore, #tpu.memory_space<semaphore_mem>>
      %dma_start3A = arith.constant 0 : i32
      %dma_start3A_73 = tpu.memref_slice %arg9[%add3A_6, %dma_start3A] : memref<51200x16xf32, #tpu.memory_space<vmem_shared>> -> memref<1024x16xf32, #tpu.memory_space<vmem_shared>>
      %dma_start3A_74 = arith.constant 0 : i32
      %dma_start3A_75 = tpu.memref_slice %arg9[%add3A_6, %dma_start3A_74] : memref<51200x16xf32, #tpu.memory_space<vmem_shared>> -> memref<1024x16xf32, #tpu.memory_space<vmem_shared>>
      tpu.enqueue_dma source(%arg8 : memref<1024x16xf32, #tpu.memory_space<vmem>>) target(%dma_start3A_75 : memref<1024x16xf32, #tpu.memory_space<vmem_shared>>) target_semaphore(%run_scoped3A_72 : memref<!tpu.dma_semaphore, #tpu.memory_space<semaphore_mem>>)
      %dma_wait3A = arith.constant 0 : i32
      %dma_wait3A_76 = tpu.memref_slice %arg9[%add3A_6, %dma_wait3A] : memref<51200x16xf32, #tpu.memory_space<vmem_shared>> -> memref<1024x16xf32, #tpu.memory_space<vmem_shared>>
      %dma_wait3A_77 = arith.constant 0 : i32
      %dma_wait3A_78 = tpu.memref_slice %arg9[%add3A_6, %dma_wait3A_77] : memref<51200x16xf32, #tpu.memory_space<vmem_shared>> -> memref<1024x16xf32, #tpu.memory_space<vmem_shared>>
      tpu.wait_dma2 semaphore(%run_scoped3A_72 : memref<!tpu.dma_semaphore, #tpu.memory_space<semaphore_mem>>) src(%arg8 : memref<1024x16xf32, #tpu.memory_space<vmem>>) dst(%dma_wait3A_78 : memref<1024x16xf32, #tpu.memory_space<vmem_shared>>)
      tpu.yield
    }) : () -> ()
    %mul3A_7 = arith.constant 3200 : i32
    %mul3A_8 = arith.muli %arg1, %mul3A_7 : i32
    %add3A_9 = arith.constant 1024 : i32
    %add3A_10 = arith.addi %mul3A_8, %add3A_9 : i32
    "tpu.region"() ({
      %run_scoped3A_72 = tpu.sem_alloc : memref<!tpu.dma_semaphore, #tpu.memory_space<semaphore_mem>>
      %dma_start3A = arith.constant 0 : i32
      %dma_start3A_73 = tpu.memref_slice %arg9[%add3A_10, %dma_start3A] : memref<51200x16xf32, #tpu.memory_space<vmem_shared>> -> memref<1024x16xf32, #tpu.memory_space<vmem_shared>>
      %dma_start3A_74 = arith.constant 0 : i32
      %dma_start3A_75 = tpu.memref_slice %arg9[%add3A_10, %dma_start3A_74] : memref<51200x16xf32, #tpu.memory_space<vmem_shared>> -> memref<1024x16xf32, #tpu.memory_space<vmem_shared>>
      tpu.enqueue_dma source(%arg8 : memref<1024x16xf32, #tpu.memory_space<vmem>>) target(%dma_start3A_75 : memref<1024x16xf32, #tpu.memory_space<vmem_shared>>) target_semaphore(%run_scoped3A_72 : memref<!tpu.dma_semaphore, #tpu.memory_space<semaphore_mem>>)
      %dma_wait3A = arith.constant 0 : i32
      %dma_wait3A_76 = tpu.memref_slice %arg9[%add3A_10, %dma_wait3A] : memref<51200x16xf32, #tpu.memory_space<vmem_shared>> -> memref<1024x16xf32, #tpu.memory_space<vmem_shared>>
      %dma_wait3A_77 = arith.constant 0 : i32
      %dma_wait3A_78 = tpu.memref_slice %arg9[%add3A_10, %dma_wait3A_77] : memref<51200x16xf32, #tpu.memory_space<vmem_shared>> -> memref<1024x16xf32, #tpu.memory_space<vmem_shared>>
      tpu.wait_dma2 semaphore(%run_scoped3A_72 : memref<!tpu.dma_semaphore, #tpu.memory_space<semaphore_mem>>) src(%arg8 : memref<1024x16xf32, #tpu.memory_space<vmem>>) dst(%dma_wait3A_78 : memref<1024x16xf32, #tpu.memory_space<vmem_shared>>)
      tpu.yield
    }) : () -> ()
    %mul3A_11 = arith.constant 3200 : i32
    %mul3A_12 = arith.muli %arg1, %mul3A_11 : i32
    %add3A_13 = arith.constant 2048 : i32
    %add3A_14 = arith.addi %mul3A_12, %add3A_13 : i32
    "tpu.region"() ({
      %run_scoped3A_72 = tpu.sem_alloc : memref<!tpu.dma_semaphore, #tpu.memory_space<semaphore_mem>>
      %dma_start3A = arith.constant 0 : i32
      %dma_start3A_73 = tpu.memref_slice %arg9[%add3A_14, %dma_start3A] : memref<51200x16xf32, #tpu.memory_space<vmem_shared>> -> memref<1024x16xf32, #tpu.memory_space<vmem_shared>>
      %dma_start3A_74 = arith.constant 0 : i32
      %dma_start3A_75 = tpu.memref_slice %arg9[%add3A_14, %dma_start3A_74] : memref<51200x16xf32, #tpu.memory_space<vmem_shared>> -> memref<1024x16xf32, #tpu.memory_space<vmem_shared>>
      tpu.enqueue_dma source(%arg8 : memref<1024x16xf32, #tpu.memory_space<vmem>>) target(%dma_start3A_75 : memref<1024x16xf32, #tpu.memory_space<vmem_shared>>) target_semaphore(%run_scoped3A_72 : memref<!tpu.dma_semaphore, #tpu.memory_space<semaphore_mem>>)
      %dma_wait3A = arith.constant 0 : i32
      %dma_wait3A_76 = tpu.memref_slice %arg9[%add3A_14, %dma_wait3A] : memref<51200x16xf32, #tpu.memory_space<vmem_shared>> -> memref<1024x16xf32, #tpu.memory_space<vmem_shared>>
      %dma_wait3A_77 = arith.constant 0 : i32
      %dma_wait3A_78 = tpu.memref_slice %arg9[%add3A_14, %dma_wait3A_77] : memref<51200x16xf32, #tpu.memory_space<vmem_shared>> -> memref<1024x16xf32, #tpu.memory_space<vmem_shared>>
      tpu.wait_dma2 semaphore(%run_scoped3A_72 : memref<!tpu.dma_semaphore, #tpu.memory_space<semaphore_mem>>) src(%arg8 : memref<1024x16xf32, #tpu.memory_space<vmem>>) dst(%dma_wait3A_78 : memref<1024x16xf32, #tpu.memory_space<vmem_shared>>)
      tpu.yield
    }) : () -> ()
    %mul3A_15 = arith.constant 3200 : i32
    %mul3A_16 = arith.muli %arg1, %mul3A_15 : i32
    %add3A_17 = arith.constant 3072 : i32
    %add3A_18 = arith.addi %mul3A_16, %add3A_17 : i32
    "tpu.region"() ({
      %run_scoped3A_72 = tpu.sem_alloc : memref<!tpu.dma_semaphore, #tpu.memory_space<semaphore_mem>>
      %dma_start3A = arith.constant 0 : i32
      %dma_start3A_73 = arith.constant 0 : i32
      %dma_start3A_74 = tpu.memref_slice %arg8[%dma_start3A, %dma_start3A_73] : memref<1024x16xf32, #tpu.memory_space<vmem>> -> memref<128x16xf32, #tpu.memory_space<vmem>>
      %dma_start3A_75 = arith.constant 0 : i32
      %dma_start3A_76 = tpu.memref_slice %arg9[%add3A_18, %dma_start3A_75] : memref<51200x16xf32, #tpu.memory_space<vmem_shared>> -> memref<128x16xf32, #tpu.memory_space<vmem_shared>>
      %dma_start3A_77 = arith.constant 0 : i32
      %dma_start3A_78 = tpu.memref_slice %arg9[%add3A_18, %dma_start3A_77] : memref<51200x16xf32, #tpu.memory_space<vmem_shared>> -> memref<128x16xf32, #tpu.memory_space<vmem_shared>>
      %dma_start3A_79 = arith.constant 0 : i32
      %dma_start3A_80 = arith.constant 0 : i32
      %dma_start3A_81 = tpu.memref_slice %arg8[%dma_start3A_79, %dma_start3A_80] : memref<1024x16xf32, #tpu.memory_space<vmem>> -> memref<128x16xf32, #tpu.memory_space<vmem>>
      tpu.enqueue_dma source(%dma_start3A_81 : memref<128x16xf32, #tpu.memory_space<vmem>>) target(%dma_start3A_78 : memref<128x16xf32, #tpu.memory_space<vmem_shared>>) target_semaphore(%run_scoped3A_72 : memref<!tpu.dma_semaphore, #tpu.memory_space<semaphore_mem>>)
      %dma_wait3A = arith.constant 0 : i32
      %dma_wait3A_82 = arith.constant 0 : i32
      %dma_wait3A_83 = tpu.memref_slice %arg8[%dma_wait3A, %dma_wait3A_82] : memref<1024x16xf32, #tpu.memory_space<vmem>> -> memref<128x16xf32, #tpu.memory_space<vmem>>
      %dma_wait3A_84 = arith.constant 0 : i32
      %dma_wait3A_85 = tpu.memref_slice %arg9[%add3A_18, %dma_wait3A_84] : memref<51200x16xf32, #tpu.memory_space<vmem_shared>> -> memref<128x16xf32, #tpu.memory_space<vmem_shared>>
      %dma_wait3A_86 = arith.constant 0 : i32
      %dma_wait3A_87 = tpu.memref_slice %arg9[%add3A_18, %dma_wait3A_86] : memref<51200x16xf32, #tpu.memory_space<vmem_shared>> -> memref<128x16xf32, #tpu.memory_space<vmem_shared>>
      %dma_wait3A_88 = arith.constant 0 : i32
      %dma_wait3A_89 = arith.constant 0 : i32
      %dma_wait3A_90 = tpu.memref_slice %arg8[%dma_wait3A_88, %dma_wait3A_89] : memref<1024x16xf32, #tpu.memory_space<vmem>> -> memref<128x16xf32, #tpu.memory_space<vmem>>
      tpu.wait_dma2 semaphore(%run_scoped3A_72 : memref<!tpu.dma_semaphore, #tpu.memory_space<semaphore_mem>>) src(%dma_wait3A_90 : memref<128x16xf32, #tpu.memory_space<vmem>>) dst(%dma_wait3A_87 : memref<128x16xf32, #tpu.memory_space<vmem_shared>>)
      tpu.yield
    }) : () -> ()
    %mul3A_19 = arith.constant 49 : i32
    %mul3A_20 = arith.muli %arg1, %mul3A_19 : i32
    %run_scoped3A = arith.constant 0 : i32
    "tpu.region"() ({
      %run_scoped3A_72 = tpu.sem_alloc : memref<!tpu.dma_semaphore, #tpu.memory_space<semaphore_mem>>
      %dma_start3A = arith.constant 0 : i32
      %dma_start3A_73 = tpu.memref_slice %arg3[%arg0, %run_scoped3A, %mul3A_20, %dma_start3A] : memref<2x2x784x1024xi32, #tpu.memory_space<hbm>> -> memref<1x1x49x1024xi32, #tpu.memory_space<hbm>>
      %dma_start3A_74 = tpu.memref_squeeze %dma_start3A_73 : memref<1x1x49x1024xi32, #tpu.memory_space<hbm>> -> memref<49x1024xi32, #tpu.memory_space<hbm>>
      %dma_start3A_75 = arith.constant 0 : i32
      %dma_start3A_76 = tpu.memref_slice %arg3[%arg0, %run_scoped3A, %mul3A_20, %dma_start3A_75] : memref<2x2x784x1024xi32, #tpu.memory_space<hbm>> -> memref<1x1x49x1024xi32, #tpu.memory_space<hbm>>
      %dma_start3A_77 = tpu.memref_squeeze %dma_start3A_76 : memref<1x1x49x1024xi32, #tpu.memory_space<hbm>> -> memref<49x1024xi32, #tpu.memory_space<hbm>>
      tpu.enqueue_dma source(%dma_start3A_77 : memref<49x1024xi32, #tpu.memory_space<hbm>>) target(%arg6 : memref<49x1024xi32, #tpu.memory_space<vmem>>) target_semaphore(%run_scoped3A_72 : memref<!tpu.dma_semaphore, #tpu.memory_space<semaphore_mem>>)
      %dma_wait3A = arith.constant 0 : i32
      %dma_wait3A_78 = tpu.memref_slice %arg3[%arg0, %run_scoped3A, %mul3A_20, %dma_wait3A] : memref<2x2x784x1024xi32, #tpu.memory_space<hbm>> -> memref<1x1x49x1024xi32, #tpu.memory_space<hbm>>
      %dma_wait3A_79 = tpu.memref_squeeze %dma_wait3A_78 : memref<1x1x49x1024xi32, #tpu.memory_space<hbm>> -> memref<49x1024xi32, #tpu.memory_space<hbm>>
      %dma_wait3A_80 = arith.constant 0 : i32
      %dma_wait3A_81 = tpu.memref_slice %arg3[%arg0, %run_scoped3A, %mul3A_20, %dma_wait3A_80] : memref<2x2x784x1024xi32, #tpu.memory_space<hbm>> -> memref<1x1x49x1024xi32, #tpu.memory_space<hbm>>
      %dma_wait3A_82 = tpu.memref_squeeze %dma_wait3A_81 : memref<1x1x49x1024xi32, #tpu.memory_space<hbm>> -> memref<49x1024xi32, #tpu.memory_space<hbm>>
      tpu.wait_dma2 semaphore(%run_scoped3A_72 : memref<!tpu.dma_semaphore, #tpu.memory_space<semaphore_mem>>) src(%dma_wait3A_82 : memref<49x1024xi32, #tpu.memory_space<hbm>>) dst(%arg6 : memref<49x1024xi32, #tpu.memory_space<vmem>>)
      tpu.yield
    }) : () -> ()
    %barrier3A = arith.constant 0 : index
    tpu.barrier barrier_id(%barrier3A)
    %scan3A_21 = arith.constant 0 : i32
    %scan3A_22 = arith.constant 49 : i32
    %scan3A_23 = arith.addi %scan3A_21, %scan3A_22 : i32
    %scan3A_24 = arith.constant 1 : i32
    scf.for %scan3A_72 = %scan3A_21 to %scan3A_23 step %scan3A_24  : i32 {
      %mul3A_73 = arith.constant 1 : i32
      %mul3A_74 = arith.muli %scan3A_72, %mul3A_73 : i32
      %add3A_75 = arith.constant 0 : i32
      %add3A_76 = arith.addi %add3A_75, %mul3A_74 : i32
      %dma_start3A = arith.constant 0 : i32
      %dma_start3A_77 = tpu.memref_slice %arg6[%add3A_76, %dma_start3A] : memref<49x1024xi32, #tpu.memory_space<vmem>> -> memref<1x1024xi32, #tpu.memory_space<vmem>>
      %dma_start3A_78 = tpu.memref_squeeze %dma_start3A_77 : memref<1x1024xi32, #tpu.memory_space<vmem>> -> memref<1024xi32, #tpu.memory_space<vmem>>
      %dma_start3A_79 = arith.constant 0 : i32
      %dma_start3A_80 = arith.constant 0 : i32
      %dma_start3A_81 = tpu.memref_slice %arg2[%dma_start3A_79, %dma_start3A_80] : memref<200000x16xf32, #tpu.memory_space<hbm>> -> memref<200000x16xf32, #tpu.memory_space<hbm>>
      tpu.enqueue_indirect_dma source(%dma_start3A_81 : memref<200000x16xf32, #tpu.memory_space<hbm>>) target(%arg8 : memref<1024x16xf32, #tpu.memory_space<vmem>>) offsets(%dma_start3A_78 : memref<1024xi32, #tpu.memory_space<vmem>>) semaphore(%arg10 : memref<!tpu.dma_semaphore, #tpu.memory_space<semaphore_mem>>)
      %dma_wait3A = arith.constant 0 : i32
      %dma_wait3A_82 = tpu.memref_slice %arg6[%add3A_76, %dma_wait3A] : memref<49x1024xi32, #tpu.memory_space<vmem>> -> memref<1x1024xi32, #tpu.memory_space<vmem>>
      %dma_wait3A_83 = tpu.memref_squeeze %dma_wait3A_82 : memref<1x1024xi32, #tpu.memory_space<vmem>> -> memref<1024xi32, #tpu.memory_space<vmem>>
      %dma_wait3A_84 = arith.constant 0 : i32
      %dma_wait3A_85 = arith.constant 0 : i32
      %dma_wait3A_86 = tpu.memref_slice %arg2[%dma_wait3A_84, %dma_wait3A_85] : memref<200000x16xf32, #tpu.memory_space<hbm>> -> memref<200000x16xf32, #tpu.memory_space<hbm>>
      tpu.wait_indirect_dma semaphore(%arg10 : memref<!tpu.dma_semaphore, #tpu.memory_space<semaphore_mem>>) src(%dma_wait3A_86 : memref<200000x16xf32, #tpu.memory_space<hbm>>) dst(%arg8 : memref<1024x16xf32, #tpu.memory_space<vmem>>)
      %mul3A_87 = arith.constant 49 : i32
      %mul3A_88 = arith.muli %arg1, %mul3A_87 : i32
      %add3A_89 = arith.addi %mul3A_88, %add3A_76 : i32
      "tpu.region"() ({
        %run_scoped3A_90 = tpu.sem_alloc : memref<!tpu.dma_semaphore, #tpu.memory_space<semaphore_mem>>
        %dma_start3A_91 = arith.constant 0 : i32
        %dma_start3A_92 = tpu.memref_slice %arg4[%add3A_89, %dma_start3A_91] : memref<784x1024xi32, #tpu.memory_space<hbm>> -> memref<1x1024xi32, #tpu.memory_space<hbm>>
        %dma_start3A_93 = tpu.memref_squeeze %dma_start3A_92 : memref<1x1024xi32, #tpu.memory_space<hbm>> -> memref<1024xi32, #tpu.memory_space<hbm>>
        %dma_start3A_94 = arith.constant 0 : i32
        %dma_start3A_95 = tpu.memref_slice %arg4[%add3A_89, %dma_start3A_94] : memref<784x1024xi32, #tpu.memory_space<hbm>> -> memref<1x1024xi32, #tpu.memory_space<hbm>>
        %dma_start3A_96 = tpu.memref_squeeze %dma_start3A_95 : memref<1x1024xi32, #tpu.memory_space<hbm>> -> memref<1024xi32, #tpu.memory_space<hbm>>
        tpu.enqueue_dma source(%dma_start3A_96 : memref<1024xi32, #tpu.memory_space<hbm>>) target(%arg7 : memref<1024xi32, #tpu.memory_space<vmem>>) target_semaphore(%run_scoped3A_90 : memref<!tpu.dma_semaphore, #tpu.memory_space<semaphore_mem>>)
        %dma_wait3A_97 = arith.constant 0 : i32
        %dma_wait3A_98 = tpu.memref_slice %arg4[%add3A_89, %dma_wait3A_97] : memref<784x1024xi32, #tpu.memory_space<hbm>> -> memref<1x1024xi32, #tpu.memory_space<hbm>>
        %dma_wait3A_99 = tpu.memref_squeeze %dma_wait3A_98 : memref<1x1024xi32, #tpu.memory_space<hbm>> -> memref<1024xi32, #tpu.memory_space<hbm>>
        %dma_wait3A_100 = arith.constant 0 : i32
        %dma_wait3A_101 = tpu.memref_slice %arg4[%add3A_89, %dma_wait3A_100] : memref<784x1024xi32, #tpu.memory_space<hbm>> -> memref<1x1024xi32, #tpu.memory_space<hbm>>
        %dma_wait3A_102 = tpu.memref_squeeze %dma_wait3A_101 : memref<1x1024xi32, #tpu.memory_space<hbm>> -> memref<1024xi32, #tpu.memory_space<hbm>>
        tpu.wait_dma2 semaphore(%run_scoped3A_90 : memref<!tpu.dma_semaphore, #tpu.memory_space<semaphore_mem>>) src(%dma_wait3A_102 : memref<1024xi32, #tpu.memory_space<hbm>>) dst(%arg7 : memref<1024xi32, #tpu.memory_space<vmem>>)
        tpu.yield
      }) : () -> ()
      "tpu.region"() ({
        %run_scoped3A_90 = tpu.sem_alloc : memref<!tpu.dma_semaphore, #tpu.memory_space<semaphore_mem>>
        %dma_start3A_91 = arith.constant 0 : i32
        %dma_start3A_92 = arith.constant 0 : i32
        %dma_start3A_93 = tpu.memref_slice %arg9[%dma_start3A_91, %dma_start3A_92] : memref<51200x16xf32, #tpu.memory_space<vmem_shared>> -> memref<51200x16xf32, #tpu.memory_space<vmem_shared>>
        tpu.enqueue_indirect_dma source(%arg8 : memref<1024x16xf32, #tpu.memory_space<vmem>>) target(%dma_start3A_93 : memref<51200x16xf32, #tpu.memory_space<vmem_shared>>) offsets(%arg7 : memref<1024xi32, #tpu.memory_space<vmem>>) semaphore(%run_scoped3A_90 : memref<!tpu.dma_semaphore, #tpu.memory_space<semaphore_mem>>) {add = true}
        %dma_wait3A_94 = arith.constant 0 : i32
        %dma_wait3A_95 = arith.constant 0 : i32
        %dma_wait3A_96 = tpu.memref_slice %arg9[%dma_wait3A_94, %dma_wait3A_95] : memref<51200x16xf32, #tpu.memory_space<vmem_shared>> -> memref<51200x16xf32, #tpu.memory_space<vmem_shared>>
        tpu.wait_indirect_dma semaphore(%run_scoped3A_90 : memref<!tpu.dma_semaphore, #tpu.memory_space<semaphore_mem>>) src(%arg8 : memref<1024x16xf32, #tpu.memory_space<vmem>>) dst(%dma_wait3A_96 : memref<51200x16xf32, #tpu.memory_space<vmem_shared>>)
        tpu.yield
      }) : () -> ()
    }
    %scan3A_25 = arith.constant 49 : i32
    %barrier3A_26 = arith.constant 0 : index
    tpu.barrier barrier_id(%barrier3A_26)
    %mul3A_27 = arith.constant 3200 : i32
    %mul3A_28 = arith.muli %arg1, %mul3A_27 : i32
    %mul3A_29 = arith.constant 3200 : i32
    %mul3A_30 = arith.muli %arg1, %mul3A_29 : i32
    %run_scoped3A_31 = arith.constant 0 : i32
    "tpu.region"() ({
      %run_scoped3A_72 = tpu.sem_alloc : memref<!tpu.dma_semaphore, #tpu.memory_space<semaphore_mem>>
      %dma_start3A = arith.constant 0 : i32
      %dma_start3A_73 = tpu.memref_slice %arg5[%arg0, %run_scoped3A_31, %mul3A_30, %dma_start3A] : memref<2x2x51200x16xf32, #tpu.memory_space<hbm>> -> memref<1x1x3200x16xf32, #tpu.memory_space<hbm>>
      %dma_start3A_74 = tpu.memref_squeeze %dma_start3A_73 : memref<1x1x3200x16xf32, #tpu.memory_space<hbm>> -> memref<3200x16xf32, #tpu.memory_space<hbm>>
      %dma_start3A_75 = arith.constant 0 : i32
      %dma_start3A_76 = tpu.memref_slice %arg9[%mul3A_28, %dma_start3A_75] : memref<51200x16xf32, #tpu.memory_space<vmem_shared>> -> memref<3200x16xf32, #tpu.memory_space<vmem_shared>>
      tpu.enqueue_dma source(%dma_start3A_76 : memref<3200x16xf32, #tpu.memory_space<vmem_shared>>) target(%dma_start3A_74 : memref<3200x16xf32, #tpu.memory_space<hbm>>) target_semaphore(%run_scoped3A_72 : memref<!tpu.dma_semaphore, #tpu.memory_space<semaphore_mem>>)
      %dma_wait3A = arith.constant 0 : i32
      %dma_wait3A_77 = tpu.memref_slice %arg5[%arg0, %run_scoped3A_31, %mul3A_30, %dma_wait3A] : memref<2x2x51200x16xf32, #tpu.memory_space<hbm>> -> memref<1x1x3200x16xf32, #tpu.memory_space<hbm>>
      %dma_wait3A_78 = tpu.memref_squeeze %dma_wait3A_77 : memref<1x1x3200x16xf32, #tpu.memory_space<hbm>> -> memref<3200x16xf32, #tpu.memory_space<hbm>>
      %dma_wait3A_79 = arith.constant 0 : i32
      %dma_wait3A_80 = tpu.memref_slice %arg9[%mul3A_28, %dma_wait3A_79] : memref<51200x16xf32, #tpu.memory_space<vmem_shared>> -> memref<3200x16xf32, #tpu.memory_space<vmem_shared>>
      tpu.wait_dma2 semaphore(%run_scoped3A_72 : memref<!tpu.dma_semaphore, #tpu.memory_space<semaphore_mem>>) src(%dma_wait3A_80 : memref<3200x16xf32, #tpu.memory_space<vmem_shared>>) dst(%dma_wait3A_78 : memref<3200x16xf32, #tpu.memory_space<hbm>>)
      tpu.yield
    }) : () -> ()
    %barrier3A_32 = arith.constant 0 : index
    tpu.barrier barrier_id(%barrier3A_32)
    %broadcast_in_dim3A_33 = arith.constant 0.000000e+00 : f32
    %broadcast_in_dim3A_34 = vector.broadcast %broadcast_in_dim3A_33 : f32 to vector<16xf32>
    %scan3A_35 = arith.constant 0 : i32
    %scan3A_36 = arith.constant 1024 : i32
    %scan3A_37 = arith.addi %scan3A_35, %scan3A_36 : i32
    %scan3A_38 = arith.constant 1 : i32
    scf.for %scan3A_72 = %scan3A_35 to %scan3A_37 step %scan3A_38  : i32 {
      %mul3A_73 = arith.constant 1 : i32
      %mul3A_74 = arith.muli %scan3A_72, %mul3A_73 : i32
      %add3A_75 = arith.constant 0 : i32
      %add3A_76 = arith.addi %add3A_75, %mul3A_74 : i32
      %swap3A = arith.index_cast %add3A_76 : i32 to index
      %swap3A_77 = arith.constant 0 : index
      %swap3A_78 = tpu.vector_load %arg8[%swap3A, %swap3A_77] {strides = array<i32>} : memref<1024x16xf32, #tpu.memory_space<vmem>>, vector<1x16xf32>,
      %swap3A_79 = vector.shape_cast %swap3A_78 : vector<1x16xf32> to vector<16xf32>
      %swap3A_80 = vector.shape_cast %broadcast_in_dim3A_34 : vector<16xf32> to vector<1x16xf32>
      tpu.vector_store %arg8[%swap3A, %swap3A_77], %swap3A_80 {strides = array<i32>} : memref<1024x16xf32, #tpu.memory_space<vmem>>, vector<1x16xf32>,
    }
    %scan3A_39 = arith.constant 1024 : i32
    %mul3A_40 = arith.constant 3200 : i32
    %mul3A_41 = arith.muli %arg1, %mul3A_40 : i32
    %add3A_42 = arith.constant 0 : i32
    %add3A_43 = arith.addi %mul3A_41, %add3A_42 : i32
    "tpu.region"() ({
      %run_scoped3A_72 = tpu.sem_alloc : memref<!tpu.dma_semaphore, #tpu.memory_space<semaphore_mem>>
      %dma_start3A = arith.constant 0 : i32
      %dma_start3A_73 = tpu.memref_slice %arg9[%add3A_43, %dma_start3A] : memref<51200x16xf32, #tpu.memory_space<vmem_shared>> -> memref<1024x16xf32, #tpu.memory_space<vmem_shared>>
      %dma_start3A_74 = arith.constant 0 : i32
      %dma_start3A_75 = tpu.memref_slice %arg9[%add3A_43, %dma_start3A_74] : memref<51200x16xf32, #tpu.memory_space<vmem_shared>> -> memref<1024x16xf32, #tpu.memory_space<vmem_shared>>
      tpu.enqueue_dma source(%arg8 : memref<1024x16xf32, #tpu.memory_space<vmem>>) target(%dma_start3A_75 : memref<1024x16xf32, #tpu.memory_space<vmem_shared>>) target_semaphore(%run_scoped3A_72 : memref<!tpu.dma_semaphore, #tpu.memory_space<semaphore_mem>>)
      %dma_wait3A = arith.constant 0 : i32
      %dma_wait3A_76 = tpu.memref_slice %arg9[%add3A_43, %dma_wait3A] : memref<51200x16xf32, #tpu.memory_space<vmem_shared>> -> memref<1024x16xf32, #tpu.memory_space<vmem_shared>>
      %dma_wait3A_77 = arith.constant 0 : i32
      %dma_wait3A_78 = tpu.memref_slice %arg9[%add3A_43, %dma_wait3A_77] : memref<51200x16xf32, #tpu.memory_space<vmem_shared>> -> memref<1024x16xf32, #tpu.memory_space<vmem_shared>>
      tpu.wait_dma2 semaphore(%run_scoped3A_72 : memref<!tpu.dma_semaphore, #tpu.memory_space<semaphore_mem>>) src(%arg8 : memref<1024x16xf32, #tpu.memory_space<vmem>>) dst(%dma_wait3A_78 : memref<1024x16xf32, #tpu.memory_space<vmem_shared>>)
      tpu.yield
    }) : () -> ()
    %mul3A_44 = arith.constant 3200 : i32
    %mul3A_45 = arith.muli %arg1, %mul3A_44 : i32
    %add3A_46 = arith.constant 1024 : i32
    %add3A_47 = arith.addi %mul3A_45, %add3A_46 : i32
    "tpu.region"() ({
      %run_scoped3A_72 = tpu.sem_alloc : memref<!tpu.dma_semaphore, #tpu.memory_space<semaphore_mem>>
      %dma_start3A = arith.constant 0 : i32
      %dma_start3A_73 = tpu.memref_slice %arg9[%add3A_47, %dma_start3A] : memref<51200x16xf32, #tpu.memory_space<vmem_shared>> -> memref<1024x16xf32, #tpu.memory_space<vmem_shared>>
      %dma_start3A_74 = arith.constant 0 : i32
      %dma_start3A_75 = tpu.memref_slice %arg9[%add3A_47, %dma_start3A_74] : memref<51200x16xf32, #tpu.memory_space<vmem_shared>> -> memref<1024x16xf32, #tpu.memory_space<vmem_shared>>
      tpu.enqueue_dma source(%arg8 : memref<1024x16xf32, #tpu.memory_space<vmem>>) target(%dma_start3A_75 : memref<1024x16xf32, #tpu.memory_space<vmem_shared>>) target_semaphore(%run_scoped3A_72 : memref<!tpu.dma_semaphore, #tpu.memory_space<semaphore_mem>>)
      %dma_wait3A = arith.constant 0 : i32
      %dma_wait3A_76 = tpu.memref_slice %arg9[%add3A_47, %dma_wait3A] : memref<51200x16xf32, #tpu.memory_space<vmem_shared>> -> memref<1024x16xf32, #tpu.memory_space<vmem_shared>>
      %dma_wait3A_77 = arith.constant 0 : i32
      %dma_wait3A_78 = tpu.memref_slice %arg9[%add3A_47, %dma_wait3A_77] : memref<51200x16xf32, #tpu.memory_space<vmem_shared>> -> memref<1024x16xf32, #tpu.memory_space<vmem_shared>>
      tpu.wait_dma2 semaphore(%run_scoped3A_72 : memref<!tpu.dma_semaphore, #tpu.memory_space<semaphore_mem>>) src(%arg8 : memref<1024x16xf32, #tpu.memory_space<vmem>>) dst(%dma_wait3A_78 : memref<1024x16xf32, #tpu.memory_space<vmem_shared>>)
      tpu.yield
    }) : () -> ()
    %mul3A_48 = arith.constant 3200 : i32
    %mul3A_49 = arith.muli %arg1, %mul3A_48 : i32
    %add3A_50 = arith.constant 2048 : i32
    %add3A_51 = arith.addi %mul3A_49, %add3A_50 : i32
    "tpu.region"() ({
      %run_scoped3A_72 = tpu.sem_alloc : memref<!tpu.dma_semaphore, #tpu.memory_space<semaphore_mem>>
      %dma_start3A = arith.constant 0 : i32
      %dma_start3A_73 = tpu.memref_slice %arg9[%add3A_51, %dma_start3A] : memref<51200x16xf32, #tpu.memory_space<vmem_shared>> -> memref<1024x16xf32, #tpu.memory_space<vmem_shared>>
      %dma_start3A_74 = arith.constant 0 : i32
      %dma_start3A_75 = tpu.memref_slice %arg9[%add3A_51, %dma_start3A_74] : memref<51200x16xf32, #tpu.memory_space<vmem_shared>> -> memref<1024x16xf32, #tpu.memory_space<vmem_shared>>
      tpu.enqueue_dma source(%arg8 : memref<1024x16xf32, #tpu.memory_space<vmem>>) target(%dma_start3A_75 : memref<1024x16xf32, #tpu.memory_space<vmem_shared>>) target_semaphore(%run_scoped3A_72 : memref<!tpu.dma_semaphore, #tpu.memory_space<semaphore_mem>>)
      %dma_wait3A = arith.constant 0 : i32
      %dma_wait3A_76 = tpu.memref_slice %arg9[%add3A_51, %dma_wait3A] : memref<51200x16xf32, #tpu.memory_space<vmem_shared>> -> memref<1024x16xf32, #tpu.memory_space<vmem_shared>>
      %dma_wait3A_77 = arith.constant 0 : i32
      %dma_wait3A_78 = tpu.memref_slice %arg9[%add3A_51, %dma_wait3A_77] : memref<51200x16xf32, #tpu.memory_space<vmem_shared>> -> memref<1024x16xf32, #tpu.memory_space<vmem_shared>>
      tpu.wait_dma2 semaphore(%run_scoped3A_72 : memref<!tpu.dma_semaphore, #tpu.memory_space<semaphore_mem>>) src(%arg8 : memref<1024x16xf32, #tpu.memory_space<vmem>>) dst(%dma_wait3A_78 : memref<1024x16xf32, #tpu.memory_space<vmem_shared>>)
      tpu.yield
    }) : () -> ()
    %mul3A_52 = arith.constant 3200 : i32
    %mul3A_53 = arith.muli %arg1, %mul3A_52 : i32
    %add3A_54 = arith.constant 3072 : i32
    %add3A_55 = arith.addi %mul3A_53, %add3A_54 : i32
    "tpu.region"() ({
      %run_scoped3A_72 = tpu.sem_alloc : memref<!tpu.dma_semaphore, #tpu.memory_space<semaphore_mem>>
      %dma_start3A = arith.constant 0 : i32
      %dma_start3A_73 = arith.constant 0 : i32
      %dma_start3A_74 = tpu.memref_slice %arg8[%dma_start3A, %dma_start3A_73] : memref<1024x16xf32, #tpu.memory_space<vmem>> -> memref<128x16xf32, #tpu.memory_space<vmem>>
      %dma_start3A_75 = arith.constant 0 : i32
      %dma_start3A_76 = tpu.memref_slice %arg9[%add3A_55, %dma_start3A_75] : memref<51200x16xf32, #tpu.memory_space<vmem_shared>> -> memref<128x16xf32, #tpu.memory_space<vmem_shared>>
      %dma_start3A_77 = arith.constant 0 : i32
      %dma_start3A_78 = tpu.memref_slice %arg9[%add3A_55, %dma_start3A_77] : memref<51200x16xf32, #tpu.memory_space<vmem_shared>> -> memref<128x16xf32, #tpu.memory_space<vmem_shared>>
      %dma_start3A_79 = arith.constant 0 : i32
      %dma_start3A_80 = arith.constant 0 : i32
      %dma_start3A_81 = tpu.memref_slice %arg8[%dma_start3A_79, %dma_start3A_80] : memref<1024x16xf32, #tpu.memory_space<vmem>> -> memref<128x16xf32, #tpu.memory_space<vmem>>
      tpu.enqueue_dma source(%dma_start3A_81 : memref<128x16xf32, #tpu.memory_space<vmem>>) target(%dma_start3A_78 : memref<128x16xf32, #tpu.memory_space<vmem_shared>>) target_semaphore(%run_scoped3A_72 : memref<!tpu.dma_semaphore, #tpu.memory_space<semaphore_mem>>)
      %dma_wait3A = arith.constant 0 : i32
      %dma_wait3A_82 = arith.constant 0 : i32
      %dma_wait3A_83 = tpu.memref_slice %arg8[%dma_wait3A, %dma_wait3A_82] : memref<1024x16xf32, #tpu.memory_space<vmem>> -> memref<128x16xf32, #tpu.memory_space<vmem>>
      %dma_wait3A_84 = arith.constant 0 : i32
      %dma_wait3A_85 = tpu.memref_slice %arg9[%add3A_55, %dma_wait3A_84] : memref<51200x16xf32, #tpu.memory_space<vmem_shared>> -> memref<128x16xf32, #tpu.memory_space<vmem_shared>>
      %dma_wait3A_86 = arith.constant 0 : i32
      %dma_wait3A_87 = tpu.memref_slice %arg9[%add3A_55, %dma_wait3A_86] : memref<51200x16xf32, #tpu.memory_space<vmem_shared>> -> memref<128x16xf32, #tpu.memory_space<vmem_shared>>
      %dma_wait3A_88 = arith.constant 0 : i32
      %dma_wait3A_89 = arith.constant 0 : i32
      %dma_wait3A_90 = tpu.memref_slice %arg8[%dma_wait3A_88, %dma_wait3A_89] : memref<1024x16xf32, #tpu.memory_space<vmem>> -> memref<128x16xf32, #tpu.memory_space<vmem>>
      tpu.wait_dma2 semaphore(%run_scoped3A_72 : memref<!tpu.dma_semaphore, #tpu.memory_space<semaphore_mem>>) src(%dma_wait3A_90 : memref<128x16xf32, #tpu.memory_space<vmem>>) dst(%dma_wait3A_87 : memref<128x16xf32, #tpu.memory_space<vmem_shared>>)
      tpu.yield
    }) : () -> ()
    %mul3A_56 = arith.constant 49 : i32
    %mul3A_57 = arith.muli %arg1, %mul3A_56 : i32
    %run_scoped3A_58 = arith.constant 1 : i32
    "tpu.region"() ({
      %run_scoped3A_72 = tpu.sem_alloc : memref<!tpu.dma_semaphore, #tpu.memory_space<semaphore_mem>>
      %dma_start3A = arith.constant 0 : i32
      %dma_start3A_73 = tpu.memref_slice %arg3[%arg0, %run_scoped3A_58, %mul3A_57, %dma_start3A] : memref<2x2x784x1024xi32, #tpu.memory_space<hbm>> -> memref<1x1x49x1024xi32, #tpu.memory_space<hbm>>
      %dma_start3A_74 = tpu.memref_squeeze %dma_start3A_73 : memref<1x1x49x1024xi32, #tpu.memory_space<hbm>> -> memref<49x1024xi32, #tpu.memory_space<hbm>>
      %dma_start3A_75 = arith.constant 0 : i32
      %dma_start3A_76 = tpu.memref_slice %arg3[%arg0, %run_scoped3A_58, %mul3A_57, %dma_start3A_75] : memref<2x2x784x1024xi32, #tpu.memory_space<hbm>> -> memref<1x1x49x1024xi32, #tpu.memory_space<hbm>>
      %dma_start3A_77 = tpu.memref_squeeze %dma_start3A_76 : memref<1x1x49x1024xi32, #tpu.memory_space<hbm>> -> memref<49x1024xi32, #tpu.memory_space<hbm>>
      tpu.enqueue_dma source(%dma_start3A_77 : memref<49x1024xi32, #tpu.memory_space<hbm>>) target(%arg6 : memref<49x1024xi32, #tpu.memory_space<vmem>>) target_semaphore(%run_scoped3A_72 : memref<!tpu.dma_semaphore, #tpu.memory_space<semaphore_mem>>)
      %dma_wait3A = arith.constant 0 : i32
      %dma_wait3A_78 = tpu.memref_slice %arg3[%arg0, %run_scoped3A_58, %mul3A_57, %dma_wait3A] : memref<2x2x784x1024xi32, #tpu.memory_space<hbm>> -> memref<1x1x49x1024xi32, #tpu.memory_space<hbm>>
      %dma_wait3A_79 = tpu.memref_squeeze %dma_wait3A_78 : memref<1x1x49x1024xi32, #tpu.memory_space<hbm>> -> memref<49x1024xi32, #tpu.memory_space<hbm>>
      %dma_wait3A_80 = arith.constant 0 : i32
      %dma_wait3A_81 = tpu.memref_slice %arg3[%arg0, %run_scoped3A_58, %mul3A_57, %dma_wait3A_80] : memref<2x2x784x1024xi32, #tpu.memory_space<hbm>> -> memref<1x1x49x1024xi32, #tpu.memory_space<hbm>>
      %dma_wait3A_82 = tpu.memref_squeeze %dma_wait3A_81 : memref<1x1x49x1024xi32, #tpu.memory_space<hbm>> -> memref<49x1024xi32, #tpu.memory_space<hbm>>
      tpu.wait_dma2 semaphore(%run_scoped3A_72 : memref<!tpu.dma_semaphore, #tpu.memory_space<semaphore_mem>>) src(%dma_wait3A_82 : memref<49x1024xi32, #tpu.memory_space<hbm>>) dst(%arg6 : memref<49x1024xi32, #tpu.memory_space<vmem>>)
      tpu.yield
    }) : () -> ()
    %barrier3A_59 = arith.constant 0 : index
    tpu.barrier barrier_id(%barrier3A_59)
    %scan3A_60 = arith.constant 0 : i32
    %scan3A_61 = arith.constant 49 : i32
    %scan3A_62 = arith.addi %scan3A_60, %scan3A_61 : i32
    %scan3A_63 = arith.constant 1 : i32
    scf.for %scan3A_72 = %scan3A_60 to %scan3A_62 step %scan3A_63  : i32 {
      %mul3A_73 = arith.constant 1 : i32
      %mul3A_74 = arith.muli %scan3A_72, %mul3A_73 : i32
      %add3A_75 = arith.constant 0 : i32
      %add3A_76 = arith.addi %add3A_75, %mul3A_74 : i32
      %dma_start3A = arith.constant 0 : i32
      %dma_start3A_77 = tpu.memref_slice %arg6[%add3A_76, %dma_start3A] : memref<49x1024xi32, #tpu.memory_space<vmem>> -> memref<1x1024xi32, #tpu.memory_space<vmem>>
      %dma_start3A_78 = tpu.memref_squeeze %dma_start3A_77 : memref<1x1024xi32, #tpu.memory_space<vmem>> -> memref<1024xi32, #tpu.memory_space<vmem>>
      %dma_start3A_79 = arith.constant 0 : i32
      %dma_start3A_80 = arith.constant 0 : i32
      %dma_start3A_81 = tpu.memref_slice %arg2[%dma_start3A_79, %dma_start3A_80] : memref<200000x16xf32, #tpu.memory_space<hbm>> -> memref<200000x16xf32, #tpu.memory_space<hbm>>
      tpu.enqueue_indirect_dma source(%dma_start3A_81 : memref<200000x16xf32, #tpu.memory_space<hbm>>) target(%arg8 : memref<1024x16xf32, #tpu.memory_space<vmem>>) offsets(%dma_start3A_78 : memref<1024xi32, #tpu.memory_space<vmem>>) semaphore(%arg10 : memref<!tpu.dma_semaphore, #tpu.memory_space<semaphore_mem>>)
      %dma_wait3A = arith.constant 0 : i32
      %dma_wait3A_82 = tpu.memref_slice %arg6[%add3A_76, %dma_wait3A] : memref<49x1024xi32, #tpu.memory_space<vmem>> -> memref<1x1024xi32, #tpu.memory_space<vmem>>
      %dma_wait3A_83 = tpu.memref_squeeze %dma_wait3A_82 : memref<1x1024xi32, #tpu.memory_space<vmem>> -> memref<1024xi32, #tpu.memory_space<vmem>>
      %dma_wait3A_84 = arith.constant 0 : i32
      %dma_wait3A_85 = arith.constant 0 : i32
      %dma_wait3A_86 = tpu.memref_slice %arg2[%dma_wait3A_84, %dma_wait3A_85] : memref<200000x16xf32, #tpu.memory_space<hbm>> -> memref<200000x16xf32, #tpu.memory_space<hbm>>
      tpu.wait_indirect_dma semaphore(%arg10 : memref<!tpu.dma_semaphore, #tpu.memory_space<semaphore_mem>>) src(%dma_wait3A_86 : memref<200000x16xf32, #tpu.memory_space<hbm>>) dst(%arg8 : memref<1024x16xf32, #tpu.memory_space<vmem>>)
      %mul3A_87 = arith.constant 49 : i32
      %mul3A_88 = arith.muli %arg1, %mul3A_87 : i32
      %add3A_89 = arith.addi %mul3A_88, %add3A_76 : i32
      "tpu.region"() ({
        %run_scoped3A_90 = tpu.sem_alloc : memref<!tpu.dma_semaphore, #tpu.memory_space<semaphore_mem>>
        %dma_start3A_91 = arith.constant 0 : i32
        %dma_start3A_92 = tpu.memref_slice %arg4[%add3A_89, %dma_start3A_91] : memref<784x1024xi32, #tpu.memory_space<hbm>> -> memref<1x1024xi32, #tpu.memory_space<hbm>>
        %dma_start3A_93 = tpu.memref_squeeze %dma_start3A_92 : memref<1x1024xi32, #tpu.memory_space<hbm>> -> memref<1024xi32, #tpu.memory_space<hbm>>
        %dma_start3A_94 = arith.constant 0 : i32
        %dma_start3A_95 = tpu.memref_slice %arg4[%add3A_89, %dma_start3A_94] : memref<784x1024xi32, #tpu.memory_space<hbm>> -> memref<1x1024xi32, #tpu.memory_space<hbm>>
        %dma_start3A_96 = tpu.memref_squeeze %dma_start3A_95 : memref<1x1024xi32, #tpu.memory_space<hbm>> -> memref<1024xi32, #tpu.memory_space<hbm>>
        tpu.enqueue_dma source(%dma_start3A_96 : memref<1024xi32, #tpu.memory_space<hbm>>) target(%arg7 : memref<1024xi32, #tpu.memory_space<vmem>>) target_semaphore(%run_scoped3A_90 : memref<!tpu.dma_semaphore, #tpu.memory_space<semaphore_mem>>)
        %dma_wait3A_97 = arith.constant 0 : i32
        %dma_wait3A_98 = tpu.memref_slice %arg4[%add3A_89, %dma_wait3A_97] : memref<784x1024xi32, #tpu.memory_space<hbm>> -> memref<1x1024xi32, #tpu.memory_space<hbm>>
        %dma_wait3A_99 = tpu.memref_squeeze %dma_wait3A_98 : memref<1x1024xi32, #tpu.memory_space<hbm>> -> memref<1024xi32, #tpu.memory_space<hbm>>
        %dma_wait3A_100 = arith.constant 0 : i32
        %dma_wait3A_101 = tpu.memref_slice %arg4[%add3A_89, %dma_wait3A_100] : memref<784x1024xi32, #tpu.memory_space<hbm>> -> memref<1x1024xi32, #tpu.memory_space<hbm>>
        %dma_wait3A_102 = tpu.memref_squeeze %dma_wait3A_101 : memref<1x1024xi32, #tpu.memory_space<hbm>> -> memref<1024xi32, #tpu.memory_space<hbm>>
        tpu.wait_dma2 semaphore(%run_scoped3A_90 : memref<!tpu.dma_semaphore, #tpu.memory_space<semaphore_mem>>) src(%dma_wait3A_102 : memref<1024xi32, #tpu.memory_space<hbm>>) dst(%arg7 : memref<1024xi32, #tpu.memory_space<vmem>>)
        tpu.yield
      }) : () -> ()
      "tpu.region"() ({
        %run_scoped3A_90 = tpu.sem_alloc : memref<!tpu.dma_semaphore, #tpu.memory_space<semaphore_mem>>
        %dma_start3A_91 = arith.constant 0 : i32
        %dma_start3A_92 = arith.constant 0 : i32
        %dma_start3A_93 = tpu.memref_slice %arg9[%dma_start3A_91, %dma_start3A_92] : memref<51200x16xf32, #tpu.memory_space<vmem_shared>> -> memref<51200x16xf32, #tpu.memory_space<vmem_shared>>
        tpu.enqueue_indirect_dma source(%arg8 : memref<1024x16xf32, #tpu.memory_space<vmem>>) target(%dma_start3A_93 : memref<51200x16xf32, #tpu.memory_space<vmem_shared>>) offsets(%arg7 : memref<1024xi32, #tpu.memory_space<vmem>>) semaphore(%run_scoped3A_90 : memref<!tpu.dma_semaphore, #tpu.memory_space<semaphore_mem>>) {add = true}
        %dma_wait3A_94 = arith.constant 0 : i32
        %dma_wait3A_95 = arith.constant 0 : i32
        %dma_wait3A_96 = tpu.memref_slice %arg9[%dma_wait3A_94, %dma_wait3A_95] : memref<51200x16xf32, #tpu.memory_space<vmem_shared>> -> memref<51200x16xf32, #tpu.memory_space<vmem_shared>>
        tpu.wait_indirect_dma semaphore(%run_scoped3A_90 : memref<!tpu.dma_semaphore, #tpu.memory_space<semaphore_mem>>) src(%arg8 : memref<1024x16xf32, #tpu.memory_space<vmem>>) dst(%dma_wait3A_96 : memref<51200x16xf32, #tpu.memory_space<vmem_shared>>)
        tpu.yield
      }) : () -> ()
    }
    %scan3A_64 = arith.constant 49 : i32
    %barrier3A_65 = arith.constant 0 : index
    tpu.barrier barrier_id(%barrier3A_65)
    %mul3A_66 = arith.constant 3200 : i32
    %mul3A_67 = arith.muli %arg1, %mul3A_66 : i32
    %mul3A_68 = arith.constant 3200 : i32
    %mul3A_69 = arith.muli %arg1, %mul3A_68 : i32
    %run_scoped3A_70 = arith.constant 1 : i32
    "tpu.region"() ({
      %run_scoped3A_72 = tpu.sem_alloc : memref<!tpu.dma_semaphore, #tpu.memory_space<semaphore_mem>>
      %dma_start3A = arith.constant 0 : i32
      %dma_start3A_73 = tpu.memref_slice %arg5[%arg0, %run_scoped3A_70, %mul3A_69, %dma_start3A] : memref<2x2x51200x16xf32, #tpu.memory_space<hbm>> -> memref<1x1x3200x16xf32, #tpu.memory_space<hbm>>
      %dma_start3A_74 = tpu.memref_squeeze %dma_start3A_73 : memref<1x1x3200x16xf32, #tpu.memory_space<hbm>> -> memref<3200x16xf32, #tpu.memory_space<hbm>>
      %dma_start3A_75 = arith.constant 0 : i32
      %dma_start3A_76 = tpu.memref_slice %arg9[%mul3A_67, %dma_start3A_75] : memref<51200x16xf32, #tpu.memory_space<vmem_shared>> -> memref<3200x16xf32, #tpu.memory_space<vmem_shared>>
      tpu.enqueue_dma source(%dma_start3A_76 : memref<3200x16xf32, #tpu.memory_space<vmem_shared>>) target(%dma_start3A_74 : memref<3200x16xf32, #tpu.memory_space<hbm>>) target_semaphore(%run_scoped3A_72 : memref<!tpu.dma_semaphore, #tpu.memory_space<semaphore_mem>>)
      %dma_wait3A = arith.constant 0 : i32
      %dma_wait3A_77 = tpu.memref_slice %arg5[%arg0, %run_scoped3A_70, %mul3A_69, %dma_wait3A] : memref<2x2x51200x16xf32, #tpu.memory_space<hbm>> -> memref<1x1x3200x16xf32, #tpu.memory_space<hbm>>
      %dma_wait3A_78 = tpu.memref_squeeze %dma_wait3A_77 : memref<1x1x3200x16xf32, #tpu.memory_space<hbm>> -> memref<3200x16xf32, #tpu.memory_space<hbm>>
      %dma_wait3A_79 = arith.constant 0 : i32
      %dma_wait3A_80 = tpu.memref_slice %arg9[%mul3A_67, %dma_wait3A_79] : memref<51200x16xf32, #tpu.memory_space<vmem_shared>> -> memref<3200x16xf32, #tpu.memory_space<vmem_shared>>
      tpu.wait_dma2 semaphore(%run_scoped3A_72 : memref<!tpu.dma_semaphore, #tpu.memory_space<semaphore_mem>>) src(%dma_wait3A_80 : memref<3200x16xf32, #tpu.memory_space<vmem_shared>>) dst(%dma_wait3A_78 : memref<3200x16xf32, #tpu.memory_space<hbm>>)
      tpu.yield
    }) : () -> ()
    %barrier3A_71 = arith.constant 0 : index
    tpu.barrier barrier_id(%barrier3A_71)
    return
  }
}

#map = affine_map<(d0, d1) -> (0, 0)>
#map1 = affine_map<(d0, d1) -> (0, 0, 0, 0)>
module attributes {stable_mosaic.version = 14 : i64} {
  func.func @_sc_segsum(%arg0: i32, %arg1: i32, %arg2: memref<200000x16xf32, #tpu.memory_space<hbm>>, %arg3: memref<2x2x784x1024xi32, #tpu.memory_space<hbm>>, %arg4: memref<784x1024xi32, #tpu.memory_space<hbm>>, %arg5: memref<2x2x51200x16xf32, #tpu.memory_space<hbm>>, %arg6: memref<49x1024xi32, #tpu.memory_space<vmem>>, %arg7: memref<1024xi32, #tpu.memory_space<vmem>>, %arg8: memref<1024x16xf32, #tpu.memory_space<vmem>>, %arg9: memref<51200x16xf32, #tpu.memory_space<vmem_shared>>, %arg10: memref<!tpu.dma_semaphore, #tpu.memory_space<semaphore_mem>>) attributes {dimension_semantics = [#tpu.dimension_semantics<core_parallel>, #tpu.dimension_semantics<subcore_parallel>], iteration_bounds = array<i64: 2, 16>, scalar_prefetch = 0 : i64, scratch_operands = 5 : i64, tpu.core_type = #tpu.core_type<sc_vector_subcore>, window_params = [{transform_indices = #map}, {transform_indices = #map1}, {transform_indices = #map}, {transform_indices = #map1}]} {
    %broadcast_in_dim3A = arith.constant 0.000000e+00 : f32
    %broadcast_in_dim3A_0 = vector.broadcast %broadcast_in_dim3A : f32 to vector<16xf32>
    %scan3A = arith.constant 0 : i32
    %scan3A_1 = arith.constant 1024 : i32
    %scan3A_2 = arith.addi %scan3A, %scan3A_1 : i32
    %scan3A_3 = arith.constant 1 : i32
    scf.for %scan3A_72 = %scan3A to %scan3A_2 step %scan3A_3  : i32 {
      %mul3A_73 = arith.constant 1 : i32
      %mul3A_74 = arith.muli %scan3A_72, %mul3A_73 : i32
      %add3A_75 = arith.constant 0 : i32
      %add3A_76 = arith.addi %add3A_75, %mul3A_74 : i32
      %swap3A = arith.index_cast %add3A_76 : i32 to index
      %swap3A_77 = arith.constant 0 : index
      %swap3A_78 = tpu.vector_load %arg8[%swap3A, %swap3A_77] {strides = array<i32>} : memref<1024x16xf32, #tpu.memory_space<vmem>>, vector<1x16xf32>,
      %swap3A_79 = vector.shape_cast %swap3A_78 : vector<1x16xf32> to vector<16xf32>
      %swap3A_80 = vector.shape_cast %broadcast_in_dim3A_0 : vector<16xf32> to vector<1x16xf32>
      tpu.vector_store %arg8[%swap3A, %swap3A_77], %swap3A_80 {strides = array<i32>} : memref<1024x16xf32, #tpu.memory_space<vmem>>, vector<1x16xf32>,
    }
    %scan3A_4 = arith.constant 1024 : i32
    %mul3A = arith.constant 3200 : i32
    %mul3A_5 = arith.muli %arg1, %mul3A : i32
    %add3A = arith.constant 0 : i32
    %add3A_6 = arith.addi %mul3A_5, %add3A : i32
    "tpu.region"() ({
      %run_scoped3A_72 = tpu.sem_alloc : memref<!tpu.dma_semaphore, #tpu.memory_space<semaphore_mem>>
      %dma_start3A = arith.constant 0 : i32
      %dma_start3A_73 = tpu.memref_slice %arg9[%add3A_6, %dma_start3A] : memref<51200x16xf32, #tpu.memory_space<vmem_shared>> -> memref<1024x16xf32, #tpu.memory_space<vmem_shared>>
      %dma_start3A_74 = arith.constant 0 : i32
      %dma_start3A_75 = tpu.memref_slice %arg9[%add3A_6, %dma_start3A_74] : memref<51200x16xf32, #tpu.memory_space<vmem_shared>> -> memref<1024x16xf32, #tpu.memory_space<vmem_shared>>
      tpu.enqueue_dma source(%arg8 : memref<1024x16xf32, #tpu.memory_space<vmem>>) target(%dma_start3A_75 : memref<1024x16xf32, #tpu.memory_space<vmem_shared>>) target_semaphore(%run_scoped3A_72 : memref<!tpu.dma_semaphore, #tpu.memory_space<semaphore_mem>>)
      %dma_wait3A = arith.constant 0 : i32
      %dma_wait3A_76 = tpu.memref_slice %arg9[%add3A_6, %dma_wait3A] : memref<51200x16xf32, #tpu.memory_space<vmem_shared>> -> memref<1024x16xf32, #tpu.memory_space<vmem_shared>>
      %dma_wait3A_77 = arith.constant 0 : i32
      %dma_wait3A_78 = tpu.memref_slice %arg9[%add3A_6, %dma_wait3A_77] : memref<51200x16xf32, #tpu.memory_space<vmem_shared>> -> memref<1024x16xf32, #tpu.memory_space<vmem_shared>>
      tpu.wait_dma2 semaphore(%run_scoped3A_72 : memref<!tpu.dma_semaphore, #tpu.memory_space<semaphore_mem>>) src(%arg8 : memref<1024x16xf32, #tpu.memory_space<vmem>>) dst(%dma_wait3A_78 : memref<1024x16xf32, #tpu.memory_space<vmem_shared>>)
      tpu.yield
    }) : () -> ()
    %mul3A_7 = arith.constant 3200 : i32
    %mul3A_8 = arith.muli %arg1, %mul3A_7 : i32
    %add3A_9 = arith.constant 1024 : i32
    %add3A_10 = arith.addi %mul3A_8, %add3A_9 : i32
    "tpu.region"() ({
      %run_scoped3A_72 = tpu.sem_alloc : memref<!tpu.dma_semaphore, #tpu.memory_space<semaphore_mem>>
      %dma_start3A = arith.constant 0 : i32
      %dma_start3A_73 = tpu.memref_slice %arg9[%add3A_10, %dma_start3A] : memref<51200x16xf32, #tpu.memory_space<vmem_shared>> -> memref<1024x16xf32, #tpu.memory_space<vmem_shared>>
      %dma_start3A_74 = arith.constant 0 : i32
      %dma_start3A_75 = tpu.memref_slice %arg9[%add3A_10, %dma_start3A_74] : memref<51200x16xf32, #tpu.memory_space<vmem_shared>> -> memref<1024x16xf32, #tpu.memory_space<vmem_shared>>
      tpu.enqueue_dma source(%arg8 : memref<1024x16xf32, #tpu.memory_space<vmem>>) target(%dma_start3A_75 : memref<1024x16xf32, #tpu.memory_space<vmem_shared>>) target_semaphore(%run_scoped3A_72 : memref<!tpu.dma_semaphore, #tpu.memory_space<semaphore_mem>>)
      %dma_wait3A = arith.constant 0 : i32
      %dma_wait3A_76 = tpu.memref_slice %arg9[%add3A_10, %dma_wait3A] : memref<51200x16xf32, #tpu.memory_space<vmem_shared>> -> memref<1024x16xf32, #tpu.memory_space<vmem_shared>>
      %dma_wait3A_77 = arith.constant 0 : i32
      %dma_wait3A_78 = tpu.memref_slice %arg9[%add3A_10, %dma_wait3A_77] : memref<51200x16xf32, #tpu.memory_space<vmem_shared>> -> memref<1024x16xf32, #tpu.memory_space<vmem_shared>>
      tpu.wait_dma2 semaphore(%run_scoped3A_72 : memref<!tpu.dma_semaphore, #tpu.memory_space<semaphore_mem>>) src(%arg8 : memref<1024x16xf32, #tpu.memory_space<vmem>>) dst(%dma_wait3A_78 : memref<1024x16xf32, #tpu.memory_space<vmem_shared>>)
      tpu.yield
    }) : () -> ()
    %mul3A_11 = arith.constant 3200 : i32
    %mul3A_12 = arith.muli %arg1, %mul3A_11 : i32
    %add3A_13 = arith.constant 2048 : i32
    %add3A_14 = arith.addi %mul3A_12, %add3A_13 : i32
    "tpu.region"() ({
      %run_scoped3A_72 = tpu.sem_alloc : memref<!tpu.dma_semaphore, #tpu.memory_space<semaphore_mem>>
      %dma_start3A = arith.constant 0 : i32
      %dma_start3A_73 = tpu.memref_slice %arg9[%add3A_14, %dma_start3A] : memref<51200x16xf32, #tpu.memory_space<vmem_shared>> -> memref<1024x16xf32, #tpu.memory_space<vmem_shared>>
      %dma_start3A_74 = arith.constant 0 : i32
      %dma_start3A_75 = tpu.memref_slice %arg9[%add3A_14, %dma_start3A_74] : memref<51200x16xf32, #tpu.memory_space<vmem_shared>> -> memref<1024x16xf32, #tpu.memory_space<vmem_shared>>
      tpu.enqueue_dma source(%arg8 : memref<1024x16xf32, #tpu.memory_space<vmem>>) target(%dma_start3A_75 : memref<1024x16xf32, #tpu.memory_space<vmem_shared>>) target_semaphore(%run_scoped3A_72 : memref<!tpu.dma_semaphore, #tpu.memory_space<semaphore_mem>>)
      %dma_wait3A = arith.constant 0 : i32
      %dma_wait3A_76 = tpu.memref_slice %arg9[%add3A_14, %dma_wait3A] : memref<51200x16xf32, #tpu.memory_space<vmem_shared>> -> memref<1024x16xf32, #tpu.memory_space<vmem_shared>>
      %dma_wait3A_77 = arith.constant 0 : i32
      %dma_wait3A_78 = tpu.memref_slice %arg9[%add3A_14, %dma_wait3A_77] : memref<51200x16xf32, #tpu.memory_space<vmem_shared>> -> memref<1024x16xf32, #tpu.memory_space<vmem_shared>>
      tpu.wait_dma2 semaphore(%run_scoped3A_72 : memref<!tpu.dma_semaphore, #tpu.memory_space<semaphore_mem>>) src(%arg8 : memref<1024x16xf32, #tpu.memory_space<vmem>>) dst(%dma_wait3A_78 : memref<1024x16xf32, #tpu.memory_space<vmem_shared>>)
      tpu.yield
    }) : () -> ()
    %mul3A_15 = arith.constant 3200 : i32
    %mul3A_16 = arith.muli %arg1, %mul3A_15 : i32
    %add3A_17 = arith.constant 3072 : i32
    %add3A_18 = arith.addi %mul3A_16, %add3A_17 : i32
    "tpu.region"() ({
      %run_scoped3A_72 = tpu.sem_alloc : memref<!tpu.dma_semaphore, #tpu.memory_space<semaphore_mem>>
      %dma_start3A = arith.constant 0 : i32
      %dma_start3A_73 = arith.constant 0 : i32
      %dma_start3A_74 = tpu.memref_slice %arg8[%dma_start3A, %dma_start3A_73] : memref<1024x16xf32, #tpu.memory_space<vmem>> -> memref<128x16xf32, #tpu.memory_space<vmem>>
      %dma_start3A_75 = arith.constant 0 : i32
      %dma_start3A_76 = tpu.memref_slice %arg9[%add3A_18, %dma_start3A_75] : memref<51200x16xf32, #tpu.memory_space<vmem_shared>> -> memref<128x16xf32, #tpu.memory_space<vmem_shared>>
      %dma_start3A_77 = arith.constant 0 : i32
      %dma_start3A_78 = tpu.memref_slice %arg9[%add3A_18, %dma_start3A_77] : memref<51200x16xf32, #tpu.memory_space<vmem_shared>> -> memref<128x16xf32, #tpu.memory_space<vmem_shared>>
      %dma_start3A_79 = arith.constant 0 : i32
      %dma_start3A_80 = arith.constant 0 : i32
      %dma_start3A_81 = tpu.memref_slice %arg8[%dma_start3A_79, %dma_start3A_80] : memref<1024x16xf32, #tpu.memory_space<vmem>> -> memref<128x16xf32, #tpu.memory_space<vmem>>
      tpu.enqueue_dma source(%dma_start3A_81 : memref<128x16xf32, #tpu.memory_space<vmem>>) target(%dma_start3A_78 : memref<128x16xf32, #tpu.memory_space<vmem_shared>>) target_semaphore(%run_scoped3A_72 : memref<!tpu.dma_semaphore, #tpu.memory_space<semaphore_mem>>)
      %dma_wait3A = arith.constant 0 : i32
      %dma_wait3A_82 = arith.constant 0 : i32
      %dma_wait3A_83 = tpu.memref_slice %arg8[%dma_wait3A, %dma_wait3A_82] : memref<1024x16xf32, #tpu.memory_space<vmem>> -> memref<128x16xf32, #tpu.memory_space<vmem>>
      %dma_wait3A_84 = arith.constant 0 : i32
      %dma_wait3A_85 = tpu.memref_slice %arg9[%add3A_18, %dma_wait3A_84] : memref<51200x16xf32, #tpu.memory_space<vmem_shared>> -> memref<128x16xf32, #tpu.memory_space<vmem_shared>>
      %dma_wait3A_86 = arith.constant 0 : i32
      %dma_wait3A_87 = tpu.memref_slice %arg9[%add3A_18, %dma_wait3A_86] : memref<51200x16xf32, #tpu.memory_space<vmem_shared>> -> memref<128x16xf32, #tpu.memory_space<vmem_shared>>
      %dma_wait3A_88 = arith.constant 0 : i32
      %dma_wait3A_89 = arith.constant 0 : i32
      %dma_wait3A_90 = tpu.memref_slice %arg8[%dma_wait3A_88, %dma_wait3A_89] : memref<1024x16xf32, #tpu.memory_space<vmem>> -> memref<128x16xf32, #tpu.memory_space<vmem>>
      tpu.wait_dma2 semaphore(%run_scoped3A_72 : memref<!tpu.dma_semaphore, #tpu.memory_space<semaphore_mem>>) src(%dma_wait3A_90 : memref<128x16xf32, #tpu.memory_space<vmem>>) dst(%dma_wait3A_87 : memref<128x16xf32, #tpu.memory_space<vmem_shared>>)
      tpu.yield
    }) : () -> ()
    %mul3A_19 = arith.constant 49 : i32
    %mul3A_20 = arith.muli %arg1, %mul3A_19 : i32
    %run_scoped3A = arith.constant 0 : i32
    "tpu.region"() ({
      %run_scoped3A_72 = tpu.sem_alloc : memref<!tpu.dma_semaphore, #tpu.memory_space<semaphore_mem>>
      %dma_start3A = arith.constant 0 : i32
      %dma_start3A_73 = tpu.memref_slice %arg3[%arg0, %run_scoped3A, %mul3A_20, %dma_start3A] : memref<2x2x784x1024xi32, #tpu.memory_space<hbm>> -> memref<1x1x49x1024xi32, #tpu.memory_space<hbm>>
      %dma_start3A_74 = tpu.memref_squeeze %dma_start3A_73 : memref<1x1x49x1024xi32, #tpu.memory_space<hbm>> -> memref<49x1024xi32, #tpu.memory_space<hbm>>
      %dma_start3A_75 = arith.constant 0 : i32
      %dma_start3A_76 = tpu.memref_slice %arg3[%arg0, %run_scoped3A, %mul3A_20, %dma_start3A_75] : memref<2x2x784x1024xi32, #tpu.memory_space<hbm>> -> memref<1x1x49x1024xi32, #tpu.memory_space<hbm>>
      %dma_start3A_77 = tpu.memref_squeeze %dma_start3A_76 : memref<1x1x49x1024xi32, #tpu.memory_space<hbm>> -> memref<49x1024xi32, #tpu.memory_space<hbm>>
      tpu.enqueue_dma source(%dma_start3A_77 : memref<49x1024xi32, #tpu.memory_space<hbm>>) target(%arg6 : memref<49x1024xi32, #tpu.memory_space<vmem>>) target_semaphore(%run_scoped3A_72 : memref<!tpu.dma_semaphore, #tpu.memory_space<semaphore_mem>>)
      %dma_wait3A = arith.constant 0 : i32
      %dma_wait3A_78 = tpu.memref_slice %arg3[%arg0, %run_scoped3A, %mul3A_20, %dma_wait3A] : memref<2x2x784x1024xi32, #tpu.memory_space<hbm>> -> memref<1x1x49x1024xi32, #tpu.memory_space<hbm>>
      %dma_wait3A_79 = tpu.memref_squeeze %dma_wait3A_78 : memref<1x1x49x1024xi32, #tpu.memory_space<hbm>> -> memref<49x1024xi32, #tpu.memory_space<hbm>>
      %dma_wait3A_80 = arith.constant 0 : i32
      %dma_wait3A_81 = tpu.memref_slice %arg3[%arg0, %run_scoped3A, %mul3A_20, %dma_wait3A_80] : memref<2x2x784x1024xi32, #tpu.memory_space<hbm>> -> memref<1x1x49x1024xi32, #tpu.memory_space<hbm>>
      %dma_wait3A_82 = tpu.memref_squeeze %dma_wait3A_81 : memref<1x1x49x1024xi32, #tpu.memory_space<hbm>> -> memref<49x1024xi32, #tpu.memory_space<hbm>>
      tpu.wait_dma2 semaphore(%run_scoped3A_72 : memref<!tpu.dma_semaphore, #tpu.memory_space<semaphore_mem>>) src(%dma_wait3A_82 : memref<49x1024xi32, #tpu.memory_space<hbm>>) dst(%arg6 : memref<49x1024xi32, #tpu.memory_space<vmem>>)
      tpu.yield
    }) : () -> ()
    %barrier3A = arith.constant 0 : index
    tpu.barrier barrier_id(%barrier3A)
    %scan3A_21 = arith.constant 0 : i32
    %scan3A_22 = arith.constant 49 : i32
    %scan3A_23 = arith.addi %scan3A_21, %scan3A_22 : i32
    %scan3A_24 = arith.constant 1 : i32
    scf.for %scan3A_72 = %scan3A_21 to %scan3A_23 step %scan3A_24  : i32 {
      %mul3A_73 = arith.constant 1 : i32
      %mul3A_74 = arith.muli %scan3A_72, %mul3A_73 : i32
      %add3A_75 = arith.constant 0 : i32
      %add3A_76 = arith.addi %add3A_75, %mul3A_74 : i32
      %dma_start3A = arith.constant 0 : i32
      %dma_start3A_77 = tpu.memref_slice %arg6[%add3A_76, %dma_start3A] : memref<49x1024xi32, #tpu.memory_space<vmem>> -> memref<1x1024xi32, #tpu.memory_space<vmem>>
      %dma_start3A_78 = tpu.memref_squeeze %dma_start3A_77 : memref<1x1024xi32, #tpu.memory_space<vmem>> -> memref<1024xi32, #tpu.memory_space<vmem>>
      %dma_start3A_79 = arith.constant 0 : i32
      %dma_start3A_80 = arith.constant 0 : i32
      %dma_start3A_81 = tpu.memref_slice %arg2[%dma_start3A_79, %dma_start3A_80] : memref<200000x16xf32, #tpu.memory_space<hbm>> -> memref<200000x16xf32, #tpu.memory_space<hbm>>
      tpu.enqueue_indirect_dma source(%dma_start3A_81 : memref<200000x16xf32, #tpu.memory_space<hbm>>) target(%arg8 : memref<1024x16xf32, #tpu.memory_space<vmem>>) offsets(%dma_start3A_78 : memref<1024xi32, #tpu.memory_space<vmem>>) semaphore(%arg10 : memref<!tpu.dma_semaphore, #tpu.memory_space<semaphore_mem>>)
      %dma_wait3A = arith.constant 0 : i32
      %dma_wait3A_82 = tpu.memref_slice %arg6[%add3A_76, %dma_wait3A] : memref<49x1024xi32, #tpu.memory_space<vmem>> -> memref<1x1024xi32, #tpu.memory_space<vmem>>
      %dma_wait3A_83 = tpu.memref_squeeze %dma_wait3A_82 : memref<1x1024xi32, #tpu.memory_space<vmem>> -> memref<1024xi32, #tpu.memory_space<vmem>>
      %dma_wait3A_84 = arith.constant 0 : i32
      %dma_wait3A_85 = arith.constant 0 : i32
      %dma_wait3A_86 = tpu.memref_slice %arg2[%dma_wait3A_84, %dma_wait3A_85] : memref<200000x16xf32, #tpu.memory_space<hbm>> -> memref<200000x16xf32, #tpu.memory_space<hbm>>
      tpu.wait_indirect_dma semaphore(%arg10 : memref<!tpu.dma_semaphore, #tpu.memory_space<semaphore_mem>>) src(%dma_wait3A_86 : memref<200000x16xf32, #tpu.memory_space<hbm>>) dst(%arg8 : memref<1024x16xf32, #tpu.memory_space<vmem>>)
      %mul3A_87 = arith.constant 49 : i32
      %mul3A_88 = arith.muli %arg1, %mul3A_87 : i32
      %add3A_89 = arith.addi %mul3A_88, %add3A_76 : i32
      "tpu.region"() ({
        %run_scoped3A_90 = tpu.sem_alloc : memref<!tpu.dma_semaphore, #tpu.memory_space<semaphore_mem>>
        %dma_start3A_91 = arith.constant 0 : i32
        %dma_start3A_92 = tpu.memref_slice %arg4[%add3A_89, %dma_start3A_91] : memref<784x1024xi32, #tpu.memory_space<hbm>> -> memref<1x1024xi32, #tpu.memory_space<hbm>>
        %dma_start3A_93 = tpu.memref_squeeze %dma_start3A_92 : memref<1x1024xi32, #tpu.memory_space<hbm>> -> memref<1024xi32, #tpu.memory_space<hbm>>
        %dma_start3A_94 = arith.constant 0 : i32
        %dma_start3A_95 = tpu.memref_slice %arg4[%add3A_89, %dma_start3A_94] : memref<784x1024xi32, #tpu.memory_space<hbm>> -> memref<1x1024xi32, #tpu.memory_space<hbm>>
        %dma_start3A_96 = tpu.memref_squeeze %dma_start3A_95 : memref<1x1024xi32, #tpu.memory_space<hbm>> -> memref<1024xi32, #tpu.memory_space<hbm>>
        tpu.enqueue_dma source(%dma_start3A_96 : memref<1024xi32, #tpu.memory_space<hbm>>) target(%arg7 : memref<1024xi32, #tpu.memory_space<vmem>>) target_semaphore(%run_scoped3A_90 : memref<!tpu.dma_semaphore, #tpu.memory_space<semaphore_mem>>)
        %dma_wait3A_97 = arith.constant 0 : i32
        %dma_wait3A_98 = tpu.memref_slice %arg4[%add3A_89, %dma_wait3A_97] : memref<784x1024xi32, #tpu.memory_space<hbm>> -> memref<1x1024xi32, #tpu.memory_space<hbm>>
        %dma_wait3A_99 = tpu.memref_squeeze %dma_wait3A_98 : memref<1x1024xi32, #tpu.memory_space<hbm>> -> memref<1024xi32, #tpu.memory_space<hbm>>
        %dma_wait3A_100 = arith.constant 0 : i32
        %dma_wait3A_101 = tpu.memref_slice %arg4[%add3A_89, %dma_wait3A_100] : memref<784x1024xi32, #tpu.memory_space<hbm>> -> memref<1x1024xi32, #tpu.memory_space<hbm>>
        %dma_wait3A_102 = tpu.memref_squeeze %dma_wait3A_101 : memref<1x1024xi32, #tpu.memory_space<hbm>> -> memref<1024xi32, #tpu.memory_space<hbm>>
        tpu.wait_dma2 semaphore(%run_scoped3A_90 : memref<!tpu.dma_semaphore, #tpu.memory_space<semaphore_mem>>) src(%dma_wait3A_102 : memref<1024xi32, #tpu.memory_space<hbm>>) dst(%arg7 : memref<1024xi32, #tpu.memory_space<vmem>>)
        tpu.yield
      }) : () -> ()
      "tpu.region"() ({
        %run_scoped3A_90 = tpu.sem_alloc : memref<!tpu.dma_semaphore, #tpu.memory_space<semaphore_mem>>
        %dma_start3A_91 = arith.constant 0 : i32
        %dma_start3A_92 = arith.constant 0 : i32
        %dma_start3A_93 = tpu.memref_slice %arg9[%dma_start3A_91, %dma_start3A_92] : memref<51200x16xf32, #tpu.memory_space<vmem_shared>> -> memref<51200x16xf32, #tpu.memory_space<vmem_shared>>
        tpu.enqueue_indirect_dma source(%arg8 : memref<1024x16xf32, #tpu.memory_space<vmem>>) target(%dma_start3A_93 : memref<51200x16xf32, #tpu.memory_space<vmem_shared>>) offsets(%arg7 : memref<1024xi32, #tpu.memory_space<vmem>>) semaphore(%run_scoped3A_90 : memref<!tpu.dma_semaphore, #tpu.memory_space<semaphore_mem>>) {add = true}
        %dma_wait3A_94 = arith.constant 0 : i32
        %dma_wait3A_95 = arith.constant 0 : i32
        %dma_wait3A_96 = tpu.memref_slice %arg9[%dma_wait3A_94, %dma_wait3A_95] : memref<51200x16xf32, #tpu.memory_space<vmem_shared>> -> memref<51200x16xf32, #tpu.memory_space<vmem_shared>>
        tpu.wait_indirect_dma semaphore(%run_scoped3A_90 : memref<!tpu.dma_semaphore, #tpu.memory_space<semaphore_mem>>) src(%arg8 : memref<1024x16xf32, #tpu.memory_space<vmem>>) dst(%dma_wait3A_96 : memref<51200x16xf32, #tpu.memory_space<vmem_shared>>)
        tpu.yield
      }) : () -> ()
    }
    %scan3A_25 = arith.constant 49 : i32
    %barrier3A_26 = arith.constant 0 : index
    tpu.barrier barrier_id(%barrier3A_26)
    %mul3A_27 = arith.constant 3200 : i32
    %mul3A_28 = arith.muli %arg1, %mul3A_27 : i32
    %mul3A_29 = arith.constant 3200 : i32
    %mul3A_30 = arith.muli %arg1, %mul3A_29 : i32
    %run_scoped3A_31 = arith.constant 0 : i32
    "tpu.region"() ({
      %run_scoped3A_72 = tpu.sem_alloc : memref<!tpu.dma_semaphore, #tpu.memory_space<semaphore_mem>>
      %dma_start3A = arith.constant 0 : i32
      %dma_start3A_73 = tpu.memref_slice %arg5[%arg0, %run_scoped3A_31, %mul3A_30, %dma_start3A] : memref<2x2x51200x16xf32, #tpu.memory_space<hbm>> -> memref<1x1x3200x16xf32, #tpu.memory_space<hbm>>
      %dma_start3A_74 = tpu.memref_squeeze %dma_start3A_73 : memref<1x1x3200x16xf32, #tpu.memory_space<hbm>> -> memref<3200x16xf32, #tpu.memory_space<hbm>>
      %dma_start3A_75 = arith.constant 0 : i32
      %dma_start3A_76 = tpu.memref_slice %arg9[%mul3A_28, %dma_start3A_75] : memref<51200x16xf32, #tpu.memory_space<vmem_shared>> -> memref<3200x16xf32, #tpu.memory_space<vmem_shared>>
      tpu.enqueue_dma source(%dma_start3A_76 : memref<3200x16xf32, #tpu.memory_space<vmem_shared>>) target(%dma_start3A_74 : memref<3200x16xf32, #tpu.memory_space<hbm>>) target_semaphore(%run_scoped3A_72 : memref<!tpu.dma_semaphore, #tpu.memory_space<semaphore_mem>>)
      %dma_wait3A = arith.constant 0 : i32
      %dma_wait3A_77 = tpu.memref_slice %arg5[%arg0, %run_scoped3A_31, %mul3A_30, %dma_wait3A] : memref<2x2x51200x16xf32, #tpu.memory_space<hbm>> -> memref<1x1x3200x16xf32, #tpu.memory_space<hbm>>
      %dma_wait3A_78 = tpu.memref_squeeze %dma_wait3A_77 : memref<1x1x3200x16xf32, #tpu.memory_space<hbm>> -> memref<3200x16xf32, #tpu.memory_space<hbm>>
      %dma_wait3A_79 = arith.constant 0 : i32
      %dma_wait3A_80 = tpu.memref_slice %arg9[%mul3A_28, %dma_wait3A_79] : memref<51200x16xf32, #tpu.memory_space<vmem_shared>> -> memref<3200x16xf32, #tpu.memory_space<vmem_shared>>
      tpu.wait_dma2 semaphore(%run_scoped3A_72 : memref<!tpu.dma_semaphore, #tpu.memory_space<semaphore_mem>>) src(%dma_wait3A_80 : memref<3200x16xf32, #tpu.memory_space<vmem_shared>>) dst(%dma_wait3A_78 : memref<3200x16xf32, #tpu.memory_space<hbm>>)
      tpu.yield
    }) : () -> ()
    %barrier3A_32 = arith.constant 0 : index
    tpu.barrier barrier_id(%barrier3A_32)
    %broadcast_in_dim3A_33 = arith.constant 0.000000e+00 : f32
    %broadcast_in_dim3A_34 = vector.broadcast %broadcast_in_dim3A_33 : f32 to vector<16xf32>
    %scan3A_35 = arith.constant 0 : i32
    %scan3A_36 = arith.constant 1024 : i32
    %scan3A_37 = arith.addi %scan3A_35, %scan3A_36 : i32
    %scan3A_38 = arith.constant 1 : i32
    scf.for %scan3A_72 = %scan3A_35 to %scan3A_37 step %scan3A_38  : i32 {
      %mul3A_73 = arith.constant 1 : i32
      %mul3A_74 = arith.muli %scan3A_72, %mul3A_73 : i32
      %add3A_75 = arith.constant 0 : i32
      %add3A_76 = arith.addi %add3A_75, %mul3A_74 : i32
      %swap3A = arith.index_cast %add3A_76 : i32 to index
      %swap3A_77 = arith.constant 0 : index
      %swap3A_78 = tpu.vector_load %arg8[%swap3A, %swap3A_77] {strides = array<i32>} : memref<1024x16xf32, #tpu.memory_space<vmem>>, vector<1x16xf32>,
      %swap3A_79 = vector.shape_cast %swap3A_78 : vector<1x16xf32> to vector<16xf32>
      %swap3A_80 = vector.shape_cast %broadcast_in_dim3A_34 : vector<16xf32> to vector<1x16xf32>
      tpu.vector_store %arg8[%swap3A, %swap3A_77], %swap3A_80 {strides = array<i32>} : memref<1024x16xf32, #tpu.memory_space<vmem>>, vector<1x16xf32>,
    }
    %scan3A_39 = arith.constant 1024 : i32
    %mul3A_40 = arith.constant 3200 : i32
    %mul3A_41 = arith.muli %arg1, %mul3A_40 : i32
    %add3A_42 = arith.constant 0 : i32
    %add3A_43 = arith.addi %mul3A_41, %add3A_42 : i32
    "tpu.region"() ({
      %run_scoped3A_72 = tpu.sem_alloc : memref<!tpu.dma_semaphore, #tpu.memory_space<semaphore_mem>>
      %dma_start3A = arith.constant 0 : i32
      %dma_start3A_73 = tpu.memref_slice %arg9[%add3A_43, %dma_start3A] : memref<51200x16xf32, #tpu.memory_space<vmem_shared>> -> memref<1024x16xf32, #tpu.memory_space<vmem_shared>>
      %dma_start3A_74 = arith.constant 0 : i32
      %dma_start3A_75 = tpu.memref_slice %arg9[%add3A_43, %dma_start3A_74] : memref<51200x16xf32, #tpu.memory_space<vmem_shared>> -> memref<1024x16xf32, #tpu.memory_space<vmem_shared>>
      tpu.enqueue_dma source(%arg8 : memref<1024x16xf32, #tpu.memory_space<vmem>>) target(%dma_start3A_75 : memref<1024x16xf32, #tpu.memory_space<vmem_shared>>) target_semaphore(%run_scoped3A_72 : memref<!tpu.dma_semaphore, #tpu.memory_space<semaphore_mem>>)
      %dma_wait3A = arith.constant 0 : i32
      %dma_wait3A_76 = tpu.memref_slice %arg9[%add3A_43, %dma_wait3A] : memref<51200x16xf32, #tpu.memory_space<vmem_shared>> -> memref<1024x16xf32, #tpu.memory_space<vmem_shared>>
      %dma_wait3A_77 = arith.constant 0 : i32
      %dma_wait3A_78 = tpu.memref_slice %arg9[%add3A_43, %dma_wait3A_77] : memref<51200x16xf32, #tpu.memory_space<vmem_shared>> -> memref<1024x16xf32, #tpu.memory_space<vmem_shared>>
      tpu.wait_dma2 semaphore(%run_scoped3A_72 : memref<!tpu.dma_semaphore, #tpu.memory_space<semaphore_mem>>) src(%arg8 : memref<1024x16xf32, #tpu.memory_space<vmem>>) dst(%dma_wait3A_78 : memref<1024x16xf32, #tpu.memory_space<vmem_shared>>)
      tpu.yield
    }) : () -> ()
    %mul3A_44 = arith.constant 3200 : i32
    %mul3A_45 = arith.muli %arg1, %mul3A_44 : i32
    %add3A_46 = arith.constant 1024 : i32
    %add3A_47 = arith.addi %mul3A_45, %add3A_46 : i32
    "tpu.region"() ({
      %run_scoped3A_72 = tpu.sem_alloc : memref<!tpu.dma_semaphore, #tpu.memory_space<semaphore_mem>>
      %dma_start3A = arith.constant 0 : i32
      %dma_start3A_73 = tpu.memref_slice %arg9[%add3A_47, %dma_start3A] : memref<51200x16xf32, #tpu.memory_space<vmem_shared>> -> memref<1024x16xf32, #tpu.memory_space<vmem_shared>>
      %dma_start3A_74 = arith.constant 0 : i32
      %dma_start3A_75 = tpu.memref_slice %arg9[%add3A_47, %dma_start3A_74] : memref<51200x16xf32, #tpu.memory_space<vmem_shared>> -> memref<1024x16xf32, #tpu.memory_space<vmem_shared>>
      tpu.enqueue_dma source(%arg8 : memref<1024x16xf32, #tpu.memory_space<vmem>>) target(%dma_start3A_75 : memref<1024x16xf32, #tpu.memory_space<vmem_shared>>) target_semaphore(%run_scoped3A_72 : memref<!tpu.dma_semaphore, #tpu.memory_space<semaphore_mem>>)
      %dma_wait3A = arith.constant 0 : i32
      %dma_wait3A_76 = tpu.memref_slice %arg9[%add3A_47, %dma_wait3A] : memref<51200x16xf32, #tpu.memory_space<vmem_shared>> -> memref<1024x16xf32, #tpu.memory_space<vmem_shared>>
      %dma_wait3A_77 = arith.constant 0 : i32
      %dma_wait3A_78 = tpu.memref_slice %arg9[%add3A_47, %dma_wait3A_77] : memref<51200x16xf32, #tpu.memory_space<vmem_shared>> -> memref<1024x16xf32, #tpu.memory_space<vmem_shared>>
      tpu.wait_dma2 semaphore(%run_scoped3A_72 : memref<!tpu.dma_semaphore, #tpu.memory_space<semaphore_mem>>) src(%arg8 : memref<1024x16xf32, #tpu.memory_space<vmem>>) dst(%dma_wait3A_78 : memref<1024x16xf32, #tpu.memory_space<vmem_shared>>)
      tpu.yield
    }) : () -> ()
    %mul3A_48 = arith.constant 3200 : i32
    %mul3A_49 = arith.muli %arg1, %mul3A_48 : i32
    %add3A_50 = arith.constant 2048 : i32
    %add3A_51 = arith.addi %mul3A_49, %add3A_50 : i32
    "tpu.region"() ({
      %run_scoped3A_72 = tpu.sem_alloc : memref<!tpu.dma_semaphore, #tpu.memory_space<semaphore_mem>>
      %dma_start3A = arith.constant 0 : i32
      %dma_start3A_73 = tpu.memref_slice %arg9[%add3A_51, %dma_start3A] : memref<51200x16xf32, #tpu.memory_space<vmem_shared>> -> memref<1024x16xf32, #tpu.memory_space<vmem_shared>>
      %dma_start3A_74 = arith.constant 0 : i32
      %dma_start3A_75 = tpu.memref_slice %arg9[%add3A_51, %dma_start3A_74] : memref<51200x16xf32, #tpu.memory_space<vmem_shared>> -> memref<1024x16xf32, #tpu.memory_space<vmem_shared>>
      tpu.enqueue_dma source(%arg8 : memref<1024x16xf32, #tpu.memory_space<vmem>>) target(%dma_start3A_75 : memref<1024x16xf32, #tpu.memory_space<vmem_shared>>) target_semaphore(%run_scoped3A_72 : memref<!tpu.dma_semaphore, #tpu.memory_space<semaphore_mem>>)
      %dma_wait3A = arith.constant 0 : i32
      %dma_wait3A_76 = tpu.memref_slice %arg9[%add3A_51, %dma_wait3A] : memref<51200x16xf32, #tpu.memory_space<vmem_shared>> -> memref<1024x16xf32, #tpu.memory_space<vmem_shared>>
      %dma_wait3A_77 = arith.constant 0 : i32
      %dma_wait3A_78 = tpu.memref_slice %arg9[%add3A_51, %dma_wait3A_77] : memref<51200x16xf32, #tpu.memory_space<vmem_shared>> -> memref<1024x16xf32, #tpu.memory_space<vmem_shared>>
      tpu.wait_dma2 semaphore(%run_scoped3A_72 : memref<!tpu.dma_semaphore, #tpu.memory_space<semaphore_mem>>) src(%arg8 : memref<1024x16xf32, #tpu.memory_space<vmem>>) dst(%dma_wait3A_78 : memref<1024x16xf32, #tpu.memory_space<vmem_shared>>)
      tpu.yield
    }) : () -> ()
    %mul3A_52 = arith.constant 3200 : i32
    %mul3A_53 = arith.muli %arg1, %mul3A_52 : i32
    %add3A_54 = arith.constant 3072 : i32
    %add3A_55 = arith.addi %mul3A_53, %add3A_54 : i32
    "tpu.region"() ({
      %run_scoped3A_72 = tpu.sem_alloc : memref<!tpu.dma_semaphore, #tpu.memory_space<semaphore_mem>>
      %dma_start3A = arith.constant 0 : i32
      %dma_start3A_73 = arith.constant 0 : i32
      %dma_start3A_74 = tpu.memref_slice %arg8[%dma_start3A, %dma_start3A_73] : memref<1024x16xf32, #tpu.memory_space<vmem>> -> memref<128x16xf32, #tpu.memory_space<vmem>>
      %dma_start3A_75 = arith.constant 0 : i32
      %dma_start3A_76 = tpu.memref_slice %arg9[%add3A_55, %dma_start3A_75] : memref<51200x16xf32, #tpu.memory_space<vmem_shared>> -> memref<128x16xf32, #tpu.memory_space<vmem_shared>>
      %dma_start3A_77 = arith.constant 0 : i32
      %dma_start3A_78 = tpu.memref_slice %arg9[%add3A_55, %dma_start3A_77] : memref<51200x16xf32, #tpu.memory_space<vmem_shared>> -> memref<128x16xf32, #tpu.memory_space<vmem_shared>>
      %dma_start3A_79 = arith.constant 0 : i32
      %dma_start3A_80 = arith.constant 0 : i32
      %dma_start3A_81 = tpu.memref_slice %arg8[%dma_start3A_79, %dma_start3A_80] : memref<1024x16xf32, #tpu.memory_space<vmem>> -> memref<128x16xf32, #tpu.memory_space<vmem>>
      tpu.enqueue_dma source(%dma_start3A_81 : memref<128x16xf32, #tpu.memory_space<vmem>>) target(%dma_start3A_78 : memref<128x16xf32, #tpu.memory_space<vmem_shared>>) target_semaphore(%run_scoped3A_72 : memref<!tpu.dma_semaphore, #tpu.memory_space<semaphore_mem>>)
      %dma_wait3A = arith.constant 0 : i32
      %dma_wait3A_82 = arith.constant 0 : i32
      %dma_wait3A_83 = tpu.memref_slice %arg8[%dma_wait3A, %dma_wait3A_82] : memref<1024x16xf32, #tpu.memory_space<vmem>> -> memref<128x16xf32, #tpu.memory_space<vmem>>
      %dma_wait3A_84 = arith.constant 0 : i32
      %dma_wait3A_85 = tpu.memref_slice %arg9[%add3A_55, %dma_wait3A_84] : memref<51200x16xf32, #tpu.memory_space<vmem_shared>> -> memref<128x16xf32, #tpu.memory_space<vmem_shared>>
      %dma_wait3A_86 = arith.constant 0 : i32
      %dma_wait3A_87 = tpu.memref_slice %arg9[%add3A_55, %dma_wait3A_86] : memref<51200x16xf32, #tpu.memory_space<vmem_shared>> -> memref<128x16xf32, #tpu.memory_space<vmem_shared>>
      %dma_wait3A_88 = arith.constant 0 : i32
      %dma_wait3A_89 = arith.constant 0 : i32
      %dma_wait3A_90 = tpu.memref_slice %arg8[%dma_wait3A_88, %dma_wait3A_89] : memref<1024x16xf32, #tpu.memory_space<vmem>> -> memref<128x16xf32, #tpu.memory_space<vmem>>
      tpu.wait_dma2 semaphore(%run_scoped3A_72 : memref<!tpu.dma_semaphore, #tpu.memory_space<semaphore_mem>>) src(%dma_wait3A_90 : memref<128x16xf32, #tpu.memory_space<vmem>>) dst(%dma_wait3A_87 : memref<128x16xf32, #tpu.memory_space<vmem_shared>>)
      tpu.yield
    }) : () -> ()
    %mul3A_56 = arith.constant 49 : i32
    %mul3A_57 = arith.muli %arg1, %mul3A_56 : i32
    %run_scoped3A_58 = arith.constant 1 : i32
    "tpu.region"() ({
      %run_scoped3A_72 = tpu.sem_alloc : memref<!tpu.dma_semaphore, #tpu.memory_space<semaphore_mem>>
      %dma_start3A = arith.constant 0 : i32
      %dma_start3A_73 = tpu.memref_slice %arg3[%arg0, %run_scoped3A_58, %mul3A_57, %dma_start3A] : memref<2x2x784x1024xi32, #tpu.memory_space<hbm>> -> memref<1x1x49x1024xi32, #tpu.memory_space<hbm>>
      %dma_start3A_74 = tpu.memref_squeeze %dma_start3A_73 : memref<1x1x49x1024xi32, #tpu.memory_space<hbm>> -> memref<49x1024xi32, #tpu.memory_space<hbm>>
      %dma_start3A_75 = arith.constant 0 : i32
      %dma_start3A_76 = tpu.memref_slice %arg3[%arg0, %run_scoped3A_58, %mul3A_57, %dma_start3A_75] : memref<2x2x784x1024xi32, #tpu.memory_space<hbm>> -> memref<1x1x49x1024xi32, #tpu.memory_space<hbm>>
      %dma_start3A_77 = tpu.memref_squeeze %dma_start3A_76 : memref<1x1x49x1024xi32, #tpu.memory_space<hbm>> -> memref<49x1024xi32, #tpu.memory_space<hbm>>
      tpu.enqueue_dma source(%dma_start3A_77 : memref<49x1024xi32, #tpu.memory_space<hbm>>) target(%arg6 : memref<49x1024xi32, #tpu.memory_space<vmem>>) target_semaphore(%run_scoped3A_72 : memref<!tpu.dma_semaphore, #tpu.memory_space<semaphore_mem>>)
      %dma_wait3A = arith.constant 0 : i32
      %dma_wait3A_78 = tpu.memref_slice %arg3[%arg0, %run_scoped3A_58, %mul3A_57, %dma_wait3A] : memref<2x2x784x1024xi32, #tpu.memory_space<hbm>> -> memref<1x1x49x1024xi32, #tpu.memory_space<hbm>>
      %dma_wait3A_79 = tpu.memref_squeeze %dma_wait3A_78 : memref<1x1x49x1024xi32, #tpu.memory_space<hbm>> -> memref<49x1024xi32, #tpu.memory_space<hbm>>
      %dma_wait3A_80 = arith.constant 0 : i32
      %dma_wait3A_81 = tpu.memref_slice %arg3[%arg0, %run_scoped3A_58, %mul3A_57, %dma_wait3A_80] : memref<2x2x784x1024xi32, #tpu.memory_space<hbm>> -> memref<1x1x49x1024xi32, #tpu.memory_space<hbm>>
      %dma_wait3A_82 = tpu.memref_squeeze %dma_wait3A_81 : memref<1x1x49x1024xi32, #tpu.memory_space<hbm>> -> memref<49x1024xi32, #tpu.memory_space<hbm>>
      tpu.wait_dma2 semaphore(%run_scoped3A_72 : memref<!tpu.dma_semaphore, #tpu.memory_space<semaphore_mem>>) src(%dma_wait3A_82 : memref<49x1024xi32, #tpu.memory_space<hbm>>) dst(%arg6 : memref<49x1024xi32, #tpu.memory_space<vmem>>)
      tpu.yield
    }) : () -> ()
    %barrier3A_59 = arith.constant 0 : index
    tpu.barrier barrier_id(%barrier3A_59)
    %scan3A_60 = arith.constant 0 : i32
    %scan3A_61 = arith.constant 49 : i32
    %scan3A_62 = arith.addi %scan3A_60, %scan3A_61 : i32
    %scan3A_63 = arith.constant 1 : i32
    scf.for %scan3A_72 = %scan3A_60 to %scan3A_62 step %scan3A_63  : i32 {
      %mul3A_73 = arith.constant 1 : i32
      %mul3A_74 = arith.muli %scan3A_72, %mul3A_73 : i32
      %add3A_75 = arith.constant 0 : i32
      %add3A_76 = arith.addi %add3A_75, %mul3A_74 : i32
      %dma_start3A = arith.constant 0 : i32
      %dma_start3A_77 = tpu.memref_slice %arg6[%add3A_76, %dma_start3A] : memref<49x1024xi32, #tpu.memory_space<vmem>> -> memref<1x1024xi32, #tpu.memory_space<vmem>>
      %dma_start3A_78 = tpu.memref_squeeze %dma_start3A_77 : memref<1x1024xi32, #tpu.memory_space<vmem>> -> memref<1024xi32, #tpu.memory_space<vmem>>
      %dma_start3A_79 = arith.constant 0 : i32
      %dma_start3A_80 = arith.constant 0 : i32
      %dma_start3A_81 = tpu.memref_slice %arg2[%dma_start3A_79, %dma_start3A_80] : memref<200000x16xf32, #tpu.memory_space<hbm>> -> memref<200000x16xf32, #tpu.memory_space<hbm>>
      tpu.enqueue_indirect_dma source(%dma_start3A_81 : memref<200000x16xf32, #tpu.memory_space<hbm>>) target(%arg8 : memref<1024x16xf32, #tpu.memory_space<vmem>>) offsets(%dma_start3A_78 : memref<1024xi32, #tpu.memory_space<vmem>>) semaphore(%arg10 : memref<!tpu.dma_semaphore, #tpu.memory_space<semaphore_mem>>)
      %dma_wait3A = arith.constant 0 : i32
      %dma_wait3A_82 = tpu.memref_slice %arg6[%add3A_76, %dma_wait3A] : memref<49x1024xi32, #tpu.memory_space<vmem>> -> memref<1x1024xi32, #tpu.memory_space<vmem>>
      %dma_wait3A_83 = tpu.memref_squeeze %dma_wait3A_82 : memref<1x1024xi32, #tpu.memory_space<vmem>> -> memref<1024xi32, #tpu.memory_space<vmem>>
      %dma_wait3A_84 = arith.constant 0 : i32
      %dma_wait3A_85 = arith.constant 0 : i32
      %dma_wait3A_86 = tpu.memref_slice %arg2[%dma_wait3A_84, %dma_wait3A_85] : memref<200000x16xf32, #tpu.memory_space<hbm>> -> memref<200000x16xf32, #tpu.memory_space<hbm>>
      tpu.wait_indirect_dma semaphore(%arg10 : memref<!tpu.dma_semaphore, #tpu.memory_space<semaphore_mem>>) src(%dma_wait3A_86 : memref<200000x16xf32, #tpu.memory_space<hbm>>) dst(%arg8 : memref<1024x16xf32, #tpu.memory_space<vmem>>)
      %mul3A_87 = arith.constant 49 : i32
      %mul3A_88 = arith.muli %arg1, %mul3A_87 : i32
      %add3A_89 = arith.addi %mul3A_88, %add3A_76 : i32
      "tpu.region"() ({
        %run_scoped3A_90 = tpu.sem_alloc : memref<!tpu.dma_semaphore, #tpu.memory_space<semaphore_mem>>
        %dma_start3A_91 = arith.constant 0 : i32
        %dma_start3A_92 = tpu.memref_slice %arg4[%add3A_89, %dma_start3A_91] : memref<784x1024xi32, #tpu.memory_space<hbm>> -> memref<1x1024xi32, #tpu.memory_space<hbm>>
        %dma_start3A_93 = tpu.memref_squeeze %dma_start3A_92 : memref<1x1024xi32, #tpu.memory_space<hbm>> -> memref<1024xi32, #tpu.memory_space<hbm>>
        %dma_start3A_94 = arith.constant 0 : i32
        %dma_start3A_95 = tpu.memref_slice %arg4[%add3A_89, %dma_start3A_94] : memref<784x1024xi32, #tpu.memory_space<hbm>> -> memref<1x1024xi32, #tpu.memory_space<hbm>>
        %dma_start3A_96 = tpu.memref_squeeze %dma_start3A_95 : memref<1x1024xi32, #tpu.memory_space<hbm>> -> memref<1024xi32, #tpu.memory_space<hbm>>
        tpu.enqueue_dma source(%dma_start3A_96 : memref<1024xi32, #tpu.memory_space<hbm>>) target(%arg7 : memref<1024xi32, #tpu.memory_space<vmem>>) target_semaphore(%run_scoped3A_90 : memref<!tpu.dma_semaphore, #tpu.memory_space<semaphore_mem>>)
        %dma_wait3A_97 = arith.constant 0 : i32
        %dma_wait3A_98 = tpu.memref_slice %arg4[%add3A_89, %dma_wait3A_97] : memref<784x1024xi32, #tpu.memory_space<hbm>> -> memref<1x1024xi32, #tpu.memory_space<hbm>>
        %dma_wait3A_99 = tpu.memref_squeeze %dma_wait3A_98 : memref<1x1024xi32, #tpu.memory_space<hbm>> -> memref<1024xi32, #tpu.memory_space<hbm>>
        %dma_wait3A_100 = arith.constant 0 : i32
        %dma_wait3A_101 = tpu.memref_slice %arg4[%add3A_89, %dma_wait3A_100] : memref<784x1024xi32, #tpu.memory_space<hbm>> -> memref<1x1024xi32, #tpu.memory_space<hbm>>
        %dma_wait3A_102 = tpu.memref_squeeze %dma_wait3A_101 : memref<1x1024xi32, #tpu.memory_space<hbm>> -> memref<1024xi32, #tpu.memory_space<hbm>>
        tpu.wait_dma2 semaphore(%run_scoped3A_90 : memref<!tpu.dma_semaphore, #tpu.memory_space<semaphore_mem>>) src(%dma_wait3A_102 : memref<1024xi32, #tpu.memory_space<hbm>>) dst(%arg7 : memref<1024xi32, #tpu.memory_space<vmem>>)
        tpu.yield
      }) : () -> ()
      "tpu.region"() ({
        %run_scoped3A_90 = tpu.sem_alloc : memref<!tpu.dma_semaphore, #tpu.memory_space<semaphore_mem>>
        %dma_start3A_91 = arith.constant 0 : i32
        %dma_start3A_92 = arith.constant 0 : i32
        %dma_start3A_93 = tpu.memref_slice %arg9[%dma_start3A_91, %dma_start3A_92] : memref<51200x16xf32, #tpu.memory_space<vmem_shared>> -> memref<51200x16xf32, #tpu.memory_space<vmem_shared>>
        tpu.enqueue_indirect_dma source(%arg8 : memref<1024x16xf32, #tpu.memory_space<vmem>>) target(%dma_start3A_93 : memref<51200x16xf32, #tpu.memory_space<vmem_shared>>) offsets(%arg7 : memref<1024xi32, #tpu.memory_space<vmem>>) semaphore(%run_scoped3A_90 : memref<!tpu.dma_semaphore, #tpu.memory_space<semaphore_mem>>) {add = true}
        %dma_wait3A_94 = arith.constant 0 : i32
        %dma_wait3A_95 = arith.constant 0 : i32
        %dma_wait3A_96 = tpu.memref_slice %arg9[%dma_wait3A_94, %dma_wait3A_95] : memref<51200x16xf32, #tpu.memory_space<vmem_shared>> -> memref<51200x16xf32, #tpu.memory_space<vmem_shared>>
        tpu.wait_indirect_dma semaphore(%run_scoped3A_90 : memref<!tpu.dma_semaphore, #tpu.memory_space<semaphore_mem>>) src(%arg8 : memref<1024x16xf32, #tpu.memory_space<vmem>>) dst(%dma_wait3A_96 : memref<51200x16xf32, #tpu.memory_space<vmem_shared>>)
        tpu.yield
      }) : () -> ()
    }
    %scan3A_64 = arith.constant 49 : i32
    %barrier3A_65 = arith.constant 0 : index
    tpu.barrier barrier_id(%barrier3A_65)
    %mul3A_66 = arith.constant 3200 : i32
    %mul3A_67 = arith.muli %arg1, %mul3A_66 : i32
    %mul3A_68 = arith.constant 3200 : i32
    %mul3A_69 = arith.muli %arg1, %mul3A_68 : i32
    %run_scoped3A_70 = arith.constant 1 : i32
    "tpu.region"() ({
      %run_scoped3A_72 = tpu.sem_alloc : memref<!tpu.dma_semaphore, #tpu.memory_space<semaphore_mem>>
      %dma_start3A = arith.constant 0 : i32
      %dma_start3A_73 = tpu.memref_slice %arg5[%arg0, %run_scoped3A_70, %mul3A_69, %dma_start3A] : memref<2x2x51200x16xf32, #tpu.memory_space<hbm>> -> memref<1x1x3200x16xf32, #tpu.memory_space<hbm>>
      %dma_start3A_74 = tpu.memref_squeeze %dma_start3A_73 : memref<1x1x3200x16xf32, #tpu.memory_space<hbm>> -> memref<3200x16xf32, #tpu.memory_space<hbm>>
      %dma_start3A_75 = arith.constant 0 : i32
      %dma_start3A_76 = tpu.memref_slice %arg9[%mul3A_67, %dma_start3A_75] : memref<51200x16xf32, #tpu.memory_space<vmem_shared>> -> memref<3200x16xf32, #tpu.memory_space<vmem_shared>>
      tpu.enqueue_dma source(%dma_start3A_76 : memref<3200x16xf32, #tpu.memory_space<vmem_shared>>) target(%dma_start3A_74 : memref<3200x16xf32, #tpu.memory_space<hbm>>) target_semaphore(%run_scoped3A_72 : memref<!tpu.dma_semaphore, #tpu.memory_space<semaphore_mem>>)
      %dma_wait3A = arith.constant 0 : i32
      %dma_wait3A_77 = tpu.memref_slice %arg5[%arg0, %run_scoped3A_70, %mul3A_69, %dma_wait3A] : memref<2x2x51200x16xf32, #tpu.memory_space<hbm>> -> memref<1x1x3200x16xf32, #tpu.memory_space<hbm>>
      %dma_wait3A_78 = tpu.memref_squeeze %dma_wait3A_77 : memref<1x1x3200x16xf32, #tpu.memory_space<hbm>> -> memref<3200x16xf32, #tpu.memory_space<hbm>>
      %dma_wait3A_79 = arith.constant 0 : i32
      %dma_wait3A_80 = tpu.memref_slice %arg9[%mul3A_67, %dma_wait3A_79] : memref<51200x16xf32, #tpu.memory_space<vmem_shared>> -> memref<3200x16xf32, #tpu.memory_space<vmem_shared>>
      tpu.wait_dma2 semaphore(%run_scoped3A_72 : memref<!tpu.dma_semaphore, #tpu.memory_space<semaphore_mem>>) src(%dma_wait3A_80 : memref<3200x16xf32, #tpu.memory_space<vmem_shared>>) dst(%dma_wait3A_78 : memref<3200x16xf32, #tpu.memory_space<hbm>>)
      tpu.yield
    }) : () -> ()
    %barrier3A_71 = arith.constant 0 : index
    tpu.barrier barrier_id(%barrier3A_71)
    return
  }
}

#map = affine_map<(d0, d1) -> (0, 0)>
#map1 = affine_map<(d0, d1) -> (0, 0, 0, 0)>
module attributes {stable_mosaic.version = 14 : i64} {
  func.func @_sc_segsum(%arg0: i32, %arg1: i32, %arg2: memref<200000x16xf32, #tpu.memory_space<hbm>>, %arg3: memref<2x2x784x1024xi32, #tpu.memory_space<hbm>>, %arg4: memref<784x1024xi32, #tpu.memory_space<hbm>>, %arg5: memref<2x2x51200x16xf32, #tpu.memory_space<hbm>>, %arg6: memref<49x1024xi32, #tpu.memory_space<vmem>>, %arg7: memref<1024xi32, #tpu.memory_space<vmem>>, %arg8: memref<1024x16xf32, #tpu.memory_space<vmem>>, %arg9: memref<51200x16xf32, #tpu.memory_space<vmem_shared>>, %arg10: memref<!tpu.dma_semaphore, #tpu.memory_space<semaphore_mem>>) attributes {dimension_semantics = [#tpu.dimension_semantics<core_parallel>, #tpu.dimension_semantics<subcore_parallel>], iteration_bounds = array<i64: 2, 16>, scalar_prefetch = 0 : i64, scratch_operands = 5 : i64, tpu.core_type = #tpu.core_type<sc_vector_subcore>, window_params = [{transform_indices = #map}, {transform_indices = #map1}, {transform_indices = #map}, {transform_indices = #map1}]} {
    %broadcast_in_dim3A = arith.constant 0.000000e+00 : f32
    %broadcast_in_dim3A_0 = vector.broadcast %broadcast_in_dim3A : f32 to vector<16xf32>
    %scan3A = arith.constant 0 : i32
    %scan3A_1 = arith.constant 1024 : i32
    %scan3A_2 = arith.addi %scan3A, %scan3A_1 : i32
    %scan3A_3 = arith.constant 1 : i32
    scf.for %scan3A_72 = %scan3A to %scan3A_2 step %scan3A_3  : i32 {
      %mul3A_73 = arith.constant 1 : i32
      %mul3A_74 = arith.muli %scan3A_72, %mul3A_73 : i32
      %add3A_75 = arith.constant 0 : i32
      %add3A_76 = arith.addi %add3A_75, %mul3A_74 : i32
      %swap3A = arith.index_cast %add3A_76 : i32 to index
      %swap3A_77 = arith.constant 0 : index
      %swap3A_78 = tpu.vector_load %arg8[%swap3A, %swap3A_77] {strides = array<i32>} : memref<1024x16xf32, #tpu.memory_space<vmem>>, vector<1x16xf32>,
      %swap3A_79 = vector.shape_cast %swap3A_78 : vector<1x16xf32> to vector<16xf32>
      %swap3A_80 = vector.shape_cast %broadcast_in_dim3A_0 : vector<16xf32> to vector<1x16xf32>
      tpu.vector_store %arg8[%swap3A, %swap3A_77], %swap3A_80 {strides = array<i32>} : memref<1024x16xf32, #tpu.memory_space<vmem>>, vector<1x16xf32>,
    }
    %scan3A_4 = arith.constant 1024 : i32
    %mul3A = arith.constant 3200 : i32
    %mul3A_5 = arith.muli %arg1, %mul3A : i32
    %add3A = arith.constant 0 : i32
    %add3A_6 = arith.addi %mul3A_5, %add3A : i32
    "tpu.region"() ({
      %run_scoped3A_72 = tpu.sem_alloc : memref<!tpu.dma_semaphore, #tpu.memory_space<semaphore_mem>>
      %dma_start3A = arith.constant 0 : i32
      %dma_start3A_73 = tpu.memref_slice %arg9[%add3A_6, %dma_start3A] : memref<51200x16xf32, #tpu.memory_space<vmem_shared>> -> memref<1024x16xf32, #tpu.memory_space<vmem_shared>>
      %dma_start3A_74 = arith.constant 0 : i32
      %dma_start3A_75 = tpu.memref_slice %arg9[%add3A_6, %dma_start3A_74] : memref<51200x16xf32, #tpu.memory_space<vmem_shared>> -> memref<1024x16xf32, #tpu.memory_space<vmem_shared>>
      tpu.enqueue_dma source(%arg8 : memref<1024x16xf32, #tpu.memory_space<vmem>>) target(%dma_start3A_75 : memref<1024x16xf32, #tpu.memory_space<vmem_shared>>) target_semaphore(%run_scoped3A_72 : memref<!tpu.dma_semaphore, #tpu.memory_space<semaphore_mem>>)
      %dma_wait3A = arith.constant 0 : i32
      %dma_wait3A_76 = tpu.memref_slice %arg9[%add3A_6, %dma_wait3A] : memref<51200x16xf32, #tpu.memory_space<vmem_shared>> -> memref<1024x16xf32, #tpu.memory_space<vmem_shared>>
      %dma_wait3A_77 = arith.constant 0 : i32
      %dma_wait3A_78 = tpu.memref_slice %arg9[%add3A_6, %dma_wait3A_77] : memref<51200x16xf32, #tpu.memory_space<vmem_shared>> -> memref<1024x16xf32, #tpu.memory_space<vmem_shared>>
      tpu.wait_dma2 semaphore(%run_scoped3A_72 : memref<!tpu.dma_semaphore, #tpu.memory_space<semaphore_mem>>) src(%arg8 : memref<1024x16xf32, #tpu.memory_space<vmem>>) dst(%dma_wait3A_78 : memref<1024x16xf32, #tpu.memory_space<vmem_shared>>)
      tpu.yield
    }) : () -> ()
    %mul3A_7 = arith.constant 3200 : i32
    %mul3A_8 = arith.muli %arg1, %mul3A_7 : i32
    %add3A_9 = arith.constant 1024 : i32
    %add3A_10 = arith.addi %mul3A_8, %add3A_9 : i32
    "tpu.region"() ({
      %run_scoped3A_72 = tpu.sem_alloc : memref<!tpu.dma_semaphore, #tpu.memory_space<semaphore_mem>>
      %dma_start3A = arith.constant 0 : i32
      %dma_start3A_73 = tpu.memref_slice %arg9[%add3A_10, %dma_start3A] : memref<51200x16xf32, #tpu.memory_space<vmem_shared>> -> memref<1024x16xf32, #tpu.memory_space<vmem_shared>>
      %dma_start3A_74 = arith.constant 0 : i32
      %dma_start3A_75 = tpu.memref_slice %arg9[%add3A_10, %dma_start3A_74] : memref<51200x16xf32, #tpu.memory_space<vmem_shared>> -> memref<1024x16xf32, #tpu.memory_space<vmem_shared>>
      tpu.enqueue_dma source(%arg8 : memref<1024x16xf32, #tpu.memory_space<vmem>>) target(%dma_start3A_75 : memref<1024x16xf32, #tpu.memory_space<vmem_shared>>) target_semaphore(%run_scoped3A_72 : memref<!tpu.dma_semaphore, #tpu.memory_space<semaphore_mem>>)
      %dma_wait3A = arith.constant 0 : i32
      %dma_wait3A_76 = tpu.memref_slice %arg9[%add3A_10, %dma_wait3A] : memref<51200x16xf32, #tpu.memory_space<vmem_shared>> -> memref<1024x16xf32, #tpu.memory_space<vmem_shared>>
      %dma_wait3A_77 = arith.constant 0 : i32
      %dma_wait3A_78 = tpu.memref_slice %arg9[%add3A_10, %dma_wait3A_77] : memref<51200x16xf32, #tpu.memory_space<vmem_shared>> -> memref<1024x16xf32, #tpu.memory_space<vmem_shared>>
      tpu.wait_dma2 semaphore(%run_scoped3A_72 : memref<!tpu.dma_semaphore, #tpu.memory_space<semaphore_mem>>) src(%arg8 : memref<1024x16xf32, #tpu.memory_space<vmem>>) dst(%dma_wait3A_78 : memref<1024x16xf32, #tpu.memory_space<vmem_shared>>)
      tpu.yield
    }) : () -> ()
    %mul3A_11 = arith.constant 3200 : i32
    %mul3A_12 = arith.muli %arg1, %mul3A_11 : i32
    %add3A_13 = arith.constant 2048 : i32
    %add3A_14 = arith.addi %mul3A_12, %add3A_13 : i32
    "tpu.region"() ({
      %run_scoped3A_72 = tpu.sem_alloc : memref<!tpu.dma_semaphore, #tpu.memory_space<semaphore_mem>>
      %dma_start3A = arith.constant 0 : i32
      %dma_start3A_73 = tpu.memref_slice %arg9[%add3A_14, %dma_start3A] : memref<51200x16xf32, #tpu.memory_space<vmem_shared>> -> memref<1024x16xf32, #tpu.memory_space<vmem_shared>>
      %dma_start3A_74 = arith.constant 0 : i32
      %dma_start3A_75 = tpu.memref_slice %arg9[%add3A_14, %dma_start3A_74] : memref<51200x16xf32, #tpu.memory_space<vmem_shared>> -> memref<1024x16xf32, #tpu.memory_space<vmem_shared>>
      tpu.enqueue_dma source(%arg8 : memref<1024x16xf32, #tpu.memory_space<vmem>>) target(%dma_start3A_75 : memref<1024x16xf32, #tpu.memory_space<vmem_shared>>) target_semaphore(%run_scoped3A_72 : memref<!tpu.dma_semaphore, #tpu.memory_space<semaphore_mem>>)
      %dma_wait3A = arith.constant 0 : i32
      %dma_wait3A_76 = tpu.memref_slice %arg9[%add3A_14, %dma_wait3A] : memref<51200x16xf32, #tpu.memory_space<vmem_shared>> -> memref<1024x16xf32, #tpu.memory_space<vmem_shared>>
      %dma_wait3A_77 = arith.constant 0 : i32
      %dma_wait3A_78 = tpu.memref_slice %arg9[%add3A_14, %dma_wait3A_77] : memref<51200x16xf32, #tpu.memory_space<vmem_shared>> -> memref<1024x16xf32, #tpu.memory_space<vmem_shared>>
      tpu.wait_dma2 semaphore(%run_scoped3A_72 : memref<!tpu.dma_semaphore, #tpu.memory_space<semaphore_mem>>) src(%arg8 : memref<1024x16xf32, #tpu.memory_space<vmem>>) dst(%dma_wait3A_78 : memref<1024x16xf32, #tpu.memory_space<vmem_shared>>)
      tpu.yield
    }) : () -> ()
    %mul3A_15 = arith.constant 3200 : i32
    %mul3A_16 = arith.muli %arg1, %mul3A_15 : i32
    %add3A_17 = arith.constant 3072 : i32
    %add3A_18 = arith.addi %mul3A_16, %add3A_17 : i32
    "tpu.region"() ({
      %run_scoped3A_72 = tpu.sem_alloc : memref<!tpu.dma_semaphore, #tpu.memory_space<semaphore_mem>>
      %dma_start3A = arith.constant 0 : i32
      %dma_start3A_73 = arith.constant 0 : i32
      %dma_start3A_74 = tpu.memref_slice %arg8[%dma_start3A, %dma_start3A_73] : memref<1024x16xf32, #tpu.memory_space<vmem>> -> memref<128x16xf32, #tpu.memory_space<vmem>>
      %dma_start3A_75 = arith.constant 0 : i32
      %dma_start3A_76 = tpu.memref_slice %arg9[%add3A_18, %dma_start3A_75] : memref<51200x16xf32, #tpu.memory_space<vmem_shared>> -> memref<128x16xf32, #tpu.memory_space<vmem_shared>>
      %dma_start3A_77 = arith.constant 0 : i32
      %dma_start3A_78 = tpu.memref_slice %arg9[%add3A_18, %dma_start3A_77] : memref<51200x16xf32, #tpu.memory_space<vmem_shared>> -> memref<128x16xf32, #tpu.memory_space<vmem_shared>>
      %dma_start3A_79 = arith.constant 0 : i32
      %dma_start3A_80 = arith.constant 0 : i32
      %dma_start3A_81 = tpu.memref_slice %arg8[%dma_start3A_79, %dma_start3A_80] : memref<1024x16xf32, #tpu.memory_space<vmem>> -> memref<128x16xf32, #tpu.memory_space<vmem>>
      tpu.enqueue_dma source(%dma_start3A_81 : memref<128x16xf32, #tpu.memory_space<vmem>>) target(%dma_start3A_78 : memref<128x16xf32, #tpu.memory_space<vmem_shared>>) target_semaphore(%run_scoped3A_72 : memref<!tpu.dma_semaphore, #tpu.memory_space<semaphore_mem>>)
      %dma_wait3A = arith.constant 0 : i32
      %dma_wait3A_82 = arith.constant 0 : i32
      %dma_wait3A_83 = tpu.memref_slice %arg8[%dma_wait3A, %dma_wait3A_82] : memref<1024x16xf32, #tpu.memory_space<vmem>> -> memref<128x16xf32, #tpu.memory_space<vmem>>
      %dma_wait3A_84 = arith.constant 0 : i32
      %dma_wait3A_85 = tpu.memref_slice %arg9[%add3A_18, %dma_wait3A_84] : memref<51200x16xf32, #tpu.memory_space<vmem_shared>> -> memref<128x16xf32, #tpu.memory_space<vmem_shared>>
      %dma_wait3A_86 = arith.constant 0 : i32
      %dma_wait3A_87 = tpu.memref_slice %arg9[%add3A_18, %dma_wait3A_86] : memref<51200x16xf32, #tpu.memory_space<vmem_shared>> -> memref<128x16xf32, #tpu.memory_space<vmem_shared>>
      %dma_wait3A_88 = arith.constant 0 : i32
      %dma_wait3A_89 = arith.constant 0 : i32
      %dma_wait3A_90 = tpu.memref_slice %arg8[%dma_wait3A_88, %dma_wait3A_89] : memref<1024x16xf32, #tpu.memory_space<vmem>> -> memref<128x16xf32, #tpu.memory_space<vmem>>
      tpu.wait_dma2 semaphore(%run_scoped3A_72 : memref<!tpu.dma_semaphore, #tpu.memory_space<semaphore_mem>>) src(%dma_wait3A_90 : memref<128x16xf32, #tpu.memory_space<vmem>>) dst(%dma_wait3A_87 : memref<128x16xf32, #tpu.memory_space<vmem_shared>>)
      tpu.yield
    }) : () -> ()
    %mul3A_19 = arith.constant 49 : i32
    %mul3A_20 = arith.muli %arg1, %mul3A_19 : i32
    %run_scoped3A = arith.constant 0 : i32
    "tpu.region"() ({
      %run_scoped3A_72 = tpu.sem_alloc : memref<!tpu.dma_semaphore, #tpu.memory_space<semaphore_mem>>
      %dma_start3A = arith.constant 0 : i32
      %dma_start3A_73 = tpu.memref_slice %arg3[%arg0, %run_scoped3A, %mul3A_20, %dma_start3A] : memref<2x2x784x1024xi32, #tpu.memory_space<hbm>> -> memref<1x1x49x1024xi32, #tpu.memory_space<hbm>>
      %dma_start3A_74 = tpu.memref_squeeze %dma_start3A_73 : memref<1x1x49x1024xi32, #tpu.memory_space<hbm>> -> memref<49x1024xi32, #tpu.memory_space<hbm>>
      %dma_start3A_75 = arith.constant 0 : i32
      %dma_start3A_76 = tpu.memref_slice %arg3[%arg0, %run_scoped3A, %mul3A_20, %dma_start3A_75] : memref<2x2x784x1024xi32, #tpu.memory_space<hbm>> -> memref<1x1x49x1024xi32, #tpu.memory_space<hbm>>
      %dma_start3A_77 = tpu.memref_squeeze %dma_start3A_76 : memref<1x1x49x1024xi32, #tpu.memory_space<hbm>> -> memref<49x1024xi32, #tpu.memory_space<hbm>>
      tpu.enqueue_dma source(%dma_start3A_77 : memref<49x1024xi32, #tpu.memory_space<hbm>>) target(%arg6 : memref<49x1024xi32, #tpu.memory_space<vmem>>) target_semaphore(%run_scoped3A_72 : memref<!tpu.dma_semaphore, #tpu.memory_space<semaphore_mem>>)
      %dma_wait3A = arith.constant 0 : i32
      %dma_wait3A_78 = tpu.memref_slice %arg3[%arg0, %run_scoped3A, %mul3A_20, %dma_wait3A] : memref<2x2x784x1024xi32, #tpu.memory_space<hbm>> -> memref<1x1x49x1024xi32, #tpu.memory_space<hbm>>
      %dma_wait3A_79 = tpu.memref_squeeze %dma_wait3A_78 : memref<1x1x49x1024xi32, #tpu.memory_space<hbm>> -> memref<49x1024xi32, #tpu.memory_space<hbm>>
      %dma_wait3A_80 = arith.constant 0 : i32
      %dma_wait3A_81 = tpu.memref_slice %arg3[%arg0, %run_scoped3A, %mul3A_20, %dma_wait3A_80] : memref<2x2x784x1024xi32, #tpu.memory_space<hbm>> -> memref<1x1x49x1024xi32, #tpu.memory_space<hbm>>
      %dma_wait3A_82 = tpu.memref_squeeze %dma_wait3A_81 : memref<1x1x49x1024xi32, #tpu.memory_space<hbm>> -> memref<49x1024xi32, #tpu.memory_space<hbm>>
      tpu.wait_dma2 semaphore(%run_scoped3A_72 : memref<!tpu.dma_semaphore, #tpu.memory_space<semaphore_mem>>) src(%dma_wait3A_82 : memref<49x1024xi32, #tpu.memory_space<hbm>>) dst(%arg6 : memref<49x1024xi32, #tpu.memory_space<vmem>>)
      tpu.yield
    }) : () -> ()
    %barrier3A = arith.constant 0 : index
    tpu.barrier barrier_id(%barrier3A)
    %scan3A_21 = arith.constant 0 : i32
    %scan3A_22 = arith.constant 49 : i32
    %scan3A_23 = arith.addi %scan3A_21, %scan3A_22 : i32
    %scan3A_24 = arith.constant 1 : i32
    scf.for %scan3A_72 = %scan3A_21 to %scan3A_23 step %scan3A_24  : i32 {
      %mul3A_73 = arith.constant 1 : i32
      %mul3A_74 = arith.muli %scan3A_72, %mul3A_73 : i32
      %add3A_75 = arith.constant 0 : i32
      %add3A_76 = arith.addi %add3A_75, %mul3A_74 : i32
      %dma_start3A = arith.constant 0 : i32
      %dma_start3A_77 = tpu.memref_slice %arg6[%add3A_76, %dma_start3A] : memref<49x1024xi32, #tpu.memory_space<vmem>> -> memref<1x1024xi32, #tpu.memory_space<vmem>>
      %dma_start3A_78 = tpu.memref_squeeze %dma_start3A_77 : memref<1x1024xi32, #tpu.memory_space<vmem>> -> memref<1024xi32, #tpu.memory_space<vmem>>
      %dma_start3A_79 = arith.constant 0 : i32
      %dma_start3A_80 = arith.constant 0 : i32
      %dma_start3A_81 = tpu.memref_slice %arg2[%dma_start3A_79, %dma_start3A_80] : memref<200000x16xf32, #tpu.memory_space<hbm>> -> memref<200000x16xf32, #tpu.memory_space<hbm>>
      tpu.enqueue_indirect_dma source(%dma_start3A_81 : memref<200000x16xf32, #tpu.memory_space<hbm>>) target(%arg8 : memref<1024x16xf32, #tpu.memory_space<vmem>>) offsets(%dma_start3A_78 : memref<1024xi32, #tpu.memory_space<vmem>>) semaphore(%arg10 : memref<!tpu.dma_semaphore, #tpu.memory_space<semaphore_mem>>)
      %dma_wait3A = arith.constant 0 : i32
      %dma_wait3A_82 = tpu.memref_slice %arg6[%add3A_76, %dma_wait3A] : memref<49x1024xi32, #tpu.memory_space<vmem>> -> memref<1x1024xi32, #tpu.memory_space<vmem>>
      %dma_wait3A_83 = tpu.memref_squeeze %dma_wait3A_82 : memref<1x1024xi32, #tpu.memory_space<vmem>> -> memref<1024xi32, #tpu.memory_space<vmem>>
      %dma_wait3A_84 = arith.constant 0 : i32
      %dma_wait3A_85 = arith.constant 0 : i32
      %dma_wait3A_86 = tpu.memref_slice %arg2[%dma_wait3A_84, %dma_wait3A_85] : memref<200000x16xf32, #tpu.memory_space<hbm>> -> memref<200000x16xf32, #tpu.memory_space<hbm>>
      tpu.wait_indirect_dma semaphore(%arg10 : memref<!tpu.dma_semaphore, #tpu.memory_space<semaphore_mem>>) src(%dma_wait3A_86 : memref<200000x16xf32, #tpu.memory_space<hbm>>) dst(%arg8 : memref<1024x16xf32, #tpu.memory_space<vmem>>)
      %mul3A_87 = arith.constant 49 : i32
      %mul3A_88 = arith.muli %arg1, %mul3A_87 : i32
      %add3A_89 = arith.addi %mul3A_88, %add3A_76 : i32
      "tpu.region"() ({
        %run_scoped3A_90 = tpu.sem_alloc : memref<!tpu.dma_semaphore, #tpu.memory_space<semaphore_mem>>
        %dma_start3A_91 = arith.constant 0 : i32
        %dma_start3A_92 = tpu.memref_slice %arg4[%add3A_89, %dma_start3A_91] : memref<784x1024xi32, #tpu.memory_space<hbm>> -> memref<1x1024xi32, #tpu.memory_space<hbm>>
        %dma_start3A_93 = tpu.memref_squeeze %dma_start3A_92 : memref<1x1024xi32, #tpu.memory_space<hbm>> -> memref<1024xi32, #tpu.memory_space<hbm>>
        %dma_start3A_94 = arith.constant 0 : i32
        %dma_start3A_95 = tpu.memref_slice %arg4[%add3A_89, %dma_start3A_94] : memref<784x1024xi32, #tpu.memory_space<hbm>> -> memref<1x1024xi32, #tpu.memory_space<hbm>>
        %dma_start3A_96 = tpu.memref_squeeze %dma_start3A_95 : memref<1x1024xi32, #tpu.memory_space<hbm>> -> memref<1024xi32, #tpu.memory_space<hbm>>
        tpu.enqueue_dma source(%dma_start3A_96 : memref<1024xi32, #tpu.memory_space<hbm>>) target(%arg7 : memref<1024xi32, #tpu.memory_space<vmem>>) target_semaphore(%run_scoped3A_90 : memref<!tpu.dma_semaphore, #tpu.memory_space<semaphore_mem>>)
        %dma_wait3A_97 = arith.constant 0 : i32
        %dma_wait3A_98 = tpu.memref_slice %arg4[%add3A_89, %dma_wait3A_97] : memref<784x1024xi32, #tpu.memory_space<hbm>> -> memref<1x1024xi32, #tpu.memory_space<hbm>>
        %dma_wait3A_99 = tpu.memref_squeeze %dma_wait3A_98 : memref<1x1024xi32, #tpu.memory_space<hbm>> -> memref<1024xi32, #tpu.memory_space<hbm>>
        %dma_wait3A_100 = arith.constant 0 : i32
        %dma_wait3A_101 = tpu.memref_slice %arg4[%add3A_89, %dma_wait3A_100] : memref<784x1024xi32, #tpu.memory_space<hbm>> -> memref<1x1024xi32, #tpu.memory_space<hbm>>
        %dma_wait3A_102 = tpu.memref_squeeze %dma_wait3A_101 : memref<1x1024xi32, #tpu.memory_space<hbm>> -> memref<1024xi32, #tpu.memory_space<hbm>>
        tpu.wait_dma2 semaphore(%run_scoped3A_90 : memref<!tpu.dma_semaphore, #tpu.memory_space<semaphore_mem>>) src(%dma_wait3A_102 : memref<1024xi32, #tpu.memory_space<hbm>>) dst(%arg7 : memref<1024xi32, #tpu.memory_space<vmem>>)
        tpu.yield
      }) : () -> ()
      "tpu.region"() ({
        %run_scoped3A_90 = tpu.sem_alloc : memref<!tpu.dma_semaphore, #tpu.memory_space<semaphore_mem>>
        %dma_start3A_91 = arith.constant 0 : i32
        %dma_start3A_92 = arith.constant 0 : i32
        %dma_start3A_93 = tpu.memref_slice %arg9[%dma_start3A_91, %dma_start3A_92] : memref<51200x16xf32, #tpu.memory_space<vmem_shared>> -> memref<51200x16xf32, #tpu.memory_space<vmem_shared>>
        tpu.enqueue_indirect_dma source(%arg8 : memref<1024x16xf32, #tpu.memory_space<vmem>>) target(%dma_start3A_93 : memref<51200x16xf32, #tpu.memory_space<vmem_shared>>) offsets(%arg7 : memref<1024xi32, #tpu.memory_space<vmem>>) semaphore(%run_scoped3A_90 : memref<!tpu.dma_semaphore, #tpu.memory_space<semaphore_mem>>) {add = true}
        %dma_wait3A_94 = arith.constant 0 : i32
        %dma_wait3A_95 = arith.constant 0 : i32
        %dma_wait3A_96 = tpu.memref_slice %arg9[%dma_wait3A_94, %dma_wait3A_95] : memref<51200x16xf32, #tpu.memory_space<vmem_shared>> -> memref<51200x16xf32, #tpu.memory_space<vmem_shared>>
        tpu.wait_indirect_dma semaphore(%run_scoped3A_90 : memref<!tpu.dma_semaphore, #tpu.memory_space<semaphore_mem>>) src(%arg8 : memref<1024x16xf32, #tpu.memory_space<vmem>>) dst(%dma_wait3A_96 : memref<51200x16xf32, #tpu.memory_space<vmem_shared>>)
        tpu.yield
      }) : () -> ()
    }
    %scan3A_25 = arith.constant 49 : i32
    %barrier3A_26 = arith.constant 0 : index
    tpu.barrier barrier_id(%barrier3A_26)
    %mul3A_27 = arith.constant 3200 : i32
    %mul3A_28 = arith.muli %arg1, %mul3A_27 : i32
    %mul3A_29 = arith.constant 3200 : i32
    %mul3A_30 = arith.muli %arg1, %mul3A_29 : i32
    %run_scoped3A_31 = arith.constant 0 : i32
    "tpu.region"() ({
      %run_scoped3A_72 = tpu.sem_alloc : memref<!tpu.dma_semaphore, #tpu.memory_space<semaphore_mem>>
      %dma_start3A = arith.constant 0 : i32
      %dma_start3A_73 = tpu.memref_slice %arg5[%arg0, %run_scoped3A_31, %mul3A_30, %dma_start3A] : memref<2x2x51200x16xf32, #tpu.memory_space<hbm>> -> memref<1x1x3200x16xf32, #tpu.memory_space<hbm>>
      %dma_start3A_74 = tpu.memref_squeeze %dma_start3A_73 : memref<1x1x3200x16xf32, #tpu.memory_space<hbm>> -> memref<3200x16xf32, #tpu.memory_space<hbm>>
      %dma_start3A_75 = arith.constant 0 : i32
      %dma_start3A_76 = tpu.memref_slice %arg9[%mul3A_28, %dma_start3A_75] : memref<51200x16xf32, #tpu.memory_space<vmem_shared>> -> memref<3200x16xf32, #tpu.memory_space<vmem_shared>>
      tpu.enqueue_dma source(%dma_start3A_76 : memref<3200x16xf32, #tpu.memory_space<vmem_shared>>) target(%dma_start3A_74 : memref<3200x16xf32, #tpu.memory_space<hbm>>) target_semaphore(%run_scoped3A_72 : memref<!tpu.dma_semaphore, #tpu.memory_space<semaphore_mem>>)
      %dma_wait3A = arith.constant 0 : i32
      %dma_wait3A_77 = tpu.memref_slice %arg5[%arg0, %run_scoped3A_31, %mul3A_30, %dma_wait3A] : memref<2x2x51200x16xf32, #tpu.memory_space<hbm>> -> memref<1x1x3200x16xf32, #tpu.memory_space<hbm>>
      %dma_wait3A_78 = tpu.memref_squeeze %dma_wait3A_77 : memref<1x1x3200x16xf32, #tpu.memory_space<hbm>> -> memref<3200x16xf32, #tpu.memory_space<hbm>>
      %dma_wait3A_79 = arith.constant 0 : i32
      %dma_wait3A_80 = tpu.memref_slice %arg9[%mul3A_28, %dma_wait3A_79] : memref<51200x16xf32, #tpu.memory_space<vmem_shared>> -> memref<3200x16xf32, #tpu.memory_space<vmem_shared>>
      tpu.wait_dma2 semaphore(%run_scoped3A_72 : memref<!tpu.dma_semaphore, #tpu.memory_space<semaphore_mem>>) src(%dma_wait3A_80 : memref<3200x16xf32, #tpu.memory_space<vmem_shared>>) dst(%dma_wait3A_78 : memref<3200x16xf32, #tpu.memory_space<hbm>>)
      tpu.yield
    }) : () -> ()
    %barrier3A_32 = arith.constant 0 : index
    tpu.barrier barrier_id(%barrier3A_32)
    %broadcast_in_dim3A_33 = arith.constant 0.000000e+00 : f32
    %broadcast_in_dim3A_34 = vector.broadcast %broadcast_in_dim3A_33 : f32 to vector<16xf32>
    %scan3A_35 = arith.constant 0 : i32
    %scan3A_36 = arith.constant 1024 : i32
    %scan3A_37 = arith.addi %scan3A_35, %scan3A_36 : i32
    %scan3A_38 = arith.constant 1 : i32
    scf.for %scan3A_72 = %scan3A_35 to %scan3A_37 step %scan3A_38  : i32 {
      %mul3A_73 = arith.constant 1 : i32
      %mul3A_74 = arith.muli %scan3A_72, %mul3A_73 : i32
      %add3A_75 = arith.constant 0 : i32
      %add3A_76 = arith.addi %add3A_75, %mul3A_74 : i32
      %swap3A = arith.index_cast %add3A_76 : i32 to index
      %swap3A_77 = arith.constant 0 : index
      %swap3A_78 = tpu.vector_load %arg8[%swap3A, %swap3A_77] {strides = array<i32>} : memref<1024x16xf32, #tpu.memory_space<vmem>>, vector<1x16xf32>,
      %swap3A_79 = vector.shape_cast %swap3A_78 : vector<1x16xf32> to vector<16xf32>
      %swap3A_80 = vector.shape_cast %broadcast_in_dim3A_34 : vector<16xf32> to vector<1x16xf32>
      tpu.vector_store %arg8[%swap3A, %swap3A_77], %swap3A_80 {strides = array<i32>} : memref<1024x16xf32, #tpu.memory_space<vmem>>, vector<1x16xf32>,
    }
    %scan3A_39 = arith.constant 1024 : i32
    %mul3A_40 = arith.constant 3200 : i32
    %mul3A_41 = arith.muli %arg1, %mul3A_40 : i32
    %add3A_42 = arith.constant 0 : i32
    %add3A_43 = arith.addi %mul3A_41, %add3A_42 : i32
    "tpu.region"() ({
      %run_scoped3A_72 = tpu.sem_alloc : memref<!tpu.dma_semaphore, #tpu.memory_space<semaphore_mem>>
      %dma_start3A = arith.constant 0 : i32
      %dma_start3A_73 = tpu.memref_slice %arg9[%add3A_43, %dma_start3A] : memref<51200x16xf32, #tpu.memory_space<vmem_shared>> -> memref<1024x16xf32, #tpu.memory_space<vmem_shared>>
      %dma_start3A_74 = arith.constant 0 : i32
      %dma_start3A_75 = tpu.memref_slice %arg9[%add3A_43, %dma_start3A_74] : memref<51200x16xf32, #tpu.memory_space<vmem_shared>> -> memref<1024x16xf32, #tpu.memory_space<vmem_shared>>
      tpu.enqueue_dma source(%arg8 : memref<1024x16xf32, #tpu.memory_space<vmem>>) target(%dma_start3A_75 : memref<1024x16xf32, #tpu.memory_space<vmem_shared>>) target_semaphore(%run_scoped3A_72 : memref<!tpu.dma_semaphore, #tpu.memory_space<semaphore_mem>>)
      %dma_wait3A = arith.constant 0 : i32
      %dma_wait3A_76 = tpu.memref_slice %arg9[%add3A_43, %dma_wait3A] : memref<51200x16xf32, #tpu.memory_space<vmem_shared>> -> memref<1024x16xf32, #tpu.memory_space<vmem_shared>>
      %dma_wait3A_77 = arith.constant 0 : i32
      %dma_wait3A_78 = tpu.memref_slice %arg9[%add3A_43, %dma_wait3A_77] : memref<51200x16xf32, #tpu.memory_space<vmem_shared>> -> memref<1024x16xf32, #tpu.memory_space<vmem_shared>>
      tpu.wait_dma2 semaphore(%run_scoped3A_72 : memref<!tpu.dma_semaphore, #tpu.memory_space<semaphore_mem>>) src(%arg8 : memref<1024x16xf32, #tpu.memory_space<vmem>>) dst(%dma_wait3A_78 : memref<1024x16xf32, #tpu.memory_space<vmem_shared>>)
      tpu.yield
    }) : () -> ()
    %mul3A_44 = arith.constant 3200 : i32
    %mul3A_45 = arith.muli %arg1, %mul3A_44 : i32
    %add3A_46 = arith.constant 1024 : i32
    %add3A_47 = arith.addi %mul3A_45, %add3A_46 : i32
    "tpu.region"() ({
      %run_scoped3A_72 = tpu.sem_alloc : memref<!tpu.dma_semaphore, #tpu.memory_space<semaphore_mem>>
      %dma_start3A = arith.constant 0 : i32
      %dma_start3A_73 = tpu.memref_slice %arg9[%add3A_47, %dma_start3A] : memref<51200x16xf32, #tpu.memory_space<vmem_shared>> -> memref<1024x16xf32, #tpu.memory_space<vmem_shared>>
      %dma_start3A_74 = arith.constant 0 : i32
      %dma_start3A_75 = tpu.memref_slice %arg9[%add3A_47, %dma_start3A_74] : memref<51200x16xf32, #tpu.memory_space<vmem_shared>> -> memref<1024x16xf32, #tpu.memory_space<vmem_shared>>
      tpu.enqueue_dma source(%arg8 : memref<1024x16xf32, #tpu.memory_space<vmem>>) target(%dma_start3A_75 : memref<1024x16xf32, #tpu.memory_space<vmem_shared>>) target_semaphore(%run_scoped3A_72 : memref<!tpu.dma_semaphore, #tpu.memory_space<semaphore_mem>>)
      %dma_wait3A = arith.constant 0 : i32
      %dma_wait3A_76 = tpu.memref_slice %arg9[%add3A_47, %dma_wait3A] : memref<51200x16xf32, #tpu.memory_space<vmem_shared>> -> memref<1024x16xf32, #tpu.memory_space<vmem_shared>>
      %dma_wait3A_77 = arith.constant 0 : i32
      %dma_wait3A_78 = tpu.memref_slice %arg9[%add3A_47, %dma_wait3A_77] : memref<51200x16xf32, #tpu.memory_space<vmem_shared>> -> memref<1024x16xf32, #tpu.memory_space<vmem_shared>>
      tpu.wait_dma2 semaphore(%run_scoped3A_72 : memref<!tpu.dma_semaphore, #tpu.memory_space<semaphore_mem>>) src(%arg8 : memref<1024x16xf32, #tpu.memory_space<vmem>>) dst(%dma_wait3A_78 : memref<1024x16xf32, #tpu.memory_space<vmem_shared>>)
      tpu.yield
    }) : () -> ()
    %mul3A_48 = arith.constant 3200 : i32
    %mul3A_49 = arith.muli %arg1, %mul3A_48 : i32
    %add3A_50 = arith.constant 2048 : i32
    %add3A_51 = arith.addi %mul3A_49, %add3A_50 : i32
    "tpu.region"() ({
      %run_scoped3A_72 = tpu.sem_alloc : memref<!tpu.dma_semaphore, #tpu.memory_space<semaphore_mem>>
      %dma_start3A = arith.constant 0 : i32
      %dma_start3A_73 = tpu.memref_slice %arg9[%add3A_51, %dma_start3A] : memref<51200x16xf32, #tpu.memory_space<vmem_shared>> -> memref<1024x16xf32, #tpu.memory_space<vmem_shared>>
      %dma_start3A_74 = arith.constant 0 : i32
      %dma_start3A_75 = tpu.memref_slice %arg9[%add3A_51, %dma_start3A_74] : memref<51200x16xf32, #tpu.memory_space<vmem_shared>> -> memref<1024x16xf32, #tpu.memory_space<vmem_shared>>
      tpu.enqueue_dma source(%arg8 : memref<1024x16xf32, #tpu.memory_space<vmem>>) target(%dma_start3A_75 : memref<1024x16xf32, #tpu.memory_space<vmem_shared>>) target_semaphore(%run_scoped3A_72 : memref<!tpu.dma_semaphore, #tpu.memory_space<semaphore_mem>>)
      %dma_wait3A = arith.constant 0 : i32
      %dma_wait3A_76 = tpu.memref_slice %arg9[%add3A_51, %dma_wait3A] : memref<51200x16xf32, #tpu.memory_space<vmem_shared>> -> memref<1024x16xf32, #tpu.memory_space<vmem_shared>>
      %dma_wait3A_77 = arith.constant 0 : i32
      %dma_wait3A_78 = tpu.memref_slice %arg9[%add3A_51, %dma_wait3A_77] : memref<51200x16xf32, #tpu.memory_space<vmem_shared>> -> memref<1024x16xf32, #tpu.memory_space<vmem_shared>>
      tpu.wait_dma2 semaphore(%run_scoped3A_72 : memref<!tpu.dma_semaphore, #tpu.memory_space<semaphore_mem>>) src(%arg8 : memref<1024x16xf32, #tpu.memory_space<vmem>>) dst(%dma_wait3A_78 : memref<1024x16xf32, #tpu.memory_space<vmem_shared>>)
      tpu.yield
    }) : () -> ()
    %mul3A_52 = arith.constant 3200 : i32
    %mul3A_53 = arith.muli %arg1, %mul3A_52 : i32
    %add3A_54 = arith.constant 3072 : i32
    %add3A_55 = arith.addi %mul3A_53, %add3A_54 : i32
    "tpu.region"() ({
      %run_scoped3A_72 = tpu.sem_alloc : memref<!tpu.dma_semaphore, #tpu.memory_space<semaphore_mem>>
      %dma_start3A = arith.constant 0 : i32
      %dma_start3A_73 = arith.constant 0 : i32
      %dma_start3A_74 = tpu.memref_slice %arg8[%dma_start3A, %dma_start3A_73] : memref<1024x16xf32, #tpu.memory_space<vmem>> -> memref<128x16xf32, #tpu.memory_space<vmem>>
      %dma_start3A_75 = arith.constant 0 : i32
      %dma_start3A_76 = tpu.memref_slice %arg9[%add3A_55, %dma_start3A_75] : memref<51200x16xf32, #tpu.memory_space<vmem_shared>> -> memref<128x16xf32, #tpu.memory_space<vmem_shared>>
      %dma_start3A_77 = arith.constant 0 : i32
      %dma_start3A_78 = tpu.memref_slice %arg9[%add3A_55, %dma_start3A_77] : memref<51200x16xf32, #tpu.memory_space<vmem_shared>> -> memref<128x16xf32, #tpu.memory_space<vmem_shared>>
      %dma_start3A_79 = arith.constant 0 : i32
      %dma_start3A_80 = arith.constant 0 : i32
      %dma_start3A_81 = tpu.memref_slice %arg8[%dma_start3A_79, %dma_start3A_80] : memref<1024x16xf32, #tpu.memory_space<vmem>> -> memref<128x16xf32, #tpu.memory_space<vmem>>
      tpu.enqueue_dma source(%dma_start3A_81 : memref<128x16xf32, #tpu.memory_space<vmem>>) target(%dma_start3A_78 : memref<128x16xf32, #tpu.memory_space<vmem_shared>>) target_semaphore(%run_scoped3A_72 : memref<!tpu.dma_semaphore, #tpu.memory_space<semaphore_mem>>)
      %dma_wait3A = arith.constant 0 : i32
      %dma_wait3A_82 = arith.constant 0 : i32
      %dma_wait3A_83 = tpu.memref_slice %arg8[%dma_wait3A, %dma_wait3A_82] : memref<1024x16xf32, #tpu.memory_space<vmem>> -> memref<128x16xf32, #tpu.memory_space<vmem>>
      %dma_wait3A_84 = arith.constant 0 : i32
      %dma_wait3A_85 = tpu.memref_slice %arg9[%add3A_55, %dma_wait3A_84] : memref<51200x16xf32, #tpu.memory_space<vmem_shared>> -> memref<128x16xf32, #tpu.memory_space<vmem_shared>>
      %dma_wait3A_86 = arith.constant 0 : i32
      %dma_wait3A_87 = tpu.memref_slice %arg9[%add3A_55, %dma_wait3A_86] : memref<51200x16xf32, #tpu.memory_space<vmem_shared>> -> memref<128x16xf32, #tpu.memory_space<vmem_shared>>
      %dma_wait3A_88 = arith.constant 0 : i32
      %dma_wait3A_89 = arith.constant 0 : i32
      %dma_wait3A_90 = tpu.memref_slice %arg8[%dma_wait3A_88, %dma_wait3A_89] : memref<1024x16xf32, #tpu.memory_space<vmem>> -> memref<128x16xf32, #tpu.memory_space<vmem>>
      tpu.wait_dma2 semaphore(%run_scoped3A_72 : memref<!tpu.dma_semaphore, #tpu.memory_space<semaphore_mem>>) src(%dma_wait3A_90 : memref<128x16xf32, #tpu.memory_space<vmem>>) dst(%dma_wait3A_87 : memref<128x16xf32, #tpu.memory_space<vmem_shared>>)
      tpu.yield
    }) : () -> ()
    %mul3A_56 = arith.constant 49 : i32
    %mul3A_57 = arith.muli %arg1, %mul3A_56 : i32
    %run_scoped3A_58 = arith.constant 1 : i32
    "tpu.region"() ({
      %run_scoped3A_72 = tpu.sem_alloc : memref<!tpu.dma_semaphore, #tpu.memory_space<semaphore_mem>>
      %dma_start3A = arith.constant 0 : i32
      %dma_start3A_73 = tpu.memref_slice %arg3[%arg0, %run_scoped3A_58, %mul3A_57, %dma_start3A] : memref<2x2x784x1024xi32, #tpu.memory_space<hbm>> -> memref<1x1x49x1024xi32, #tpu.memory_space<hbm>>
      %dma_start3A_74 = tpu.memref_squeeze %dma_start3A_73 : memref<1x1x49x1024xi32, #tpu.memory_space<hbm>> -> memref<49x1024xi32, #tpu.memory_space<hbm>>
      %dma_start3A_75 = arith.constant 0 : i32
      %dma_start3A_76 = tpu.memref_slice %arg3[%arg0, %run_scoped3A_58, %mul3A_57, %dma_start3A_75] : memref<2x2x784x1024xi32, #tpu.memory_space<hbm>> -> memref<1x1x49x1024xi32, #tpu.memory_space<hbm>>
      %dma_start3A_77 = tpu.memref_squeeze %dma_start3A_76 : memref<1x1x49x1024xi32, #tpu.memory_space<hbm>> -> memref<49x1024xi32, #tpu.memory_space<hbm>>
      tpu.enqueue_dma source(%dma_start3A_77 : memref<49x1024xi32, #tpu.memory_space<hbm>>) target(%arg6 : memref<49x1024xi32, #tpu.memory_space<vmem>>) target_semaphore(%run_scoped3A_72 : memref<!tpu.dma_semaphore, #tpu.memory_space<semaphore_mem>>)
      %dma_wait3A = arith.constant 0 : i32
      %dma_wait3A_78 = tpu.memref_slice %arg3[%arg0, %run_scoped3A_58, %mul3A_57, %dma_wait3A] : memref<2x2x784x1024xi32, #tpu.memory_space<hbm>> -> memref<1x1x49x1024xi32, #tpu.memory_space<hbm>>
      %dma_wait3A_79 = tpu.memref_squeeze %dma_wait3A_78 : memref<1x1x49x1024xi32, #tpu.memory_space<hbm>> -> memref<49x1024xi32, #tpu.memory_space<hbm>>
      %dma_wait3A_80 = arith.constant 0 : i32
      %dma_wait3A_81 = tpu.memref_slice %arg3[%arg0, %run_scoped3A_58, %mul3A_57, %dma_wait3A_80] : memref<2x2x784x1024xi32, #tpu.memory_space<hbm>> -> memref<1x1x49x1024xi32, #tpu.memory_space<hbm>>
      %dma_wait3A_82 = tpu.memref_squeeze %dma_wait3A_81 : memref<1x1x49x1024xi32, #tpu.memory_space<hbm>> -> memref<49x1024xi32, #tpu.memory_space<hbm>>
      tpu.wait_dma2 semaphore(%run_scoped3A_72 : memref<!tpu.dma_semaphore, #tpu.memory_space<semaphore_mem>>) src(%dma_wait3A_82 : memref<49x1024xi32, #tpu.memory_space<hbm>>) dst(%arg6 : memref<49x1024xi32, #tpu.memory_space<vmem>>)
      tpu.yield
    }) : () -> ()
    %barrier3A_59 = arith.constant 0 : index
    tpu.barrier barrier_id(%barrier3A_59)
    %scan3A_60 = arith.constant 0 : i32
    %scan3A_61 = arith.constant 49 : i32
    %scan3A_62 = arith.addi %scan3A_60, %scan3A_61 : i32
    %scan3A_63 = arith.constant 1 : i32
    scf.for %scan3A_72 = %scan3A_60 to %scan3A_62 step %scan3A_63  : i32 {
      %mul3A_73 = arith.constant 1 : i32
      %mul3A_74 = arith.muli %scan3A_72, %mul3A_73 : i32
      %add3A_75 = arith.constant 0 : i32
      %add3A_76 = arith.addi %add3A_75, %mul3A_74 : i32
      %dma_start3A = arith.constant 0 : i32
      %dma_start3A_77 = tpu.memref_slice %arg6[%add3A_76, %dma_start3A] : memref<49x1024xi32, #tpu.memory_space<vmem>> -> memref<1x1024xi32, #tpu.memory_space<vmem>>
      %dma_start3A_78 = tpu.memref_squeeze %dma_start3A_77 : memref<1x1024xi32, #tpu.memory_space<vmem>> -> memref<1024xi32, #tpu.memory_space<vmem>>
      %dma_start3A_79 = arith.constant 0 : i32
      %dma_start3A_80 = arith.constant 0 : i32
      %dma_start3A_81 = tpu.memref_slice %arg2[%dma_start3A_79, %dma_start3A_80] : memref<200000x16xf32, #tpu.memory_space<hbm>> -> memref<200000x16xf32, #tpu.memory_space<hbm>>
      tpu.enqueue_indirect_dma source(%dma_start3A_81 : memref<200000x16xf32, #tpu.memory_space<hbm>>) target(%arg8 : memref<1024x16xf32, #tpu.memory_space<vmem>>) offsets(%dma_start3A_78 : memref<1024xi32, #tpu.memory_space<vmem>>) semaphore(%arg10 : memref<!tpu.dma_semaphore, #tpu.memory_space<semaphore_mem>>)
      %dma_wait3A = arith.constant 0 : i32
      %dma_wait3A_82 = tpu.memref_slice %arg6[%add3A_76, %dma_wait3A] : memref<49x1024xi32, #tpu.memory_space<vmem>> -> memref<1x1024xi32, #tpu.memory_space<vmem>>
      %dma_wait3A_83 = tpu.memref_squeeze %dma_wait3A_82 : memref<1x1024xi32, #tpu.memory_space<vmem>> -> memref<1024xi32, #tpu.memory_space<vmem>>
      %dma_wait3A_84 = arith.constant 0 : i32
      %dma_wait3A_85 = arith.constant 0 : i32
      %dma_wait3A_86 = tpu.memref_slice %arg2[%dma_wait3A_84, %dma_wait3A_85] : memref<200000x16xf32, #tpu.memory_space<hbm>> -> memref<200000x16xf32, #tpu.memory_space<hbm>>
      tpu.wait_indirect_dma semaphore(%arg10 : memref<!tpu.dma_semaphore, #tpu.memory_space<semaphore_mem>>) src(%dma_wait3A_86 : memref<200000x16xf32, #tpu.memory_space<hbm>>) dst(%arg8 : memref<1024x16xf32, #tpu.memory_space<vmem>>)
      %mul3A_87 = arith.constant 49 : i32
      %mul3A_88 = arith.muli %arg1, %mul3A_87 : i32
      %add3A_89 = arith.addi %mul3A_88, %add3A_76 : i32
      "tpu.region"() ({
        %run_scoped3A_90 = tpu.sem_alloc : memref<!tpu.dma_semaphore, #tpu.memory_space<semaphore_mem>>
        %dma_start3A_91 = arith.constant 0 : i32
        %dma_start3A_92 = tpu.memref_slice %arg4[%add3A_89, %dma_start3A_91] : memref<784x1024xi32, #tpu.memory_space<hbm>> -> memref<1x1024xi32, #tpu.memory_space<hbm>>
        %dma_start3A_93 = tpu.memref_squeeze %dma_start3A_92 : memref<1x1024xi32, #tpu.memory_space<hbm>> -> memref<1024xi32, #tpu.memory_space<hbm>>
        %dma_start3A_94 = arith.constant 0 : i32
        %dma_start3A_95 = tpu.memref_slice %arg4[%add3A_89, %dma_start3A_94] : memref<784x1024xi32, #tpu.memory_space<hbm>> -> memref<1x1024xi32, #tpu.memory_space<hbm>>
        %dma_start3A_96 = tpu.memref_squeeze %dma_start3A_95 : memref<1x1024xi32, #tpu.memory_space<hbm>> -> memref<1024xi32, #tpu.memory_space<hbm>>
        tpu.enqueue_dma source(%dma_start3A_96 : memref<1024xi32, #tpu.memory_space<hbm>>) target(%arg7 : memref<1024xi32, #tpu.memory_space<vmem>>) target_semaphore(%run_scoped3A_90 : memref<!tpu.dma_semaphore, #tpu.memory_space<semaphore_mem>>)
        %dma_wait3A_97 = arith.constant 0 : i32
        %dma_wait3A_98 = tpu.memref_slice %arg4[%add3A_89, %dma_wait3A_97] : memref<784x1024xi32, #tpu.memory_space<hbm>> -> memref<1x1024xi32, #tpu.memory_space<hbm>>
        %dma_wait3A_99 = tpu.memref_squeeze %dma_wait3A_98 : memref<1x1024xi32, #tpu.memory_space<hbm>> -> memref<1024xi32, #tpu.memory_space<hbm>>
        %dma_wait3A_100 = arith.constant 0 : i32
        %dma_wait3A_101 = tpu.memref_slice %arg4[%add3A_89, %dma_wait3A_100] : memref<784x1024xi32, #tpu.memory_space<hbm>> -> memref<1x1024xi32, #tpu.memory_space<hbm>>
        %dma_wait3A_102 = tpu.memref_squeeze %dma_wait3A_101 : memref<1x1024xi32, #tpu.memory_space<hbm>> -> memref<1024xi32, #tpu.memory_space<hbm>>
        tpu.wait_dma2 semaphore(%run_scoped3A_90 : memref<!tpu.dma_semaphore, #tpu.memory_space<semaphore_mem>>) src(%dma_wait3A_102 : memref<1024xi32, #tpu.memory_space<hbm>>) dst(%arg7 : memref<1024xi32, #tpu.memory_space<vmem>>)
        tpu.yield
      }) : () -> ()
      "tpu.region"() ({
        %run_scoped3A_90 = tpu.sem_alloc : memref<!tpu.dma_semaphore, #tpu.memory_space<semaphore_mem>>
        %dma_start3A_91 = arith.constant 0 : i32
        %dma_start3A_92 = arith.constant 0 : i32
        %dma_start3A_93 = tpu.memref_slice %arg9[%dma_start3A_91, %dma_start3A_92] : memref<51200x16xf32, #tpu.memory_space<vmem_shared>> -> memref<51200x16xf32, #tpu.memory_space<vmem_shared>>
        tpu.enqueue_indirect_dma source(%arg8 : memref<1024x16xf32, #tpu.memory_space<vmem>>) target(%dma_start3A_93 : memref<51200x16xf32, #tpu.memory_space<vmem_shared>>) offsets(%arg7 : memref<1024xi32, #tpu.memory_space<vmem>>) semaphore(%run_scoped3A_90 : memref<!tpu.dma_semaphore, #tpu.memory_space<semaphore_mem>>) {add = true}
        %dma_wait3A_94 = arith.constant 0 : i32
        %dma_wait3A_95 = arith.constant 0 : i32
        %dma_wait3A_96 = tpu.memref_slice %arg9[%dma_wait3A_94, %dma_wait3A_95] : memref<51200x16xf32, #tpu.memory_space<vmem_shared>> -> memref<51200x16xf32, #tpu.memory_space<vmem_shared>>
        tpu.wait_indirect_dma semaphore(%run_scoped3A_90 : memref<!tpu.dma_semaphore, #tpu.memory_space<semaphore_mem>>) src(%arg8 : memref<1024x16xf32, #tpu.memory_space<vmem>>) dst(%dma_wait3A_96 : memref<51200x16xf32, #tpu.memory_space<vmem_shared>>)
        tpu.yield
      }) : () -> ()
    }
    %scan3A_64 = arith.constant 49 : i32
    %barrier3A_65 = arith.constant 0 : index
    tpu.barrier barrier_id(%barrier3A_65)
    %mul3A_66 = arith.constant 3200 : i32
    %mul3A_67 = arith.muli %arg1, %mul3A_66 : i32
    %mul3A_68 = arith.constant 3200 : i32
    %mul3A_69 = arith.muli %arg1, %mul3A_68 : i32
    %run_scoped3A_70 = arith.constant 1 : i32
    "tpu.region"() ({
      %run_scoped3A_72 = tpu.sem_alloc : memref<!tpu.dma_semaphore, #tpu.memory_space<semaphore_mem>>
      %dma_start3A = arith.constant 0 : i32
      %dma_start3A_73 = tpu.memref_slice %arg5[%arg0, %run_scoped3A_70, %mul3A_69, %dma_start3A] : memref<2x2x51200x16xf32, #tpu.memory_space<hbm>> -> memref<1x1x3200x16xf32, #tpu.memory_space<hbm>>
      %dma_start3A_74 = tpu.memref_squeeze %dma_start3A_73 : memref<1x1x3200x16xf32, #tpu.memory_space<hbm>> -> memref<3200x16xf32, #tpu.memory_space<hbm>>
      %dma_start3A_75 = arith.constant 0 : i32
      %dma_start3A_76 = tpu.memref_slice %arg9[%mul3A_67, %dma_start3A_75] : memref<51200x16xf32, #tpu.memory_space<vmem_shared>> -> memref<3200x16xf32, #tpu.memory_space<vmem_shared>>
      tpu.enqueue_dma source(%dma_start3A_76 : memref<3200x16xf32, #tpu.memory_space<vmem_shared>>) target(%dma_start3A_74 : memref<3200x16xf32, #tpu.memory_space<hbm>>) target_semaphore(%run_scoped3A_72 : memref<!tpu.dma_semaphore, #tpu.memory_space<semaphore_mem>>)
      %dma_wait3A = arith.constant 0 : i32
      %dma_wait3A_77 = tpu.memref_slice %arg5[%arg0, %run_scoped3A_70, %mul3A_69, %dma_wait3A] : memref<2x2x51200x16xf32, #tpu.memory_space<hbm>> -> memref<1x1x3200x16xf32, #tpu.memory_space<hbm>>
      %dma_wait3A_78 = tpu.memref_squeeze %dma_wait3A_77 : memref<1x1x3200x16xf32, #tpu.memory_space<hbm>> -> memref<3200x16xf32, #tpu.memory_space<hbm>>
      %dma_wait3A_79 = arith.constant 0 : i32
      %dma_wait3A_80 = tpu.memref_slice %arg9[%mul3A_67, %dma_wait3A_79] : memref<51200x16xf32, #tpu.memory_space<vmem_shared>> -> memref<3200x16xf32, #tpu.memory_space<vmem_shared>>
      tpu.wait_dma2 semaphore(%run_scoped3A_72 : memref<!tpu.dma_semaphore, #tpu.memory_space<semaphore_mem>>) src(%dma_wait3A_80 : memref<3200x16xf32, #tpu.memory_space<vmem_shared>>) dst(%dma_wait3A_78 : memref<3200x16xf32, #tpu.memory_space<hbm>>)
      tpu.yield
    }) : () -> ()
    %barrier3A_71 = arith.constant 0 : index
    tpu.barrier barrier_id(%barrier3A_71)
    return
  }
}

#map = affine_map<(d0, d1) -> (0, 0)>
#map1 = affine_map<(d0, d1) -> (0, 0, 0)>
module attributes {stable_mosaic.version = 14 : i64} {
  func.func @_sc_decgather(%arg0: i32, %arg1: i32, %arg2: memref<100000x32xf32, #tpu.memory_space<hbm>>, %arg3: memref<100000x32xf32, #tpu.memory_space<hbm>>, %arg4: memref<2x200704xi32, #tpu.memory_space<hbm>>, %arg5: memref<2x200704xi32, #tpu.memory_space<hbm>>, %arg6: memref<2x200704x32xf32, #tpu.memory_space<hbm>>, %arg7: memref<1024xi32, #tpu.memory_space<vmem>>, %arg8: memref<1024xi32, #tpu.memory_space<vmem>>, %arg9: memref<1024x32xf32, #tpu.memory_space<vmem>>, %arg10: memref<1024x32xf32, #tpu.memory_space<vmem>>, %arg11: memref<!tpu.dma_semaphore, #tpu.memory_space<semaphore_mem>>, %arg12: memref<!tpu.dma_semaphore, #tpu.memory_space<semaphore_mem>>) attributes {dimension_semantics = [#tpu.dimension_semantics<core_parallel>, #tpu.dimension_semantics<subcore_parallel>], iteration_bounds = array<i64: 2, 16>, scalar_prefetch = 0 : i64, scratch_operands = 6 : i64, tpu.core_type = #tpu.core_type<sc_vector_subcore>, window_params = [{transform_indices = #map}, {transform_indices = #map}, {transform_indices = #map}, {transform_indices = #map}, {transform_indices = #map1}]} {
    %scan3A = arith.constant 0 : i32
    %scan3A_0 = arith.constant 13 : i32
    %scan3A_1 = arith.addi %scan3A, %scan3A_0 : i32
    %scan3A_2 = arith.constant 1 : i32
    scf.for %scan3A_4 = %scan3A to %scan3A_1 step %scan3A_2  : i32 {
      %mul3A = arith.constant 1 : i32
      %mul3A_5 = arith.muli %scan3A_4, %mul3A : i32
      %add3A = arith.constant 0 : i32
      %add3A_6 = arith.addi %add3A, %mul3A_5 : i32
      %mul3A_7 = arith.constant 16 : i32
      %mul3A_8 = arith.muli %add3A_6, %mul3A_7 : i32
      %add3A_9 = arith.addi %mul3A_8, %arg1 : i32
      %lt3A = arith.constant 196 : i32
      %lt3A_10 = arith.cmpi slt, %add3A_9, %lt3A : i32
      %convert_element_type3A = arith.extui %lt3A_10 : i1 to i32
      %cond3A = arith.constant 0 : i32
      %cond3A_11 = arith.cmpi ne, %convert_element_type3A, %cond3A : i32
      scf.if %cond3A_11 {
        %mul3A_12 = arith.constant 1024 : i32
        %mul3A_13 = arith.muli %add3A_9, %mul3A_12 : i32
        "tpu.region"() ({
          %run_scoped3A = tpu.sem_alloc : memref<!tpu.dma_semaphore, #tpu.memory_space<semaphore_mem>>
          %dma_start3A_33 = tpu.memref_slice %arg4[%arg0, %mul3A_13] : memref<2x200704xi32, #tpu.memory_space<hbm>> -> memref<1x1024xi32, #tpu.memory_space<hbm>>
          %dma_start3A_34 = tpu.memref_squeeze %dma_start3A_33 : memref<1x1024xi32, #tpu.memory_space<hbm>> -> memref<1024xi32, #tpu.memory_space<hbm>>
          %dma_start3A_35 = tpu.memref_slice %arg4[%arg0, %mul3A_13] : memref<2x200704xi32, #tpu.memory_space<hbm>> -> memref<1x1024xi32, #tpu.memory_space<hbm>>
          %dma_start3A_36 = tpu.memref_squeeze %dma_start3A_35 : memref<1x1024xi32, #tpu.memory_space<hbm>> -> memref<1024xi32, #tpu.memory_space<hbm>>
          tpu.enqueue_dma source(%dma_start3A_36 : memref<1024xi32, #tpu.memory_space<hbm>>) target(%arg7 : memref<1024xi32, #tpu.memory_space<vmem>>) target_semaphore(%run_scoped3A : memref<!tpu.dma_semaphore, #tpu.memory_space<semaphore_mem>>)
          %dma_wait3A_37 = tpu.memref_slice %arg4[%arg0, %mul3A_13] : memref<2x200704xi32, #tpu.memory_space<hbm>> -> memref<1x1024xi32, #tpu.memory_space<hbm>>
          %dma_wait3A_38 = tpu.memref_squeeze %dma_wait3A_37 : memref<1x1024xi32, #tpu.memory_space<hbm>> -> memref<1024xi32, #tpu.memory_space<hbm>>
          %dma_wait3A_39 = tpu.memref_slice %arg4[%arg0, %mul3A_13] : memref<2x200704xi32, #tpu.memory_space<hbm>> -> memref<1x1024xi32, #tpu.memory_space<hbm>>
          %dma_wait3A_40 = tpu.memref_squeeze %dma_wait3A_39 : memref<1x1024xi32, #tpu.memory_space<hbm>> -> memref<1024xi32, #tpu.memory_space<hbm>>
          tpu.wait_dma2 semaphore(%run_scoped3A : memref<!tpu.dma_semaphore, #tpu.memory_space<semaphore_mem>>) src(%dma_wait3A_40 : memref<1024xi32, #tpu.memory_space<hbm>>) dst(%arg7 : memref<1024xi32, #tpu.memory_space<vmem>>)
          tpu.yield
        }) : () -> ()
        %dma_start3A = arith.constant 0 : i32
        %dma_start3A_14 = arith.constant 0 : i32
        %dma_start3A_15 = tpu.memref_slice %arg2[%dma_start3A, %dma_start3A_14] : memref<100000x32xf32, #tpu.memory_space<hbm>> -> memref<100000x32xf32, #tpu.memory_space<hbm>>
        tpu.enqueue_indirect_dma source(%dma_start3A_15 : memref<100000x32xf32, #tpu.memory_space<hbm>>) target(%arg9 : memref<1024x32xf32, #tpu.memory_space<vmem>>) offsets(%arg7 : memref<1024xi32, #tpu.memory_space<vmem>>) semaphore(%arg11 : memref<!tpu.dma_semaphore, #tpu.memory_space<semaphore_mem>>)
        %mul3A_16 = arith.constant 1024 : i32
        %mul3A_17 = arith.muli %add3A_9, %mul3A_16 : i32
        "tpu.region"() ({
          %run_scoped3A = tpu.sem_alloc : memref<!tpu.dma_semaphore, #tpu.memory_space<semaphore_mem>>
          %dma_start3A_33 = tpu.memref_slice %arg5[%arg0, %mul3A_17] : memref<2x200704xi32, #tpu.memory_space<hbm>> -> memref<1x1024xi32, #tpu.memory_space<hbm>>
          %dma_start3A_34 = tpu.memref_squeeze %dma_start3A_33 : memref<1x1024xi32, #tpu.memory_space<hbm>> -> memref<1024xi32, #tpu.memory_space<hbm>>
          %dma_start3A_35 = tpu.memref_slice %arg5[%arg0, %mul3A_17] : memref<2x200704xi32, #tpu.memory_space<hbm>> -> memref<1x1024xi32, #tpu.memory_space<hbm>>
          %dma_start3A_36 = tpu.memref_squeeze %dma_start3A_35 : memref<1x1024xi32, #tpu.memory_space<hbm>> -> memref<1024xi32, #tpu.memory_space<hbm>>
          tpu.enqueue_dma source(%dma_start3A_36 : memref<1024xi32, #tpu.memory_space<hbm>>) target(%arg8 : memref<1024xi32, #tpu.memory_space<vmem>>) target_semaphore(%run_scoped3A : memref<!tpu.dma_semaphore, #tpu.memory_space<semaphore_mem>>)
          %dma_wait3A_37 = tpu.memref_slice %arg5[%arg0, %mul3A_17] : memref<2x200704xi32, #tpu.memory_space<hbm>> -> memref<1x1024xi32, #tpu.memory_space<hbm>>
          %dma_wait3A_38 = tpu.memref_squeeze %dma_wait3A_37 : memref<1x1024xi32, #tpu.memory_space<hbm>> -> memref<1024xi32, #tpu.memory_space<hbm>>
          %dma_wait3A_39 = tpu.memref_slice %arg5[%arg0, %mul3A_17] : memref<2x200704xi32, #tpu.memory_space<hbm>> -> memref<1x1024xi32, #tpu.memory_space<hbm>>
          %dma_wait3A_40 = tpu.memref_squeeze %dma_wait3A_39 : memref<1x1024xi32, #tpu.memory_space<hbm>> -> memref<1024xi32, #tpu.memory_space<hbm>>
          tpu.wait_dma2 semaphore(%run_scoped3A : memref<!tpu.dma_semaphore, #tpu.memory_space<semaphore_mem>>) src(%dma_wait3A_40 : memref<1024xi32, #tpu.memory_space<hbm>>) dst(%arg8 : memref<1024xi32, #tpu.memory_space<vmem>>)
          tpu.yield
        }) : () -> ()
        %dma_start3A_18 = arith.constant 0 : i32
        %dma_start3A_19 = arith.constant 0 : i32
        %dma_start3A_20 = tpu.memref_slice %arg3[%dma_start3A_18, %dma_start3A_19] : memref<100000x32xf32, #tpu.memory_space<hbm>> -> memref<100000x32xf32, #tpu.memory_space<hbm>>
        tpu.enqueue_indirect_dma source(%dma_start3A_20 : memref<100000x32xf32, #tpu.memory_space<hbm>>) target(%arg10 : memref<1024x32xf32, #tpu.memory_space<vmem>>) offsets(%arg8 : memref<1024xi32, #tpu.memory_space<vmem>>) semaphore(%arg12 : memref<!tpu.dma_semaphore, #tpu.memory_space<semaphore_mem>>)
        %dma_wait3A = arith.constant 0 : i32
        %dma_wait3A_21 = arith.constant 0 : i32
        %dma_wait3A_22 = tpu.memref_slice %arg2[%dma_wait3A, %dma_wait3A_21] : memref<100000x32xf32, #tpu.memory_space<hbm>> -> memref<100000x32xf32, #tpu.memory_space<hbm>>
        tpu.wait_indirect_dma semaphore(%arg11 : memref<!tpu.dma_semaphore, #tpu.memory_space<semaphore_mem>>) src(%dma_wait3A_22 : memref<100000x32xf32, #tpu.memory_space<hbm>>) dst(%arg9 : memref<1024x32xf32, #tpu.memory_space<vmem>>)
        %dma_wait3A_23 = arith.constant 0 : i32
        %dma_wait3A_24 = arith.constant 0 : i32
        %dma_wait3A_25 = tpu.memref_slice %arg3[%dma_wait3A_23, %dma_wait3A_24] : memref<100000x32xf32, #tpu.memory_space<hbm>> -> memref<100000x32xf32, #tpu.memory_space<hbm>>
        tpu.wait_indirect_dma semaphore(%arg12 : memref<!tpu.dma_semaphore, #tpu.memory_space<semaphore_mem>>) src(%dma_wait3A_25 : memref<100000x32xf32, #tpu.memory_space<hbm>>) dst(%arg10 : memref<1024x32xf32, #tpu.memory_space<vmem>>)
        %scan3A_26 = arith.constant 0 : i32
        %scan3A_27 = arith.constant 1024 : i32
        %scan3A_28 = arith.addi %scan3A_26, %scan3A_27 : i32
        %scan3A_29 = arith.constant 1 : i32
        scf.for %scan3A_33 = %scan3A_26 to %scan3A_28 step %scan3A_29  : i32 {
          %mul3A_34 = arith.constant 1 : i32
          %mul3A_35 = arith.muli %scan3A_33, %mul3A_34 : i32
          %add3A_36 = arith.constant 0 : i32
          %add3A_37 = arith.addi %add3A_36, %mul3A_35 : i32
          %get3A = arith.index_cast %add3A_37 : i32 to index
          %get3A_38 = arith.constant 0 : index
          %get3A_39 = tpu.vector_load %arg9[%get3A, %get3A_38] {strides = array<i32>} : memref<1024x32xf32, #tpu.memory_space<vmem>>, vector<1x16xf32>,
          %get3A_40 = vector.shape_cast %get3A_39 : vector<1x16xf32> to vector<16xf32>
          %get3A_41 = arith.index_cast %add3A_37 : i32 to index
          %get3A_42 = arith.constant 0 : index
          %get3A_43 = tpu.vector_load %arg10[%get3A_41, %get3A_42] {strides = array<i32>} : memref<1024x32xf32, #tpu.memory_space<vmem>>, vector<1x16xf32>,
          %get3A_44 = vector.shape_cast %get3A_43 : vector<1x16xf32> to vector<16xf32>
          %add3A_45 = arith.addf %get3A_40, %get3A_44 : vector<16xf32>
          %swap3A = arith.index_cast %add3A_37 : i32 to index
          %swap3A_46 = arith.constant 0 : index
          %swap3A_47 = tpu.vector_load %arg9[%swap3A, %swap3A_46] {strides = array<i32>} : memref<1024x32xf32, #tpu.memory_space<vmem>>, vector<1x16xf32>,
          %swap3A_48 = vector.shape_cast %swap3A_47 : vector<1x16xf32> to vector<16xf32>
          %swap3A_49 = vector.shape_cast %add3A_45 : vector<16xf32> to vector<1x16xf32>
          tpu.vector_store %arg9[%swap3A, %swap3A_46], %swap3A_49 {strides = array<i32>} : memref<1024x32xf32, #tpu.memory_space<vmem>>, vector<1x16xf32>,
          %get3A_50 = arith.index_cast %add3A_37 : i32 to index
          %get3A_51 = arith.constant 16 : index
          %get3A_52 = tpu.vector_load %arg9[%get3A_50, %get3A_51] {strides = array<i32>} : memref<1024x32xf32, #tpu.memory_space<vmem>>, vector<1x16xf32>,
          %get3A_53 = vector.shape_cast %get3A_52 : vector<1x16xf32> to vector<16xf32>
          %get3A_54 = arith.index_cast %add3A_37 : i32 to index
          %get3A_55 = arith.constant 16 : index
          %get3A_56 = tpu.vector_load %arg10[%get3A_54, %get3A_55] {strides = array<i32>} : memref<1024x32xf32, #tpu.memory_space<vmem>>, vector<1x16xf32>,
          %get3A_57 = vector.shape_cast %get3A_56 : vector<1x16xf32> to vector<16xf32>
          %add3A_58 = arith.addf %get3A_53, %get3A_57 : vector<16xf32>
          %swap3A_59 = arith.index_cast %add3A_37 : i32 to index
          %swap3A_60 = arith.constant 16 : index
          %swap3A_61 = tpu.vector_load %arg9[%swap3A_59, %swap3A_60] {strides = array<i32>} : memref<1024x32xf32, #tpu.memory_space<vmem>>, vector<1x16xf32>,
          %swap3A_62 = vector.shape_cast %swap3A_61 : vector<1x16xf32> to vector<16xf32>
          %swap3A_63 = vector.shape_cast %add3A_58 : vector<16xf32> to vector<1x16xf32>
          tpu.vector_store %arg9[%swap3A_59, %swap3A_60], %swap3A_63 {strides = array<i32>} : memref<1024x32xf32, #tpu.memory_space<vmem>>, vector<1x16xf32>,
        }
        %scan3A_30 = arith.constant 1024 : i32
        %mul3A_31 = arith.constant 1024 : i32
        %mul3A_32 = arith.muli %add3A_9, %mul3A_31 : i32
        "tpu.region"() ({
          %run_scoped3A = tpu.sem_alloc : memref<!tpu.dma_semaphore, #tpu.memory_space<semaphore_mem>>
          %dma_start3A_33 = arith.constant 0 : i32
          %dma_start3A_34 = tpu.memref_slice %arg6[%arg0, %mul3A_32, %dma_start3A_33] : memref<2x200704x32xf32, #tpu.memory_space<hbm>> -> memref<1x1024x32xf32, #tpu.memory_space<hbm>>
          %dma_start3A_35 = tpu.memref_squeeze %dma_start3A_34 : memref<1x1024x32xf32, #tpu.memory_space<hbm>> -> memref<1024x32xf32, #tpu.memory_space<hbm>>
          %dma_start3A_36 = arith.constant 0 : i32
          %dma_start3A_37 = tpu.memref_slice %arg6[%arg0, %mul3A_32, %dma_start3A_36] : memref<2x200704x32xf32, #tpu.memory_space<hbm>> -> memref<1x1024x32xf32, #tpu.memory_space<hbm>>
          %dma_start3A_38 = tpu.memref_squeeze %dma_start3A_37 : memref<1x1024x32xf32, #tpu.memory_space<hbm>> -> memref<1024x32xf32, #tpu.memory_space<hbm>>
          tpu.enqueue_dma source(%arg9 : memref<1024x32xf32, #tpu.memory_space<vmem>>) target(%dma_start3A_38 : memref<1024x32xf32, #tpu.memory_space<hbm>>) target_semaphore(%run_scoped3A : memref<!tpu.dma_semaphore, #tpu.memory_space<semaphore_mem>>)
          %dma_wait3A_39 = arith.constant 0 : i32
          %dma_wait3A_40 = tpu.memref_slice %arg6[%arg0, %mul3A_32, %dma_wait3A_39] : memref<2x200704x32xf32, #tpu.memory_space<hbm>> -> memref<1x1024x32xf32, #tpu.memory_space<hbm>>
          %dma_wait3A_41 = tpu.memref_squeeze %dma_wait3A_40 : memref<1x1024x32xf32, #tpu.memory_space<hbm>> -> memref<1024x32xf32, #tpu.memory_space<hbm>>
          %dma_wait3A_42 = arith.constant 0 : i32
          %dma_wait3A_43 = tpu.memref_slice %arg6[%arg0, %mul3A_32, %dma_wait3A_42] : memref<2x200704x32xf32, #tpu.memory_space<hbm>> -> memref<1x1024x32xf32, #tpu.memory_space<hbm>>
          %dma_wait3A_44 = tpu.memref_squeeze %dma_wait3A_43 : memref<1x1024x32xf32, #tpu.memory_space<hbm>> -> memref<1024x32xf32, #tpu.memory_space<hbm>>
          tpu.wait_dma2 semaphore(%run_scoped3A : memref<!tpu.dma_semaphore, #tpu.memory_space<semaphore_mem>>) src(%arg9 : memref<1024x32xf32, #tpu.memory_space<vmem>>) dst(%dma_wait3A_44 : memref<1024x32xf32, #tpu.memory_space<hbm>>)
          tpu.yield
        }) : () -> ()
      } else {
      }
    }
    %scan3A_3 = arith.constant 13 : i32
    return
  }
}

module attributes {stable_mosaic.version = 14 : i64} {
  func.func @_proj_body(%arg0: i32, %arg1: memref<2000x128xf32, #tpu.memory_space<vmem>>, %arg2: memref<128x64xf32, #tpu.memory_space<vmem>>, %arg3: memref<1x64xf32, #tpu.memory_space<vmem>>, %arg4: memref<4x2000x16xf32, #tpu.memory_space<vmem>>) attributes {dimension_semantics = [#tpu.dimension_semantics<arbitrary>], iteration_bounds = array<i64: 25>, scalar_prefetch = 0 : i64, scratch_operands = 0 : i64, tpu.core_type = #tpu.core_type<tc>, window_params = [{transform_indices = @transform_0, window_bounds = array<i64: 2000, 128>}, {pipeline_mode = #tpu.pipeline_mode<synchronous>, transform_indices = @transform_1, window_bounds = array<i64: 128, 64>}, {pipeline_mode = #tpu.pipeline_mode<synchronous>, transform_indices = @transform_2, window_bounds = array<i64: 1, 64>}, {transform_indices = @transform_3, window_bounds = array<i64: 4, 2000, 16>}]} {
    %get3A = arith.constant 0 : index
    %get3A_0 = arith.constant 0 : index
    %get3A_1 = vector.load %arg1[%get3A, %get3A_0] : memref<2000x128xf32, #tpu.memory_space<vmem>>, vector<2000x128xf32>
    %get3A_2 = arith.constant 0 : index
    %get3A_3 = arith.constant 0 : index
    %get3A_4 = vector.load %arg2[%get3A_2, %get3A_3] : memref<128x64xf32, #tpu.memory_space<vmem>>, vector<128x64xf32>
    %dot_general3A = arith.constant dense<0.000000e+00> : vector<2000x64xf32>
    %dot_general3A_5 = tpu.matmul %get3A_1, %get3A_4, %dot_general3A {dimension_numbers = #tpu.dot_dimension_numbers<[1], [0], [0], [1], [0, 0, 1, 1], [], []>, transpose_lhs_hint = false} : vector<2000x128xf32>, vector<128x64xf32>, vector<2000x64xf32> -> vector<2000x64xf32>
    %get3A_6 = arith.constant 0 : index
    %get3A_7 = arith.constant 0 : index
    %get3A_8 = vector.load %arg3[%get3A_6, %get3A_7] : memref<1x64xf32, #tpu.memory_space<vmem>>, vector<1x64xf32>
    %add3A = vector.broadcast %get3A_8 : vector<1x64xf32> to vector<2000x64xf32>
    %add3A_9 = arith.addf %dot_general3A_5, %add3A : vector<2000x64xf32>
    %max3A = arith.constant 0.000000e+00 : f32
    %max3A_10 = vector.broadcast %max3A : f32 to vector<2000x64xf32>
    %max3A_11 = arith.maximumf %add3A_9, %max3A_10 : vector<2000x64xf32>
    %slice3A = vector.extract_strided_slice %max3A_11 {offsets = [0, 0], sizes = [2000, 16], strides = [1, 1]} : vector<2000x64xf32> to vector<2000x16xf32>
    %swap3A = arith.constant 0 : index
    %swap3A_12 = arith.constant 0 : index
    %swap3A_13 = arith.constant 0 : index
    %swap3A_14 = vector.load %arg4[%swap3A, %swap3A_12, %swap3A_13] : memref<4x2000x16xf32, #tpu.memory_space<vmem>>, vector<1x2000x16xf32>
    %swap3A_15 = vector.shape_cast %swap3A_14 : vector<1x2000x16xf32> to vector<2000x16xf32>
    %swap3A_16 = vector.shape_cast %slice3A : vector<2000x16xf32> to vector<1x2000x16xf32>
    tpu.vector_store %arg4[%swap3A, %swap3A_12, %swap3A_13], %swap3A_16 {strides = array<i32>} : memref<4x2000x16xf32, #tpu.memory_space<vmem>>, vector<1x2000x16xf32>,
    %slice3A_17 = vector.extract_strided_slice %max3A_11 {offsets = [0, 16], sizes = [2000, 16], strides = [1, 1]} : vector<2000x64xf32> to vector<2000x16xf32>
    %swap3A_18 = arith.constant 1 : index
    %swap3A_19 = arith.constant 0 : index
    %swap3A_20 = arith.constant 0 : index
    %swap3A_21 = vector.load %arg4[%swap3A_18, %swap3A_19, %swap3A_20] : memref<4x2000x16xf32, #tpu.memory_space<vmem>>, vector<1x2000x16xf32>
    %swap3A_22 = vector.shape_cast %swap3A_21 : vector<1x2000x16xf32> to vector<2000x16xf32>
    %swap3A_23 = vector.shape_cast %slice3A_17 : vector<2000x16xf32> to vector<1x2000x16xf32>
    tpu.vector_store %arg4[%swap3A_18, %swap3A_19, %swap3A_20], %swap3A_23 {strides = array<i32>} : memref<4x2000x16xf32, #tpu.memory_space<vmem>>, vector<1x2000x16xf32>,
    %slice3A_24 = vector.extract_strided_slice %max3A_11 {offsets = [0, 32], sizes = [2000, 16], strides = [1, 1]} : vector<2000x64xf32> to vector<2000x16xf32>
    %swap3A_25 = arith.constant 2 : index
    %swap3A_26 = arith.constant 0 : index
    %swap3A_27 = arith.constant 0 : index
    %swap3A_28 = vector.load %arg4[%swap3A_25, %swap3A_26, %swap3A_27] : memref<4x2000x16xf32, #tpu.memory_space<vmem>>, vector<1x2000x16xf32>
    %swap3A_29 = vector.shape_cast %swap3A_28 : vector<1x2000x16xf32> to vector<2000x16xf32>
    %swap3A_30 = vector.shape_cast %slice3A_24 : vector<2000x16xf32> to vector<1x2000x16xf32>
    tpu.vector_store %arg4[%swap3A_25, %swap3A_26, %swap3A_27], %swap3A_30 {strides = array<i32>} : memref<4x2000x16xf32, #tpu.memory_space<vmem>>, vector<1x2000x16xf32>,
    %slice3A_31 = vector.extract_strided_slice %max3A_11 {offsets = [0, 48], sizes = [2000, 16], strides = [1, 1]} : vector<2000x64xf32> to vector<2000x16xf32>
    %swap3A_32 = arith.constant 3 : index
    %swap3A_33 = arith.constant 0 : index
    %swap3A_34 = arith.constant 0 : index
    %swap3A_35 = vector.load %arg4[%swap3A_32, %swap3A_33, %swap3A_34] : memref<4x2000x16xf32, #tpu.memory_space<vmem>>, vector<1x2000x16xf32>
    %swap3A_36 = vector.shape_cast %swap3A_35 : vector<1x2000x16xf32> to vector<2000x16xf32>
    %swap3A_37 = vector.shape_cast %slice3A_31 : vector<2000x16xf32> to vector<1x2000x16xf32>
    tpu.vector_store %arg4[%swap3A_32, %swap3A_33, %swap3A_34], %swap3A_37 {strides = array<i32>} : memref<4x2000x16xf32, #tpu.memory_space<vmem>>, vector<1x2000x16xf32>,
    return
  }
  func.func @transform_0(%arg0: i32) -> (i32, i32) {
    %c0_i32 = arith.constant 0 : i32
    %c0_i32_0 = arith.constant 0 : i32
    return %arg0, %c0_i32 : i32, i32
  }
  func.func @transform_1(%arg0: i32) -> (i32, i32) {
    %c0_i32 = arith.constant 0 : i32
    %c0_i32_0 = arith.constant 0 : i32
    %c0_i32_1 = arith.constant 0 : i32
    return %c0_i32, %c0_i32_0 : i32, i32
  }
  func.func @transform_2(%arg0: i32) -> (i32, i32) {
    %c0_i32 = arith.constant 0 : i32
    %c0_i32_0 = arith.constant 0 : i32
    %c0_i32_1 = arith.constant 0 : i32
    return %c0_i32, %c0_i32_0 : i32, i32
  }
  func.func @transform_3(%arg0: i32) -> (i32, i32, i32) {
    %c0_i32 = arith.constant 0 : i32
    %c0_i32_0 = arith.constant 0 : i32
    %c0_i32_1 = arith.constant 0 : i32
    return %c0_i32, %arg0, %c0_i32_0 : i32, i32, i32
  }
}

module attributes {stable_mosaic.version = 14 : i64} {
  func.func @_split_body(%arg0: i32, %arg1: memref<2000x64xf32, #tpu.memory_space<vmem>>, %arg2: memref<4x2000x16xf32, #tpu.memory_space<vmem>>) attributes {dimension_semantics = [#tpu.dimension_semantics<arbitrary>], iteration_bounds = array<i64: 25>, scalar_prefetch = 0 : i64, scratch_operands = 0 : i64, tpu.core_type = #tpu.core_type<tc>, window_params = [{transform_indices = @transform_0, window_bounds = array<i64: 2000, 64>}, {transform_indices = @transform_1, window_bounds = array<i64: 4, 2000, 16>}]} {
    %get3A = arith.constant 0 : index
    %get3A_0 = arith.constant 0 : index
    %get3A_1 = vector.load %arg1[%get3A, %get3A_0] : memref<2000x64xf32, #tpu.memory_space<vmem>>, vector<2000x16xf32>
    %swap3A = arith.constant 0 : index
    %swap3A_2 = arith.constant 0 : index
    %swap3A_3 = arith.constant 0 : index
    %swap3A_4 = vector.load %arg2[%swap3A, %swap3A_2, %swap3A_3] : memref<4x2000x16xf32, #tpu.memory_space<vmem>>, vector<1x2000x16xf32>
    %swap3A_5 = vector.shape_cast %swap3A_4 : vector<1x2000x16xf32> to vector<2000x16xf32>
    %swap3A_6 = vector.shape_cast %get3A_1 : vector<2000x16xf32> to vector<1x2000x16xf32>
    tpu.vector_store %arg2[%swap3A, %swap3A_2, %swap3A_3], %swap3A_6 {strides = array<i32>} : memref<4x2000x16xf32, #tpu.memory_space<vmem>>, vector<1x2000x16xf32>,
    %get3A_7 = arith.constant 0 : index
    %get3A_8 = arith.constant 16 : index
    %get3A_9 = vector.load %arg1[%get3A_7, %get3A_8] : memref<2000x64xf32, #tpu.memory_space<vmem>>, vector<2000x16xf32>
    %swap3A_10 = arith.constant 1 : index
    %swap3A_11 = arith.constant 0 : index
    %swap3A_12 = arith.constant 0 : index
    %swap3A_13 = vector.load %arg2[%swap3A_10, %swap3A_11, %swap3A_12] : memref<4x2000x16xf32, #tpu.memory_space<vmem>>, vector<1x2000x16xf32>
    %swap3A_14 = vector.shape_cast %swap3A_13 : vector<1x2000x16xf32> to vector<2000x16xf32>
    %swap3A_15 = vector.shape_cast %get3A_9 : vector<2000x16xf32> to vector<1x2000x16xf32>
    tpu.vector_store %arg2[%swap3A_10, %swap3A_11, %swap3A_12], %swap3A_15 {strides = array<i32>} : memref<4x2000x16xf32, #tpu.memory_space<vmem>>, vector<1x2000x16xf32>,
    %get3A_16 = arith.constant 0 : index
    %get3A_17 = arith.constant 32 : index
    %get3A_18 = vector.load %arg1[%get3A_16, %get3A_17] : memref<2000x64xf32, #tpu.memory_space<vmem>>, vector<2000x16xf32>
    %swap3A_19 = arith.constant 2 : index
    %swap3A_20 = arith.constant 0 : index
    %swap3A_21 = arith.constant 0 : index
    %swap3A_22 = vector.load %arg2[%swap3A_19, %swap3A_20, %swap3A_21] : memref<4x2000x16xf32, #tpu.memory_space<vmem>>, vector<1x2000x16xf32>
    %swap3A_23 = vector.shape_cast %swap3A_22 : vector<1x2000x16xf32> to vector<2000x16xf32>
    %swap3A_24 = vector.shape_cast %get3A_18 : vector<2000x16xf32> to vector<1x2000x16xf32>
    tpu.vector_store %arg2[%swap3A_19, %swap3A_20, %swap3A_21], %swap3A_24 {strides = array<i32>} : memref<4x2000x16xf32, #tpu.memory_space<vmem>>, vector<1x2000x16xf32>,
    %get3A_25 = arith.constant 0 : index
    %get3A_26 = arith.constant 48 : index
    %get3A_27 = vector.load %arg1[%get3A_25, %get3A_26] : memref<2000x64xf32, #tpu.memory_space<vmem>>, vector<2000x16xf32>
    %swap3A_28 = arith.constant 3 : index
    %swap3A_29 = arith.constant 0 : index
    %swap3A_30 = arith.constant 0 : index
    %swap3A_31 = vector.load %arg2[%swap3A_28, %swap3A_29, %swap3A_30] : memref<4x2000x16xf32, #tpu.memory_space<vmem>>, vector<1x2000x16xf32>
    %swap3A_32 = vector.shape_cast %swap3A_31 : vector<1x2000x16xf32> to vector<2000x16xf32>
    %swap3A_33 = vector.shape_cast %get3A_27 : vector<2000x16xf32> to vector<1x2000x16xf32>
    tpu.vector_store %arg2[%swap3A_28, %swap3A_29, %swap3A_30], %swap3A_33 {strides = array<i32>} : memref<4x2000x16xf32, #tpu.memory_space<vmem>>, vector<1x2000x16xf32>,
    return
  }
  func.func @transform_0(%arg0: i32) -> (i32, i32) {
    %c0_i32 = arith.constant 0 : i32
    %c0_i32_0 = arith.constant 0 : i32
    return %arg0, %c0_i32 : i32, i32
  }
  func.func @transform_1(%arg0: i32) -> (i32, i32, i32) {
    %c0_i32 = arith.constant 0 : i32
    %c0_i32_0 = arith.constant 0 : i32
    %c0_i32_1 = arith.constant 0 : i32
    return %c0_i32, %arg0, %c0_i32_0 : i32, i32, i32
  }
}

module attributes {stable_mosaic.version = 14 : i64} {
  func.func @_conv1_body(%arg0: i32, %arg1: memref<2x2x2000x16xf32, #tpu.memory_space<vmem>>, %arg2: memref<2000x1xf32, #tpu.memory_space<vmem>>, %arg3: memref<4x2000x16xf32, #tpu.memory_space<vmem>>, %arg4: memref<64x64xf32, #tpu.memory_space<vmem>>, %arg5: memref<1x64xf32, #tpu.memory_space<vmem>>, %arg6: memref<64x64xf32, #tpu.memory_space<vmem>>, %arg7: memref<4x2000x16xf32, #tpu.memory_space<vmem>>) attributes {dimension_semantics = [#tpu.dimension_semantics<arbitrary>], iteration_bounds = array<i64: 25>, scalar_prefetch = 0 : i64, scratch_operands = 0 : i64, tpu.core_type = #tpu.core_type<tc>, window_params = [{transform_indices = @transform_0, window_bounds = array<i64: 2, 2, 2000, 16>}, {transform_indices = @transform_1, window_bounds = array<i64: 2000, 1>}, {transform_indices = @transform_2, window_bounds = array<i64: 4, 2000, 16>}, {pipeline_mode = #tpu.pipeline_mode<synchronous>, transform_indices = @transform_3, window_bounds = array<i64: 64, 64>}, {pipeline_mode = #tpu.pipeline_mode<synchronous>, transform_indices = @transform_4, window_bounds = array<i64: 1, 64>}, {pipeline_mode = #tpu.pipeline_mode<synchronous>, transform_indices = @transform_5, window_bounds = array<i64: 64, 64>}, {transform_indices = @transform_6, window_bounds = array<i64: 4, 2000, 16>}]} {
    %get3A = arith.constant 0 : index
    %get3A_0 = arith.constant 0 : index
    %get3A_1 = vector.load %arg4[%get3A, %get3A_0] : memref<64x64xf32, #tpu.memory_space<vmem>>, vector<64x64xf32>
    %get3A_2 = arith.constant 0 : index
    %get3A_3 = arith.constant 0 : index
    %get3A_4 = vector.load %arg5[%get3A_2, %get3A_3] : memref<1x64xf32, #tpu.memory_space<vmem>>, vector<1x64xf32>
    %get3A_5 = arith.constant 0 : index
    %get3A_6 = arith.constant 0 : index
    %get3A_7 = vector.load %arg6[%get3A_5, %get3A_6] : memref<64x64xf32, #tpu.memory_space<vmem>>, vector<64x64xf32>
    %get3A_8 = arith.constant 0 : index
    %get3A_9 = arith.constant 0 : index
    %get3A_10 = vector.load %arg2[%get3A_8, %get3A_9] : memref<2000x1xf32, #tpu.memory_space<vmem>>, vector<2000x1xf32>
    %max3A = arith.constant 1.000000e+00 : f32
    %max3A_11 = vector.broadcast %max3A : f32 to vector<2000x1xf32>
    %max3A_12 = arith.maximumf %get3A_10, %max3A_11 : vector<2000x1xf32>
    %div3A = arith.constant 1.000000e+00 : f32
    %div3A_13 = vector.broadcast %div3A : f32 to vector<2000x1xf32>
    %div3A_14 = arith.divf %div3A_13, %max3A_12 : vector<2000x1xf32>
    %get3A_15 = arith.constant 0 : index
    %get3A_16 = arith.constant 0 : index
    %get3A_17 = arith.constant 0 : index
    %get3A_18 = arith.constant 0 : index
    %get3A_19 = vector.load %arg1[%get3A_15, %get3A_16, %get3A_17, %get3A_18] : memref<2x2x2000x16xf32, #tpu.memory_space<vmem>>, vector<1x1x2000x16xf32>
    %get3A_20 = vector.shape_cast %get3A_19 : vector<1x1x2000x16xf32> to vector<2000x16xf32>
    %mul3A = vector.broadcast %div3A_14 : vector<2000x1xf32> to vector<2000x16xf32>
    %mul3A_21 = arith.mulf %get3A_20, %mul3A : vector<2000x16xf32>
    %slice3A = vector.extract_strided_slice %get3A_1 {offsets = [0, 0], sizes = [16, 64], strides = [1, 1]} : vector<64x64xf32> to vector<16x64xf32>
    %dot_general3A = arith.constant dense<0.000000e+00> : vector<2000x64xf32>
    %dot_general3A_22 = tpu.matmul %mul3A_21, %slice3A, %dot_general3A {dimension_numbers = #tpu.dot_dimension_numbers<[1], [0], [0], [1], [0, 0, 1, 1], [], []>, transpose_lhs_hint = false} : vector<2000x16xf32>, vector<16x64xf32>, vector<2000x64xf32> -> vector<2000x64xf32>
    %add3A = vector.broadcast %get3A_4 : vector<1x64xf32> to vector<2000x64xf32>
    %add3A_23 = arith.addf %add3A, %dot_general3A_22 : vector<2000x64xf32>
    %get3A_24 = arith.constant 0 : index
    %get3A_25 = arith.constant 0 : index
    %get3A_26 = arith.constant 0 : index
    %get3A_27 = vector.load %arg3[%get3A_24, %get3A_25, %get3A_26] : memref<4x2000x16xf32, #tpu.memory_space<vmem>>, vector<1x2000x16xf32>
    %get3A_28 = vector.shape_cast %get3A_27 : vector<1x2000x16xf32> to vector<2000x16xf32>
    %slice3A_29 = vector.extract_strided_slice %get3A_7 {offsets = [0, 0], sizes = [16, 64], strides = [1, 1]} : vector<64x64xf32> to vector<16x64xf32>
    %dot_general3A_30 = arith.constant dense<0.000000e+00> : vector<2000x64xf32>
    %dot_general3A_31 = tpu.matmul %get3A_28, %slice3A_29, %dot_general3A_30 {dimension_numbers = #tpu.dot_dimension_numbers<[1], [0], [0], [1], [0, 0, 1, 1], [], []>, transpose_lhs_hint = false} : vector<2000x16xf32>, vector<16x64xf32>, vector<2000x64xf32> -> vector<2000x64xf32>
    %add3A_32 = arith.addf %add3A_23, %dot_general3A_31 : vector<2000x64xf32>
    %get3A_33 = arith.constant 0 : index
    %get3A_34 = arith.constant 1 : index
    %get3A_35 = arith.constant 0 : index
    %get3A_36 = arith.constant 0 : index
    %get3A_37 = vector.load %arg1[%get3A_33, %get3A_34, %get3A_35, %get3A_36] : memref<2x2x2000x16xf32, #tpu.memory_space<vmem>>, vector<1x1x2000x16xf32>
    %get3A_38 = vector.shape_cast %get3A_37 : vector<1x1x2000x16xf32> to vector<2000x16xf32>
    %mul3A_39 = vector.broadcast %div3A_14 : vector<2000x1xf32> to vector<2000x16xf32>
    %mul3A_40 = arith.mulf %get3A_38, %mul3A_39 : vector<2000x16xf32>
    %slice3A_41 = vector.extract_strided_slice %get3A_1 {offsets = [16, 0], sizes = [16, 64], strides = [1, 1]} : vector<64x64xf32> to vector<16x64xf32>
    %dot_general3A_42 = arith.constant dense<0.000000e+00> : vector<2000x64xf32>
    %dot_general3A_43 = tpu.matmul %mul3A_40, %slice3A_41, %dot_general3A_42 {dimension_numbers = #tpu.dot_dimension_numbers<[1], [0], [0], [1], [0, 0, 1, 1], [], []>, transpose_lhs_hint = false} : vector<2000x16xf32>, vector<16x64xf32>, vector<2000x64xf32> -> vector<2000x64xf32>
    %add3A_44 = arith.addf %add3A_32, %dot_general3A_43 : vector<2000x64xf32>
    %get3A_45 = arith.constant 1 : index
    %get3A_46 = arith.constant 0 : index
    %get3A_47 = arith.constant 0 : index
    %get3A_48 = vector.load %arg3[%get3A_45, %get3A_46, %get3A_47] : memref<4x2000x16xf32, #tpu.memory_space<vmem>>, vector<1x2000x16xf32>
    %get3A_49 = vector.shape_cast %get3A_48 : vector<1x2000x16xf32> to vector<2000x16xf32>
    %slice3A_50 = vector.extract_strided_slice %get3A_7 {offsets = [16, 0], sizes = [16, 64], strides = [1, 1]} : vector<64x64xf32> to vector<16x64xf32>
    %dot_general3A_51 = arith.constant dense<0.000000e+00> : vector<2000x64xf32>
    %dot_general3A_52 = tpu.matmul %get3A_49, %slice3A_50, %dot_general3A_51 {dimension_numbers = #tpu.dot_dimension_numbers<[1], [0], [0], [1], [0, 0, 1, 1], [], []>, transpose_lhs_hint = false} : vector<2000x16xf32>, vector<16x64xf32>, vector<2000x64xf32> -> vector<2000x64xf32>
    %add3A_53 = arith.addf %add3A_44, %dot_general3A_52 : vector<2000x64xf32>
    %get3A_54 = arith.constant 1 : index
    %get3A_55 = arith.constant 0 : index
    %get3A_56 = arith.constant 0 : index
    %get3A_57 = arith.constant 0 : index
    %get3A_58 = vector.load %arg1[%get3A_54, %get3A_55, %get3A_56, %get3A_57] : memref<2x2x2000x16xf32, #tpu.memory_space<vmem>>, vector<1x1x2000x16xf32>
    %get3A_59 = vector.shape_cast %get3A_58 : vector<1x1x2000x16xf32> to vector<2000x16xf32>
    %mul3A_60 = vector.broadcast %div3A_14 : vector<2000x1xf32> to vector<2000x16xf32>
    %mul3A_61 = arith.mulf %get3A_59, %mul3A_60 : vector<2000x16xf32>
    %slice3A_62 = vector.extract_strided_slice %get3A_1 {offsets = [32, 0], sizes = [16, 64], strides = [1, 1]} : vector<64x64xf32> to vector<16x64xf32>
    %dot_general3A_63 = arith.constant dense<0.000000e+00> : vector<2000x64xf32>
    %dot_general3A_64 = tpu.matmul %mul3A_61, %slice3A_62, %dot_general3A_63 {dimension_numbers = #tpu.dot_dimension_numbers<[1], [0], [0], [1], [0, 0, 1, 1], [], []>, transpose_lhs_hint = false} : vector<2000x16xf32>, vector<16x64xf32>, vector<2000x64xf32> -> vector<2000x64xf32>
    %add3A_65 = arith.addf %add3A_53, %dot_general3A_64 : vector<2000x64xf32>
    %get3A_66 = arith.constant 2 : index
    %get3A_67 = arith.constant 0 : index
    %get3A_68 = arith.constant 0 : index
    %get3A_69 = vector.load %arg3[%get3A_66, %get3A_67, %get3A_68] : memref<4x2000x16xf32, #tpu.memory_space<vmem>>, vector<1x2000x16xf32>
    %get3A_70 = vector.shape_cast %get3A_69 : vector<1x2000x16xf32> to vector<2000x16xf32>
    %slice3A_71 = vector.extract_strided_slice %get3A_7 {offsets = [32, 0], sizes = [16, 64], strides = [1, 1]} : vector<64x64xf32> to vector<16x64xf32>
    %dot_general3A_72 = arith.constant dense<0.000000e+00> : vector<2000x64xf32>
    %dot_general3A_73 = tpu.matmul %get3A_70, %slice3A_71, %dot_general3A_72 {dimension_numbers = #tpu.dot_dimension_numbers<[1], [0], [0], [1], [0, 0, 1, 1], [], []>, transpose_lhs_hint = false} : vector<2000x16xf32>, vector<16x64xf32>, vector<2000x64xf32> -> vector<2000x64xf32>
    %add3A_74 = arith.addf %add3A_65, %dot_general3A_73 : vector<2000x64xf32>
    %get3A_75 = arith.constant 1 : index
    %get3A_76 = arith.constant 1 : index
    %get3A_77 = arith.constant 0 : index
    %get3A_78 = arith.constant 0 : index
    %get3A_79 = vector.load %arg1[%get3A_75, %get3A_76, %get3A_77, %get3A_78] : memref<2x2x2000x16xf32, #tpu.memory_space<vmem>>, vector<1x1x2000x16xf32>
    %get3A_80 = vector.shape_cast %get3A_79 : vector<1x1x2000x16xf32> to vector<2000x16xf32>
    %mul3A_81 = vector.broadcast %div3A_14 : vector<2000x1xf32> to vector<2000x16xf32>
    %mul3A_82 = arith.mulf %get3A_80, %mul3A_81 : vector<2000x16xf32>
    %slice3A_83 = vector.extract_strided_slice %get3A_1 {offsets = [48, 0], sizes = [16, 64], strides = [1, 1]} : vector<64x64xf32> to vector<16x64xf32>
    %dot_general3A_84 = arith.constant dense<0.000000e+00> : vector<2000x64xf32>
    %dot_general3A_85 = tpu.matmul %mul3A_82, %slice3A_83, %dot_general3A_84 {dimension_numbers = #tpu.dot_dimension_numbers<[1], [0], [0], [1], [0, 0, 1, 1], [], []>, transpose_lhs_hint = false} : vector<2000x16xf32>, vector<16x64xf32>, vector<2000x64xf32> -> vector<2000x64xf32>
    %add3A_86 = arith.addf %add3A_74, %dot_general3A_85 : vector<2000x64xf32>
    %get3A_87 = arith.constant 3 : index
    %get3A_88 = arith.constant 0 : index
    %get3A_89 = arith.constant 0 : index
    %get3A_90 = vector.load %arg3[%get3A_87, %get3A_88, %get3A_89] : memref<4x2000x16xf32, #tpu.memory_space<vmem>>, vector<1x2000x16xf32>
    %get3A_91 = vector.shape_cast %get3A_90 : vector<1x2000x16xf32> to vector<2000x16xf32>
    %slice3A_92 = vector.extract_strided_slice %get3A_7 {offsets = [48, 0], sizes = [16, 64], strides = [1, 1]} : vector<64x64xf32> to vector<16x64xf32>
    %dot_general3A_93 = arith.constant dense<0.000000e+00> : vector<2000x64xf32>
    %dot_general3A_94 = tpu.matmul %get3A_91, %slice3A_92, %dot_general3A_93 {dimension_numbers = #tpu.dot_dimension_numbers<[1], [0], [0], [1], [0, 0, 1, 1], [], []>, transpose_lhs_hint = false} : vector<2000x16xf32>, vector<16x64xf32>, vector<2000x64xf32> -> vector<2000x64xf32>
    %add3A_95 = arith.addf %add3A_86, %dot_general3A_94 : vector<2000x64xf32>
    %max3A_96 = arith.constant 0.000000e+00 : f32
    %max3A_97 = vector.broadcast %max3A_96 : f32 to vector<2000x64xf32>
    %max3A_98 = arith.maximumf %add3A_95, %max3A_97 : vector<2000x64xf32>
    %get3A_99 = arith.constant 0 : index
    %get3A_100 = arith.constant 0 : index
    %get3A_101 = arith.constant 0 : index
    %get3A_102 = vector.load %arg3[%get3A_99, %get3A_100, %get3A_101] : memref<4x2000x16xf32, #tpu.memory_space<vmem>>, vector<1x2000x16xf32>
    %get3A_103 = vector.shape_cast %get3A_102 : vector<1x2000x16xf32> to vector<2000x16xf32>
    %slice3A_104 = vector.extract_strided_slice %max3A_98 {offsets = [0, 0], sizes = [2000, 16], strides = [1, 1]} : vector<2000x64xf32> to vector<2000x16xf32>
    %add3A_105 = arith.addf %get3A_103, %slice3A_104 : vector<2000x16xf32>
    %swap3A = arith.constant 0 : index
    %swap3A_106 = arith.constant 0 : index
    %swap3A_107 = arith.constant 0 : index
    %swap3A_108 = vector.load %arg7[%swap3A, %swap3A_106, %swap3A_107] : memref<4x2000x16xf32, #tpu.memory_space<vmem>>, vector<1x2000x16xf32>
    %swap3A_109 = vector.shape_cast %swap3A_108 : vector<1x2000x16xf32> to vector<2000x16xf32>
    %swap3A_110 = vector.shape_cast %add3A_105 : vector<2000x16xf32> to vector<1x2000x16xf32>
    tpu.vector_store %arg7[%swap3A, %swap3A_106, %swap3A_107], %swap3A_110 {strides = array<i32>} : memref<4x2000x16xf32, #tpu.memory_space<vmem>>, vector<1x2000x16xf32>,
    %get3A_111 = arith.constant 1 : index
    %get3A_112 = arith.constant 0 : index
    %get3A_113 = arith.constant 0 : index
    %get3A_114 = vector.load %arg3[%get3A_111, %get3A_112, %get3A_113] : memref<4x2000x16xf32, #tpu.memory_space<vmem>>, vector<1x2000x16xf32>
    %get3A_115 = vector.shape_cast %get3A_114 : vector<1x2000x16xf32> to vector<2000x16xf32>
    %slice3A_116 = vector.extract_strided_slice %max3A_98 {offsets = [0, 16], sizes = [2000, 16], strides = [1, 1]} : vector<2000x64xf32> to vector<2000x16xf32>
    %add3A_117 = arith.addf %get3A_115, %slice3A_116 : vector<2000x16xf32>
    %swap3A_118 = arith.constant 1 : index
    %swap3A_119 = arith.constant 0 : index
    %swap3A_120 = arith.constant 0 : index
    %swap3A_121 = vector.load %arg7[%swap3A_118, %swap3A_119, %swap3A_120] : memref<4x2000x16xf32, #tpu.memory_space<vmem>>, vector<1x2000x16xf32>
    %swap3A_122 = vector.shape_cast %swap3A_121 : vector<1x2000x16xf32> to vector<2000x16xf32>
    %swap3A_123 = vector.shape_cast %add3A_117 : vector<2000x16xf32> to vector<1x2000x16xf32>
    tpu.vector_store %arg7[%swap3A_118, %swap3A_119, %swap3A_120], %swap3A_123 {strides = array<i32>} : memref<4x2000x16xf32, #tpu.memory_space<vmem>>, vector<1x2000x16xf32>,
    %get3A_124 = arith.constant 2 : index
    %get3A_125 = arith.constant 0 : index
    %get3A_126 = arith.constant 0 : index
    %get3A_127 = vector.load %arg3[%get3A_124, %get3A_125, %get3A_126] : memref<4x2000x16xf32, #tpu.memory_space<vmem>>, vector<1x2000x16xf32>
    %get3A_128 = vector.shape_cast %get3A_127 : vector<1x2000x16xf32> to vector<2000x16xf32>
    %slice3A_129 = vector.extract_strided_slice %max3A_98 {offsets = [0, 32], sizes = [2000, 16], strides = [1, 1]} : vector<2000x64xf32> to vector<2000x16xf32>
    %add3A_130 = arith.addf %get3A_128, %slice3A_129 : vector<2000x16xf32>
    %swap3A_131 = arith.constant 2 : index
    %swap3A_132 = arith.constant 0 : index
    %swap3A_133 = arith.constant 0 : index
    %swap3A_134 = vector.load %arg7[%swap3A_131, %swap3A_132, %swap3A_133] : memref<4x2000x16xf32, #tpu.memory_space<vmem>>, vector<1x2000x16xf32>
    %swap3A_135 = vector.shape_cast %swap3A_134 : vector<1x2000x16xf32> to vector<2000x16xf32>
    %swap3A_136 = vector.shape_cast %add3A_130 : vector<2000x16xf32> to vector<1x2000x16xf32>
    tpu.vector_store %arg7[%swap3A_131, %swap3A_132, %swap3A_133], %swap3A_136 {strides = array<i32>} : memref<4x2000x16xf32, #tpu.memory_space<vmem>>, vector<1x2000x16xf32>,
    %get3A_137 = arith.constant 3 : index
    %get3A_138 = arith.constant 0 : index
    %get3A_139 = arith.constant 0 : index
    %get3A_140 = vector.load %arg3[%get3A_137, %get3A_138, %get3A_139] : memref<4x2000x16xf32, #tpu.memory_space<vmem>>, vector<1x2000x16xf32>
    %get3A_141 = vector.shape_cast %get3A_140 : vector<1x2000x16xf32> to vector<2000x16xf32>
    %slice3A_142 = vector.extract_strided_slice %max3A_98 {offsets = [0, 48], sizes = [2000, 16], strides = [1, 1]} : vector<2000x64xf32> to vector<2000x16xf32>
    %add3A_143 = arith.addf %get3A_141, %slice3A_142 : vector<2000x16xf32>
    %swap3A_144 = arith.constant 3 : index
    %swap3A_145 = arith.constant 0 : index
    %swap3A_146 = arith.constant 0 : index
    %swap3A_147 = vector.load %arg7[%swap3A_144, %swap3A_145, %swap3A_146] : memref<4x2000x16xf32, #tpu.memory_space<vmem>>, vector<1x2000x16xf32>
    %swap3A_148 = vector.shape_cast %swap3A_147 : vector<1x2000x16xf32> to vector<2000x16xf32>
    %swap3A_149 = vector.shape_cast %add3A_143 : vector<2000x16xf32> to vector<1x2000x16xf32>
    tpu.vector_store %arg7[%swap3A_144, %swap3A_145, %swap3A_146], %swap3A_149 {strides = array<i32>} : memref<4x2000x16xf32, #tpu.memory_space<vmem>>, vector<1x2000x16xf32>,
    return
  }
  func.func @transform_0(%arg0: i32) -> (i32, i32, i32, i32) {
    %c0_i32 = arith.constant 0 : i32
    %c0_i32_0 = arith.constant 0 : i32
    %c0_i32_1 = arith.constant 0 : i32
    %c0_i32_2 = arith.constant 0 : i32
    return %c0_i32, %c0_i32_0, %arg0, %c0_i32_1 : i32, i32, i32, i32
  }
  func.func @transform_1(%arg0: i32) -> (i32, i32) {
    %c0_i32 = arith.constant 0 : i32
    %c0_i32_0 = arith.constant 0 : i32
    return %arg0, %c0_i32 : i32, i32
  }
  func.func @transform_2(%arg0: i32) -> (i32, i32, i32) {
    %c0_i32 = arith.constant 0 : i32
    %c0_i32_0 = arith.constant 0 : i32
    %c0_i32_1 = arith.constant 0 : i32
    return %c0_i32, %arg0, %c0_i32_0 : i32, i32, i32
  }
  func.func @transform_3(%arg0: i32) -> (i32, i32) {
    %c0_i32 = arith.constant 0 : i32
    %c0_i32_0 = arith.constant 0 : i32
    %c0_i32_1 = arith.constant 0 : i32
    return %c0_i32, %c0_i32_0 : i32, i32
  }
  func.func @transform_4(%arg0: i32) -> (i32, i32) {
    %c0_i32 = arith.constant 0 : i32
    %c0_i32_0 = arith.constant 0 : i32
    %c0_i32_1 = arith.constant 0 : i32
    return %c0_i32, %c0_i32_0 : i32, i32
  }
  func.func @transform_5(%arg0: i32) -> (i32, i32) {
    %c0_i32 = arith.constant 0 : i32
    %c0_i32_0 = arith.constant 0 : i32
    %c0_i32_1 = arith.constant 0 : i32
    return %c0_i32, %c0_i32_0 : i32, i32
  }
  func.func @transform_6(%arg0: i32) -> (i32, i32, i32) {
    %c0_i32 = arith.constant 0 : i32
    %c0_i32_0 = arith.constant 0 : i32
    %c0_i32_1 = arith.constant 0 : i32
    return %c0_i32, %arg0, %c0_i32_0 : i32, i32, i32
  }
}

module attributes {stable_mosaic.version = 14 : i64} {
  func.func @_conv2_body(%arg0: i32, %arg1: memref<2x2x2000x16xf32, #tpu.memory_space<vmem>>, %arg2: memref<2000x1xf32, #tpu.memory_space<vmem>>, %arg3: memref<4x2000x16xf32, #tpu.memory_space<vmem>>, %arg4: memref<64x64xf32, #tpu.memory_space<vmem>>, %arg5: memref<1x64xf32, #tpu.memory_space<vmem>>, %arg6: memref<64x64xf32, #tpu.memory_space<vmem>>, %arg7: memref<64x64xf32, #tpu.memory_space<vmem>>, %arg8: memref<2x2000x32xf32, #tpu.memory_space<vmem>>) attributes {dimension_semantics = [#tpu.dimension_semantics<arbitrary>], iteration_bounds = array<i64: 25>, scalar_prefetch = 0 : i64, scratch_operands = 0 : i64, tpu.core_type = #tpu.core_type<tc>, window_params = [{transform_indices = @transform_0, window_bounds = array<i64: 2, 2, 2000, 16>}, {transform_indices = @transform_1, window_bounds = array<i64: 2000, 1>}, {transform_indices = @transform_2, window_bounds = array<i64: 4, 2000, 16>}, {pipeline_mode = #tpu.pipeline_mode<synchronous>, transform_indices = @transform_3, window_bounds = array<i64: 64, 64>}, {pipeline_mode = #tpu.pipeline_mode<synchronous>, transform_indices = @transform_4, window_bounds = array<i64: 1, 64>}, {pipeline_mode = #tpu.pipeline_mode<synchronous>, transform_indices = @transform_5, window_bounds = array<i64: 64, 64>}, {pipeline_mode = #tpu.pipeline_mode<synchronous>, transform_indices = @transform_6, window_bounds = array<i64: 64, 64>}, {transform_indices = @transform_7, window_bounds = array<i64: 2, 2000, 32>}]} {
    %get3A = arith.constant 0 : index
    %get3A_0 = arith.constant 0 : index
    %get3A_1 = vector.load %arg4[%get3A, %get3A_0] : memref<64x64xf32, #tpu.memory_space<vmem>>, vector<64x64xf32>
    %get3A_2 = arith.constant 0 : index
    %get3A_3 = arith.constant 0 : index
    %get3A_4 = vector.load %arg5[%get3A_2, %get3A_3] : memref<1x64xf32, #tpu.memory_space<vmem>>, vector<1x64xf32>
    %get3A_5 = arith.constant 0 : index
    %get3A_6 = arith.constant 0 : index
    %get3A_7 = vector.load %arg6[%get3A_5, %get3A_6] : memref<64x64xf32, #tpu.memory_space<vmem>>, vector<64x64xf32>
    %get3A_8 = arith.constant 0 : index
    %get3A_9 = arith.constant 0 : index
    %get3A_10 = vector.load %arg2[%get3A_8, %get3A_9] : memref<2000x1xf32, #tpu.memory_space<vmem>>, vector<2000x1xf32>
    %max3A = arith.constant 1.000000e+00 : f32
    %max3A_11 = vector.broadcast %max3A : f32 to vector<2000x1xf32>
    %max3A_12 = arith.maximumf %get3A_10, %max3A_11 : vector<2000x1xf32>
    %div3A = arith.constant 1.000000e+00 : f32
    %div3A_13 = vector.broadcast %div3A : f32 to vector<2000x1xf32>
    %div3A_14 = arith.divf %div3A_13, %max3A_12 : vector<2000x1xf32>
    %get3A_15 = arith.constant 0 : index
    %get3A_16 = arith.constant 0 : index
    %get3A_17 = arith.constant 0 : index
    %get3A_18 = arith.constant 0 : index
    %get3A_19 = vector.load %arg1[%get3A_15, %get3A_16, %get3A_17, %get3A_18] : memref<2x2x2000x16xf32, #tpu.memory_space<vmem>>, vector<1x1x2000x16xf32>
    %get3A_20 = vector.shape_cast %get3A_19 : vector<1x1x2000x16xf32> to vector<2000x16xf32>
    %mul3A = vector.broadcast %div3A_14 : vector<2000x1xf32> to vector<2000x16xf32>
    %mul3A_21 = arith.mulf %get3A_20, %mul3A : vector<2000x16xf32>
    %slice3A = vector.extract_strided_slice %get3A_1 {offsets = [0, 0], sizes = [16, 64], strides = [1, 1]} : vector<64x64xf32> to vector<16x64xf32>
    %dot_general3A = arith.constant dense<0.000000e+00> : vector<2000x64xf32>
    %dot_general3A_22 = tpu.matmul %mul3A_21, %slice3A, %dot_general3A {dimension_numbers = #tpu.dot_dimension_numbers<[1], [0], [0], [1], [0, 0, 1, 1], [], []>, transpose_lhs_hint = false} : vector<2000x16xf32>, vector<16x64xf32>, vector<2000x64xf32> -> vector<2000x64xf32>
    %add3A = vector.broadcast %get3A_4 : vector<1x64xf32> to vector<2000x64xf32>
    %add3A_23 = arith.addf %add3A, %dot_general3A_22 : vector<2000x64xf32>
    %get3A_24 = arith.constant 0 : index
    %get3A_25 = arith.constant 0 : index
    %get3A_26 = arith.constant 0 : index
    %get3A_27 = vector.load %arg3[%get3A_24, %get3A_25, %get3A_26] : memref<4x2000x16xf32, #tpu.memory_space<vmem>>, vector<1x2000x16xf32>
    %get3A_28 = vector.shape_cast %get3A_27 : vector<1x2000x16xf32> to vector<2000x16xf32>
    %slice3A_29 = vector.extract_strided_slice %get3A_7 {offsets = [0, 0], sizes = [16, 64], strides = [1, 1]} : vector<64x64xf32> to vector<16x64xf32>
    %dot_general3A_30 = arith.constant dense<0.000000e+00> : vector<2000x64xf32>
    %dot_general3A_31 = tpu.matmul %get3A_28, %slice3A_29, %dot_general3A_30 {dimension_numbers = #tpu.dot_dimension_numbers<[1], [0], [0], [1], [0, 0, 1, 1], [], []>, transpose_lhs_hint = false} : vector<2000x16xf32>, vector<16x64xf32>, vector<2000x64xf32> -> vector<2000x64xf32>
    %add3A_32 = arith.addf %add3A_23, %dot_general3A_31 : vector<2000x64xf32>
    %get3A_33 = arith.constant 0 : index
    %get3A_34 = arith.constant 1 : index
    %get3A_35 = arith.constant 0 : index
    %get3A_36 = arith.constant 0 : index
    %get3A_37 = vector.load %arg1[%get3A_33, %get3A_34, %get3A_35, %get3A_36] : memref<2x2x2000x16xf32, #tpu.memory_space<vmem>>, vector<1x1x2000x16xf32>
    %get3A_38 = vector.shape_cast %get3A_37 : vector<1x1x2000x16xf32> to vector<2000x16xf32>
    %mul3A_39 = vector.broadcast %div3A_14 : vector<2000x1xf32> to vector<2000x16xf32>
    %mul3A_40 = arith.mulf %get3A_38, %mul3A_39 : vector<2000x16xf32>
    %slice3A_41 = vector.extract_strided_slice %get3A_1 {offsets = [16, 0], sizes = [16, 64], strides = [1, 1]} : vector<64x64xf32> to vector<16x64xf32>
    %dot_general3A_42 = arith.constant dense<0.000000e+00> : vector<2000x64xf32>
    %dot_general3A_43 = tpu.matmul %mul3A_40, %slice3A_41, %dot_general3A_42 {dimension_numbers = #tpu.dot_dimension_numbers<[1], [0], [0], [1], [0, 0, 1, 1], [], []>, transpose_lhs_hint = false} : vector<2000x16xf32>, vector<16x64xf32>, vector<2000x64xf32> -> vector<2000x64xf32>
    %add3A_44 = arith.addf %add3A_32, %dot_general3A_43 : vector<2000x64xf32>
    %get3A_45 = arith.constant 1 : index
    %get3A_46 = arith.constant 0 : index
    %get3A_47 = arith.constant 0 : index
    %get3A_48 = vector.load %arg3[%get3A_45, %get3A_46, %get3A_47] : memref<4x2000x16xf32, #tpu.memory_space<vmem>>, vector<1x2000x16xf32>
    %get3A_49 = vector.shape_cast %get3A_48 : vector<1x2000x16xf32> to vector<2000x16xf32>
    %slice3A_50 = vector.extract_strided_slice %get3A_7 {offsets = [16, 0], sizes = [16, 64], strides = [1, 1]} : vector<64x64xf32> to vector<16x64xf32>
    %dot_general3A_51 = arith.constant dense<0.000000e+00> : vector<2000x64xf32>
    %dot_general3A_52 = tpu.matmul %get3A_49, %slice3A_50, %dot_general3A_51 {dimension_numbers = #tpu.dot_dimension_numbers<[1], [0], [0], [1], [0, 0, 1, 1], [], []>, transpose_lhs_hint = false} : vector<2000x16xf32>, vector<16x64xf32>, vector<2000x64xf32> -> vector<2000x64xf32>
    %add3A_53 = arith.addf %add3A_44, %dot_general3A_52 : vector<2000x64xf32>
    %get3A_54 = arith.constant 1 : index
    %get3A_55 = arith.constant 0 : index
    %get3A_56 = arith.constant 0 : index
    %get3A_57 = arith.constant 0 : index
    %get3A_58 = vector.load %arg1[%get3A_54, %get3A_55, %get3A_56, %get3A_57] : memref<2x2x2000x16xf32, #tpu.memory_space<vmem>>, vector<1x1x2000x16xf32>
    %get3A_59 = vector.shape_cast %get3A_58 : vector<1x1x2000x16xf32> to vector<2000x16xf32>
    %mul3A_60 = vector.broadcast %div3A_14 : vector<2000x1xf32> to vector<2000x16xf32>
    %mul3A_61 = arith.mulf %get3A_59, %mul3A_60 : vector<2000x16xf32>
    %slice3A_62 = vector.extract_strided_slice %get3A_1 {offsets = [32, 0], sizes = [16, 64], strides = [1, 1]} : vector<64x64xf32> to vector<16x64xf32>
    %dot_general3A_63 = arith.constant dense<0.000000e+00> : vector<2000x64xf32>
    %dot_general3A_64 = tpu.matmul %mul3A_61, %slice3A_62, %dot_general3A_63 {dimension_numbers = #tpu.dot_dimension_numbers<[1], [0], [0], [1], [0, 0, 1, 1], [], []>, transpose_lhs_hint = false} : vector<2000x16xf32>, vector<16x64xf32>, vector<2000x64xf32> -> vector<2000x64xf32>
    %add3A_65 = arith.addf %add3A_53, %dot_general3A_64 : vector<2000x64xf32>
    %get3A_66 = arith.constant 2 : index
    %get3A_67 = arith.constant 0 : index
    %get3A_68 = arith.constant 0 : index
    %get3A_69 = vector.load %arg3[%get3A_66, %get3A_67, %get3A_68] : memref<4x2000x16xf32, #tpu.memory_space<vmem>>, vector<1x2000x16xf32>
    %get3A_70 = vector.shape_cast %get3A_69 : vector<1x2000x16xf32> to vector<2000x16xf32>
    %slice3A_71 = vector.extract_strided_slice %get3A_7 {offsets = [32, 0], sizes = [16, 64], strides = [1, 1]} : vector<64x64xf32> to vector<16x64xf32>
    %dot_general3A_72 = arith.constant dense<0.000000e+00> : vector<2000x64xf32>
    %dot_general3A_73 = tpu.matmul %get3A_70, %slice3A_71, %dot_general3A_72 {dimension_numbers = #tpu.dot_dimension_numbers<[1], [0], [0], [1], [0, 0, 1, 1], [], []>, transpose_lhs_hint = false} : vector<2000x16xf32>, vector<16x64xf32>, vector<2000x64xf32> -> vector<2000x64xf32>
    %add3A_74 = arith.addf %add3A_65, %dot_general3A_73 : vector<2000x64xf32>
    %get3A_75 = arith.constant 1 : index
    %get3A_76 = arith.constant 1 : index
    %get3A_77 = arith.constant 0 : index
    %get3A_78 = arith.constant 0 : index
    %get3A_79 = vector.load %arg1[%get3A_75, %get3A_76, %get3A_77, %get3A_78] : memref<2x2x2000x16xf32, #tpu.memory_space<vmem>>, vector<1x1x2000x16xf32>
    %get3A_80 = vector.shape_cast %get3A_79 : vector<1x1x2000x16xf32> to vector<2000x16xf32>
    %mul3A_81 = vector.broadcast %div3A_14 : vector<2000x1xf32> to vector<2000x16xf32>
    %mul3A_82 = arith.mulf %get3A_80, %mul3A_81 : vector<2000x16xf32>
    %slice3A_83 = vector.extract_strided_slice %get3A_1 {offsets = [48, 0], sizes = [16, 64], strides = [1, 1]} : vector<64x64xf32> to vector<16x64xf32>
    %dot_general3A_84 = arith.constant dense<0.000000e+00> : vector<2000x64xf32>
    %dot_general3A_85 = tpu.matmul %mul3A_82, %slice3A_83, %dot_general3A_84 {dimension_numbers = #tpu.dot_dimension_numbers<[1], [0], [0], [1], [0, 0, 1, 1], [], []>, transpose_lhs_hint = false} : vector<2000x16xf32>, vector<16x64xf32>, vector<2000x64xf32> -> vector<2000x64xf32>
    %add3A_86 = arith.addf %add3A_74, %dot_general3A_85 : vector<2000x64xf32>
    %get3A_87 = arith.constant 3 : index
    %get3A_88 = arith.constant 0 : index
    %get3A_89 = arith.constant 0 : index
    %get3A_90 = vector.load %arg3[%get3A_87, %get3A_88, %get3A_89] : memref<4x2000x16xf32, #tpu.memory_space<vmem>>, vector<1x2000x16xf32>
    %get3A_91 = vector.shape_cast %get3A_90 : vector<1x2000x16xf32> to vector<2000x16xf32>
    %slice3A_92 = vector.extract_strided_slice %get3A_7 {offsets = [48, 0], sizes = [16, 64], strides = [1, 1]} : vector<64x64xf32> to vector<16x64xf32>
    %dot_general3A_93 = arith.constant dense<0.000000e+00> : vector<2000x64xf32>
    %dot_general3A_94 = tpu.matmul %get3A_91, %slice3A_92, %dot_general3A_93 {dimension_numbers = #tpu.dot_dimension_numbers<[1], [0], [0], [1], [0, 0, 1, 1], [], []>, transpose_lhs_hint = false} : vector<2000x16xf32>, vector<16x64xf32>, vector<2000x64xf32> -> vector<2000x64xf32>
    %add3A_95 = arith.addf %add3A_86, %dot_general3A_94 : vector<2000x64xf32>
    %mul3A_96 = arith.mulf %add3A_95, %add3A_95 : vector<2000x64xf32>
    %reduce_sum3A = arith.constant dense<0.000000e+00> : vector<2000xf32>
    %reduce_sum3A_97 = vector.multi_reduction <add>, %mul3A_96, %reduce_sum3A [1] : vector<2000x64xf32> to vector<2000xf32>
    %broadcast_in_dim3A = vector.shape_cast %reduce_sum3A_97 : vector<2000xf32> to vector<2000x1xf32>
    %sqrt3A = math.sqrt %broadcast_in_dim3A : vector<2000x1xf32>
    %max3A_98 = arith.constant 9.99999996E-13 : f32
    %max3A_99 = vector.broadcast %max3A_98 : f32 to vector<2000x1xf32>
    %max3A_100 = arith.maximumf %sqrt3A, %max3A_99 : vector<2000x1xf32>
    %div3A_101 = vector.broadcast %max3A_100 : vector<2000x1xf32> to vector<2000x64xf32>
    %div3A_102 = arith.divf %add3A_95, %div3A_101 : vector<2000x64xf32>
    %get3A_103 = arith.constant 0 : index
    %get3A_104 = arith.constant 0 : index
    %get3A_105 = vector.load %arg7[%get3A_103, %get3A_104] : memref<64x64xf32, #tpu.memory_space<vmem>>, vector<64x64xf32>
    %dot_general3A_106 = arith.constant dense<0.000000e+00> : vector<2000x64xf32>
    %dot_general3A_107 = tpu.matmul %div3A_102, %get3A_105, %dot_general3A_106 {dimension_numbers = #tpu.dot_dimension_numbers<[1], [0], [0], [1], [0, 0, 1, 1], [], []>, transpose_lhs_hint = false} : vector<2000x64xf32>, vector<64x64xf32>, vector<2000x64xf32> -> vector<2000x64xf32>
    %slice3A_108 = vector.extract_strided_slice %dot_general3A_107 {offsets = [0, 0], sizes = [2000, 32], strides = [1, 1]} : vector<2000x64xf32> to vector<2000x32xf32>
    %swap3A = arith.constant 0 : index
    %swap3A_109 = arith.constant 0 : index
    %swap3A_110 = arith.constant 0 : index
    %swap3A_111 = vector.load %arg8[%swap3A, %swap3A_109, %swap3A_110] : memref<2x2000x32xf32, #tpu.memory_space<vmem>>, vector<1x2000x32xf32>
    %swap3A_112 = vector.shape_cast %swap3A_111 : vector<1x2000x32xf32> to vector<2000x32xf32>
    %swap3A_113 = vector.shape_cast %slice3A_108 : vector<2000x32xf32> to vector<1x2000x32xf32>
    tpu.vector_store %arg8[%swap3A, %swap3A_109, %swap3A_110], %swap3A_113 {strides = array<i32>} : memref<2x2000x32xf32, #tpu.memory_space<vmem>>, vector<1x2000x32xf32>,
    %slice3A_114 = vector.extract_strided_slice %dot_general3A_107 {offsets = [0, 32], sizes = [2000, 32], strides = [1, 1]} : vector<2000x64xf32> to vector<2000x32xf32>
    %swap3A_115 = arith.constant 1 : index
    %swap3A_116 = arith.constant 0 : index
    %swap3A_117 = arith.constant 0 : index
    %swap3A_118 = vector.load %arg8[%swap3A_115, %swap3A_116, %swap3A_117] : memref<2x2000x32xf32, #tpu.memory_space<vmem>>, vector<1x2000x32xf32>
    %swap3A_119 = vector.shape_cast %swap3A_118 : vector<1x2000x32xf32> to vector<2000x32xf32>
    %swap3A_120 = vector.shape_cast %slice3A_114 : vector<2000x32xf32> to vector<1x2000x32xf32>
    tpu.vector_store %arg8[%swap3A_115, %swap3A_116, %swap3A_117], %swap3A_120 {strides = array<i32>} : memref<2x2000x32xf32, #tpu.memory_space<vmem>>, vector<1x2000x32xf32>,
    return
  }
  func.func @transform_0(%arg0: i32) -> (i32, i32, i32, i32) {
    %c0_i32 = arith.constant 0 : i32
    %c0_i32_0 = arith.constant 0 : i32
    %c0_i32_1 = arith.constant 0 : i32
    %c0_i32_2 = arith.constant 0 : i32
    return %c0_i32, %c0_i32_0, %arg0, %c0_i32_1 : i32, i32, i32, i32
  }
  func.func @transform_1(%arg0: i32) -> (i32, i32) {
    %c0_i32 = arith.constant 0 : i32
    %c0_i32_0 = arith.constant 0 : i32
    return %arg0, %c0_i32 : i32, i32
  }
  func.func @transform_2(%arg0: i32) -> (i32, i32, i32) {
    %c0_i32 = arith.constant 0 : i32
    %c0_i32_0 = arith.constant 0 : i32
    %c0_i32_1 = arith.constant 0 : i32
    return %c0_i32, %arg0, %c0_i32_0 : i32, i32, i32
  }
  func.func @transform_3(%arg0: i32) -> (i32, i32) {
    %c0_i32 = arith.constant 0 : i32
    %c0_i32_0 = arith.constant 0 : i32
    %c0_i32_1 = arith.constant 0 : i32
    return %c0_i32, %c0_i32_0 : i32, i32
  }
  func.func @transform_4(%arg0: i32) -> (i32, i32) {
    %c0_i32 = arith.constant 0 : i32
    %c0_i32_0 = arith.constant 0 : i32
    %c0_i32_1 = arith.constant 0 : i32
    return %c0_i32, %c0_i32_0 : i32, i32
  }
  func.func @transform_5(%arg0: i32) -> (i32, i32) {
    %c0_i32 = arith.constant 0 : i32
    %c0_i32_0 = arith.constant 0 : i32
    %c0_i32_1 = arith.constant 0 : i32
    return %c0_i32, %c0_i32_0 : i32, i32
  }
  func.func @transform_6(%arg0: i32) -> (i32, i32) {
    %c0_i32 = arith.constant 0 : i32
    %c0_i32_0 = arith.constant 0 : i32
    %c0_i32_1 = arith.constant 0 : i32
    return %c0_i32, %c0_i32_0 : i32, i32
  }
  func.func @transform_7(%arg0: i32) -> (i32, i32, i32) {
    %c0_i32 = arith.constant 0 : i32
    %c0_i32_0 = arith.constant 0 : i32
    %c0_i32_1 = arith.constant 0 : i32
    return %c0_i32, %arg0, %c0_i32_0 : i32, i32, i32
  }
}

module attributes {stable_mosaic.version = 14 : i64} {
  func.func @_dec_body(%arg0: i32, %arg1: memref<2x2000x128xf32, #tpu.memory_space<vmem>>, %arg2: memref<1x128xf32, #tpu.memory_space<vmem>>, %arg3: memref<1x128xf32, #tpu.memory_space<vmem>>, %arg4: memref<128x4xf32, #tpu.memory_space<vmem>>, %arg5: memref<128x4xf32, #tpu.memory_space<vmem>>, %arg6: memref<1x1xf32, #tpu.memory_space<vmem>>, %arg7: memref<2000x4xf32, #tpu.memory_space<vmem>>) attributes {dimension_semantics = [#tpu.dimension_semantics<arbitrary>], iteration_bounds = array<i64: 25>, scalar_prefetch = 0 : i64, scratch_operands = 0 : i64, tpu.core_type = #tpu.core_type<tc>, window_params = [{transform_indices = @transform_0, window_bounds = array<i64: 2, 2000, 128>}, {pipeline_mode = #tpu.pipeline_mode<synchronous>, transform_indices = @transform_1, window_bounds = array<i64: 1, 128>}, {pipeline_mode = #tpu.pipeline_mode<synchronous>, transform_indices = @transform_2, window_bounds = array<i64: 1, 128>}, {pipeline_mode = #tpu.pipeline_mode<synchronous>, transform_indices = @transform_3, window_bounds = array<i64: 128, 4>}, {pipeline_mode = #tpu.pipeline_mode<synchronous>, transform_indices = @transform_4, window_bounds = array<i64: 128, 4>}, {pipeline_mode = #tpu.pipeline_mode<synchronous>, transform_indices = @transform_5, window_bounds = array<i64: 1, 1>}, {transform_indices = @transform_6, window_bounds = array<i64: 2000, 4>}]} {
    %get3A = arith.constant 0 : index
    %get3A_0 = arith.constant 0 : index
    %get3A_1 = arith.constant 0 : index
    %get3A_2 = vector.load %arg1[%get3A, %get3A_0, %get3A_1] : memref<2x2000x128xf32, #tpu.memory_space<vmem>>, vector<1x2000x128xf32>
    %get3A_3 = vector.shape_cast %get3A_2 : vector<1x2000x128xf32> to vector<2000x128xf32>
    %get3A_4 = arith.constant 0 : index
    %get3A_5 = arith.constant 0 : index
    %get3A_6 = vector.load %arg2[%get3A_4, %get3A_5] : memref<1x128xf32, #tpu.memory_space<vmem>>, vector<1x128xf32>
    %add3A = vector.broadcast %get3A_6 : vector<1x128xf32> to vector<2000x128xf32>
    %add3A_7 = arith.addf %get3A_3, %add3A : vector<2000x128xf32>
    %max3A = arith.constant 0.000000e+00 : f32
    %max3A_8 = vector.broadcast %max3A : f32 to vector<2000x128xf32>
    %max3A_9 = arith.maximumf %add3A_7, %max3A_8 : vector<2000x128xf32>
    %get3A_10 = arith.constant 1 : index
    %get3A_11 = arith.constant 0 : index
    %get3A_12 = arith.constant 0 : index
    %get3A_13 = vector.load %arg1[%get3A_10, %get3A_11, %get3A_12] : memref<2x2000x128xf32, #tpu.memory_space<vmem>>, vector<1x2000x128xf32>
    %get3A_14 = vector.shape_cast %get3A_13 : vector<1x2000x128xf32> to vector<2000x128xf32>
    %get3A_15 = arith.constant 0 : index
    %get3A_16 = arith.constant 0 : index
    %get3A_17 = vector.load %arg3[%get3A_15, %get3A_16] : memref<1x128xf32, #tpu.memory_space<vmem>>, vector<1x128xf32>
    %add3A_18 = vector.broadcast %get3A_17 : vector<1x128xf32> to vector<2000x128xf32>
    %add3A_19 = arith.addf %get3A_14, %add3A_18 : vector<2000x128xf32>
    %max3A_20 = arith.constant 0.000000e+00 : f32
    %max3A_21 = vector.broadcast %max3A_20 : f32 to vector<2000x128xf32>
    %max3A_22 = arith.maximumf %add3A_19, %max3A_21 : vector<2000x128xf32>
    %get3A_23 = arith.constant 0 : index
    %get3A_24 = arith.constant 0 : index
    %get3A_25 = vector.load %arg4[%get3A_23, %get3A_24] : memref<128x4xf32, #tpu.memory_space<vmem>>, vector<128x4xf32>
    %dot_general3A = arith.constant dense<0.000000e+00> : vector<2000x4xf32>
    %dot_general3A_26 = tpu.matmul %max3A_9, %get3A_25, %dot_general3A {dimension_numbers = #tpu.dot_dimension_numbers<[1], [0], [0], [1], [0, 0, 1, 1], [], []>, transpose_lhs_hint = false} : vector<2000x128xf32>, vector<128x4xf32>, vector<2000x4xf32> -> vector<2000x4xf32>
    %get3A_27 = arith.constant 0 : index
    %get3A_28 = arith.constant 0 : index
    %get3A_29 = vector.load %arg5[%get3A_27, %get3A_28] : memref<128x4xf32, #tpu.memory_space<vmem>>, vector<128x4xf32>
    %dot_general3A_30 = arith.constant dense<0.000000e+00> : vector<2000x4xf32>
    %dot_general3A_31 = tpu.matmul %max3A_22, %get3A_29, %dot_general3A_30 {dimension_numbers = #tpu.dot_dimension_numbers<[1], [0], [0], [1], [0, 0, 1, 1], [], []>, transpose_lhs_hint = false} : vector<2000x128xf32>, vector<128x4xf32>, vector<2000x4xf32> -> vector<2000x4xf32>
    %add3A_32 = arith.addf %dot_general3A_26, %dot_general3A_31 : vector<2000x4xf32>
    %get3A_33 = arith.constant 0 : index
    %get3A_34 = arith.constant 0 : index
    %get3A_35 = vector.load %arg6[%get3A_33, %get3A_34] : memref<1x1xf32, #tpu.memory_space<vmem>>, vector<1x1xf32>
    %get3A_36 = vector.extract %get3A_35[0, 0] : f32 from vector<1x1xf32>
    %add3A_37 = vector.broadcast %get3A_36 : f32 to vector<2000x4xf32>
    %add3A_38 = arith.addf %add3A_32, %add3A_37 : vector<2000x4xf32>
    %swap3A = arith.constant 0 : index
    %swap3A_39 = arith.constant 0 : index
    %swap3A_40 = vector.load %arg7[%swap3A, %swap3A_39] : memref<2000x4xf32, #tpu.memory_space<vmem>>, vector<2000x4xf32>
    tpu.vector_store %arg7[%swap3A, %swap3A_39], %add3A_38 {strides = array<i32>} : memref<2000x4xf32, #tpu.memory_space<vmem>>, vector<2000x4xf32>,
    return
  }
  func.func @transform_0(%arg0: i32) -> (i32, i32, i32) {
    %c0_i32 = arith.constant 0 : i32
    %c0_i32_0 = arith.constant 0 : i32
    %c0_i32_1 = arith.constant 0 : i32
    return %c0_i32, %arg0, %c0_i32_0 : i32, i32, i32
  }
  func.func @transform_1(%arg0: i32) -> (i32, i32) {
    %c0_i32 = arith.constant 0 : i32
    %c0_i32_0 = arith.constant 0 : i32
    %c0_i32_1 = arith.constant 0 : i32
    return %c0_i32, %c0_i32_0 : i32, i32
  }
  func.func @transform_2(%arg0: i32) -> (i32, i32) {
    %c0_i32 = arith.constant 0 : i32
    %c0_i32_0 = arith.constant 0 : i32
    %c0_i32_1 = arith.constant 0 : i32
    return %c0_i32, %c0_i32_0 : i32, i32
  }
  func.func @transform_3(%arg0: i32) -> (i32, i32) {
    %c0_i32 = arith.constant 0 : i32
    %c0_i32_0 = arith.constant 0 : i32
    %c0_i32_1 = arith.constant 0 : i32
    return %c0_i32, %c0_i32_0 : i32, i32
  }
  func.func @transform_4(%arg0: i32) -> (i32, i32) {
    %c0_i32 = arith.constant 0 : i32
    %c0_i32_0 = arith.constant 0 : i32
    %c0_i32_1 = arith.constant 0 : i32
    return %c0_i32, %c0_i32_0 : i32, i32
  }
  func.func @transform_5(%arg0: i32) -> (i32, i32) {
    %c0_i32 = arith.constant 0 : i32
    %c0_i32_0 = arith.constant 0 : i32
    %c0_i32_1 = arith.constant 0 : i32
    return %c0_i32, %c0_i32_0 : i32, i32
  }
  func.func @transform_6(%arg0: i32) -> (i32, i32) {
    %c0_i32 = arith.constant 0 : i32
    %c0_i32_0 = arith.constant 0 : i32
    return %arg0, %c0_i32 : i32, i32
  }
}

</mosaic_0001>

<sc_bundles>
// kernel: kernel.15.cloned.1.call-start
scs
__scs_entry_jumppad:
0x0: {  	(pc) =	sbr.rel $0x88, $3  }
0x1: {  	(tag) =	ssettag $0x0;
	lr =	simm.s32 $0x1  }
0x2: {  	[smem:$0x3F8B] =	sst lr;
	_ =	strace $0xD0000000  }
0x3: {  	_ = 	snop  }
0x4: {  	_ = 	snop  }
0x5: {  	_ = 	snop  }
0x6: {  	_ = 	snop  }
0x7: {  	_ = 	snop  }
__scs_overlays_trampoline_lowered:
0x8: {  	[smem:$0x3F9A] =	sst s0  }
0x9: {  	[smem:$0x3F9B] =	sst s1  }
0xa: {  	[smem:$0x3F9C] =	sst s2  }
0xb: {  	[smem:$0x3F9D] =	sst s3  }
0xc: {  	[smem:$0x3F9E] =	sst s4  }
0xd: {  	[smem:$0x3F9F] =	sst s5  }
0xe: {  	[smem:$0x3FA0] =	sst s6  }
0xf: {  	[smem:$0x3FA1] =	sst s7  }
0x10: {  	[smem:$0x3FA2] =	sst s8  }
0x11: {  	[smem:$0x3FA3] =	sst s9;
	s0 =	simm.s32 @!p0 $0x0  }
0x12: {  	s1 =	sld [smem:$0x3F89];
	s0 =	simm.s32 @p0 $0x1  }
0x13: {  	[smem:$0x3FA4] =	sst s0;
	s0 =	simm.s32 @!p1 $0x0  }
0x14: {  	s2 =	sld [smem:$0x3F88];
	s0 =	simm.s32 @p1 $0x1  }
0x15: {  	[smem:$0x3FA5] =	sst s0;
	s0 =	simm.s32 @!p2 $0x0  }
0x16: {  	s3 =	sld [smem:$0x3FDB];
	s0 =	simm.s32 @p2 $0x1  }
0x17: {  	s4 =	simm.s32 $0x1BF5;
	[smem:$0x3FA7] =	sst s0  }
0x18: {  	s0 =	sld [smem:$0x3F8A];
	_ =	swait.ge [sflag:s4], $0x0  }
0x19: {  	s7 =	sld [smem:$0x3F8B]  }
0x1a: {  	s8 =	sadd.s32 $0xFFFFE003, lr  }
0x1b: {  	s9 =	sadd.s32 $0xFFFFFEF7, lr;
	s5 =	simm.s32 $0xFFFFFFFF;
	p2 =	slt.u32 s8, $0xFFFFF086  }
0x1c: {  	p1 =	slt.u32 s9, $0xF7A;
	s5 =	simm.s32 @!p2 $0x0  }
0x1d: {  	s5 =	simm.s32 @p1 $0x1;
	p0 =	seq.s32 s7, s2  }
0x1e: {  	s7 =	smul.u32 @!p0 $0xF7A, s2;
	p2 =	seq.s32 @!p0 s5, $0x0  }
0x1f: {  	s9 =	smul.u32 $0xF7A, s1;
	s8 =	simm.s32 @!p0 $0x1BF5;
	p2 =	por !p2, p0  }
0x20: {  	[sflag:s8] =	ssyncset.s32 @!p0 $0xFFFFF086;
	s6 =	sadd.s32 @!p0 s3, s7;
	s7 =	simm.s32 @!p0 $0x108  }
0x21: {  	s3 =	sadd.s32 s3, s9;
	s6 =	sadd.s32 @!p0 $0x88, s6;
	s7 =	simm.s32 @p2 $0x1082  }
0x22: {  	[simem:s7], [sflag:s8] =	dma.local @!p0 [hbm:s6], $0xF7A  }
0x23: {  	s9 =	sor.u32 $0xD0000000, s2;
	s6 =	simm.s32 $0x108;
	_ =	swait.ge @!p0 [sflag:s8], $0x0  }
0x24: {  	s3 =	sadd.s32 $0x88, s3;
	s6 =	simm.s32 @!p1 $0x1082;
	[sflag:s4] =	ssyncset.s32 $0xFFFFF086  }
0x25: {  	[simem:s6], [sflag:s4] =	dma.local [hbm:s3], $0xF7A  }
0x26: {  	[smem:$0x3F8B] =	sst s1;
	(tag) =	ssettag s2;
	_ =	strace s9  }
0x27: {  	s1 =	sld [smem:$0x3F9B]  }
0x28: {  	s2 =	sld [smem:$0x3F9C]  }
0x29: {  	s4 =	sld [smem:$0x3F9E]  }
0x2a: {  	p0 =	seq.s32 s5, $0x0;
	s5 =	sld [smem:$0x3F9F]  }
0x2b: {  	s6 =	sld [smem:$0x3FA0]  }
0x2c: {  	s7 =	sld [smem:$0x3FA1]  }
0x2d: {  	s3 =	simm.s32 $0x108;
	s8 =	sld [smem:$0x3FA2]  }
0x2e: {  	s3 =	simm.s32 @!p0 $0x1082;
	s9 =	sld [smem:$0x3FA3]  }
0x2f: {  	lr =	sadd.s32 s0, s3;
	s0 =	sld [smem:$0x3F9A]  }
0x30: {  	s3 =	sld [smem:$0x3F9D]  }
0x31: {  	[smem:$0x3FA6] =	sst s10  }
0x32: {  	s10 =	sld [smem:$0x3FA4];
	_ =	sdelay $0x3  }
0x33: {  	p0 =	seq.s32 s10, $0x1;
	s10 =	sld [smem:$0x3FA6];
	_ =	sdelay $0x3  }
0x34: {  	[smem:$0x3FA6] =	sst s10  }
0x35: {  	s10 =	sld [smem:$0x3FA5];
	_ =	sdelay $0x3  }
0x36: {  	p1 =	seq.s32 s10, $0x1;
	s10 =	sld [smem:$0x3FA6];
	_ =	sdelay $0x3  }
0x37: {  	[smem:$0x3FA6] =	sst s10  }
0x38: {  	s10 =	sld [smem:$0x3FA7]  }
0x39: {  	_ = 	snop;
	(pc) =	sbr.ind lr, $3  }
0x3a: {  	_ = 	snop  }
0x3b: {  	_ = 	snop  }
0x3c: {  	p2 =	seq.s32 s10, $0x1;
	s10 =	sld [smem:$0x3FA6]  }
0x3d: {  	_ =	shalt  }
0x3e: {  	_ =	shalt  }
0x3f: {  	_ =	shalt  }
0x40: {  	_ =	shalt  }
0x41: {  	_ =	shalt  }
0x42: {  	_ =	shalt  }
0x43: {  	_ =	shalt  }
0x44: {  	_ =	shalt  }
0x45: {  	_ =	shalt  }
0x46: {  	_ =	shalt  }
0x47: {  	_ =	shalt  }
0x48: {  	_ =	shalt  }
0x49: {  	_ =	shalt  }
0x4a: {  	_ =	shalt  }
0x4b: {  	_ =	shalt  }
0x4c: {  	_ =	shalt  }
0x4d: {  	_ =	shalt  }
0x4e: {  	_ =	shalt  }
0x4f: {  	_ =	shalt  }
0x50: {  	_ =	shalt  }
0x51: {  	_ =	shalt  }
0x52: {  	_ =	shalt  }
0x53: {  	_ =	shalt  }
0x54: {  	_ =	shalt  }
0x55: {  	_ =	shalt  }
0x56: {  	_ =	shalt  }
0x57: {  	_ =	shalt  }
0x58: {  	_ =	shalt  }
0x59: {  	_ =	shalt  }
0x5a: {  	_ =	shalt  }
0x5b: {  	_ =	shalt  }
0x5c: {  	_ =	shalt  }
0x5d: {  	_ =	shalt  }
0x5e: {  	_ =	shalt  }
0x5f: {  	_ =	shalt  }
0x60: {  	_ =	shalt  }
0x61: {  	_ =	shalt  }
0x62: {  	_ =	shalt  }
0x63: {  	_ =	shalt  }
0x64: {  	_ =	shalt  }
0x65: {  	_ =	shalt  }
0x66: {  	_ =	shalt  }
0x67: {  	_ =	shalt  }
0x68: {  	_ =	shalt  }
0x69: {  	_ =	shalt  }
0x6a: {  	_ =	shalt  }
0x6b: {  	_ =	shalt  }
0x6c: {  	_ =	shalt  }
0x6d: {  	_ =	shalt  }
0x6e: {  	_ =	shalt  }
0x6f: {  	_ =	shalt  }
0x70: {  	_ =	shalt  }
0x71: {  	_ =	shalt  }
0x72: {  	_ =	shalt  }
0x73: {  	_ =	shalt  }
0x74: {  	_ =	shalt  }
0x75: {  	_ =	shalt  }
0x76: {  	_ =	shalt  }
0x77: {  	_ =	shalt  }
0x78: {  	_ =	shalt  }
0x79: {  	_ =	shalt  }
0x7a: {  	_ =	shalt  }
0x7b: {  	_ =	shalt  }
0x7c: {  	_ =	shalt  }
0x7d: {  	_ =	shalt  }
0x7e: {  	_ =	shalt  }
0x7f: {  	_ =	shalt  }
0x80: {  	_ =	shalt  }
0x81: {  	_ =	shalt  }
0x82: {  	_ =	shalt  }
0x83: {  	_ =	shalt  }
0x84: {  	_ =	shalt  }
0x85: {  	_ =	shalt  }
0x86: {  	_ =	shalt  }
0x87: {  	_ =	shalt  }
.Lfunc_end0:
.L_simem_size_0:
called_computation_lowered:
.L_overlay_start_0:
0x88: {  	s2 =	sld [smem:$0x3FD9]  }
0x89: {  	s3 =	sld [smem:$0x3FFE];
	_ =	sdelay $0x1  }
0x8a: {  	s1 =	srdreg.scid  }
0x8b: {  	s0 =	sand.u32 $0x1, s1  }
0x8c: {  	s16 =	sshll.u32 s0, $0xA;
	s2 =	sadd.s32 s3, s2  }
0x8d: {  	s2 =	sadd.s32 s2, s16  }
0x8e: {  	[smem:$0x3FB2] =	sst s2  }
0x8f: {  	_ = 	snop  }
0x90: {  	(tm) =	ssettm $0x1  }
0x91: {  	s17 =	sld [smem:$0x3FFB];
	_ =	sdelay $0x3  }
0x92: {  	_ =	strace s17  }
0x93: {  	s2 =	sld [smem:$0x3FFC];
	_ =	sdelay $0x3  }
0x94: {  	_ =	strace s2  }
0x95: {  	s2 =	sld [smem:$0x3FFD];
	_ =	sdelay $0x3  }
0x96: {  	_ =	strace s2  }
0x97: {  	_ =	strace $0x8FFFFFFF  }
0x98: {  	s18 =	sld [smem:$0x3FDB];
	_ =	sdelay $0x1  }
0x99: {  	s19 =	simm.s32 $_scs_section_size  }
0x9a: {  	s4 =	simm.s32 $_size__tile_overlayer_lowered;
	s5 =	simm.s32 $_tile_overlayer_lowered  }
0x9b: {  	s22 =	simm.s32 $0x1BFF;
	s21 =	sshll.u32 s5, $0x1;
	s2 =	sadd.s32 s19, s18  }
0x9c: {  	s6 =	simm.s32 $0x0;
	s20 =	sshll.u32 s4, $0x1;
	s4 =	sadd.s32 s21, s2  }
0x9d: {  	[timem:s6], [sflag:s22] =	dma.local [hbm:s4], s20  }
0x9e: {  	_ =	swait.ge [sflag:s22], s20  }
0x9f: {  	s3 =	ssub.s32 $0x0, s20;
	[sflag:s22] =	ssyncset.done $0x0  }
0xa0: {  	[sflag:s22] =	ssyncadd.s32 s3;
	_ =	sdelay $0x1  }
0xa1: {  	s23 =	simm.s32 $0x1B8B  }
0xa2: {  	_ =	swait.ge [sflag:s23], $0x1  }
0xa3: {  	[sflag:s23] =	ssyncset.done $0x0  }
0xa4: {  	s25 =	simm.s32 $0x1B8E;
	s24 =	sld [smem:$0x3FFE];
	[sflag:s23] =	ssyncadd.s32 $0xFFFFFFFF  }
0xa5: {  	s26 =	simm.s32 $execute0_lowered;
	[smem:$0x3FD2] =	sst s25  }
0xa6: {  	s4 =	sshll.u32 s26, $0x1;
	_ =	strace $0x80000046;
	[dreg:$0x1] =	wrdreg $0xFFFFFFFF  }
0xa7: {  	s28 =	simm.s32 $_size_execute0_lowered;
	s2 =	sadd.s32 s2, s4;
	[dreg:$0x0] =	wrdreg $0x0  }
0xa8: {  	s4 =	sshll.u32 s28, $0x1;
	[dreg:$0x2] =	wrdreg s2  }
0xa9: {  	[dreg:$0x3] =	wrdreg s4  }
0xaa: {  	[dreg:$0x4] =	wrdreg $0xC0  }
0xab: {  	_ =	task [dreg:s6], $0x5FFFF  }
0xac: {  	[dreg:$0x1] =	wrdreg $0xFFFFFFFF  }
0xad: {  	[dreg:$0x0] =	wrdreg $0x60  }
0xae: {  	[dreg:$0x2] =	wrdreg s24  }
0xaf: {  	[dreg:$0x3] =	wrdreg $0x44000  }
0xb0: {  	[dreg:$0x4] =	wrdreg $0xA  }
0xb1: {  	_ =	task.clear_ibuf [dreg:s6], $0x5FFFF;
	_ =	strace $0x90000046  }
0xb2: {  	s29 =	simm.s32 $0xA;
	_ =	strace $0x80000048  }
0xb3: {  	_ =	swait.ge [sflag:s29], $0x1  }
0xb4: {  	[sflag:s29] =	ssyncadd.s32 $0xFFFFFFFF  }
0xb5: {  	_ =	strace $0x90000048  }
0xb6: {  	_ =	sfence  }
0xb7: {  	s30 =	sld [smem:$0x0];
	_ =	sdelay $0x2  }
0xb8: {  	s31 =	sshll.u32 s1, $0xD;
	s1 =	sshrl.u32 s1, $0x2  }
0xb9: {  	s3 =	sand.u32 $0x4000, s31;
	s1 =	sadd.s32 s1, s30  }
0xba: {  	s0 =	sor.u32 s3, s0;
	s1 =	sshll.u32 s1, $0x11  }
0xbb: {  	s0 =	sor.u32 s1, s0  }
0xbc: {  	s0 =	sadd.s32 $0x8F2B, s0  }
0xbd: {  	[sflag:s0] =	ssyncadd.remote.s32 $0x1  }
0xbe: {  	_ =	sfence.sel $0xFFFF  }
0xbf: {  	[dreg:$0x0] =	wrdreg $0xFFFFFFFF;
	(pc) =	sbr.abs _section_cstart, $3  }
0xc0: {  	[dreg:$0x1] =	wrdreg $0xFFFFFFFF  }
0xc1: {  	_ =	task.clear_ibuf [dreg:s6], $0x2FFFF;
	_ =	strace $0x9FFFFFFF  }
0xc2: {  	(tm) =	ssettm $0x7FFFFFFF  }
0xc3: {  	_ =	shalt  }
tec
execute0_lowered:
.L_overlay_start_1:
0x0: {  	(tag) =	ssettag $0x1  }
0x1: {  	s0 =	srdreg.scid;
	s4 =	rddreg [dreg:$0x0]  }
0x2: {  	s2 =	rddreg [dreg:$0x1];
	s5 =	sand.u32 $0x1, s0  }
0x3: {  	s0 =	stileid.u32;
	s6 =	smul.u32 $0xC4000, s5  }
0x4: {  	s1 =	rddreg [dreg:$0x2];
	s7 =	smul.u32 $0xC400, s0  }
0x5: {  	s3 =	simm.s32 $0x0;
	s12 =	simm.s32 $0x1;
	s8 =	smul.u32 $0xC800, s0  }
0x6: {  	s15 =	simm.s32 $0x0;
	[smem:$0x7FF] =	sst s3;
	s9 =	smul.u32 $0xC8000, s5  }
0x7: {  	s25 =	smul.u32 $0x32000, s0;
	s5 =	ssub.s32 $0x2, s5;
	s13 =	sshll.u32 s0, $0x6  }
0x8: {  	_ =	strace $0x80000047;
	s28 =	sshrl.u32 s5, $0x1;
	s13 =	sor.u32 $0x1C01, s13  }
0x9: {  	s6 =	sadd.s32 s7, s6;
	s24 =	sadd.s32 s8, s9;
	s29 =	sshrl.u32 s25, $0x2  }
0xa: {  	s30 =	ssub.s32 s5, s28;
	s6 =	sshrl.u32 s6, $0x3;
	s26 =	sshrl.u32 s24, $0x3  }
0xb: {  	s31 =	sadd.s32 s29, s2;
	s9 =	smax.u32 s30, $0x1;
	s10 =	sadd.s32 s6, s4  }
0xc: {  	s11 =	sadd.s32 s26, s4;
	s4 =	sadd.s32 s8, s2;
	s5 =	sadd.s32 $0x4000, s31  }
0xd: {  	s6 =	sadd.s32 $0x8000, s31;
	s7 =	sadd.s32 $0xC000, s31;
	s8 =	sadd.s32 $0x67000, s11  }
0xe: {  	v0 =	vimm.f32 $0.0e+00;
	v1 =	vimm.f32 $1.000000000e+00;
	s10 =	sadd.s32 $0x36000, s10;
	s11 =	simm.s32 $0x400;
	s14 =	sshrl.u32 s4, $0x3  }
.LBB2_1:
0xf: {  	s16 =	simm.s32 $0x40;
	s17 =	simm.s32 $0x0  }
.LBB2_2:
0x10: {  	p0 =	sne.s32 s16, $0xFFC0;
	[tilespmem:s17+$0x400] =	vst v0;
	s17 =	smov.u32 s16;
	s16 =	sadd.s32 $0x40, s16  }
.Ltmp0:
0x11: {  	(pc) =	sbr.rel @p0 .LBB2_2-.Ltmp0, $2  }
0x12: {  	_ =	sdelay $0x2  }
0x13: {  	s17 =	sshra.s32 s17, $0x2  }
0x14: {  	[tilespmem:s17+$0x400] =	vst v0  }
0x15: {  	[spmem:s4] =	stream.linear.scatter [tilespmem:s11], [sflag:$0x1], $0x4000, $0x38;
	[tilespmem:$0x10C00] =	vst v63  }
0x16: {  	_ =	swait.ge [sflag:s12], $0x4000  }
0x17: {  	[sflag:s12] =	ssyncset.done $0x0  }
0x18: {  	[sflag:s12] =	ssyncadd.s32 $0xFFFFC000  }
0x19: {  	[spmem:s5] =	stream.linear.scatter [tilespmem:s11], [sflag:$0x1], $0x4000, $0x38;
	[tilespmem:$0x10C00] =	vst v63  }
0x1a: {  	_ =	swait.ge [sflag:s12], $0x4000  }
0x1b: {  	[sflag:s12] =	ssyncset.done $0x0  }
0x1c: {  	[sflag:s12] =	ssyncadd.s32 $0xFFFFC000  }
0x1d: {  	[spmem:s6] =	stream.linear.scatter [tilespmem:s11], [sflag:$0x1], $0x4000, $0x38;
	[tilespmem:$0x10C00] =	vst v63  }
0x1e: {  	_ =	swait.ge [sflag:s12], $0x4000  }
0x1f: {  	[sflag:s12] =	ssyncset.done $0x0  }
0x20: {  	[sflag:s12] =	ssyncadd.s32 $0xFFFFC000  }
0x21: {  	[spmem:s7] =	stream.linear.scatter [tilespmem:s11], [sflag:$0x1], $0x800, $0x38;
	[tilespmem:$0x10C00] =	vst v63  }
0x22: {  	_ =	swait.ge [sflag:s12], $0x800  }
0x23: {  	[sflag:s12] =	ssyncset.done $0x0  }
0x24: {  	s16 =	simm.s32 $0x40;
	s17 =	simm.s32 $0x0;
	[sflag:s12] =	ssyncadd.s32 $0xFFFFF800  }
.LBB2_4:
0x25: {  	p0 =	sne.s32 s16, $0xFFC0;
	[tilespmem:s17+$0x400] =	vst v1;
	s17 =	smov.u32 s16;
	s16 =	sadd.s32 $0x40, s16  }
.Ltmp1:
0x26: {  	(pc) =	sbr.rel @p0 .LBB2_4-.Ltmp1, $2  }
0x27: {  	_ =	sdelay $0x2  }
0x28: {  	s17 =	sshra.s32 s17, $0x2  }
0x29: {  	[tilespmem:s17+$0x400] =	vst v1  }
0x2a: {  	s16 =	sadd.s32 $0x0, s10;
	[bflag:$0x0] =	sbarrier.arrive $0xFFFF  }
0x2b: {  	[tilespmem:s3], [sflag:$0x1] =	stream.linear.gather [hbm4b:s16+s3], $0x400, $0x38;
	[tilespmem:$0x10C00] =	vst v63  }
0x2c: {  	_ =	swait.ge [sflag:s12], $0x400  }
0x2d: {  	[sflag:s12] =	ssyncset.done $0x0  }
0x2e: {  	[sflag:s12] =	ssyncadd.s32 $0xFFFFFC00  }
0x2f: {  	[spmem:s2] =	stream.indirect.scatter.add.f32 [tilespmem:s11], [sflag:$0x1], $0x10, s3, s11, $0xb8;
	[tilespmem:$0x10C00] =	vst v63  }
0x30: {  	_ =	swait.ge [sflag:s12], $0x4000  }
0x31: {  	s17 =	simm.s32 $0x100;
	s16 =	simm.s32 $0x80;
	[sflag:s12] =	ssyncset.done $0x0  }
.LBB2_6:
0x32: {  	s18 =	sadd.s32 s16, s10  }
0x33: {  	[sflag:s12] =	ssyncadd.s32 $0xFFFFC000;
	s16 =	smov.u32 s17;
	s19 =	sadd.s32 $0x80, s17  }
0x34: {  	[tilespmem:s3], [sflag:$0x1] =	stream.linear.gather [hbm4b:s18+s3], $0x400, $0x38;
	[tilespmem:$0x10C00] =	vst v63  }
0x35: {  	p0 =	sne.s32 s17, $0x1800;
	_ =	swait.ge [sflag:s12], $0x400  }
.Ltmp2:
0x36: {  	[sflag:s12] =	ssyncset.done $0x0;
	(pc) =	sbr.rel @p0 .LBB2_6-.Ltmp2, $4  }
0x37: {  	[sflag:s12] =	ssyncadd.s32 $0xFFFFFC00  }
0x38: {  	[spmem:s2] =	stream.indirect.scatter.add.f32 [tilespmem:s11], [sflag:$0x1], $0x10, s3, s11, $0xb8;
	[tilespmem:$0x10C00] =	vst v63  }
0x39: {  	_ =	swait.ge [sflag:s12], $0x4000  }
0x3a: {  	s17 =	smov.u32 s19;
	[sflag:s12] =	ssyncset.done $0x0  }
0x3b: {  	s16 =	sadd.s32 s16, s10;
	[sflag:s12] =	ssyncadd.s32 $0xFFFFC000  }
0x3c: {  	[tilespmem:s3], [sflag:$0x1] =	stream.linear.gather [hbm4b:s16+s3], $0x400, $0x38;
	[tilespmem:$0x10C00] =	vst v63  }
0x3d: {  	_ =	swait.ge [sflag:s12], $0x400  }
0x3e: {  	[sflag:s12] =	ssyncset.done $0x0  }
0x3f: {  	[sflag:s12] =	ssyncadd.s32 $0xFFFFFC00  }
0x40: {  	[spmem:s2] =	stream.indirect.scatter.add.f32 [tilespmem:s11], [sflag:$0x1], $0x10, s3, s11, $0xb8;
	[tilespmem:$0x10C00] =	vst v63  }
0x41: {  	_ =	swait.ge [sflag:s12], $0x4000  }
0x42: {  	s15 =	sadd.s32 $0x1, s15;
	[sflag:s12] =	ssyncset.done $0x0  }
0x43: {  	p0 =	sne.s32 s15, s9;
	[sflag:s12] =	ssyncadd.s32 $0xFFFFC000  }
.Ltmp3:
0x44: {  	[bflag:$0x0] =	sbarrier.arrive $0xFFFF;
	(pc) =	sbr.rel @p0 .LBB2_1-.Ltmp3, $4  }
0x45: {  	[hbm:s8], [sflag:s13] =	dma.local [spmem:s14], $0x1900  }
0x46: {  	_ =	swait.ge [sflag:s12], $0x1900  }
0x47: {  	[sflag:s12] =	ssyncset.done $0x0  }
0x48: {  	[sflag:s12] =	ssyncadd.s32 $0xFFFFE700  }
0x49: {  	_ =	sfence.sel $0x180000  }
0x4a: {  	[bflag:$0x0] =	sbarrier.arrive $0xFFFF  }
0x4b: {  	p0 =	sne.s32 s0, $0x0;
	_ =	strace $0x90000047  }
0x4c: {  	s0 =	sadd.s32 @!p0 $0x100000, s1;
	[bflag:$0x2] =	sbarrier.arrive $0xFFFF  }
0x4d: {  	[sflag:s0] =	ssyncadd.tile.s32 @!p0 $0x1;
	_ =	shalt  }
.Lfunc_end2:
_tile_overlayer_lowered:
.L_overlay_start_2:
0x4e: {  	(tag) =	ssettag $0x2  }
0x4f: {  	s0 =	rddreg [dreg:$0x0];
	s2 =	stileid.u32  }
0x50: {  	s1 =	rddreg [dreg:$0x1];
	p0 =	sne.s32 s2, $0x0  }
0x51: {  	s3 =	rddreg [dreg:$0x2];
	[bflag:$0x3] =	sbarrier.arrive $0xFFFF;
	s2 =	simm.s32 @!p0 $0x1C01  }
0x52: {  	[timem:s3], [sflag:s2] =	dma.local @!p0 [hbm:s0], s1  }
0x53: {  	s0 =	simm.s32 @!p0 $0x1  }
0x54: {  	_ =	swait.ge @!p0 [sflag:s0], s1  }
0x55: {  	s1 =	ssub.s32 @!p0 $0x0, s1;
	[sflag:s0] =	ssyncset.done @!p0 $0x0  }
0x56: {  	[sflag:s0] =	ssyncadd.s32 @!p0 s1  }
0x57: {  	[bflag:$0x3] =	sbarrier.arrive $0xFFFF  }
0x58: {  	_ =	shalt  }

// kernel: kernel.18.cloned.1.call-start
scs
__scs_entry_jumppad:
0x0: {  	(pc) =	sbr.rel $0x88, $3  }
0x1: {  	(tag) =	ssettag $0x0;
	lr =	simm.s32 $0x1  }
0x2: {  	[smem:$0x3F8B] =	sst lr;
	_ =	strace $0xD0000000  }
0x3: {  	_ = 	snop  }
0x4: {  	_ = 	snop  }
0x5: {  	_ = 	snop  }
0x6: {  	_ = 	snop  }
0x7: {  	_ = 	snop  }
__scs_overlays_trampoline_lowered:
0x8: {  	[smem:$0x3F9A] =	sst s0  }
0x9: {  	[smem:$0x3F9B] =	sst s1  }
0xa: {  	[smem:$0x3F9C] =	sst s2  }
0xb: {  	[smem:$0x3F9D] =	sst s3  }
0xc: {  	[smem:$0x3F9E] =	sst s4  }
0xd: {  	[smem:$0x3F9F] =	sst s5  }
0xe: {  	[smem:$0x3FA0] =	sst s6  }
0xf: {  	[smem:$0x3FA1] =	sst s7  }
0x10: {  	[smem:$0x3FA2] =	sst s8  }
0x11: {  	[smem:$0x3FA3] =	sst s9;
	s0 =	simm.s32 @!p0 $0x0  }
0x12: {  	s1 =	sld [smem:$0x3F89];
	s0 =	simm.s32 @p0 $0x1  }
0x13: {  	[smem:$0x3FA4] =	sst s0;
	s0 =	simm.s32 @!p1 $0x0  }
0x14: {  	s2 =	sld [smem:$0x3F88];
	s0 =	simm.s32 @p1 $0x1  }
0x15: {  	[smem:$0x3FA5] =	sst s0;
	s0 =	simm.s32 @!p2 $0x0  }
0x16: {  	s3 =	sld [smem:$0x3FDB];
	s0 =	simm.s32 @p2 $0x1  }
0x17: {  	s4 =	simm.s32 $0x1BF5;
	[smem:$0x3FA7] =	sst s0  }
0x18: {  	s0 =	sld [smem:$0x3F8A];
	_ =	swait.ge [sflag:s4], $0x0  }
0x19: {  	s7 =	sld [smem:$0x3F8B]  }
0x1a: {  	s8 =	sadd.s32 $0xFFFFE003, lr  }
0x1b: {  	s9 =	sadd.s32 $0xFFFFFEF7, lr;
	s5 =	simm.s32 $0xFFFFFFFF;
	p2 =	slt.u32 s8, $0xFFFFF086  }
0x1c: {  	p1 =	slt.u32 s9, $0xF7A;
	s5 =	simm.s32 @!p2 $0x0  }
0x1d: {  	s5 =	simm.s32 @p1 $0x1;
	p0 =	seq.s32 s7, s2  }
0x1e: {  	s7 =	smul.u32 @!p0 $0xF7A, s2;
	p2 =	seq.s32 @!p0 s5, $0x0  }
0x1f: {  	s9 =	smul.u32 $0xF7A, s1;
	s8 =	simm.s32 @!p0 $0x1BF5;
	p2 =	por !p2, p0  }
0x20: {  	[sflag:s8] =	ssyncset.s32 @!p0 $0xFFFFF086;
	s6 =	sadd.s32 @!p0 s3, s7;
	s7 =	simm.s32 @!p0 $0x108  }
0x21: {  	s3 =	sadd.s32 s3, s9;
	s6 =	sadd.s32 @!p0 $0x88, s6;
	s7 =	simm.s32 @p2 $0x1082  }
0x22: {  	[simem:s7], [sflag:s8] =	dma.local @!p0 [hbm:s6], $0xF7A  }
0x23: {  	s9 =	sor.u32 $0xD0000000, s2;
	s6 =	simm.s32 $0x108;
	_ =	swait.ge @!p0 [sflag:s8], $0x0  }
0x24: {  	s3 =	sadd.s32 $0x88, s3;
	s6 =	simm.s32 @!p1 $0x1082;
	[sflag:s4] =	ssyncset.s32 $0xFFFFF086  }
0x25: {  	[simem:s6], [sflag:s4] =	dma.local [hbm:s3], $0xF7A  }
0x26: {  	[smem:$0x3F8B] =	sst s1;
	(tag) =	ssettag s2;
	_ =	strace s9  }
0x27: {  	s1 =	sld [smem:$0x3F9B]  }
0x28: {  	s2 =	sld [smem:$0x3F9C]  }
0x29: {  	s4 =	sld [smem:$0x3F9E]  }
0x2a: {  	p0 =	seq.s32 s5, $0x0;
	s5 =	sld [smem:$0x3F9F]  }
0x2b: {  	s6 =	sld [smem:$0x3FA0]  }
0x2c: {  	s7 =	sld [smem:$0x3FA1]  }
0x2d: {  	s3 =	simm.s32 $0x108;
	s8 =	sld [smem:$0x3FA2]  }
0x2e: {  	s3 =	simm.s32 @!p0 $0x1082;
	s9 =	sld [smem:$0x3FA3]  }
0x2f: {  	lr =	sadd.s32 s0, s3;
	s0 =	sld [smem:$0x3F9A]  }
0x30: {  	s3 =	sld [smem:$0x3F9D]  }
0x31: {  	[smem:$0x3FA6] =	sst s10  }
0x32: {  	s10 =	sld [smem:$0x3FA4];
	_ =	sdelay $0x3  }
0x33: {  	p0 =	seq.s32 s10, $0x1;
	s10 =	sld [smem:$0x3FA6];
	_ =	sdelay $0x3  }
0x34: {  	[smem:$0x3FA6] =	sst s10  }
0x35: {  	s10 =	sld [smem:$0x3FA5];
	_ =	sdelay $0x3  }
0x36: {  	p1 =	seq.s32 s10, $0x1;
	s10 =	sld [smem:$0x3FA6];
	_ =	sdelay $0x3  }
0x37: {  	[smem:$0x3FA6] =	sst s10  }
0x38: {  	s10 =	sld [smem:$0x3FA7]  }
0x39: {  	_ = 	snop;
	(pc) =	sbr.ind lr, $3  }
0x3a: {  	_ = 	snop  }
0x3b: {  	_ = 	snop  }
0x3c: {  	p2 =	seq.s32 s10, $0x1;
	s10 =	sld [smem:$0x3FA6]  }
0x3d: {  	_ =	shalt  }
0x3e: {  	_ =	shalt  }
0x3f: {  	_ =	shalt  }
0x40: {  	_ =	shalt  }
0x41: {  	_ =	shalt  }
0x42: {  	_ =	shalt  }
0x43: {  	_ =	shalt  }
0x44: {  	_ =	shalt  }
0x45: {  	_ =	shalt  }
0x46: {  	_ =	shalt  }
0x47: {  	_ =	shalt  }
0x48: {  	_ =	shalt  }
0x49: {  	_ =	shalt  }
0x4a: {  	_ =	shalt  }
0x4b: {  	_ =	shalt  }
0x4c: {  	_ =	shalt  }
0x4d: {  	_ =	shalt  }
0x4e: {  	_ =	shalt  }
0x4f: {  	_ =	shalt  }
0x50: {  	_ =	shalt  }
0x51: {  	_ =	shalt  }
0x52: {  	_ =	shalt  }
0x53: {  	_ =	shalt  }
0x54: {  	_ =	shalt  }
0x55: {  	_ =	shalt  }
0x56: {  	_ =	shalt  }
0x57: {  	_ =	shalt  }
0x58: {  	_ =	shalt  }
0x59: {  	_ =	shalt  }
0x5a: {  	_ =	shalt  }
0x5b: {  	_ =	shalt  }
0x5c: {  	_ =	shalt  }
0x5d: {  	_ =	shalt  }
0x5e: {  	_ =	shalt  }
0x5f: {  	_ =	shalt  }
0x60: {  	_ =	shalt  }
0x61: {  	_ =	shalt  }
0x62: {  	_ =	shalt  }
0x63: {  	_ =	shalt  }
0x64: {  	_ =	shalt  }
0x65: {  	_ =	shalt  }
0x66: {  	_ =	shalt  }
0x67: {  	_ =	shalt  }
0x68: {  	_ =	shalt  }
0x69: {  	_ =	shalt  }
0x6a: {  	_ =	shalt  }
0x6b: {  	_ =	shalt  }
0x6c: {  	_ =	shalt  }
0x6d: {  	_ =	shalt  }
0x6e: {  	_ =	shalt  }
0x6f: {  	_ =	shalt  }
0x70: {  	_ =	shalt  }
0x71: {  	_ =	shalt  }
0x72: {  	_ =	shalt  }
0x73: {  	_ =	shalt  }
0x74: {  	_ =	shalt  }
0x75: {  	_ =	shalt  }
0x76: {  	_ =	shalt  }
0x77: {  	_ =	shalt  }
0x78: {  	_ =	shalt  }
0x79: {  	_ =	shalt  }
0x7a: {  	_ =	shalt  }
0x7b: {  	_ =	shalt  }
0x7c: {  	_ =	shalt  }
0x7d: {  	_ =	shalt  }
0x7e: {  	_ =	shalt  }
0x7f: {  	_ =	shalt  }
0x80: {  	_ =	shalt  }
0x81: {  	_ =	shalt  }
0x82: {  	_ =	shalt  }
0x83: {  	_ =	shalt  }
0x84: {  	_ =	shalt  }
0x85: {  	_ =	shalt  }
0x86: {  	_ =	shalt  }
0x87: {  	_ =	shalt  }
.Lfunc_end0:
.L_simem_size_0:
called_computation.1_lowered:
.L_overlay_start_0:
0x88: {  	s2 =	sld [smem:$0x3FD9]  }
0x89: {  	s3 =	sld [smem:$0x3FFE];
	_ =	sdelay $0x1  }
0x8a: {  	s1 =	srdreg.scid  }
0x8b: {  	s0 =	sand.u32 $0x1, s1  }
0x8c: {  	s17 =	sshll.u32 s0, $0xA;
	s2 =	sadd.s32 s3, s2  }
0x8d: {  	s2 =	sadd.s32 s2, s17  }
0x8e: {  	[smem:$0x3FB2] =	sst s2  }
0x8f: {  	_ = 	snop  }
0x90: {  	(tm) =	ssettm $0x1  }
0x91: {  	s18 =	sld [smem:$0x3FFB];
	_ =	sdelay $0x3  }
0x92: {  	_ =	strace s18  }
0x93: {  	s2 =	sld [smem:$0x3FFC];
	_ =	sdelay $0x3  }
0x94: {  	_ =	strace s2  }
0x95: {  	s2 =	sld [smem:$0x3FFD];
	_ =	sdelay $0x3  }
0x96: {  	_ =	strace s2  }
0x97: {  	_ =	strace $0x8FFFFFFF  }
0x98: {  	s19 =	sld [smem:$0x3FDB];
	_ =	sdelay $0x1  }
0x99: {  	s20 =	simm.s32 $_scs_section_size  }
0x9a: {  	s4 =	simm.s32 $_size__tile_overlayer_lowered;
	s5 =	simm.s32 $_tile_overlayer_lowered  }
0x9b: {  	s6 =	simm.s32 $0x1BFF;
	s21 =	sshll.u32 s5, $0x1;
	s3 =	sadd.s32 s20, s19  }
0x9c: {  	s22 =	simm.s32 $0x0;
	s4 =	sshll.u32 s4, $0x1;
	s5 =	sadd.s32 s21, s3  }
0x9d: {  	[timem:s22], [sflag:s6] =	dma.local [hbm:s5], s4  }
0x9e: {  	_ =	swait.ge [sflag:s6], s4  }
0x9f: {  	s4 =	ssub.s32 $0x0, s4;
	[sflag:s6] =	ssyncset.done $0x0  }
0xa0: {  	[sflag:s6] =	ssyncadd.s32 s4;
	_ =	sdelay $0x1  }
0xa1: {  	s23 =	simm.s32 $0x1B8B  }
0xa2: {  	_ =	swait.ge [sflag:s23], $0x1  }
0xa3: {  	[sflag:s23] =	ssyncset.done $0x0  }
0xa4: {  	[sflag:s23] =	ssyncadd.s32 $0xFFFFFFFF  }
0xa5: {  	s4 =	sld [smem:$0x0]  }
0xa6: {  	s5 =	sand.u32 $0xFFFFFFFE, s1  }
0xa7: {  	p0 =	sne.s32 s1, s5  }
0xa8: {  	s5 =	sshll.u32 @p0 s5, $0xE  }
0xa9: {  	s5 =	sadd.s32 @p0 $0x11B8D, s5;
	s6 =	sshll.u32 @p0 s4, $0x11  }
0xaa: {  	s5 =	sor.u32 @p0 s6, s5  }
0xab: {  	[sflag:s5] =	ssyncadd.remote.s32 @p0 $0x1;
	_ =	sdelay $0x1  }
0xac: {  	s5 =	simm.s32 @p0 $0x1B8D  }
0xad: {  	_ =	swait.eq @p0 [sflag:s5], $0x1  }
0xae: {  	[sflag:s5] =	ssyncadd.s32 @p0 $0xFFFFFFFF  }
0xaf: {  	s6 =	sshll.u32 @!p0 s1, $0xE  }
0xb0: {  	s6 =	sor.u32 @!p0 $0x4000, s6;
	s5 =	simm.s32 @!p0 $0x1B8D  }
0xb1: {  	s4 =	sshll.u32 @!p0 s4, $0x11;
	s6 =	sadd.s32 @!p0 $0x11B8D, s6;
	_ =	swait.eq @!p0 [sflag:s5], $0x1  }
0xb2: {  	s4 =	sor.u32 @!p0 s4, s6;
	[sflag:s5] =	ssyncadd.s32 @!p0 $0xFFFFFFFF  }
0xb3: {  	s25 =	simm.s32 $0x1B8E;
	s24 =	sld [smem:$0x3FFE];
	[sflag:s4] =	ssyncadd.remote.s32 @!p0 $0x1  }
0xb4: {  	s26 =	simm.s32 $execute0_lowered;
	[smem:$0x3FD2] =	sst s25  }
0xb5: {  	s5 =	sshll.u32 s26, $0x1;
	_ =	strace $0x8000004C;
	[dreg:$0x1] =	wrdreg $0xFFFFFFFF  }
0xb6: {  	s28 =	simm.s32 $_size_execute0_lowered;
	s3 =	sadd.s32 s3, s5;
	[dreg:$0x0] =	wrdreg $0x0  }
0xb7: {  	s5 =	sshll.u32 s28, $0x1;
	[dreg:$0x2] =	wrdreg s3  }
0xb8: {  	[dreg:$0x3] =	wrdreg s5  }
0xb9: {  	[dreg:$0x4] =	wrdreg $0xC0  }
0xba: {  	_ =	task [dreg:s22], $0x5FFFF  }
0xbb: {  	[dreg:$0x1] =	wrdreg $0xFFFFFFFF  }
0xbc: {  	[dreg:$0x0] =	wrdreg $0x60  }
0xbd: {  	[dreg:$0x2] =	wrdreg s24  }
0xbe: {  	[dreg:$0x3] =	wrdreg $0x108000  }
0xbf: {  	[dreg:$0x4] =	wrdreg $0x9  }
0xc0: {  	_ =	task.clear_ibuf [dreg:s22], $0x5FFFF;
	_ =	strace $0x9000004C  }
0xc1: {  	s29 =	simm.s32 $0x9;
	_ =	strace $0x8000004E  }
0xc2: {  	_ =	swait.ge [sflag:s29], $0x1  }
0xc3: {  	[sflag:s29] =	ssyncadd.s32 $0xFFFFFFFF  }
0xc4: {  	_ =	strace $0x9000004E  }
0xc5: {  	_ =	sfence  }
0xc6: {  	s30 =	sld [smem:$0x0];
	_ =	sdelay $0x2  }
0xc7: {  	s31 =	sshll.u32 s1, $0xD;
	s1 =	sshrl.u32 s1, $0x2  }
0xc8: {  	s4 =	sand.u32 $0x4000, s31;
	s1 =	sadd.s32 s1, s30  }
0xc9: {  	s0 =	sor.u32 s4, s0;
	s1 =	sshll.u32 s1, $0x11  }
0xca: {  	s0 =	sor.u32 s1, s0  }
0xcb: {  	s0 =	sadd.s32 $0x8F2B, s0  }
0xcc: {  	[sflag:s0] =	ssyncadd.remote.s32 $0x1  }
0xcd: {  	_ =	sfence.sel $0xFFFF  }
0xce: {  	[dreg:$0x0] =	wrdreg $0xFFFFFFFF;
	(pc) =	sbr.abs _section_cstart, $3  }
0xcf: {  	[dreg:$0x1] =	wrdreg $0xFFFFFFFF  }
0xd0: {  	_ =	task.clear_ibuf [dreg:s22], $0x2FFFF;
	_ =	strace $0x9FFFFFFF  }
0xd1: {  	(tm) =	ssettm $0x7FFFFFFF  }
tec
execute0_lowered:
.L_overlay_start_1:
0x0: {  	(tag) =	ssettag $0x1  }
0x1: {  	s0 =	srdreg.scid;
	s6 =	rddreg [dreg:$0x0]  }
0x2: {  	s2 =	rddreg [dreg:$0x1];
	s5 =	sand.u32 $0x1, s0  }
0x3: {  	s0 =	stileid.u32;
	s4 =	smul.u32 $0x188000, s5  }
0x4: {  	s1 =	rddreg [dreg:$0x2];
	s7 =	smul.u32 $0xC400, s0  }
0x5: {  	s3 =	simm.s32 $0x0;
	s16 =	simm.s32 $0x2;
	s8 =	smul.u32 $0x1880, s0  }
0x6: {  	s17 =	simm.s32 $0x400;
	s18 =	simm.s32 $0x1;
	s9 =	smul.u32 $0xC800, s0  }
0x7: {  	s19 =	simm.s32 $0xC400;
	s20 =	simm.s32 $0x0;
	s29 =	smul.u32 $0x190000, s5  }
0x8: {  	[smem:$0x7FF] =	sst s3;
	s11 =	smul.u32 $0x32000, s0;
	s5 =	ssub.s32 $0x2, s5  }
0x9: {  	_ =	strace $0x8000004D;
	s31 =	sshrl.u32 s5, $0x1;
	s4 =	sadd.s32 s7, s4  }
0xa: {  	s14 =	sadd.s32 s8, s6;
	s7 =	sadd.s32 s9, s29;
	s30 =	sshrl.u32 s11, $0x2  }
0xb: {  	s15 =	ssub.s32 s5, s31;
	s10 =	sshrl.u32 s4, $0x3;
	s4 =	sadd.s32 $0x530000, s6  }
0xc: {  	s7 =	sshrl.u32 s7, $0x3;
	s8 =	sadd.s32 s30, s2;
	s14 =	sadd.s32 $0x1D800, s14  }
0xd: {  	s12 =	sadd.s32 s10, s6;
	s13 =	sadd.s32 s7, s6;
	s5 =	sadd.s32 $0x4000, s8  }
0xe: {  	s6 =	sadd.s32 $0x8000, s8;
	s7 =	sadd.s32 $0xC000, s8;
	s8 =	sadd.s32 $0x4CE000, s12  }
0xf: {  	s9 =	sadd.s32 s9, s2;
	s10 =	sadd.s32 $0x900A00, s13;
	s11 =	sadd.s32 $0x4E6800, s12  }
0x10: {  	v0 =	vimm.f32 $0.0e+00;
	s12 =	sadd.s32 $0x919A00, s13;
	s13 =	smax.u32 s15, $0x1;
	s15 =	simm.s32 $0xC800  }
.LBB2_1:
0x11: {  	s21 =	simm.s32 $0x40;
	s22 =	simm.s32 $0x0  }
.LBB2_2:
0x12: {  	p0 =	sne.s32 s21, $0xFFC0;
	[tilespmem:s22+$0xC800] =	vst v0;
	s22 =	smov.u32 s21;
	s21 =	sadd.s32 $0x40, s21  }
.Ltmp0:
0x13: {  	(pc) =	sbr.rel @p0 .LBB2_2-.Ltmp0, $2  }
0x14: {  	_ =	sdelay $0x2  }
0x15: {  	s22 =	sshra.s32 s22, $0x2  }
0x16: {  	[tilespmem:s22+$0xC800] =	vst v0  }
0x17: {  	[spmem:s9] =	stream.linear.scatter [tilespmem:s15], [sflag:$0x2], $0x4000, $0x38;
	[tilespmem:$0x1D000] =	vst v63  }
0x18: {  	_ =	swait.ge [sflag:s16], $0x4000  }
0x19: {  	[sflag:s16] =	ssyncset.done $0x0  }
0x1a: {  	[sflag:s16] =	ssyncadd.s32 $0xFFFFC000  }
0x1b: {  	[spmem:s5] =	stream.linear.scatter [tilespmem:s15], [sflag:$0x2], $0x4000, $0x38;
	[tilespmem:$0x1D000] =	vst v63  }
0x1c: {  	_ =	swait.ge [sflag:s16], $0x4000  }
0x1d: {  	[sflag:s16] =	ssyncset.done $0x0  }
0x1e: {  	[sflag:s16] =	ssyncadd.s32 $0xFFFFC000  }
0x1f: {  	[spmem:s6] =	stream.linear.scatter [tilespmem:s15], [sflag:$0x2], $0x4000, $0x38;
	[tilespmem:$0x1D000] =	vst v63  }
0x20: {  	_ =	swait.ge [sflag:s16], $0x4000  }
0x21: {  	[sflag:s16] =	ssyncset.done $0x0  }
0x22: {  	[sflag:s16] =	ssyncadd.s32 $0xFFFFC000  }
0x23: {  	[spmem:s7] =	stream.linear.scatter [tilespmem:s15], [sflag:$0x2], $0x800, $0x38;
	[tilespmem:$0x1D000] =	vst v63  }
0x24: {  	_ =	swait.ge [sflag:s16], $0x800  }
0x25: {  	[sflag:s16] =	ssyncset.done $0x0  }
0x26: {  	s21 =	simm.s32 $0x0;
	[sflag:s16] =	ssyncadd.s32 $0xFFFFF800  }
0x27: {  	[tilespmem:s21], [sflag:$0x2] =	stream.linear.gather [hbm4b:s8+s21], $0xC400, $0x38;
	[tilespmem:$0x1D000] =	vst v63  }
0x28: {  	_ =	swait.ge [sflag:s16], $0xC400  }
0x29: {  	[sflag:s16] =	ssyncset.done $0x0  }
0x2a: {  	[sflag:s16] =	ssyncadd.s32 $0xFFFF3C00  }
0x2b: {  	[bflag:$0x0] =	sbarrier.arrive $0xFFFF  }
0x2c: {  	[tilespmem:s15], [sflag:$0x1] =	stream.indirect.gather [hbm4b:s4+s17], $0x10, s21, s17, $0xb8;
	[tilespmem:$0x1D000] =	vst v63  }
0x2d: {  	_ =	swait.ge [sflag:s18], $0x4000  }
0x2e: {  	[sflag:s18] =	ssyncset.done $0x0  }
0x2f: {  	s31 =	sadd.s32 $0x0, s14;
	[sflag:s18] =	ssyncadd.s32 $0xFFFFC000  }
0x30: {  	[tilespmem:s19], [sflag:$0x2] =	stream.linear.gather [hbm4b:s31+s3], $0x400, $0x38;
	[tilespmem:$0x1D000] =	vst v63  }
0x31: {  	_ =	swait.ge [sflag:s16], $0x400  }
0x32: {  	[sflag:s16] =	ssyncset.done $0x0  }
0x33: {  	[sflag:s16] =	ssyncadd.s32 $0xFFFFFC00  }
0x34: {  	[spmem:s2] =	stream.indirect.scatter.add.f32 [tilespmem:s15], [sflag:$0x2], $0x10, s19, s17, $0xb8;
	[tilespmem:$0x1D000] =	vst v63  }
0x35: {  	_ =	swait.ge [sflag:s16], $0x4000  }
0x36: {  	s22 =	simm.s32 $0x80;
	[sflag:s16] =	ssyncset.done $0x0  }
.LBB2_4:
0x37: {  	p0 =	sne.s32 s22, $0x1800;
	[sflag:s16] =	ssyncadd.s32 $0xFFFFC000;
	s21 =	sadd.s32 $0x400, s21  }
0x38: {  	[tilespmem:s15], [sflag:$0x1] =	stream.indirect.gather [hbm4b:s4+s17], $0x10, s21, s17, $0xb8;
	[tilespmem:$0x1D000] =	vst v63  }
0x39: {  	s23 =	smov.u32 s22;
	s22 =	sadd.s32 $0x80, s22;
	_ =	swait.ge [sflag:s18], $0x4000  }
0x3a: {  	[sflag:s18] =	ssyncset.done $0x0  }
0x3b: {  	s23 =	sadd.s32 s23, s14;
	[sflag:s18] =	ssyncadd.s32 $0xFFFFC000  }
0x3c: {  	[tilespmem:s19], [sflag:$0x2] =	stream.linear.gather [hbm4b:s23+s3], $0x400, $0x38;
	[tilespmem:$0x1D000] =	vst v63  }
0x3d: {  	_ =	swait.ge [sflag:s16], $0x400  }
.Ltmp1:
0x3e: {  	[sflag:s16] =	ssyncset.done $0x0;
	(pc) =	sbr.rel @p0 .LBB2_4-.Ltmp1, $4  }
0x3f: {  	[sflag:s16] =	ssyncadd.s32 $0xFFFFFC00  }
0x40: {  	[spmem:s2] =	stream.indirect.scatter.add.f32 [tilespmem:s15], [sflag:$0x2], $0x10, s19, s17, $0xb8;
	[tilespmem:$0x1D000] =	vst v63  }
0x41: {  	_ =	swait.ge [sflag:s16], $0x4000  }
0x42: {  	[sflag:s16] =	ssyncset.done $0x0  }
0x43: {  	[sflag:s16] =	ssyncadd.s32 $0xFFFFC000;
	s21 =	sshll.u32 s0, $0x6  }
0x44: {  	s22 =	sshrl.u32 s9, $0x3;
	[bflag:$0x0] =	sbarrier.arrive $0xFFFF;
	s21 =	sor.u32 $0x1C02, s21  }
0x45: {  	[hbm:s10], [sflag:s21] =	dma.local [spmem:s22], $0x1900  }
0x46: {  	_ =	swait.ge [sflag:s16], $0x1900  }
0x47: {  	[sflag:s16] =	ssyncset.done $0x0  }
0x48: {  	[sflag:s16] =	ssyncadd.s32 $0xFFFFE700  }
0x49: {  	s23 =	simm.s32 $0x40;
	s24 =	simm.s32 $0x0;
	[bflag:$0x0] =	sbarrier.arrive $0xFFFF  }
.LBB2_6:
0x4a: {  	p0 =	sne.s32 s23, $0xFFC0;
	[tilespmem:s24+$0xC800] =	vst v0;
	s24 =	smov.u32 s23;
	s23 =	sadd.s32 $0x40, s23  }
.Ltmp2:
0x4b: {  	(pc) =	sbr.rel @p0 .LBB2_6-.Ltmp2, $2  }
0x4c: {  	_ =	sdelay $0x2  }
0x4d: {  	s24 =	sshra.s32 s24, $0x2  }
0x4e: {  	[tilespmem:s24+$0xC800] =	vst v0  }
0x4f: {  	[spmem:s9] =	stream.linear.scatter [tilespmem:s15], [sflag:$0x2], $0x4000, $0x38;
	[tilespmem:$0x1D000] =	vst v63  }
0x50: {  	_ =	swait.ge [sflag:s16], $0x4000  }
0x51: {  	[sflag:s16] =	ssyncset.done $0x0  }
0x52: {  	[sflag:s16] =	ssyncadd.s32 $0xFFFFC000  }
0x53: {  	[spmem:s5] =	stream.linear.scatter [tilespmem:s15], [sflag:$0x2], $0x4000, $0x38;
	[tilespmem:$0x1D000] =	vst v63  }
0x54: {  	_ =	swait.ge [sflag:s16], $0x4000  }
0x55: {  	[sflag:s16] =	ssyncset.done $0x0  }
0x56: {  	[sflag:s16] =	ssyncadd.s32 $0xFFFFC000  }
0x57: {  	[spmem:s6] =	stream.linear.scatter [tilespmem:s15], [sflag:$0x2], $0x4000, $0x38;
	[tilespmem:$0x1D000] =	vst v63  }
0x58: {  	_ =	swait.ge [sflag:s16], $0x4000  }
0x59: {  	[sflag:s16] =	ssyncset.done $0x0  }
0x5a: {  	[sflag:s16] =	ssyncadd.s32 $0xFFFFC000  }
0x5b: {  	[spmem:s7] =	stream.linear.scatter [tilespmem:s15], [sflag:$0x2], $0x800, $0x38;
	[tilespmem:$0x1D000] =	vst v63  }
0x5c: {  	_ =	swait.ge [sflag:s16], $0x800  }
0x5d: {  	[sflag:s16] =	ssyncset.done $0x0  }
0x5e: {  	s23 =	simm.s32 $0x0;
	[sflag:s16] =	ssyncadd.s32 $0xFFFFF800  }
0x5f: {  	[tilespmem:s23], [sflag:$0x2] =	stream.linear.gather [hbm4b:s11+s23], $0xC400, $0x38;
	[tilespmem:$0x1D000] =	vst v63  }
0x60: {  	_ =	swait.ge [sflag:s16], $0xC400  }
0x61: {  	[sflag:s16] =	ssyncset.done $0x0  }
0x62: {  	[sflag:s16] =	ssyncadd.s32 $0xFFFF3C00  }
0x63: {  	[bflag:$0x0] =	sbarrier.arrive $0xFFFF  }
0x64: {  	[tilespmem:s15], [sflag:$0x1] =	stream.indirect.gather [hbm4b:s4+s17], $0x10, s23, s17, $0xb8;
	[tilespmem:$0x1D000] =	vst v63  }
0x65: {  	_ =	swait.ge [sflag:s18], $0x4000  }
0x66: {  	[sflag:s18] =	ssyncset.done $0x0  }
0x67: {  	s31 =	sadd.s32 $0x0, s14;
	[sflag:s18] =	ssyncadd.s32 $0xFFFFC000  }
0x68: {  	[tilespmem:s19], [sflag:$0x2] =	stream.linear.gather [hbm4b:s31+s3], $0x400, $0x38;
	[tilespmem:$0x1D000] =	vst v63  }
0x69: {  	_ =	swait.ge [sflag:s16], $0x400  }
0x6a: {  	[sflag:s16] =	ssyncset.done $0x0  }
0x6b: {  	[sflag:s16] =	ssyncadd.s32 $0xFFFFFC00  }
0x6c: {  	[spmem:s2] =	stream.indirect.scatter.add.f32 [tilespmem:s15], [sflag:$0x2], $0x10, s19, s17, $0xb8;
	[tilespmem:$0x1D000] =	vst v63  }
0x6d: {  	_ =	swait.ge [sflag:s16], $0x4000  }
0x6e: {  	s24 =	simm.s32 $0x80;
	[sflag:s16] =	ssyncset.done $0x0  }
.LBB2_8:
0x6f: {  	p0 =	sne.s32 s24, $0x1800;
	[sflag:s16] =	ssyncadd.s32 $0xFFFFC000;
	s23 =	sadd.s32 $0x400, s23  }
0x70: {  	[tilespmem:s15], [sflag:$0x1] =	stream.indirect.gather [hbm4b:s4+s17], $0x10, s23, s17, $0xb8;
	[tilespmem:$0x1D000] =	vst v63  }
0x71: {  	s25 =	smov.u32 s24;
	s24 =	sadd.s32 $0x80, s24;
	_ =	swait.ge [sflag:s18], $0x4000  }
0x72: {  	[sflag:s18] =	ssyncset.done $0x0  }
0x73: {  	s25 =	sadd.s32 s25, s14;
	[sflag:s18] =	ssyncadd.s32 $0xFFFFC000  }
0x74: {  	[tilespmem:s19], [sflag:$0x2] =	stream.linear.gather [hbm4b:s25+s3], $0x400, $0x38;
	[tilespmem:$0x1D000] =	vst v63  }
0x75: {  	_ =	swait.ge [sflag:s16], $0x400  }
.Ltmp3:
0x76: {  	[sflag:s16] =	ssyncset.done $0x0;
	(pc) =	sbr.rel @p0 .LBB2_8-.Ltmp3, $4  }
0x77: {  	[sflag:s16] =	ssyncadd.s32 $0xFFFFFC00  }
0x78: {  	[spmem:s2] =	stream.indirect.scatter.add.f32 [tilespmem:s15], [sflag:$0x2], $0x10, s19, s17, $0xb8;
	[tilespmem:$0x1D000] =	vst v63  }
0x79: {  	_ =	swait.ge [sflag:s16], $0x4000  }
0x7a: {  	[sflag:s16] =	ssyncset.done $0x0  }
0x7b: {  	[sflag:s16] =	ssyncadd.s32 $0xFFFFC000;
	s20 =	sadd.s32 $0x1, s20  }
0x7c: {  	[bflag:$0x0] =	sbarrier.arrive $0xFFFF;
	p0 =	sne.s32 s20, s13  }
0x7d: {  	[hbm:s12], [sflag:s21] =	dma.local [spmem:s22], $0x1900  }
.Ltmp4:
0x7e: {  	_ =	swait.ge [sflag:s16], $0x1900;
	(pc) =	sbr.rel @p0 .LBB2_1-.Ltmp4, $3  }
0x7f: {  	[sflag:s16] =	ssyncset.done $0x0  }
0x80: {  	[sflag:s16] =	ssyncadd.s32 $0xFFFFE700  }
0x81: {  	[bflag:$0x0] =	sbarrier.arrive $0xFFFF;
	_ =	sdelay $0x1  }
0x82: {  	_ =	sfence.sel $0x180000  }
0x83: {  	[bflag:$0x0] =	sbarrier.arrive $0xFFFF  }
0x84: {  	p0 =	sne.s32 s0, $0x0;
	_ =	strace $0x9000004D  }
0x85: {  	s0 =	sadd.s32 @!p0 $0x100000, s1;
	[bflag:$0x2] =	sbarrier.arrive $0xFFFF  }
0x86: {  	[sflag:s0] =	ssyncadd.tile.s32 @!p0 $0x1;
	_ =	shalt  }
.Lfunc_end2:
_tile_overlayer_lowered:
.L_overlay_start_2:
0x87: {  	(tag) =	ssettag $0x2  }
0x88: {  	s0 =	rddreg [dreg:$0x0];
	s2 =	stileid.u32  }
0x89: {  	s1 =	rddreg [dreg:$0x1];
	p0 =	sne.s32 s2, $0x0  }
0x8a: {  	s3 =	rddreg [dreg:$0x2];
	[bflag:$0x3] =	sbarrier.arrive $0xFFFF;
	s2 =	simm.s32 @!p0 $0x1C02  }
0x8b: {  	[timem:s3], [sflag:s2] =	dma.local @!p0 [hbm:s0], s1  }
0x8c: {  	s0 =	simm.s32 @!p0 $0x2  }
0x8d: {  	_ =	swait.ge @!p0 [sflag:s0], s1  }
0x8e: {  	s1 =	ssub.s32 @!p0 $0x0, s1;
	[sflag:s0] =	ssyncset.done @!p0 $0x0  }
0x8f: {  	[sflag:s0] =	ssyncadd.s32 @!p0 s1  }
0x90: {  	[bflag:$0x3] =	sbarrier.arrive $0xFFFF  }
0x91: {  	_ =	shalt  }

// kernel: kernel.21.cloned.1.call-start
scs
__scs_entry_jumppad:
0x0: {  	(pc) =	sbr.rel $0x88, $3  }
0x1: {  	(tag) =	ssettag $0x0;
	lr =	simm.s32 $0x1  }
0x2: {  	[smem:$0x3F8B] =	sst lr;
	_ =	strace $0xD0000000  }
0x3: {  	_ = 	snop  }
0x4: {  	_ = 	snop  }
0x5: {  	_ = 	snop  }
0x6: {  	_ = 	snop  }
0x7: {  	_ = 	snop  }
__scs_overlays_trampoline_lowered:
0x8: {  	[smem:$0x3F9A] =	sst s0  }
0x9: {  	[smem:$0x3F9B] =	sst s1  }
0xa: {  	[smem:$0x3F9C] =	sst s2  }
0xb: {  	[smem:$0x3F9D] =	sst s3  }
0xc: {  	[smem:$0x3F9E] =	sst s4  }
0xd: {  	[smem:$0x3F9F] =	sst s5  }
0xe: {  	[smem:$0x3FA0] =	sst s6  }
0xf: {  	[smem:$0x3FA1] =	sst s7  }
0x10: {  	[smem:$0x3FA2] =	sst s8  }
0x11: {  	[smem:$0x3FA3] =	sst s9;
	s0 =	simm.s32 @!p0 $0x0  }
0x12: {  	s1 =	sld [smem:$0x3F89];
	s0 =	simm.s32 @p0 $0x1  }
0x13: {  	[smem:$0x3FA4] =	sst s0;
	s0 =	simm.s32 @!p1 $0x0  }
0x14: {  	s2 =	sld [smem:$0x3F88];
	s0 =	simm.s32 @p1 $0x1  }
0x15: {  	[smem:$0x3FA5] =	sst s0;
	s0 =	simm.s32 @!p2 $0x0  }
0x16: {  	s3 =	sld [smem:$0x3FDB];
	s0 =	simm.s32 @p2 $0x1  }
0x17: {  	s4 =	simm.s32 $0x1BF5;
	[smem:$0x3FA7] =	sst s0  }
0x18: {  	s0 =	sld [smem:$0x3F8A];
	_ =	swait.ge [sflag:s4], $0x0  }
0x19: {  	s7 =	sld [smem:$0x3F8B]  }
0x1a: {  	s8 =	sadd.s32 $0xFFFFE003, lr  }
0x1b: {  	s9 =	sadd.s32 $0xFFFFFEF7, lr;
	s5 =	simm.s32 $0xFFFFFFFF;
	p2 =	slt.u32 s8, $0xFFFFF086  }
0x1c: {  	p1 =	slt.u32 s9, $0xF7A;
	s5 =	simm.s32 @!p2 $0x0  }
0x1d: {  	s5 =	simm.s32 @p1 $0x1;
	p0 =	seq.s32 s7, s2  }
0x1e: {  	s7 =	smul.u32 @!p0 $0xF7A, s2;
	p2 =	seq.s32 @!p0 s5, $0x0  }
0x1f: {  	s9 =	smul.u32 $0xF7A, s1;
	s8 =	simm.s32 @!p0 $0x1BF5;
	p2 =	por !p2, p0  }
0x20: {  	[sflag:s8] =	ssyncset.s32 @!p0 $0xFFFFF086;
	s6 =	sadd.s32 @!p0 s3, s7;
	s7 =	simm.s32 @!p0 $0x108  }
0x21: {  	s3 =	sadd.s32 s3, s9;
	s6 =	sadd.s32 @!p0 $0x88, s6;
	s7 =	simm.s32 @p2 $0x1082  }
0x22: {  	[simem:s7], [sflag:s8] =	dma.local @!p0 [hbm:s6], $0xF7A  }
0x23: {  	s9 =	sor.u32 $0xD0000000, s2;
	s6 =	simm.s32 $0x108;
	_ =	swait.ge @!p0 [sflag:s8], $0x0  }
0x24: {  	s3 =	sadd.s32 $0x88, s3;
	s6 =	simm.s32 @!p1 $0x1082;
	[sflag:s4] =	ssyncset.s32 $0xFFFFF086  }
0x25: {  	[simem:s6], [sflag:s4] =	dma.local [hbm:s3], $0xF7A  }
0x26: {  	[smem:$0x3F8B] =	sst s1;
	(tag) =	ssettag s2;
	_ =	strace s9  }
0x27: {  	s1 =	sld [smem:$0x3F9B]  }
0x28: {  	s2 =	sld [smem:$0x3F9C]  }
0x29: {  	s4 =	sld [smem:$0x3F9E]  }
0x2a: {  	p0 =	seq.s32 s5, $0x0;
	s5 =	sld [smem:$0x3F9F]  }
0x2b: {  	s6 =	sld [smem:$0x3FA0]  }
0x2c: {  	s7 =	sld [smem:$0x3FA1]  }
0x2d: {  	s3 =	simm.s32 $0x108;
	s8 =	sld [smem:$0x3FA2]  }
0x2e: {  	s3 =	simm.s32 @!p0 $0x1082;
	s9 =	sld [smem:$0x3FA3]  }
0x2f: {  	lr =	sadd.s32 s0, s3;
	s0 =	sld [smem:$0x3F9A]  }
0x30: {  	s3 =	sld [smem:$0x3F9D]  }
0x31: {  	[smem:$0x3FA6] =	sst s10  }
0x32: {  	s10 =	sld [smem:$0x3FA4];
	_ =	sdelay $0x3  }
0x33: {  	p0 =	seq.s32 s10, $0x1;
	s10 =	sld [smem:$0x3FA6];
	_ =	sdelay $0x3  }
0x34: {  	[smem:$0x3FA6] =	sst s10  }
0x35: {  	s10 =	sld [smem:$0x3FA5];
	_ =	sdelay $0x3  }
0x36: {  	p1 =	seq.s32 s10, $0x1;
	s10 =	sld [smem:$0x3FA6];
	_ =	sdelay $0x3  }
0x37: {  	[smem:$0x3FA6] =	sst s10  }
0x38: {  	s10 =	sld [smem:$0x3FA7]  }
0x39: {  	_ = 	snop;
	(pc) =	sbr.ind lr, $3  }
0x3a: {  	_ = 	snop  }
0x3b: {  	_ = 	snop  }
0x3c: {  	p2 =	seq.s32 s10, $0x1;
	s10 =	sld [smem:$0x3FA6]  }
0x3d: {  	_ =	shalt  }
0x3e: {  	_ =	shalt  }
0x3f: {  	_ =	shalt  }
0x40: {  	_ =	shalt  }
0x41: {  	_ =	shalt  }
0x42: {  	_ =	shalt  }
0x43: {  	_ =	shalt  }
0x44: {  	_ =	shalt  }
0x45: {  	_ =	shalt  }
0x46: {  	_ =	shalt  }
0x47: {  	_ =	shalt  }
0x48: {  	_ =	shalt  }
0x49: {  	_ =	shalt  }
0x4a: {  	_ =	shalt  }
0x4b: {  	_ =	shalt  }
0x4c: {  	_ =	shalt  }
0x4d: {  	_ =	shalt  }
0x4e: {  	_ =	shalt  }
0x4f: {  	_ =	shalt  }
0x50: {  	_ =	shalt  }
0x51: {  	_ =	shalt  }
0x52: {  	_ =	shalt  }
0x53: {  	_ =	shalt  }
0x54: {  	_ =	shalt  }
0x55: {  	_ =	shalt  }
0x56: {  	_ =	shalt  }
0x57: {  	_ =	shalt  }
0x58: {  	_ =	shalt  }
0x59: {  	_ =	shalt  }
0x5a: {  	_ =	shalt  }
0x5b: {  	_ =	shalt  }
0x5c: {  	_ =	shalt  }
0x5d: {  	_ =	shalt  }
0x5e: {  	_ =	shalt  }
0x5f: {  	_ =	shalt  }
0x60: {  	_ =	shalt  }
0x61: {  	_ =	shalt  }
0x62: {  	_ =	shalt  }
0x63: {  	_ =	shalt  }
0x64: {  	_ =	shalt  }
0x65: {  	_ =	shalt  }
0x66: {  	_ =	shalt  }
0x67: {  	_ =	shalt  }
0x68: {  	_ =	shalt  }
0x69: {  	_ =	shalt  }
0x6a: {  	_ =	shalt  }
0x6b: {  	_ =	shalt  }
0x6c: {  	_ =	shalt  }
0x6d: {  	_ =	shalt  }
0x6e: {  	_ =	shalt  }
0x6f: {  	_ =	shalt  }
0x70: {  	_ =	shalt  }
0x71: {  	_ =	shalt  }
0x72: {  	_ =	shalt  }
0x73: {  	_ =	shalt  }
0x74: {  	_ =	shalt  }
0x75: {  	_ =	shalt  }
0x76: {  	_ =	shalt  }
0x77: {  	_ =	shalt  }
0x78: {  	_ =	shalt  }
0x79: {  	_ =	shalt  }
0x7a: {  	_ =	shalt  }
0x7b: {  	_ =	shalt  }
0x7c: {  	_ =	shalt  }
0x7d: {  	_ =	shalt  }
0x7e: {  	_ =	shalt  }
0x7f: {  	_ =	shalt  }
0x80: {  	_ =	shalt  }
0x81: {  	_ =	shalt  }
0x82: {  	_ =	shalt  }
0x83: {  	_ =	shalt  }
0x84: {  	_ =	shalt  }
0x85: {  	_ =	shalt  }
0x86: {  	_ =	shalt  }
0x87: {  	_ =	shalt  }
.Lfunc_end0:
.L_simem_size_0:
called_computation.2_lowered:
.L_overlay_start_0:
0x88: {  	s2 =	sld [smem:$0x3FD9]  }
0x89: {  	s3 =	sld [smem:$0x3FFE];
	_ =	sdelay $0x1  }
0x8a: {  	s1 =	srdreg.scid  }
0x8b: {  	s0 =	sand.u32 $0x1, s1  }
0x8c: {  	s17 =	sshll.u32 s0, $0xA;
	s2 =	sadd.s32 s3, s2  }
0x8d: {  	s2 =	sadd.s32 s2, s17  }
0x8e: {  	[smem:$0x3FB2] =	sst s2  }
0x8f: {  	_ = 	snop  }
0x90: {  	(tm) =	ssettm $0x1  }
0x91: {  	s18 =	sld [smem:$0x3FFB];
	_ =	sdelay $0x3  }
0x92: {  	_ =	strace s18  }
0x93: {  	s2 =	sld [smem:$0x3FFC];
	_ =	sdelay $0x3  }
0x94: {  	_ =	strace s2  }
0x95: {  	s2 =	sld [smem:$0x3FFD];
	_ =	sdelay $0x3  }
0x96: {  	_ =	strace s2  }
0x97: {  	_ =	strace $0x8FFFFFFF  }
0x98: {  	s19 =	sld [smem:$0x3FDB];
	_ =	sdelay $0x1  }
0x99: {  	s20 =	simm.s32 $_scs_section_size  }
0x9a: {  	s4 =	simm.s32 $_size__tile_overlayer_lowered;
	s5 =	simm.s32 $_tile_overlayer_lowered  }
0x9b: {  	s6 =	simm.s32 $0x1BFF;
	s21 =	sshll.u32 s5, $0x1;
	s3 =	sadd.s32 s20, s19  }
0x9c: {  	s22 =	simm.s32 $0x0;
	s4 =	sshll.u32 s4, $0x1;
	s5 =	sadd.s32 s21, s3  }
0x9d: {  	[timem:s22], [sflag:s6] =	dma.local [hbm:s5], s4  }
0x9e: {  	_ =	swait.ge [sflag:s6], s4  }
0x9f: {  	s4 =	ssub.s32 $0x0, s4;
	[sflag:s6] =	ssyncset.done $0x0  }
0xa0: {  	[sflag:s6] =	ssyncadd.s32 s4;
	_ =	sdelay $0x1  }
0xa1: {  	s23 =	simm.s32 $0x1B8B  }
0xa2: {  	_ =	swait.ge [sflag:s23], $0x1  }
0xa3: {  	[sflag:s23] =	ssyncset.done $0x0  }
0xa4: {  	[sflag:s23] =	ssyncadd.s32 $0xFFFFFFFF  }
0xa5: {  	s4 =	sld [smem:$0x0]  }
0xa6: {  	s5 =	sand.u32 $0xFFFFFFFE, s1  }
0xa7: {  	p0 =	sne.s32 s1, s5  }
0xa8: {  	s5 =	sshll.u32 @p0 s5, $0xE  }
0xa9: {  	s5 =	sadd.s32 @p0 $0x11B8D, s5;
	s6 =	sshll.u32 @p0 s4, $0x11  }
0xaa: {  	s5 =	sor.u32 @p0 s6, s5  }
0xab: {  	[sflag:s5] =	ssyncadd.remote.s32 @p0 $0x1;
	_ =	sdelay $0x1  }
0xac: {  	s5 =	simm.s32 @p0 $0x1B8D  }
0xad: {  	_ =	swait.eq @p0 [sflag:s5], $0x1  }
0xae: {  	[sflag:s5] =	ssyncadd.s32 @p0 $0xFFFFFFFF  }
0xaf: {  	s6 =	sshll.u32 @!p0 s1, $0xE  }
0xb0: {  	s6 =	sor.u32 @!p0 $0x4000, s6;
	s5 =	simm.s32 @!p0 $0x1B8D  }
0xb1: {  	s4 =	sshll.u32 @!p0 s4, $0x11;
	s6 =	sadd.s32 @!p0 $0x11B8D, s6;
	_ =	swait.eq @!p0 [sflag:s5], $0x1  }
0xb2: {  	s4 =	sor.u32 @!p0 s4, s6;
	[sflag:s5] =	ssyncadd.s32 @!p0 $0xFFFFFFFF  }
0xb3: {  	s25 =	simm.s32 $0x1B8E;
	s24 =	sld [smem:$0x3FFE];
	[sflag:s4] =	ssyncadd.remote.s32 @!p0 $0x1  }
0xb4: {  	s26 =	simm.s32 $execute0_lowered;
	[smem:$0x3FD2] =	sst s25  }
0xb5: {  	s5 =	sshll.u32 s26, $0x1;
	_ =	strace $0x80000049;
	[dreg:$0x1] =	wrdreg $0xFFFFFFFF  }
0xb6: {  	s28 =	simm.s32 $_size_execute0_lowered;
	s3 =	sadd.s32 s3, s5;
	[dreg:$0x0] =	wrdreg $0x0  }
0xb7: {  	s5 =	sshll.u32 s28, $0x1;
	[dreg:$0x2] =	wrdreg s3  }
0xb8: {  	[dreg:$0x3] =	wrdreg s5  }
0xb9: {  	[dreg:$0x4] =	wrdreg $0xC0  }
0xba: {  	_ =	task [dreg:s22], $0x5FFFF  }
0xbb: {  	[dreg:$0x1] =	wrdreg $0xFFFFFFFF  }
0xbc: {  	[dreg:$0x0] =	wrdreg $0x60  }
0xbd: {  	[dreg:$0x2] =	wrdreg s24  }
0xbe: {  	[dreg:$0x3] =	wrdreg $0x108000  }
0xbf: {  	[dreg:$0x4] =	wrdreg $0xB  }
0xc0: {  	_ =	task.clear_ibuf [dreg:s22], $0x5FFFF;
	_ =	strace $0x90000049  }
0xc1: {  	s29 =	simm.s32 $0xB;
	_ =	strace $0x8000004B  }
0xc2: {  	_ =	swait.ge [sflag:s29], $0x1  }
0xc3: {  	[sflag:s29] =	ssyncadd.s32 $0xFFFFFFFF  }
0xc4: {  	_ =	strace $0x9000004B  }
0xc5: {  	_ =	sfence  }
0xc6: {  	s30 =	sld [smem:$0x0];
	_ =	sdelay $0x2  }
0xc7: {  	s31 =	sshll.u32 s1, $0xD;
	s1 =	sshrl.u32 s1, $0x2  }
0xc8: {  	s4 =	sand.u32 $0x4000, s31;
	s1 =	sadd.s32 s1, s30  }
0xc9: {  	s0 =	sor.u32 s4, s0;
	s1 =	sshll.u32 s1, $0x11  }
0xca: {  	s0 =	sor.u32 s1, s0  }
0xcb: {  	s0 =	sadd.s32 $0x8F2B, s0  }
0xcc: {  	[sflag:s0] =	ssyncadd.remote.s32 $0x1  }
0xcd: {  	_ =	sfence.sel $0xFFFF  }
0xce: {  	[dreg:$0x0] =	wrdreg $0xFFFFFFFF;
	(pc) =	sbr.abs _section_cstart, $3  }
0xcf: {  	[dreg:$0x1] =	wrdreg $0xFFFFFFFF  }
0xd0: {  	_ =	task.clear_ibuf [dreg:s22], $0x2FFFF;
	_ =	strace $0x9FFFFFFF  }
0xd1: {  	(tm) =	ssettm $0x7FFFFFFF  }
tec
execute0_lowered:
.L_overlay_start_1:
0x0: {  	(tag) =	ssettag $0x1  }
0x1: {  	s5 =	rddreg [dreg:$0x0];
	s0 =	srdreg.scid  }
0x2: {  	s2 =	rddreg [dreg:$0x1];
	s1 =	stileid.u32;
	s3 =	simm.s32 $0x0  }
0x3: {  	s15 =	simm.s32 $0xC800;
	s16 =	simm.s32 $0x2;
	s7 =	smul.u32 $0xC400, s1  }
0x4: {  	s17 =	simm.s32 $0x400;
	s18 =	simm.s32 $0x1;
	s8 =	smul.u32 $0xC800, s1  }
0x5: {  	s19 =	simm.s32 $0xC400;
	s20 =	simm.s32 $0x0;
	s10 =	smul.u32 $0x1880, s1  }
0x6: {  	s6 =	sand.u32 $0x1, s0;
	[smem:$0x7FF] =	sst s3;
	s28 =	smul.u32 $0x32000, s1  }
0x7: {  	s0 =	rddreg [dreg:$0x2];
	s4 =	smul.u32 $0x188000, s6;
	_ =	strace $0x8000004A  }
0x8: {  	s9 =	smul.u32 $0x190000, s6;
	s6 =	ssub.s32 $0x2, s6;
	s14 =	sadd.s32 s10, s5  }
0x9: {  	s29 =	sshrl.u32 s6, $0x1;
	s30 =	sshrl.u32 s28, $0x2;
	s7 =	sadd.s32 s7, s4  }
0xa: {  	s4 =	sadd.s32 $0x408400, s5;
	s26 =	sadd.s32 s8, s9;
	s13 =	ssub.s32 s6, s29  }
0xb: {  	s31 =	sadd.s32 s30, s2;
	s14 =	sadd.s32 $0x5000, s14;
	s7 =	sshrl.u32 s7, $0x3  }
0xc: {  	s6 =	sadd.s32 $0x4000, s31;
	s11 =	sadd.s32 s7, s5;
	s7 =	sshrl.u32 s26, $0x3  }
0xd: {  	s13 =	smax.u32 s13, $0x1;
	s12 =	sadd.s32 s7, s5;
	s5 =	sadd.s32 s8, s2  }
0xe: {  	s7 =	sadd.s32 $0x8000, s31;
	s8 =	sadd.s32 $0xC000, s31;
	s9 =	sadd.s32 $0x99000, s11  }
0xf: {  	v0 =	vimm.f32 $0.0e+00;
	s11 =	sadd.s32 $0xB1800, s11;
	s10 =	sadd.s32 $0x46A000, s12;
	s12 =	sadd.s32 $0x483000, s12  }
.LBB2_1:
0x10: {  	s21 =	simm.s32 $0x40;
	s22 =	simm.s32 $0x0  }
.LBB2_2:
0x11: {  	p0 =	sne.s32 s21, $0xFFC0;
	[tilespmem:s22+$0xC800] =	vst v0;
	s22 =	smov.u32 s21;
	s21 =	sadd.s32 $0x40, s21  }
.Ltmp0:
0x12: {  	(pc) =	sbr.rel @p0 .LBB2_2-.Ltmp0, $2  }
0x13: {  	_ =	sdelay $0x2  }
0x14: {  	s22 =	sshra.s32 s22, $0x2  }
0x15: {  	[tilespmem:s22+$0xC800] =	vst v0  }
0x16: {  	[spmem:s5] =	stream.linear.scatter [tilespmem:s15], [sflag:$0x2], $0x4000, $0x38;
	[tilespmem:$0x1D000] =	vst v63  }
0x17: {  	_ =	swait.ge [sflag:s16], $0x4000  }
0x18: {  	[sflag:s16] =	ssyncset.done $0x0  }
0x19: {  	[sflag:s16] =	ssyncadd.s32 $0xFFFFC000  }
0x1a: {  	[spmem:s6] =	stream.linear.scatter [tilespmem:s15], [sflag:$0x2], $0x4000, $0x38;
	[tilespmem:$0x1D000] =	vst v63  }
0x1b: {  	_ =	swait.ge [sflag:s16], $0x4000  }
0x1c: {  	[sflag:s16] =	ssyncset.done $0x0  }
0x1d: {  	[sflag:s16] =	ssyncadd.s32 $0xFFFFC000  }
0x1e: {  	[spmem:s7] =	stream.linear.scatter [tilespmem:s15], [sflag:$0x2], $0x4000, $0x38;
	[tilespmem:$0x1D000] =	vst v63  }
0x1f: {  	_ =	swait.ge [sflag:s16], $0x4000  }
0x20: {  	[sflag:s16] =	ssyncset.done $0x0  }
0x21: {  	[sflag:s16] =	ssyncadd.s32 $0xFFFFC000  }
0x22: {  	[spmem:s8] =	stream.linear.scatter [tilespmem:s15], [sflag:$0x2], $0x800, $0x38;
	[tilespmem:$0x1D000] =	vst v63  }
0x23: {  	_ =	swait.ge [sflag:s16], $0x800  }
0x24: {  	[sflag:s16] =	ssyncset.done $0x0  }
0x25: {  	s21 =	simm.s32 $0x0;
	[sflag:s16] =	ssyncadd.s32 $0xFFFFF800  }
0x26: {  	[tilespmem:s21], [sflag:$0x2] =	stream.linear.gather [hbm4b:s9+s21], $0xC400, $0x38;
	[tilespmem:$0x1D000] =	vst v63  }
0x27: {  	_ =	swait.ge [sflag:s16], $0xC400  }
0x28: {  	[sflag:s16] =	ssyncset.done $0x0  }
0x29: {  	[sflag:s16] =	ssyncadd.s32 $0xFFFF3C00  }
0x2a: {  	[bflag:$0x0] =	sbarrier.arrive $0xFFFF  }
0x2b: {  	[tilespmem:s15], [sflag:$0x1] =	stream.indirect.gather [hbm4b:s4+s17], $0x10, s21, s17, $0xb8;
	[tilespmem:$0x1D000] =	vst v63  }
0x2c: {  	_ =	swait.ge [sflag:s18], $0x4000  }
0x2d: {  	[sflag:s18] =	ssyncset.done $0x0  }
0x2e: {  	s31 =	sadd.s32 $0x0, s14;
	[sflag:s18] =	ssyncadd.s32 $0xFFFFC000  }
0x2f: {  	[tilespmem:s19], [sflag:$0x2] =	stream.linear.gather [hbm4b:s31+s3], $0x400, $0x38;
	[tilespmem:$0x1D000] =	vst v63  }
0x30: {  	_ =	swait.ge [sflag:s16], $0x400  }
0x31: {  	[sflag:s16] =	ssyncset.done $0x0  }
0x32: {  	[sflag:s16] =	ssyncadd.s32 $0xFFFFFC00  }
0x33: {  	[spmem:s2] =	stream.indirect.scatter.add.f32 [tilespmem:s15], [sflag:$0x2], $0x10, s19, s17, $0xb8;
	[tilespmem:$0x1D000] =	vst v63  }
0x34: {  	_ =	swait.ge [sflag:s16], $0x4000  }
0x35: {  	s22 =	simm.s32 $0x80;
	[sflag:s16] =	ssyncset.done $0x0  }
.LBB2_4:
0x36: {  	p0 =	sne.s32 s22, $0x1800;
	[sflag:s16] =	ssyncadd.s32 $0xFFFFC000;
	s21 =	sadd.s32 $0x400, s21  }
0x37: {  	[tilespmem:s15], [sflag:$0x1] =	stream.indirect.gather [hbm4b:s4+s17], $0x10, s21, s17, $0xb8;
	[tilespmem:$0x1D000] =	vst v63  }
0x38: {  	s23 =	smov.u32 s22;
	s22 =	sadd.s32 $0x80, s22;
	_ =	swait.ge [sflag:s18], $0x4000  }
0x39: {  	[sflag:s18] =	ssyncset.done $0x0  }
0x3a: {  	s23 =	sadd.s32 s23, s14;
	[sflag:s18] =	ssyncadd.s32 $0xFFFFC000  }
0x3b: {  	[tilespmem:s19], [sflag:$0x2] =	stream.linear.gather [hbm4b:s23+s3], $0x400, $0x38;
	[tilespmem:$0x1D000] =	vst v63  }
0x3c: {  	_ =	swait.ge [sflag:s16], $0x400  }
.Ltmp1:
0x3d: {  	[sflag:s16] =	ssyncset.done $0x0;
	(pc) =	sbr.rel @p0 .LBB2_4-.Ltmp1, $4  }
0x3e: {  	[sflag:s16] =	ssyncadd.s32 $0xFFFFFC00  }
0x3f: {  	[spmem:s2] =	stream.indirect.scatter.add.f32 [tilespmem:s15], [sflag:$0x2], $0x10, s19, s17, $0xb8;
	[tilespmem:$0x1D000] =	vst v63  }
0x40: {  	_ =	swait.ge [sflag:s16], $0x4000  }
0x41: {  	[sflag:s16] =	ssyncset.done $0x0  }
0x42: {  	[sflag:s16] =	ssyncadd.s32 $0xFFFFC000;
	s21 =	sshll.u32 s1, $0x6  }
0x43: {  	s22 =	sshrl.u32 s5, $0x3;
	[bflag:$0x0] =	sbarrier.arrive $0xFFFF;
	s21 =	sor.u32 $0x1C02, s21  }
0x44: {  	[hbm:s10], [sflag:s21] =	dma.local [spmem:s22], $0x1900  }
0x45: {  	_ =	swait.ge [sflag:s16], $0x1900  }
0x46: {  	[sflag:s16] =	ssyncset.done $0x0  }
0x47: {  	[sflag:s16] =	ssyncadd.s32 $0xFFFFE700  }
0x48: {  	s23 =	simm.s32 $0x40;
	s24 =	simm.s32 $0x0;
	[bflag:$0x0] =	sbarrier.arrive $0xFFFF  }
.LBB2_6:
0x49: {  	p0 =	sne.s32 s23, $0xFFC0;
	[tilespmem:s24+$0xC800] =	vst v0;
	s24 =	smov.u32 s23;
	s23 =	sadd.s32 $0x40, s23  }
.Ltmp2:
0x4a: {  	(pc) =	sbr.rel @p0 .LBB2_6-.Ltmp2, $2  }
0x4b: {  	_ =	sdelay $0x2  }
0x4c: {  	s24 =	sshra.s32 s24, $0x2  }
0x4d: {  	[tilespmem:s24+$0xC800] =	vst v0  }
0x4e: {  	[spmem:s5] =	stream.linear.scatter [tilespmem:s15], [sflag:$0x2], $0x4000, $0x38;
	[tilespmem:$0x1D000] =	vst v63  }
0x4f: {  	_ =	swait.ge [sflag:s16], $0x4000  }
0x50: {  	[sflag:s16] =	ssyncset.done $0x0  }
0x51: {  	[sflag:s16] =	ssyncadd.s32 $0xFFFFC000  }
0x52: {  	[spmem:s6] =	stream.linear.scatter [tilespmem:s15], [sflag:$0x2], $0x4000, $0x38;
	[tilespmem:$0x1D000] =	vst v63  }
0x53: {  	_ =	swait.ge [sflag:s16], $0x4000  }
0x54: {  	[sflag:s16] =	ssyncset.done $0x0  }
0x55: {  	[sflag:s16] =	ssyncadd.s32 $0xFFFFC000  }
0x56: {  	[spmem:s7] =	stream.linear.scatter [tilespmem:s15], [sflag:$0x2], $0x4000, $0x38;
	[tilespmem:$0x1D000] =	vst v63  }
0x57: {  	_ =	swait.ge [sflag:s16], $0x4000  }
0x58: {  	[sflag:s16] =	ssyncset.done $0x0  }
0x59: {  	[sflag:s16] =	ssyncadd.s32 $0xFFFFC000  }
0x5a: {  	[spmem:s8] =	stream.linear.scatter [tilespmem:s15], [sflag:$0x2], $0x800, $0x38;
	[tilespmem:$0x1D000] =	vst v63  }
0x5b: {  	_ =	swait.ge [sflag:s16], $0x800  }
0x5c: {  	[sflag:s16] =	ssyncset.done $0x0  }
0x5d: {  	s23 =	simm.s32 $0x0;
	[sflag:s16] =	ssyncadd.s32 $0xFFFFF800  }
0x5e: {  	[tilespmem:s23], [sflag:$0x2] =	stream.linear.gather [hbm4b:s11+s23], $0xC400, $0x38;
	[tilespmem:$0x1D000] =	vst v63  }
0x5f: {  	_ =	swait.ge [sflag:s16], $0xC400  }
0x60: {  	[sflag:s16] =	ssyncset.done $0x0  }
0x61: {  	[sflag:s16] =	ssyncadd.s32 $0xFFFF3C00  }
0x62: {  	[bflag:$0x0] =	sbarrier.arrive $0xFFFF  }
0x63: {  	[tilespmem:s15], [sflag:$0x1] =	stream.indirect.gather [hbm4b:s4+s17], $0x10, s23, s17, $0xb8;
	[tilespmem:$0x1D000] =	vst v63  }
0x64: {  	_ =	swait.ge [sflag:s18], $0x4000  }
0x65: {  	[sflag:s18] =	ssyncset.done $0x0  }
0x66: {  	s31 =	sadd.s32 $0x0, s14;
	[sflag:s18] =	ssyncadd.s32 $0xFFFFC000  }
0x67: {  	[tilespmem:s19], [sflag:$0x2] =	stream.linear.gather [hbm4b:s31+s3], $0x400, $0x38;
	[tilespmem:$0x1D000] =	vst v63  }
0x68: {  	_ =	swait.ge [sflag:s16], $0x400  }
0x69: {  	[sflag:s16] =	ssyncset.done $0x0  }
0x6a: {  	[sflag:s16] =	ssyncadd.s32 $0xFFFFFC00  }
0x6b: {  	[spmem:s2] =	stream.indirect.scatter.add.f32 [tilespmem:s15], [sflag:$0x2], $0x10, s19, s17, $0xb8;
	[tilespmem:$0x1D000] =	vst v63  }
0x6c: {  	_ =	swait.ge [sflag:s16], $0x4000  }
0x6d: {  	s24 =	simm.s32 $0x80;
	[sflag:s16] =	ssyncset.done $0x0  }
.LBB2_8:
0x6e: {  	p0 =	sne.s32 s24, $0x1800;
	[sflag:s16] =	ssyncadd.s32 $0xFFFFC000;
	s23 =	sadd.s32 $0x400, s23  }
0x6f: {  	[tilespmem:s15], [sflag:$0x1] =	stream.indirect.gather [hbm4b:s4+s17], $0x10, s23, s17, $0xb8;
	[tilespmem:$0x1D000] =	vst v63  }
0x70: {  	s25 =	smov.u32 s24;
	s24 =	sadd.s32 $0x80, s24;
	_ =	swait.ge [sflag:s18], $0x4000  }
0x71: {  	[sflag:s18] =	ssyncset.done $0x0  }
0x72: {  	s25 =	sadd.s32 s25, s14;
	[sflag:s18] =	ssyncadd.s32 $0xFFFFC000  }
0x73: {  	[tilespmem:s19], [sflag:$0x2] =	stream.linear.gather [hbm4b:s25+s3], $0x400, $0x38;
	[tilespmem:$0x1D000] =	vst v63  }
0x74: {  	_ =	swait.ge [sflag:s16], $0x400  }
.Ltmp3:
0x75: {  	[sflag:s16] =	ssyncset.done $0x0;
	(pc) =	sbr.rel @p0 .LBB2_8-.Ltmp3, $4  }
0x76: {  	[sflag:s16] =	ssyncadd.s32 $0xFFFFFC00  }
0x77: {  	[spmem:s2] =	stream.indirect.scatter.add.f32 [tilespmem:s15], [sflag:$0x2], $0x10, s19, s17, $0xb8;
	[tilespmem:$0x1D000] =	vst v63  }
0x78: {  	_ =	swait.ge [sflag:s16], $0x4000  }
0x79: {  	[sflag:s16] =	ssyncset.done $0x0  }
0x7a: {  	[sflag:s16] =	ssyncadd.s32 $0xFFFFC000;
	s20 =	sadd.s32 $0x1, s20  }
0x7b: {  	[bflag:$0x0] =	sbarrier.arrive $0xFFFF;
	p0 =	sne.s32 s20, s13  }
0x7c: {  	[hbm:s12], [sflag:s21] =	dma.local [spmem:s22], $0x1900  }
.Ltmp4:
0x7d: {  	_ =	swait.ge [sflag:s16], $0x1900;
	(pc) =	sbr.rel @p0 .LBB2_1-.Ltmp4, $3  }
0x7e: {  	[sflag:s16] =	ssyncset.done $0x0  }
0x7f: {  	[sflag:s16] =	ssyncadd.s32 $0xFFFFE700  }
0x80: {  	[bflag:$0x0] =	sbarrier.arrive $0xFFFF;
	_ =	sdelay $0x1  }
0x81: {  	_ =	sfence.sel $0x180000  }
0x82: {  	[bflag:$0x0] =	sbarrier.arrive $0xFFFF  }
0x83: {  	p0 =	sne.s32 s1, $0x0;
	_ =	strace $0x9000004A  }
0x84: {  	s0 =	sadd.s32 @!p0 $0x100000, s0;
	[bflag:$0x2] =	sbarrier.arrive $0xFFFF  }
0x85: {  	[sflag:s0] =	ssyncadd.tile.s32 @!p0 $0x1;
	_ =	shalt  }
.Lfunc_end2:
_tile_overlayer_lowered:
.L_overlay_start_2:
0x86: {  	(tag) =	ssettag $0x2  }
0x87: {  	s0 =	rddreg [dreg:$0x0];
	s2 =	stileid.u32  }
0x88: {  	s1 =	rddreg [dreg:$0x1];
	p0 =	sne.s32 s2, $0x0  }
0x89: {  	s3 =	rddreg [dreg:$0x2];
	[bflag:$0x3] =	sbarrier.arrive $0xFFFF;
	s2 =	simm.s32 @!p0 $0x1C02  }
0x8a: {  	[timem:s3], [sflag:s2] =	dma.local @!p0 [hbm:s0], s1  }
0x8b: {  	s0 =	simm.s32 @!p0 $0x2  }
0x8c: {  	_ =	swait.ge @!p0 [sflag:s0], s1  }
0x8d: {  	s1 =	ssub.s32 @!p0 $0x0, s1;
	[sflag:s0] =	ssyncset.done @!p0 $0x0  }
0x8e: {  	[sflag:s0] =	ssyncadd.s32 @!p0 s1  }
0x8f: {  	[bflag:$0x3] =	sbarrier.arrive $0xFFFF  }
0x90: {  	_ =	shalt  }

// kernel: kernel.24.cloned.1.call-start
scs
__scs_entry_jumppad:
0x0: {  	(pc) =	sbr.rel $0x88, $3  }
0x1: {  	(tag) =	ssettag $0x0;
	lr =	simm.s32 $0x1  }
0x2: {  	[smem:$0x3F8B] =	sst lr;
	_ =	strace $0xD0000000  }
0x3: {  	_ = 	snop  }
0x4: {  	_ = 	snop  }
0x5: {  	_ = 	snop  }
0x6: {  	_ = 	snop  }
0x7: {  	_ = 	snop  }
__scs_overlays_trampoline_lowered:
0x8: {  	[smem:$0x3F9A] =	sst s0  }
0x9: {  	[smem:$0x3F9B] =	sst s1  }
0xa: {  	[smem:$0x3F9C] =	sst s2  }
0xb: {  	[smem:$0x3F9D] =	sst s3  }
0xc: {  	[smem:$0x3F9E] =	sst s4  }
0xd: {  	[smem:$0x3F9F] =	sst s5  }
0xe: {  	[smem:$0x3FA0] =	sst s6  }
0xf: {  	[smem:$0x3FA1] =	sst s7  }
0x10: {  	[smem:$0x3FA2] =	sst s8  }
0x11: {  	[smem:$0x3FA3] =	sst s9;
	s0 =	simm.s32 @!p0 $0x0  }
0x12: {  	s1 =	sld [smem:$0x3F89];
	s0 =	simm.s32 @p0 $0x1  }
0x13: {  	[smem:$0x3FA4] =	sst s0;
	s0 =	simm.s32 @!p1 $0x0  }
0x14: {  	s2 =	sld [smem:$0x3F88];
	s0 =	simm.s32 @p1 $0x1  }
0x15: {  	[smem:$0x3FA5] =	sst s0;
	s0 =	simm.s32 @!p2 $0x0  }
0x16: {  	s3 =	sld [smem:$0x3FDB];
	s0 =	simm.s32 @p2 $0x1  }
0x17: {  	s4 =	simm.s32 $0x1BF5;
	[smem:$0x3FA7] =	sst s0  }
0x18: {  	s0 =	sld [smem:$0x3F8A];
	_ =	swait.ge [sflag:s4], $0x0  }
0x19: {  	s7 =	sld [smem:$0x3F8B]  }
0x1a: {  	s8 =	sadd.s32 $0xFFFFE003, lr  }
0x1b: {  	s9 =	sadd.s32 $0xFFFFFEF7, lr;
	s5 =	simm.s32 $0xFFFFFFFF;
	p2 =	slt.u32 s8, $0xFFFFF086  }
0x1c: {  	p1 =	slt.u32 s9, $0xF7A;
	s5 =	simm.s32 @!p2 $0x0  }
0x1d: {  	s5 =	simm.s32 @p1 $0x1;
	p0 =	seq.s32 s7, s2  }
0x1e: {  	s7 =	smul.u32 @!p0 $0xF7A, s2;
	p2 =	seq.s32 @!p0 s5, $0x0  }
0x1f: {  	s9 =	smul.u32 $0xF7A, s1;
	s8 =	simm.s32 @!p0 $0x1BF5;
	p2 =	por !p2, p0  }
0x20: {  	[sflag:s8] =	ssyncset.s32 @!p0 $0xFFFFF086;
	s6 =	sadd.s32 @!p0 s3, s7;
	s7 =	simm.s32 @!p0 $0x108  }
0x21: {  	s3 =	sadd.s32 s3, s9;
	s6 =	sadd.s32 @!p0 $0x88, s6;
	s7 =	simm.s32 @p2 $0x1082  }
0x22: {  	[simem:s7], [sflag:s8] =	dma.local @!p0 [hbm:s6], $0xF7A  }
0x23: {  	s9 =	sor.u32 $0xD0000000, s2;
	s6 =	simm.s32 $0x108;
	_ =	swait.ge @!p0 [sflag:s8], $0x0  }
0x24: {  	s3 =	sadd.s32 $0x88, s3;
	s6 =	simm.s32 @!p1 $0x1082;
	[sflag:s4] =	ssyncset.s32 $0xFFFFF086  }
0x25: {  	[simem:s6], [sflag:s4] =	dma.local [hbm:s3], $0xF7A  }
0x26: {  	[smem:$0x3F8B] =	sst s1;
	(tag) =	ssettag s2;
	_ =	strace s9  }
0x27: {  	s1 =	sld [smem:$0x3F9B]  }
0x28: {  	s2 =	sld [smem:$0x3F9C]  }
0x29: {  	s4 =	sld [smem:$0x3F9E]  }
0x2a: {  	p0 =	seq.s32 s5, $0x0;
	s5 =	sld [smem:$0x3F9F]  }
0x2b: {  	s6 =	sld [smem:$0x3FA0]  }
0x2c: {  	s7 =	sld [smem:$0x3FA1]  }
0x2d: {  	s3 =	simm.s32 $0x108;
	s8 =	sld [smem:$0x3FA2]  }
0x2e: {  	s3 =	simm.s32 @!p0 $0x1082;
	s9 =	sld [smem:$0x3FA3]  }
0x2f: {  	lr =	sadd.s32 s0, s3;
	s0 =	sld [smem:$0x3F9A]  }
0x30: {  	s3 =	sld [smem:$0x3F9D]  }
0x31: {  	[smem:$0x3FA6] =	sst s10  }
0x32: {  	s10 =	sld [smem:$0x3FA4];
	_ =	sdelay $0x3  }
0x33: {  	p0 =	seq.s32 s10, $0x1;
	s10 =	sld [smem:$0x3FA6];
	_ =	sdelay $0x3  }
0x34: {  	[smem:$0x3FA6] =	sst s10  }
0x35: {  	s10 =	sld [smem:$0x3FA5];
	_ =	sdelay $0x3  }
0x36: {  	p1 =	seq.s32 s10, $0x1;
	s10 =	sld [smem:$0x3FA6];
	_ =	sdelay $0x3  }
0x37: {  	[smem:$0x3FA6] =	sst s10  }
0x38: {  	s10 =	sld [smem:$0x3FA7]  }
0x39: {  	_ = 	snop;
	(pc) =	sbr.ind lr, $3  }
0x3a: {  	_ = 	snop  }
0x3b: {  	_ = 	snop  }
0x3c: {  	p2 =	seq.s32 s10, $0x1;
	s10 =	sld [smem:$0x3FA6]  }
0x3d: {  	_ =	shalt  }
0x3e: {  	_ =	shalt  }
0x3f: {  	_ =	shalt  }
0x40: {  	_ =	shalt  }
0x41: {  	_ =	shalt  }
0x42: {  	_ =	shalt  }
0x43: {  	_ =	shalt  }
0x44: {  	_ =	shalt  }
0x45: {  	_ =	shalt  }
0x46: {  	_ =	shalt  }
0x47: {  	_ =	shalt  }
0x48: {  	_ =	shalt  }
0x49: {  	_ =	shalt  }
0x4a: {  	_ =	shalt  }
0x4b: {  	_ =	shalt  }
0x4c: {  	_ =	shalt  }
0x4d: {  	_ =	shalt  }
0x4e: {  	_ =	shalt  }
0x4f: {  	_ =	shalt  }
0x50: {  	_ =	shalt  }
0x51: {  	_ =	shalt  }
0x52: {  	_ =	shalt  }
0x53: {  	_ =	shalt  }
0x54: {  	_ =	shalt  }
0x55: {  	_ =	shalt  }
0x56: {  	_ =	shalt  }
0x57: {  	_ =	shalt  }
0x58: {  	_ =	shalt  }
0x59: {  	_ =	shalt  }
0x5a: {  	_ =	shalt  }
0x5b: {  	_ =	shalt  }
0x5c: {  	_ =	shalt  }
0x5d: {  	_ =	shalt  }
0x5e: {  	_ =	shalt  }
0x5f: {  	_ =	shalt  }
0x60: {  	_ =	shalt  }
0x61: {  	_ =	shalt  }
0x62: {  	_ =	shalt  }
0x63: {  	_ =	shalt  }
0x64: {  	_ =	shalt  }
0x65: {  	_ =	shalt  }
0x66: {  	_ =	shalt  }
0x67: {  	_ =	shalt  }
0x68: {  	_ =	shalt  }
0x69: {  	_ =	shalt  }
0x6a: {  	_ =	shalt  }
0x6b: {  	_ =	shalt  }
0x6c: {  	_ =	shalt  }
0x6d: {  	_ =	shalt  }
0x6e: {  	_ =	shalt  }
0x6f: {  	_ =	shalt  }
0x70: {  	_ =	shalt  }
0x71: {  	_ =	shalt  }
0x72: {  	_ =	shalt  }
0x73: {  	_ =	shalt  }
0x74: {  	_ =	shalt  }
0x75: {  	_ =	shalt  }
0x76: {  	_ =	shalt  }
0x77: {  	_ =	shalt  }
0x78: {  	_ =	shalt  }
0x79: {  	_ =	shalt  }
0x7a: {  	_ =	shalt  }
0x7b: {  	_ =	shalt  }
0x7c: {  	_ =	shalt  }
0x7d: {  	_ =	shalt  }
0x7e: {  	_ =	shalt  }
0x7f: {  	_ =	shalt  }
0x80: {  	_ =	shalt  }
0x81: {  	_ =	shalt  }
0x82: {  	_ =	shalt  }
0x83: {  	_ =	shalt  }
0x84: {  	_ =	shalt  }
0x85: {  	_ =	shalt  }
0x86: {  	_ =	shalt  }
0x87: {  	_ =	shalt  }
.Lfunc_end0:
.L_simem_size_0:
called_computation.3_lowered:
.L_overlay_start_0:
0x88: {  	s2 =	sld [smem:$0x3FD9]  }
0x89: {  	s3 =	sld [smem:$0x3FFE];
	_ =	sdelay $0x1  }
0x8a: {  	s1 =	srdreg.scid  }
0x8b: {  	s0 =	sand.u32 $0x1, s1  }
0x8c: {  	s17 =	sshll.u32 s0, $0xA;
	s2 =	sadd.s32 s3, s2  }
0x8d: {  	s2 =	sadd.s32 s2, s17  }
0x8e: {  	[smem:$0x3FB2] =	sst s2  }
0x8f: {  	_ = 	snop  }
0x90: {  	(tm) =	ssettm $0x1  }
0x91: {  	s18 =	sld [smem:$0x3FFB];
	_ =	sdelay $0x3  }
0x92: {  	_ =	strace s18  }
0x93: {  	s2 =	sld [smem:$0x3FFC];
	_ =	sdelay $0x3  }
0x94: {  	_ =	strace s2  }
0x95: {  	s2 =	sld [smem:$0x3FFD];
	_ =	sdelay $0x3  }
0x96: {  	_ =	strace s2  }
0x97: {  	_ =	strace $0x8FFFFFFF  }
0x98: {  	s19 =	sld [smem:$0x3FDB];
	_ =	sdelay $0x1  }
0x99: {  	s20 =	simm.s32 $_scs_section_size  }
0x9a: {  	s4 =	simm.s32 $_size__tile_overlayer_lowered;
	s5 =	simm.s32 $_tile_overlayer_lowered  }
0x9b: {  	s6 =	simm.s32 $0x1BFF;
	s21 =	sshll.u32 s5, $0x1;
	s3 =	sadd.s32 s20, s19  }
0x9c: {  	s22 =	simm.s32 $0x0;
	s4 =	sshll.u32 s4, $0x1;
	s5 =	sadd.s32 s21, s3  }
0x9d: {  	[timem:s22], [sflag:s6] =	dma.local [hbm:s5], s4  }
0x9e: {  	_ =	swait.ge [sflag:s6], s4  }
0x9f: {  	s4 =	ssub.s32 $0x0, s4;
	[sflag:s6] =	ssyncset.done $0x0  }
0xa0: {  	[sflag:s6] =	ssyncadd.s32 s4;
	_ =	sdelay $0x1  }
0xa1: {  	s23 =	simm.s32 $0x1B8B  }
0xa2: {  	_ =	swait.ge [sflag:s23], $0x1  }
0xa3: {  	[sflag:s23] =	ssyncset.done $0x0  }
0xa4: {  	[sflag:s23] =	ssyncadd.s32 $0xFFFFFFFF  }
0xa5: {  	s4 =	sld [smem:$0x0]  }
0xa6: {  	s5 =	sand.u32 $0xFFFFFFFE, s1  }
0xa7: {  	p0 =	sne.s32 s1, s5  }
0xa8: {  	s5 =	sshll.u32 @p0 s5, $0xE  }
0xa9: {  	s5 =	sadd.s32 @p0 $0x11B8D, s5;
	s6 =	sshll.u32 @p0 s4, $0x11  }
0xaa: {  	s5 =	sor.u32 @p0 s6, s5  }
0xab: {  	[sflag:s5] =	ssyncadd.remote.s32 @p0 $0x1;
	_ =	sdelay $0x1  }
0xac: {  	s5 =	simm.s32 @p0 $0x1B8D  }
0xad: {  	_ =	swait.eq @p0 [sflag:s5], $0x1  }
0xae: {  	[sflag:s5] =	ssyncadd.s32 @p0 $0xFFFFFFFF  }
0xaf: {  	s6 =	sshll.u32 @!p0 s1, $0xE  }
0xb0: {  	s6 =	sor.u32 @!p0 $0x4000, s6;
	s5 =	simm.s32 @!p0 $0x1B8D  }
0xb1: {  	s4 =	sshll.u32 @!p0 s4, $0x11;
	s6 =	sadd.s32 @!p0 $0x11B8D, s6;
	_ =	swait.eq @!p0 [sflag:s5], $0x1  }
0xb2: {  	s4 =	sor.u32 @!p0 s4, s6;
	[sflag:s5] =	ssyncadd.s32 @!p0 $0xFFFFFFFF  }
0xb3: {  	s25 =	simm.s32 $0x1B8E;
	s24 =	sld [smem:$0x3FFE];
	[sflag:s4] =	ssyncadd.remote.s32 @!p0 $0x1  }
0xb4: {  	s26 =	simm.s32 $execute0_lowered;
	[smem:$0x3FD2] =	sst s25  }
0xb5: {  	s5 =	sshll.u32 s26, $0x1;
	_ =	strace $0x8000004F;
	[dreg:$0x1] =	wrdreg $0xFFFFFFFF  }
0xb6: {  	s28 =	simm.s32 $_size_execute0_lowered;
	s3 =	sadd.s32 s3, s5;
	[dreg:$0x0] =	wrdreg $0x0  }
0xb7: {  	s5 =	sshll.u32 s28, $0x1;
	[dreg:$0x2] =	wrdreg s3  }
0xb8: {  	[dreg:$0x3] =	wrdreg s5  }
0xb9: {  	[dreg:$0x4] =	wrdreg $0xC0  }
0xba: {  	_ =	task [dreg:s22], $0x5FFFF  }
0xbb: {  	[dreg:$0x1] =	wrdreg $0xFFFFFFFF  }
0xbc: {  	[dreg:$0x0] =	wrdreg $0x60  }
0xbd: {  	[dreg:$0x2] =	wrdreg s24  }
0xbe: {  	[dreg:$0x3] =	wrdreg $0x108000  }
0xbf: {  	[dreg:$0x4] =	wrdreg $0xA  }
0xc0: {  	_ =	task.clear_ibuf [dreg:s22], $0x5FFFF;
	_ =	strace $0x9000004F  }
0xc1: {  	s29 =	simm.s32 $0xA;
	_ =	strace $0x80000051  }
0xc2: {  	_ =	swait.ge [sflag:s29], $0x1  }
0xc3: {  	[sflag:s29] =	ssyncadd.s32 $0xFFFFFFFF  }
0xc4: {  	_ =	strace $0x90000051  }
0xc5: {  	_ =	sfence  }
0xc6: {  	s30 =	sld [smem:$0x0];
	_ =	sdelay $0x2  }
0xc7: {  	s31 =	sshll.u32 s1, $0xD;
	s1 =	sshrl.u32 s1, $0x2  }
0xc8: {  	s4 =	sand.u32 $0x4000, s31;
	s1 =	sadd.s32 s1, s30  }
0xc9: {  	s0 =	sor.u32 s4, s0;
	s1 =	sshll.u32 s1, $0x11  }
0xca: {  	s0 =	sor.u32 s1, s0  }
0xcb: {  	s0 =	sadd.s32 $0x8F2B, s0  }
0xcc: {  	[sflag:s0] =	ssyncadd.remote.s32 $0x1  }
0xcd: {  	_ =	sfence.sel $0xFFFF  }
0xce: {  	[dreg:$0x0] =	wrdreg $0xFFFFFFFF;
	(pc) =	sbr.abs _section_cstart, $3  }
0xcf: {  	[dreg:$0x1] =	wrdreg $0xFFFFFFFF  }
0xd0: {  	_ =	task.clear_ibuf [dreg:s22], $0x2FFFF;
	_ =	strace $0x9FFFFFFF  }
0xd1: {  	(tm) =	ssettm $0x7FFFFFFF  }
tec
execute0_lowered:
.L_overlay_start_1:
0x0: {  	(tag) =	ssettag $0x1  }
0x1: {  	s0 =	srdreg.scid;
	s6 =	rddreg [dreg:$0x0]  }
0x2: {  	s2 =	rddreg [dreg:$0x1];
	s5 =	sand.u32 $0x1, s0  }
0x3: {  	s0 =	stileid.u32;
	s4 =	smul.u32 $0x188000, s5  }
0x4: {  	s1 =	rddreg [dreg:$0x2];
	s7 =	smul.u32 $0xC400, s0  }
0x5: {  	s3 =	simm.s32 $0x0;
	s16 =	simm.s32 $0x2;
	s8 =	smul.u32 $0x1880, s0  }
0x6: {  	s17 =	simm.s32 $0x400;
	s18 =	simm.s32 $0x1;
	s9 =	smul.u32 $0xC800, s0  }
0x7: {  	s19 =	simm.s32 $0xC400;
	s20 =	simm.s32 $0x0;
	s29 =	smul.u32 $0x190000, s5  }
0x8: {  	[smem:$0x7FF] =	sst s3;
	s11 =	smul.u32 $0x32000, s0;
	s5 =	ssub.s32 $0x2, s5  }
0x9: {  	_ =	strace $0x80000050;
	s31 =	sshrl.u32 s5, $0x1;
	s4 =	sadd.s32 s7, s4  }
0xa: {  	s14 =	sadd.s32 s8, s6;
	s7 =	sadd.s32 s9, s29;
	s30 =	sshrl.u32 s11, $0x2  }
0xb: {  	s15 =	ssub.s32 s5, s31;
	s10 =	sshrl.u32 s4, $0x3;
	s4 =	sadd.s32 $0x36000, s6  }
0xc: {  	s7 =	sshrl.u32 s7, $0x3;
	s8 =	sadd.s32 s30, s2;
	s14 =	sadd.s32 $0x1D800, s14  }
0xd: {  	s12 =	sadd.s32 s10, s6;
	s13 =	sadd.s32 s7, s6;
	s5 =	sadd.s32 $0x4000, s8  }
0xe: {  	s6 =	sadd.s32 $0x8000, s8;
	s7 =	sadd.s32 $0xC000, s8;
	s8 =	sadd.s32 $0x4CE000, s12  }
0xf: {  	s9 =	sadd.s32 s9, s2;
	s10 =	sadd.s32 $0x591C00, s13;
	s11 =	sadd.s32 $0x4E6800, s12  }
0x10: {  	v0 =	vimm.f32 $0.0e+00;
	s12 =	sadd.s32 $0x5AAC00, s13;
	s13 =	smax.u32 s15, $0x1;
	s15 =	simm.s32 $0xC800  }
.LBB2_1:
0x11: {  	s21 =	simm.s32 $0x40;
	s22 =	simm.s32 $0x0  }
.LBB2_2:
0x12: {  	p0 =	sne.s32 s21, $0xFFC0;
	[tilespmem:s22+$0xC800] =	vst v0;
	s22 =	smov.u32 s21;
	s21 =	sadd.s32 $0x40, s21  }
.Ltmp0:
0x13: {  	(pc) =	sbr.rel @p0 .LBB2_2-.Ltmp0, $2  }
0x14: {  	_ =	sdelay $0x2  }
0x15: {  	s22 =	sshra.s32 s22, $0x2  }
0x16: {  	[tilespmem:s22+$0xC800] =	vst v0  }
0x17: {  	[spmem:s9] =	stream.linear.scatter [tilespmem:s15], [sflag:$0x2], $0x4000, $0x38;
	[tilespmem:$0x1D000] =	vst v63  }
0x18: {  	_ =	swait.ge [sflag:s16], $0x4000  }
0x19: {  	[sflag:s16] =	ssyncset.done $0x0  }
0x1a: {  	[sflag:s16] =	ssyncadd.s32 $0xFFFFC000  }
0x1b: {  	[spmem:s5] =	stream.linear.scatter [tilespmem:s15], [sflag:$0x2], $0x4000, $0x38;
	[tilespmem:$0x1D000] =	vst v63  }
0x1c: {  	_ =	swait.ge [sflag:s16], $0x4000  }
0x1d: {  	[sflag:s16] =	ssyncset.done $0x0  }
0x1e: {  	[sflag:s16] =	ssyncadd.s32 $0xFFFFC000  }
0x1f: {  	[spmem:s6] =	stream.linear.scatter [tilespmem:s15], [sflag:$0x2], $0x4000, $0x38;
	[tilespmem:$0x1D000] =	vst v63  }
0x20: {  	_ =	swait.ge [sflag:s16], $0x4000  }
0x21: {  	[sflag:s16] =	ssyncset.done $0x0  }
0x22: {  	[sflag:s16] =	ssyncadd.s32 $0xFFFFC000  }
0x23: {  	[spmem:s7] =	stream.linear.scatter [tilespmem:s15], [sflag:$0x2], $0x800, $0x38;
	[tilespmem:$0x1D000] =	vst v63  }
0x24: {  	_ =	swait.ge [sflag:s16], $0x800  }
0x25: {  	[sflag:s16] =	ssyncset.done $0x0  }
0x26: {  	s21 =	simm.s32 $0x0;
	[sflag:s16] =	ssyncadd.s32 $0xFFFFF800  }
0x27: {  	[tilespmem:s21], [sflag:$0x2] =	stream.linear.gather [hbm4b:s8+s21], $0xC400, $0x38;
	[tilespmem:$0x1D000] =	vst v63  }
0x28: {  	_ =	swait.ge [sflag:s16], $0xC400  }
0x29: {  	[sflag:s16] =	ssyncset.done $0x0  }
0x2a: {  	[sflag:s16] =	ssyncadd.s32 $0xFFFF3C00  }
0x2b: {  	[bflag:$0x0] =	sbarrier.arrive $0xFFFF  }
0x2c: {  	[tilespmem:s15], [sflag:$0x1] =	stream.indirect.gather [hbm4b:s4+s17], $0x10, s21, s17, $0xb8;
	[tilespmem:$0x1D000] =	vst v63  }
0x2d: {  	_ =	swait.ge [sflag:s18], $0x4000  }
0x2e: {  	[sflag:s18] =	ssyncset.done $0x0  }
0x2f: {  	s31 =	sadd.s32 $0x0, s14;
	[sflag:s18] =	ssyncadd.s32 $0xFFFFC000  }
0x30: {  	[tilespmem:s19], [sflag:$0x2] =	stream.linear.gather [hbm4b:s31+s3], $0x400, $0x38;
	[tilespmem:$0x1D000] =	vst v63  }
0x31: {  	_ =	swait.ge [sflag:s16], $0x400  }
0x32: {  	[sflag:s16] =	ssyncset.done $0x0  }
0x33: {  	[sflag:s16] =	ssyncadd.s32 $0xFFFFFC00  }
0x34: {  	[spmem:s2] =	stream.indirect.scatter.add.f32 [tilespmem:s15], [sflag:$0x2], $0x10, s19, s17, $0xb8;
	[tilespmem:$0x1D000] =	vst v63  }
0x35: {  	_ =	swait.ge [sflag:s16], $0x4000  }
0x36: {  	s22 =	simm.s32 $0x80;
	[sflag:s16] =	ssyncset.done $0x0  }
.LBB2_4:
0x37: {  	p0 =	sne.s32 s22, $0x1800;
	[sflag:s16] =	ssyncadd.s32 $0xFFFFC000;
	s21 =	sadd.s32 $0x400, s21  }
0x38: {  	[tilespmem:s15], [sflag:$0x1] =	stream.indirect.gather [hbm4b:s4+s17], $0x10, s21, s17, $0xb8;
	[tilespmem:$0x1D000] =	vst v63  }
0x39: {  	s23 =	smov.u32 s22;
	s22 =	sadd.s32 $0x80, s22;
	_ =	swait.ge [sflag:s18], $0x4000  }
0x3a: {  	[sflag:s18] =	ssyncset.done $0x0  }
0x3b: {  	s23 =	sadd.s32 s23, s14;
	[sflag:s18] =	ssyncadd.s32 $0xFFFFC000  }
0x3c: {  	[tilespmem:s19], [sflag:$0x2] =	stream.linear.gather [hbm4b:s23+s3], $0x400, $0x38;
	[tilespmem:$0x1D000] =	vst v63  }
0x3d: {  	_ =	swait.ge [sflag:s16], $0x400  }
.Ltmp1:
0x3e: {  	[sflag:s16] =	ssyncset.done $0x0;
	(pc) =	sbr.rel @p0 .LBB2_4-.Ltmp1, $4  }
0x3f: {  	[sflag:s16] =	ssyncadd.s32 $0xFFFFFC00  }
0x40: {  	[spmem:s2] =	stream.indirect.scatter.add.f32 [tilespmem:s15], [sflag:$0x2], $0x10, s19, s17, $0xb8;
	[tilespmem:$0x1D000] =	vst v63  }
0x41: {  	_ =	swait.ge [sflag:s16], $0x4000  }
0x42: {  	[sflag:s16] =	ssyncset.done $0x0  }
0x43: {  	[sflag:s16] =	ssyncadd.s32 $0xFFFFC000;
	s21 =	sshll.u32 s0, $0x6  }
0x44: {  	s22 =	sshrl.u32 s9, $0x3;
	[bflag:$0x0] =	sbarrier.arrive $0xFFFF;
	s21 =	sor.u32 $0x1C02, s21  }
0x45: {  	[hbm:s10], [sflag:s21] =	dma.local [spmem:s22], $0x1900  }
0x46: {  	_ =	swait.ge [sflag:s16], $0x1900  }
0x47: {  	[sflag:s16] =	ssyncset.done $0x0  }
0x48: {  	[sflag:s16] =	ssyncadd.s32 $0xFFFFE700  }
0x49: {  	s23 =	simm.s32 $0x40;
	s24 =	simm.s32 $0x0;
	[bflag:$0x0] =	sbarrier.arrive $0xFFFF  }
.LBB2_6:
0x4a: {  	p0 =	sne.s32 s23, $0xFFC0;
	[tilespmem:s24+$0xC800] =	vst v0;
	s24 =	smov.u32 s23;
	s23 =	sadd.s32 $0x40, s23  }
.Ltmp2:
0x4b: {  	(pc) =	sbr.rel @p0 .LBB2_6-.Ltmp2, $2  }
0x4c: {  	_ =	sdelay $0x2  }
0x4d: {  	s24 =	sshra.s32 s24, $0x2  }
0x4e: {  	[tilespmem:s24+$0xC800] =	vst v0  }
0x4f: {  	[spmem:s9] =	stream.linear.scatter [tilespmem:s15], [sflag:$0x2], $0x4000, $0x38;
	[tilespmem:$0x1D000] =	vst v63  }
0x50: {  	_ =	swait.ge [sflag:s16], $0x4000  }
0x51: {  	[sflag:s16] =	ssyncset.done $0x0  }
0x52: {  	[sflag:s16] =	ssyncadd.s32 $0xFFFFC000  }
0x53: {  	[spmem:s5] =	stream.linear.scatter [tilespmem:s15], [sflag:$0x2], $0x4000, $0x38;
	[tilespmem:$0x1D000] =	vst v63  }
0x54: {  	_ =	swait.ge [sflag:s16], $0x4000  }
0x55: {  	[sflag:s16] =	ssyncset.done $0x0  }
0x56: {  	[sflag:s16] =	ssyncadd.s32 $0xFFFFC000  }
0x57: {  	[spmem:s6] =	stream.linear.scatter [tilespmem:s15], [sflag:$0x2], $0x4000, $0x38;
	[tilespmem:$0x1D000] =	vst v63  }
0x58: {  	_ =	swait.ge [sflag:s16], $0x4000  }
0x59: {  	[sflag:s16] =	ssyncset.done $0x0  }
0x5a: {  	[sflag:s16] =	ssyncadd.s32 $0xFFFFC000  }
0x5b: {  	[spmem:s7] =	stream.linear.scatter [tilespmem:s15], [sflag:$0x2], $0x800, $0x38;
	[tilespmem:$0x1D000] =	vst v63  }
0x5c: {  	_ =	swait.ge [sflag:s16], $0x800  }
0x5d: {  	[sflag:s16] =	ssyncset.done $0x0  }
0x5e: {  	s23 =	simm.s32 $0x0;
	[sflag:s16] =	ssyncadd.s32 $0xFFFFF800  }
0x5f: {  	[tilespmem:s23], [sflag:$0x2] =	stream.linear.gather [hbm4b:s11+s23], $0xC400, $0x38;
	[tilespmem:$0x1D000] =	vst v63  }
0x60: {  	_ =	swait.ge [sflag:s16], $0xC400  }
0x61: {  	[sflag:s16] =	ssyncset.done $0x0  }
0x62: {  	[sflag:s16] =	ssyncadd.s32 $0xFFFF3C00  }
0x63: {  	[bflag:$0x0] =	sbarrier.arrive $0xFFFF  }
0x64: {  	[tilespmem:s15], [sflag:$0x1] =	stream.indirect.gather [hbm4b:s4+s17], $0x10, s23, s17, $0xb8;
	[tilespmem:$0x1D000] =	vst v63  }
0x65: {  	_ =	swait.ge [sflag:s18], $0x4000  }
0x66: {  	[sflag:s18] =	ssyncset.done $0x0  }
0x67: {  	s31 =	sadd.s32 $0x0, s14;
	[sflag:s18] =	ssyncadd.s32 $0xFFFFC000  }
0x68: {  	[tilespmem:s19], [sflag:$0x2] =	stream.linear.gather [hbm4b:s31+s3], $0x400, $0x38;
	[tilespmem:$0x1D000] =	vst v63  }
0x69: {  	_ =	swait.ge [sflag:s16], $0x400  }
0x6a: {  	[sflag:s16] =	ssyncset.done $0x0  }
0x6b: {  	[sflag:s16] =	ssyncadd.s32 $0xFFFFFC00  }
0x6c: {  	[spmem:s2] =	stream.indirect.scatter.add.f32 [tilespmem:s15], [sflag:$0x2], $0x10, s19, s17, $0xb8;
	[tilespmem:$0x1D000] =	vst v63  }
0x6d: {  	_ =	swait.ge [sflag:s16], $0x4000  }
0x6e: {  	s24 =	simm.s32 $0x80;
	[sflag:s16] =	ssyncset.done $0x0  }
.LBB2_8:
0x6f: {  	p0 =	sne.s32 s24, $0x1800;
	[sflag:s16] =	ssyncadd.s32 $0xFFFFC000;
	s23 =	sadd.s32 $0x400, s23  }
0x70: {  	[tilespmem:s15], [sflag:$0x1] =	stream.indirect.gather [hbm4b:s4+s17], $0x10, s23, s17, $0xb8;
	[tilespmem:$0x1D000] =	vst v63  }
0x71: {  	s25 =	smov.u32 s24;
	s24 =	sadd.s32 $0x80, s24;
	_ =	swait.ge [sflag:s18], $0x4000  }
0x72: {  	[sflag:s18] =	ssyncset.done $0x0  }
0x73: {  	s25 =	sadd.s32 s25, s14;
	[sflag:s18] =	ssyncadd.s32 $0xFFFFC000  }
0x74: {  	[tilespmem:s19], [sflag:$0x2] =	stream.linear.gather [hbm4b:s25+s3], $0x400, $0x38;
	[tilespmem:$0x1D000] =	vst v63  }
0x75: {  	_ =	swait.ge [sflag:s16], $0x400  }
.Ltmp3:
0x76: {  	[sflag:s16] =	ssyncset.done $0x0;
	(pc) =	sbr.rel @p0 .LBB2_8-.Ltmp3, $4  }
0x77: {  	[sflag:s16] =	ssyncadd.s32 $0xFFFFFC00  }
0x78: {  	[spmem:s2] =	stream.indirect.scatter.add.f32 [tilespmem:s15], [sflag:$0x2], $0x10, s19, s17, $0xb8;
	[tilespmem:$0x1D000] =	vst v63  }
0x79: {  	_ =	swait.ge [sflag:s16], $0x4000  }
0x7a: {  	[sflag:s16] =	ssyncset.done $0x0  }
0x7b: {  	[sflag:s16] =	ssyncadd.s32 $0xFFFFC000;
	s20 =	sadd.s32 $0x1, s20  }
0x7c: {  	[bflag:$0x0] =	sbarrier.arrive $0xFFFF;
	p0 =	sne.s32 s20, s13  }
0x7d: {  	[hbm:s12], [sflag:s21] =	dma.local [spmem:s22], $0x1900  }
.Ltmp4:
0x7e: {  	_ =	swait.ge [sflag:s16], $0x1900;
	(pc) =	sbr.rel @p0 .LBB2_1-.Ltmp4, $3  }
0x7f: {  	[sflag:s16] =	ssyncset.done $0x0  }
0x80: {  	[sflag:s16] =	ssyncadd.s32 $0xFFFFE700  }
0x81: {  	[bflag:$0x0] =	sbarrier.arrive $0xFFFF;
	_ =	sdelay $0x1  }
0x82: {  	_ =	sfence.sel $0x180000  }
0x83: {  	[bflag:$0x0] =	sbarrier.arrive $0xFFFF  }
0x84: {  	p0 =	sne.s32 s0, $0x0;
	_ =	strace $0x90000050  }
0x85: {  	s0 =	sadd.s32 @!p0 $0x100000, s1;
	[bflag:$0x2] =	sbarrier.arrive $0xFFFF  }
0x86: {  	[sflag:s0] =	ssyncadd.tile.s32 @!p0 $0x1;
	_ =	shalt  }
.Lfunc_end2:
_tile_overlayer_lowered:
.L_overlay_start_2:
0x87: {  	(tag) =	ssettag $0x2  }
0x88: {  	s0 =	rddreg [dreg:$0x0];
	s2 =	stileid.u32  }
0x89: {  	s1 =	rddreg [dreg:$0x1];
	p0 =	sne.s32 s2, $0x0  }
0x8a: {  	s3 =	rddreg [dreg:$0x2];
	[bflag:$0x3] =	sbarrier.arrive $0xFFFF;
	s2 =	simm.s32 @!p0 $0x1C02  }
0x8b: {  	[timem:s3], [sflag:s2] =	dma.local @!p0 [hbm:s0], s1  }
0x8c: {  	s0 =	simm.s32 @!p0 $0x2  }
0x8d: {  	_ =	swait.ge @!p0 [sflag:s0], s1  }
0x8e: {  	s1 =	ssub.s32 @!p0 $0x0, s1;
	[sflag:s0] =	ssyncset.done @!p0 $0x0  }
0x8f: {  	[sflag:s0] =	ssyncadd.s32 @!p0 s1  }
0x90: {  	[bflag:$0x3] =	sbarrier.arrive $0xFFFF  }
0x91: {  	_ =	shalt  }

// kernel: kernel.27.cloned.1.call-start
scs
__scs_entry_jumppad:
0x0: {  	(pc) =	sbr.rel $0x88, $3  }
0x1: {  	(tag) =	ssettag $0x0;
	lr =	simm.s32 $0x1  }
0x2: {  	[smem:$0x3F8B] =	sst lr;
	_ =	strace $0xD0000000  }
0x3: {  	_ = 	snop  }
0x4: {  	_ = 	snop  }
0x5: {  	_ = 	snop  }
0x6: {  	_ = 	snop  }
0x7: {  	_ = 	snop  }
__scs_overlays_trampoline_lowered:
0x8: {  	[smem:$0x3F9A] =	sst s0  }
0x9: {  	[smem:$0x3F9B] =	sst s1  }
0xa: {  	[smem:$0x3F9C] =	sst s2  }
0xb: {  	[smem:$0x3F9D] =	sst s3  }
0xc: {  	[smem:$0x3F9E] =	sst s4  }
0xd: {  	[smem:$0x3F9F] =	sst s5  }
0xe: {  	[smem:$0x3FA0] =	sst s6  }
0xf: {  	[smem:$0x3FA1] =	sst s7  }
0x10: {  	[smem:$0x3FA2] =	sst s8  }
0x11: {  	[smem:$0x3FA3] =	sst s9;
	s0 =	simm.s32 @!p0 $0x0  }
0x12: {  	s1 =	sld [smem:$0x3F89];
	s0 =	simm.s32 @p0 $0x1  }
0x13: {  	[smem:$0x3FA4] =	sst s0;
	s0 =	simm.s32 @!p1 $0x0  }
0x14: {  	s2 =	sld [smem:$0x3F88];
	s0 =	simm.s32 @p1 $0x1  }
0x15: {  	[smem:$0x3FA5] =	sst s0;
	s0 =	simm.s32 @!p2 $0x0  }
0x16: {  	s3 =	sld [smem:$0x3FDB];
	s0 =	simm.s32 @p2 $0x1  }
0x17: {  	s4 =	simm.s32 $0x1BF5;
	[smem:$0x3FA7] =	sst s0  }
0x18: {  	s0 =	sld [smem:$0x3F8A];
	_ =	swait.ge [sflag:s4], $0x0  }
0x19: {  	s7 =	sld [smem:$0x3F8B]  }
0x1a: {  	s8 =	sadd.s32 $0xFFFFE003, lr  }
0x1b: {  	s9 =	sadd.s32 $0xFFFFFEF7, lr;
	s5 =	simm.s32 $0xFFFFFFFF;
	p2 =	slt.u32 s8, $0xFFFFF086  }
0x1c: {  	p1 =	slt.u32 s9, $0xF7A;
	s5 =	simm.s32 @!p2 $0x0  }
0x1d: {  	s5 =	simm.s32 @p1 $0x1;
	p0 =	seq.s32 s7, s2  }
0x1e: {  	s7 =	smul.u32 @!p0 $0xF7A, s2;
	p2 =	seq.s32 @!p0 s5, $0x0  }
0x1f: {  	s9 =	smul.u32 $0xF7A, s1;
	s8 =	simm.s32 @!p0 $0x1BF5;
	p2 =	por !p2, p0  }
0x20: {  	[sflag:s8] =	ssyncset.s32 @!p0 $0xFFFFF086;
	s6 =	sadd.s32 @!p0 s3, s7;
	s7 =	simm.s32 @!p0 $0x108  }
0x21: {  	s3 =	sadd.s32 s3, s9;
	s6 =	sadd.s32 @!p0 $0x88, s6;
	s7 =	simm.s32 @p2 $0x1082  }
0x22: {  	[simem:s7], [sflag:s8] =	dma.local @!p0 [hbm:s6], $0xF7A  }
0x23: {  	s9 =	sor.u32 $0xD0000000, s2;
	s6 =	simm.s32 $0x108;
	_ =	swait.ge @!p0 [sflag:s8], $0x0  }
0x24: {  	s3 =	sadd.s32 $0x88, s3;
	s6 =	simm.s32 @!p1 $0x1082;
	[sflag:s4] =	ssyncset.s32 $0xFFFFF086  }
0x25: {  	[simem:s6], [sflag:s4] =	dma.local [hbm:s3], $0xF7A  }
0x26: {  	[smem:$0x3F8B] =	sst s1;
	(tag) =	ssettag s2;
	_ =	strace s9  }
0x27: {  	s1 =	sld [smem:$0x3F9B]  }
0x28: {  	s2 =	sld [smem:$0x3F9C]  }
0x29: {  	s4 =	sld [smem:$0x3F9E]  }
0x2a: {  	p0 =	seq.s32 s5, $0x0;
	s5 =	sld [smem:$0x3F9F]  }
0x2b: {  	s6 =	sld [smem:$0x3FA0]  }
0x2c: {  	s7 =	sld [smem:$0x3FA1]  }
0x2d: {  	s3 =	simm.s32 $0x108;
	s8 =	sld [smem:$0x3FA2]  }
0x2e: {  	s3 =	simm.s32 @!p0 $0x1082;
	s9 =	sld [smem:$0x3FA3]  }
0x2f: {  	lr =	sadd.s32 s0, s3;
	s0 =	sld [smem:$0x3F9A]  }
0x30: {  	s3 =	sld [smem:$0x3F9D]  }
0x31: {  	[smem:$0x3FA6] =	sst s10  }
0x32: {  	s10 =	sld [smem:$0x3FA4];
	_ =	sdelay $0x3  }
0x33: {  	p0 =	seq.s32 s10, $0x1;
	s10 =	sld [smem:$0x3FA6];
	_ =	sdelay $0x3  }
0x34: {  	[smem:$0x3FA6] =	sst s10  }
0x35: {  	s10 =	sld [smem:$0x3FA5];
	_ =	sdelay $0x3  }
0x36: {  	p1 =	seq.s32 s10, $0x1;
	s10 =	sld [smem:$0x3FA6];
	_ =	sdelay $0x3  }
0x37: {  	[smem:$0x3FA6] =	sst s10  }
0x38: {  	s10 =	sld [smem:$0x3FA7]  }
0x39: {  	_ = 	snop;
	(pc) =	sbr.ind lr, $3  }
0x3a: {  	_ = 	snop  }
0x3b: {  	_ = 	snop  }
0x3c: {  	p2 =	seq.s32 s10, $0x1;
	s10 =	sld [smem:$0x3FA6]  }
0x3d: {  	_ =	shalt  }
0x3e: {  	_ =	shalt  }
0x3f: {  	_ =	shalt  }
0x40: {  	_ =	shalt  }
0x41: {  	_ =	shalt  }
0x42: {  	_ =	shalt  }
0x43: {  	_ =	shalt  }
0x44: {  	_ =	shalt  }
0x45: {  	_ =	shalt  }
0x46: {  	_ =	shalt  }
0x47: {  	_ =	shalt  }
0x48: {  	_ =	shalt  }
0x49: {  	_ =	shalt  }
0x4a: {  	_ =	shalt  }
0x4b: {  	_ =	shalt  }
0x4c: {  	_ =	shalt  }
0x4d: {  	_ =	shalt  }
0x4e: {  	_ =	shalt  }
0x4f: {  	_ =	shalt  }
0x50: {  	_ =	shalt  }
0x51: {  	_ =	shalt  }
0x52: {  	_ =	shalt  }
0x53: {  	_ =	shalt  }
0x54: {  	_ =	shalt  }
0x55: {  	_ =	shalt  }
0x56: {  	_ =	shalt  }
0x57: {  	_ =	shalt  }
0x58: {  	_ =	shalt  }
0x59: {  	_ =	shalt  }
0x5a: {  	_ =	shalt  }
0x5b: {  	_ =	shalt  }
0x5c: {  	_ =	shalt  }
0x5d: {  	_ =	shalt  }
0x5e: {  	_ =	shalt  }
0x5f: {  	_ =	shalt  }
0x60: {  	_ =	shalt  }
0x61: {  	_ =	shalt  }
0x62: {  	_ =	shalt  }
0x63: {  	_ =	shalt  }
0x64: {  	_ =	shalt  }
0x65: {  	_ =	shalt  }
0x66: {  	_ =	shalt  }
0x67: {  	_ =	shalt  }
0x68: {  	_ =	shalt  }
0x69: {  	_ =	shalt  }
0x6a: {  	_ =	shalt  }
0x6b: {  	_ =	shalt  }
0x6c: {  	_ =	shalt  }
0x6d: {  	_ =	shalt  }
0x6e: {  	_ =	shalt  }
0x6f: {  	_ =	shalt  }
0x70: {  	_ =	shalt  }
0x71: {  	_ =	shalt  }
0x72: {  	_ =	shalt  }
0x73: {  	_ =	shalt  }
0x74: {  	_ =	shalt  }
0x75: {  	_ =	shalt  }
0x76: {  	_ =	shalt  }
0x77: {  	_ =	shalt  }
0x78: {  	_ =	shalt  }
0x79: {  	_ =	shalt  }
0x7a: {  	_ =	shalt  }
0x7b: {  	_ =	shalt  }
0x7c: {  	_ =	shalt  }
0x7d: {  	_ =	shalt  }
0x7e: {  	_ =	shalt  }
0x7f: {  	_ =	shalt  }
0x80: {  	_ =	shalt  }
0x81: {  	_ =	shalt  }
0x82: {  	_ =	shalt  }
0x83: {  	_ =	shalt  }
0x84: {  	_ =	shalt  }
0x85: {  	_ =	shalt  }
0x86: {  	_ =	shalt  }
0x87: {  	_ =	shalt  }
.Lfunc_end0:
.L_simem_size_0:
called_computation.4_lowered:
.L_overlay_start_0:
0x88: {  	s2 =	sld [smem:$0x3FD9]  }
0x89: {  	s3 =	sld [smem:$0x3FFE];
	_ =	sdelay $0x1  }
0x8a: {  	s1 =	srdreg.scid  }
0x8b: {  	s0 =	sand.u32 $0x1, s1  }
0x8c: {  	s17 =	sshll.u32 s0, $0xA;
	s2 =	sadd.s32 s3, s2  }
0x8d: {  	s2 =	sadd.s32 s2, s17  }
0x8e: {  	[smem:$0x3FB2] =	sst s2  }
0x8f: {  	_ = 	snop  }
0x90: {  	(tm) =	ssettm $0x1  }
0x91: {  	s18 =	sld [smem:$0x3FFB];
	_ =	sdelay $0x3  }
0x92: {  	_ =	strace s18  }
0x93: {  	s2 =	sld [smem:$0x3FFC];
	_ =	sdelay $0x3  }
0x94: {  	_ =	strace s2  }
0x95: {  	s2 =	sld [smem:$0x3FFD];
	_ =	sdelay $0x3  }
0x96: {  	_ =	strace s2  }
0x97: {  	_ =	strace $0x8FFFFFFF  }
0x98: {  	s19 =	sld [smem:$0x3FDB];
	_ =	sdelay $0x1  }
0x99: {  	s20 =	simm.s32 $_scs_section_size  }
0x9a: {  	s4 =	simm.s32 $_size__tile_overlayer_lowered;
	s5 =	simm.s32 $_tile_overlayer_lowered  }
0x9b: {  	s6 =	simm.s32 $0x1BFF;
	s21 =	sshll.u32 s5, $0x1;
	s3 =	sadd.s32 s20, s19  }
0x9c: {  	s22 =	simm.s32 $0x0;
	s4 =	sshll.u32 s4, $0x1;
	s5 =	sadd.s32 s21, s3  }
0x9d: {  	[timem:s22], [sflag:s6] =	dma.local [hbm:s5], s4  }
0x9e: {  	_ =	swait.ge [sflag:s6], s4  }
0x9f: {  	s4 =	ssub.s32 $0x0, s4;
	[sflag:s6] =	ssyncset.done $0x0  }
0xa0: {  	[sflag:s6] =	ssyncadd.s32 s4;
	_ =	sdelay $0x1  }
0xa1: {  	s23 =	simm.s32 $0x1B8B  }
0xa2: {  	_ =	swait.ge [sflag:s23], $0x1  }
0xa3: {  	[sflag:s23] =	ssyncset.done $0x0  }
0xa4: {  	[sflag:s23] =	ssyncadd.s32 $0xFFFFFFFF  }
0xa5: {  	s4 =	sld [smem:$0x0]  }
0xa6: {  	s5 =	sand.u32 $0xFFFFFFFE, s1  }
0xa7: {  	p0 =	sne.s32 s1, s5  }
0xa8: {  	s5 =	sshll.u32 @p0 s5, $0xE  }
0xa9: {  	s5 =	sadd.s32 @p0 $0x11B8D, s5;
	s6 =	sshll.u32 @p0 s4, $0x11  }
0xaa: {  	s5 =	sor.u32 @p0 s6, s5  }
0xab: {  	[sflag:s5] =	ssyncadd.remote.s32 @p0 $0x1;
	_ =	sdelay $0x1  }
0xac: {  	s5 =	simm.s32 @p0 $0x1B8D  }
0xad: {  	_ =	swait.eq @p0 [sflag:s5], $0x1  }
0xae: {  	[sflag:s5] =	ssyncadd.s32 @p0 $0xFFFFFFFF  }
0xaf: {  	s6 =	sshll.u32 @!p0 s1, $0xE  }
0xb0: {  	s6 =	sor.u32 @!p0 $0x4000, s6;
	s5 =	simm.s32 @!p0 $0x1B8D  }
0xb1: {  	s4 =	sshll.u32 @!p0 s4, $0x11;
	s6 =	sadd.s32 @!p0 $0x11B8D, s6;
	_ =	swait.eq @!p0 [sflag:s5], $0x1  }
0xb2: {  	s4 =	sor.u32 @!p0 s4, s6;
	[sflag:s5] =	ssyncadd.s32 @!p0 $0xFFFFFFFF  }
0xb3: {  	s25 =	simm.s32 $0x1B8E;
	s24 =	sld [smem:$0x3FFE];
	[sflag:s4] =	ssyncadd.remote.s32 @!p0 $0x1  }
0xb4: {  	s26 =	simm.s32 $execute0_lowered;
	[smem:$0x3FD2] =	sst s25  }
0xb5: {  	s5 =	sshll.u32 s26, $0x1;
	_ =	strace $0x80000052;
	[dreg:$0x1] =	wrdreg $0xFFFFFFFF  }
0xb6: {  	s28 =	simm.s32 $_size_execute0_lowered;
	s3 =	sadd.s32 s3, s5;
	[dreg:$0x0] =	wrdreg $0x0  }
0xb7: {  	s5 =	sshll.u32 s28, $0x1;
	[dreg:$0x2] =	wrdreg s3  }
0xb8: {  	[dreg:$0x3] =	wrdreg s5  }
0xb9: {  	[dreg:$0x4] =	wrdreg $0xC0  }
0xba: {  	_ =	task [dreg:s22], $0x5FFFF  }
0xbb: {  	[dreg:$0x1] =	wrdreg $0xFFFFFFFF  }
0xbc: {  	[dreg:$0x0] =	wrdreg $0x60  }
0xbd: {  	[dreg:$0x2] =	wrdreg s24  }
0xbe: {  	[dreg:$0x3] =	wrdreg $0x108000  }
0xbf: {  	[dreg:$0x4] =	wrdreg $0x9  }
0xc0: {  	_ =	task.clear_ibuf [dreg:s22], $0x5FFFF;
	_ =	strace $0x90000052  }
0xc1: {  	s29 =	simm.s32 $0x9;
	_ =	strace $0x80000054  }
0xc2: {  	_ =	swait.ge [sflag:s29], $0x1  }
0xc3: {  	[sflag:s29] =	ssyncadd.s32 $0xFFFFFFFF  }
0xc4: {  	_ =	strace $0x90000054  }
0xc5: {  	_ =	sfence  }
0xc6: {  	s30 =	sld [smem:$0x0];
	_ =	sdelay $0x2  }
0xc7: {  	s31 =	sshll.u32 s1, $0xD;
	s1 =	sshrl.u32 s1, $0x2  }
0xc8: {  	s4 =	sand.u32 $0x4000, s31;
	s1 =	sadd.s32 s1, s30  }
0xc9: {  	s0 =	sor.u32 s4, s0;
	s1 =	sshll.u32 s1, $0x11  }
0xca: {  	s0 =	sor.u32 s1, s0  }
0xcb: {  	s0 =	sadd.s32 $0x8F2B, s0  }
0xcc: {  	[sflag:s0] =	ssyncadd.remote.s32 $0x1  }
0xcd: {  	_ =	sfence.sel $0xFFFF  }
0xce: {  	[dreg:$0x0] =	wrdreg $0xFFFFFFFF;
	(pc) =	sbr.abs _section_cstart, $3  }
0xcf: {  	[dreg:$0x1] =	wrdreg $0xFFFFFFFF  }
0xd0: {  	_ =	task.clear_ibuf [dreg:s22], $0x2FFFF;
	_ =	strace $0x9FFFFFFF  }
0xd1: {  	(tm) =	ssettm $0x7FFFFFFF  }
tec
execute0_lowered:
.L_overlay_start_1:
0x0: {  	(tag) =	ssettag $0x1  }
0x1: {  	s5 =	rddreg [dreg:$0x0];
	s0 =	srdreg.scid  }
0x2: {  	s2 =	rddreg [dreg:$0x1];
	s1 =	stileid.u32;
	s3 =	simm.s32 $0x0  }
0x3: {  	s15 =	simm.s32 $0xC800;
	s16 =	simm.s32 $0x2;
	s7 =	smul.u32 $0xC400, s1  }
0x4: {  	s17 =	simm.s32 $0x400;
	s18 =	simm.s32 $0x1;
	s8 =	smul.u32 $0xC800, s1  }
0x5: {  	s19 =	simm.s32 $0xC400;
	s20 =	simm.s32 $0x0;
	s10 =	smul.u32 $0x1880, s1  }
0x6: {  	s6 =	sand.u32 $0x1, s0;
	[smem:$0x7FF] =	sst s3;
	s28 =	smul.u32 $0x32000, s1  }
0x7: {  	s0 =	rddreg [dreg:$0x2];
	s4 =	smul.u32 $0x188000, s6;
	_ =	strace $0x80000053  }
0x8: {  	s9 =	smul.u32 $0x190000, s6;
	s6 =	ssub.s32 $0x2, s6;
	s14 =	sadd.s32 s10, s5  }
0x9: {  	s29 =	sshrl.u32 s6, $0x1;
	s30 =	sshrl.u32 s28, $0x2;
	s7 =	sadd.s32 s7, s4  }
0xa: {  	s4 =	sadd.s32 $0x530000, s5;
	s26 =	sadd.s32 s8, s9;
	s13 =	ssub.s32 s6, s29  }
0xb: {  	s31 =	sadd.s32 s30, s2;
	s14 =	sadd.s32 $0x5000, s14;
	s7 =	sshrl.u32 s7, $0x3  }
0xc: {  	s6 =	sadd.s32 $0x4000, s31;
	s11 =	sadd.s32 s7, s5;
	s7 =	sshrl.u32 s26, $0x3  }
0xd: {  	s13 =	smax.u32 s13, $0x1;
	s12 =	sadd.s32 s7, s5;
	s5 =	sadd.s32 s8, s2  }
0xe: {  	s7 =	sadd.s32 $0x8000, s31;
	s8 =	sadd.s32 $0xC000, s31;
	s9 =	sadd.s32 $0x99000, s11  }
0xf: {  	v0 =	vimm.f32 $0.0e+00;
	s11 =	sadd.s32 $0xB1800, s11;
	s10 =	sadd.s32 $0xFB000, s12;
	s12 =	sadd.s32 $0x114000, s12  }
.LBB2_1:
0x10: {  	s21 =	simm.s32 $0x40;
	s22 =	simm.s32 $0x0  }
.LBB2_2:
0x11: {  	p0 =	sne.s32 s21, $0xFFC0;
	[tilespmem:s22+$0xC800] =	vst v0;
	s22 =	smov.u32 s21;
	s21 =	sadd.s32 $0x40, s21  }
.Ltmp0:
0x12: {  	(pc) =	sbr.rel @p0 .LBB2_2-.Ltmp0, $2  }
0x13: {  	_ =	sdelay $0x2  }
0x14: {  	s22 =	sshra.s32 s22, $0x2  }
0x15: {  	[tilespmem:s22+$0xC800] =	vst v0  }
0x16: {  	[spmem:s5] =	stream.linear.scatter [tilespmem:s15], [sflag:$0x2], $0x4000, $0x38;
	[tilespmem:$0x1D000] =	vst v63  }
0x17: {  	_ =	swait.ge [sflag:s16], $0x4000  }
0x18: {  	[sflag:s16] =	ssyncset.done $0x0  }
0x19: {  	[sflag:s16] =	ssyncadd.s32 $0xFFFFC000  }
0x1a: {  	[spmem:s6] =	stream.linear.scatter [tilespmem:s15], [sflag:$0x2], $0x4000, $0x38;
	[tilespmem:$0x1D000] =	vst v63  }
0x1b: {  	_ =	swait.ge [sflag:s16], $0x4000  }
0x1c: {  	[sflag:s16] =	ssyncset.done $0x0  }
0x1d: {  	[sflag:s16] =	ssyncadd.s32 $0xFFFFC000  }
0x1e: {  	[spmem:s7] =	stream.linear.scatter [tilespmem:s15], [sflag:$0x2], $0x4000, $0x38;
	[tilespmem:$0x1D000] =	vst v63  }
0x1f: {  	_ =	swait.ge [sflag:s16], $0x4000  }
0x20: {  	[sflag:s16] =	ssyncset.done $0x0  }
0x21: {  	[sflag:s16] =	ssyncadd.s32 $0xFFFFC000  }
0x22: {  	[spmem:s8] =	stream.linear.scatter [tilespmem:s15], [sflag:$0x2], $0x800, $0x38;
	[tilespmem:$0x1D000] =	vst v63  }
0x23: {  	_ =	swait.ge [sflag:s16], $0x800  }
0x24: {  	[sflag:s16] =	ssyncset.done $0x0  }
0x25: {  	s21 =	simm.s32 $0x0;
	[sflag:s16] =	ssyncadd.s32 $0xFFFFF800  }
0x26: {  	[tilespmem:s21], [sflag:$0x2] =	stream.linear.gather [hbm4b:s9+s21], $0xC400, $0x38;
	[tilespmem:$0x1D000] =	vst v63  }
0x27: {  	_ =	swait.ge [sflag:s16], $0xC400  }
0x28: {  	[sflag:s16] =	ssyncset.done $0x0  }
0x29: {  	[sflag:s16] =	ssyncadd.s32 $0xFFFF3C00  }
0x2a: {  	[bflag:$0x0] =	sbarrier.arrive $0xFFFF  }
0x2b: {  	[tilespmem:s15], [sflag:$0x1] =	stream.indirect.gather [hbm4b:s4+s17], $0x10, s21, s17, $0xb8;
	[tilespmem:$0x1D000] =	vst v63  }
0x2c: {  	_ =	swait.ge [sflag:s18], $0x4000  }
0x2d: {  	[sflag:s18] =	ssyncset.done $0x0  }
0x2e: {  	s31 =	sadd.s32 $0x0, s14;
	[sflag:s18] =	ssyncadd.s32 $0xFFFFC000  }
0x2f: {  	[tilespmem:s19], [sflag:$0x2] =	stream.linear.gather [hbm4b:s31+s3], $0x400, $0x38;
	[tilespmem:$0x1D000] =	vst v63  }
0x30: {  	_ =	swait.ge [sflag:s16], $0x400  }
0x31: {  	[sflag:s16] =	ssyncset.done $0x0  }
0x32: {  	[sflag:s16] =	ssyncadd.s32 $0xFFFFFC00  }
0x33: {  	[spmem:s2] =	stream.indirect.scatter.add.f32 [tilespmem:s15], [sflag:$0x2], $0x10, s19, s17, $0xb8;
	[tilespmem:$0x1D000] =	vst v63  }
0x34: {  	_ =	swait.ge [sflag:s16], $0x4000  }
0x35: {  	s22 =	simm.s32 $0x80;
	[sflag:s16] =	ssyncset.done $0x0  }
.LBB2_4:
0x36: {  	p0 =	sne.s32 s22, $0x1800;
	[sflag:s16] =	ssyncadd.s32 $0xFFFFC000;
	s21 =	sadd.s32 $0x400, s21  }
0x37: {  	[tilespmem:s15], [sflag:$0x1] =	stream.indirect.gather [hbm4b:s4+s17], $0x10, s21, s17, $0xb8;
	[tilespmem:$0x1D000] =	vst v63  }
0x38: {  	s23 =	smov.u32 s22;
	s22 =	sadd.s32 $0x80, s22;
	_ =	swait.ge [sflag:s18], $0x4000  }
0x39: {  	[sflag:s18] =	ssyncset.done $0x0  }
0x3a: {  	s23 =	sadd.s32 s23, s14;
	[sflag:s18] =	ssyncadd.s32 $0xFFFFC000  }
0x3b: {  	[tilespmem:s19], [sflag:$0x2] =	stream.linear.gather [hbm4b:s23+s3], $0x400, $0x38;
	[tilespmem:$0x1D000] =	vst v63  }
0x3c: {  	_ =	swait.ge [sflag:s16], $0x400  }
.Ltmp1:
0x3d: {  	[sflag:s16] =	ssyncset.done $0x0;
	(pc) =	sbr.rel @p0 .LBB2_4-.Ltmp1, $4  }
0x3e: {  	[sflag:s16] =	ssyncadd.s32 $0xFFFFFC00  }
0x3f: {  	[spmem:s2] =	stream.indirect.scatter.add.f32 [tilespmem:s15], [sflag:$0x2], $0x10, s19, s17, $0xb8;
	[tilespmem:$0x1D000] =	vst v63  }
0x40: {  	_ =	swait.ge [sflag:s16], $0x4000  }
0x41: {  	[sflag:s16] =	ssyncset.done $0x0  }
0x42: {  	[sflag:s16] =	ssyncadd.s32 $0xFFFFC000;
	s21 =	sshll.u32 s1, $0x6  }
0x43: {  	s22 =	sshrl.u32 s5, $0x3;
	[bflag:$0x0] =	sbarrier.arrive $0xFFFF;
	s21 =	sor.u32 $0x1C02, s21  }
0x44: {  	[hbm:s10], [sflag:s21] =	dma.local [spmem:s22], $0x1900  }
0x45: {  	_ =	swait.ge [sflag:s16], $0x1900  }
0x46: {  	[sflag:s16] =	ssyncset.done $0x0  }
0x47: {  	[sflag:s16] =	ssyncadd.s32 $0xFFFFE700  }
0x48: {  	s23 =	simm.s32 $0x40;
	s24 =	simm.s32 $0x0;
	[bflag:$0x0] =	sbarrier.arrive $0xFFFF  }
.LBB2_6:
0x49: {  	p0 =	sne.s32 s23, $0xFFC0;
	[tilespmem:s24+$0xC800] =	vst v0;
	s24 =	smov.u32 s23;
	s23 =	sadd.s32 $0x40, s23  }
.Ltmp2:
0x4a: {  	(pc) =	sbr.rel @p0 .LBB2_6-.Ltmp2, $2  }
0x4b: {  	_ =	sdelay $0x2  }
0x4c: {  	s24 =	sshra.s32 s24, $0x2  }
0x4d: {  	[tilespmem:s24+$0xC800] =	vst v0  }
0x4e: {  	[spmem:s5] =	stream.linear.scatter [tilespmem:s15], [sflag:$0x2], $0x4000, $0x38;
	[tilespmem:$0x1D000] =	vst v63  }
0x4f: {  	_ =	swait.ge [sflag:s16], $0x4000  }
0x50: {  	[sflag:s16] =	ssyncset.done $0x0  }
0x51: {  	[sflag:s16] =	ssyncadd.s32 $0xFFFFC000  }
0x52: {  	[spmem:s6] =	stream.linear.scatter [tilespmem:s15], [sflag:$0x2], $0x4000, $0x38;
	[tilespmem:$0x1D000] =	vst v63  }
0x53: {  	_ =	swait.ge [sflag:s16], $0x4000  }
0x54: {  	[sflag:s16] =	ssyncset.done $0x0  }
0x55: {  	[sflag:s16] =	ssyncadd.s32 $0xFFFFC000  }
0x56: {  	[spmem:s7] =	stream.linear.scatter [tilespmem:s15], [sflag:$0x2], $0x4000, $0x38;
	[tilespmem:$0x1D000] =	vst v63  }
0x57: {  	_ =	swait.ge [sflag:s16], $0x4000  }
0x58: {  	[sflag:s16] =	ssyncset.done $0x0  }
0x59: {  	[sflag:s16] =	ssyncadd.s32 $0xFFFFC000  }
0x5a: {  	[spmem:s8] =	stream.linear.scatter [tilespmem:s15], [sflag:$0x2], $0x800, $0x38;
	[tilespmem:$0x1D000] =	vst v63  }
0x5b: {  	_ =	swait.ge [sflag:s16], $0x800  }
0x5c: {  	[sflag:s16] =	ssyncset.done $0x0  }
0x5d: {  	s23 =	simm.s32 $0x0;
	[sflag:s16] =	ssyncadd.s32 $0xFFFFF800  }
0x5e: {  	[tilespmem:s23], [sflag:$0x2] =	stream.linear.gather [hbm4b:s11+s23], $0xC400, $0x38;
	[tilespmem:$0x1D000] =	vst v63  }
0x5f: {  	_ =	swait.ge [sflag:s16], $0xC400  }
0x60: {  	[sflag:s16] =	ssyncset.done $0x0  }
0x61: {  	[sflag:s16] =	ssyncadd.s32 $0xFFFF3C00  }
0x62: {  	[bflag:$0x0] =	sbarrier.arrive $0xFFFF  }
0x63: {  	[tilespmem:s15], [sflag:$0x1] =	stream.indirect.gather [hbm4b:s4+s17], $0x10, s23, s17, $0xb8;
	[tilespmem:$0x1D000] =	vst v63  }
0x64: {  	_ =	swait.ge [sflag:s18], $0x4000  }
0x65: {  	[sflag:s18] =	ssyncset.done $0x0  }
0x66: {  	s31 =	sadd.s32 $0x0, s14;
	[sflag:s18] =	ssyncadd.s32 $0xFFFFC000  }
0x67: {  	[tilespmem:s19], [sflag:$0x2] =	stream.linear.gather [hbm4b:s31+s3], $0x400, $0x38;
	[tilespmem:$0x1D000] =	vst v63  }
0x68: {  	_ =	swait.ge [sflag:s16], $0x400  }
0x69: {  	[sflag:s16] =	ssyncset.done $0x0  }
0x6a: {  	[sflag:s16] =	ssyncadd.s32 $0xFFFFFC00  }
0x6b: {  	[spmem:s2] =	stream.indirect.scatter.add.f32 [tilespmem:s15], [sflag:$0x2], $0x10, s19, s17, $0xb8;
	[tilespmem:$0x1D000] =	vst v63  }
0x6c: {  	_ =	swait.ge [sflag:s16], $0x4000  }
0x6d: {  	s24 =	simm.s32 $0x80;
	[sflag:s16] =	ssyncset.done $0x0  }
.LBB2_8:
0x6e: {  	p0 =	sne.s32 s24, $0x1800;
	[sflag:s16] =	ssyncadd.s32 $0xFFFFC000;
	s23 =	sadd.s32 $0x400, s23  }
0x6f: {  	[tilespmem:s15], [sflag:$0x1] =	stream.indirect.gather [hbm4b:s4+s17], $0x10, s23, s17, $0xb8;
	[tilespmem:$0x1D000] =	vst v63  }
0x70: {  	s25 =	smov.u32 s24;
	s24 =	sadd.s32 $0x80, s24;
	_ =	swait.ge [sflag:s18], $0x4000  }
0x71: {  	[sflag:s18] =	ssyncset.done $0x0  }
0x72: {  	s25 =	sadd.s32 s25, s14;
	[sflag:s18] =	ssyncadd.s32 $0xFFFFC000  }
0x73: {  	[tilespmem:s19], [sflag:$0x2] =	stream.linear.gather [hbm4b:s25+s3], $0x400, $0x38;
	[tilespmem:$0x1D000] =	vst v63  }
0x74: {  	_ =	swait.ge [sflag:s16], $0x400  }
.Ltmp3:
0x75: {  	[sflag:s16] =	ssyncset.done $0x0;
	(pc) =	sbr.rel @p0 .LBB2_8-.Ltmp3, $4  }
0x76: {  	[sflag:s16] =	ssyncadd.s32 $0xFFFFFC00  }
0x77: {  	[spmem:s2] =	stream.indirect.scatter.add.f32 [tilespmem:s15], [sflag:$0x2], $0x10, s19, s17, $0xb8;
	[tilespmem:$0x1D000] =	vst v63  }
0x78: {  	_ =	swait.ge [sflag:s16], $0x4000  }
0x79: {  	[sflag:s16] =	ssyncset.done $0x0  }
0x7a: {  	[sflag:s16] =	ssyncadd.s32 $0xFFFFC000;
	s20 =	sadd.s32 $0x1, s20  }
0x7b: {  	[bflag:$0x0] =	sbarrier.arrive $0xFFFF;
	p0 =	sne.s32 s20, s13  }
0x7c: {  	[hbm:s12], [sflag:s21] =	dma.local [spmem:s22], $0x1900  }
.Ltmp4:
0x7d: {  	_ =	swait.ge [sflag:s16], $0x1900;
	(pc) =	sbr.rel @p0 .LBB2_1-.Ltmp4, $3  }
0x7e: {  	[sflag:s16] =	ssyncset.done $0x0  }
0x7f: {  	[sflag:s16] =	ssyncadd.s32 $0xFFFFE700  }
0x80: {  	[bflag:$0x0] =	sbarrier.arrive $0xFFFF;
	_ =	sdelay $0x1  }
0x81: {  	_ =	sfence.sel $0x180000  }
0x82: {  	[bflag:$0x0] =	sbarrier.arrive $0xFFFF  }
0x83: {  	p0 =	sne.s32 s1, $0x0;
	_ =	strace $0x90000053  }
0x84: {  	s0 =	sadd.s32 @!p0 $0x100000, s0;
	[bflag:$0x2] =	sbarrier.arrive $0xFFFF  }
0x85: {  	[sflag:s0] =	ssyncadd.tile.s32 @!p0 $0x1;
	_ =	shalt  }
.Lfunc_end2:
_tile_overlayer_lowered:
.L_overlay_start_2:
0x86: {  	(tag) =	ssettag $0x2  }
0x87: {  	s0 =	rddreg [dreg:$0x0];
	s2 =	stileid.u32  }
0x88: {  	s1 =	rddreg [dreg:$0x1];
	p0 =	sne.s32 s2, $0x0  }
0x89: {  	s3 =	rddreg [dreg:$0x2];
	[bflag:$0x3] =	sbarrier.arrive $0xFFFF;
	s2 =	simm.s32 @!p0 $0x1C02  }
0x8a: {  	[timem:s3], [sflag:s2] =	dma.local @!p0 [hbm:s0], s1  }
0x8b: {  	s0 =	simm.s32 @!p0 $0x2  }
0x8c: {  	_ =	swait.ge @!p0 [sflag:s0], s1  }
0x8d: {  	s1 =	ssub.s32 @!p0 $0x0, s1;
	[sflag:s0] =	ssyncset.done @!p0 $0x0  }
0x8e: {  	[sflag:s0] =	ssyncadd.s32 @!p0 s1  }
0x8f: {  	[bflag:$0x3] =	sbarrier.arrive $0xFFFF  }
0x90: {  	_ =	shalt  }

// kernel: kernel.30.cloned.1.call-start
scs
__scs_entry_jumppad:
0x0: {  	(pc) =	sbr.rel $0x88, $3  }
0x1: {  	(tag) =	ssettag $0x0;
	lr =	simm.s32 $0x1  }
0x2: {  	[smem:$0x3F8B] =	sst lr;
	_ =	strace $0xD0000000  }
0x3: {  	_ = 	snop  }
0x4: {  	_ = 	snop  }
0x5: {  	_ = 	snop  }
0x6: {  	_ = 	snop  }
0x7: {  	_ = 	snop  }
__scs_overlays_trampoline_lowered:
0x8: {  	[smem:$0x3F9A] =	sst s0  }
0x9: {  	[smem:$0x3F9B] =	sst s1  }
0xa: {  	[smem:$0x3F9C] =	sst s2  }
0xb: {  	[smem:$0x3F9D] =	sst s3  }
0xc: {  	[smem:$0x3F9E] =	sst s4  }
0xd: {  	[smem:$0x3F9F] =	sst s5  }
0xe: {  	[smem:$0x3FA0] =	sst s6  }
0xf: {  	[smem:$0x3FA1] =	sst s7  }
0x10: {  	[smem:$0x3FA2] =	sst s8  }
0x11: {  	[smem:$0x3FA3] =	sst s9;
	s0 =	simm.s32 @!p0 $0x0  }
0x12: {  	s1 =	sld [smem:$0x3F89];
	s0 =	simm.s32 @p0 $0x1  }
0x13: {  	[smem:$0x3FA4] =	sst s0;
	s0 =	simm.s32 @!p1 $0x0  }
0x14: {  	s2 =	sld [smem:$0x3F88];
	s0 =	simm.s32 @p1 $0x1  }
0x15: {  	[smem:$0x3FA5] =	sst s0;
	s0 =	simm.s32 @!p2 $0x0  }
0x16: {  	s3 =	sld [smem:$0x3FDB];
	s0 =	simm.s32 @p2 $0x1  }
0x17: {  	s4 =	simm.s32 $0x1BF5;
	[smem:$0x3FA7] =	sst s0  }
0x18: {  	s0 =	sld [smem:$0x3F8A];
	_ =	swait.ge [sflag:s4], $0x0  }
0x19: {  	s7 =	sld [smem:$0x3F8B]  }
0x1a: {  	s8 =	sadd.s32 $0xFFFFE003, lr  }
0x1b: {  	s9 =	sadd.s32 $0xFFFFFEF7, lr;
	s5 =	simm.s32 $0xFFFFFFFF;
	p2 =	slt.u32 s8, $0xFFFFF086  }
0x1c: {  	p1 =	slt.u32 s9, $0xF7A;
	s5 =	simm.s32 @!p2 $0x0  }
0x1d: {  	s5 =	simm.s32 @p1 $0x1;
	p0 =	seq.s32 s7, s2  }
0x1e: {  	s7 =	smul.u32 @!p0 $0xF7A, s2;
	p2 =	seq.s32 @!p0 s5, $0x0  }
0x1f: {  	s9 =	smul.u32 $0xF7A, s1;
	s8 =	simm.s32 @!p0 $0x1BF5;
	p2 =	por !p2, p0  }
0x20: {  	[sflag:s8] =	ssyncset.s32 @!p0 $0xFFFFF086;
	s6 =	sadd.s32 @!p0 s3, s7;
	s7 =	simm.s32 @!p0 $0x108  }
0x21: {  	s3 =	sadd.s32 s3, s9;
	s6 =	sadd.s32 @!p0 $0x88, s6;
	s7 =	simm.s32 @p2 $0x1082  }
0x22: {  	[simem:s7], [sflag:s8] =	dma.local @!p0 [hbm:s6], $0xF7A  }
0x23: {  	s9 =	sor.u32 $0xD0000000, s2;
	s6 =	simm.s32 $0x108;
	_ =	swait.ge @!p0 [sflag:s8], $0x0  }
0x24: {  	s3 =	sadd.s32 $0x88, s3;
	s6 =	simm.s32 @!p1 $0x1082;
	[sflag:s4] =	ssyncset.s32 $0xFFFFF086  }
0x25: {  	[simem:s6], [sflag:s4] =	dma.local [hbm:s3], $0xF7A  }
0x26: {  	[smem:$0x3F8B] =	sst s1;
	(tag) =	ssettag s2;
	_ =	strace s9  }
0x27: {  	s1 =	sld [smem:$0x3F9B]  }
0x28: {  	s2 =	sld [smem:$0x3F9C]  }
0x29: {  	s4 =	sld [smem:$0x3F9E]  }
0x2a: {  	p0 =	seq.s32 s5, $0x0;
	s5 =	sld [smem:$0x3F9F]  }
0x2b: {  	s6 =	sld [smem:$0x3FA0]  }
0x2c: {  	s7 =	sld [smem:$0x3FA1]  }
0x2d: {  	s3 =	simm.s32 $0x108;
	s8 =	sld [smem:$0x3FA2]  }
0x2e: {  	s3 =	simm.s32 @!p0 $0x1082;
	s9 =	sld [smem:$0x3FA3]  }
0x2f: {  	lr =	sadd.s32 s0, s3;
	s0 =	sld [smem:$0x3F9A]  }
0x30: {  	s3 =	sld [smem:$0x3F9D]  }
0x31: {  	[smem:$0x3FA6] =	sst s10  }
0x32: {  	s10 =	sld [smem:$0x3FA4];
	_ =	sdelay $0x3  }
0x33: {  	p0 =	seq.s32 s10, $0x1;
	s10 =	sld [smem:$0x3FA6];
	_ =	sdelay $0x3  }
0x34: {  	[smem:$0x3FA6] =	sst s10  }
0x35: {  	s10 =	sld [smem:$0x3FA5];
	_ =	sdelay $0x3  }
0x36: {  	p1 =	seq.s32 s10, $0x1;
	s10 =	sld [smem:$0x3FA6];
	_ =	sdelay $0x3  }
0x37: {  	[smem:$0x3FA6] =	sst s10  }
0x38: {  	s10 =	sld [smem:$0x3FA7]  }
0x39: {  	_ = 	snop;
	(pc) =	sbr.ind lr, $3  }
0x3a: {  	_ = 	snop  }
0x3b: {  	_ = 	snop  }
0x3c: {  	p2 =	seq.s32 s10, $0x1;
	s10 =	sld [smem:$0x3FA6]  }
0x3d: {  	_ =	shalt  }
0x3e: {  	_ =	shalt  }
0x3f: {  	_ =	shalt  }
0x40: {  	_ =	shalt  }
0x41: {  	_ =	shalt  }
0x42: {  	_ =	shalt  }
0x43: {  	_ =	shalt  }
0x44: {  	_ =	shalt  }
0x45: {  	_ =	shalt  }
0x46: {  	_ =	shalt  }
0x47: {  	_ =	shalt  }
0x48: {  	_ =	shalt  }
0x49: {  	_ =	shalt  }
0x4a: {  	_ =	shalt  }
0x4b: {  	_ =	shalt  }
0x4c: {  	_ =	shalt  }
0x4d: {  	_ =	shalt  }
0x4e: {  	_ =	shalt  }
0x4f: {  	_ =	shalt  }
0x50: {  	_ =	shalt  }
0x51: {  	_ =	shalt  }
0x52: {  	_ =	shalt  }
0x53: {  	_ =	shalt  }
0x54: {  	_ =	shalt  }
0x55: {  	_ =	shalt  }
0x56: {  	_ =	shalt  }
0x57: {  	_ =	shalt  }
0x58: {  	_ =	shalt  }
0x59: {  	_ =	shalt  }
0x5a: {  	_ =	shalt  }
0x5b: {  	_ =	shalt  }
0x5c: {  	_ =	shalt  }
0x5d: {  	_ =	shalt  }
0x5e: {  	_ =	shalt  }
0x5f: {  	_ =	shalt  }
0x60: {  	_ =	shalt  }
0x61: {  	_ =	shalt  }
0x62: {  	_ =	shalt  }
0x63: {  	_ =	shalt  }
0x64: {  	_ =	shalt  }
0x65: {  	_ =	shalt  }
0x66: {  	_ =	shalt  }
0x67: {  	_ =	shalt  }
0x68: {  	_ =	shalt  }
0x69: {  	_ =	shalt  }
0x6a: {  	_ =	shalt  }
0x6b: {  	_ =	shalt  }
0x6c: {  	_ =	shalt  }
0x6d: {  	_ =	shalt  }
0x6e: {  	_ =	shalt  }
0x6f: {  	_ =	shalt  }
0x70: {  	_ =	shalt  }
0x71: {  	_ =	shalt  }
0x72: {  	_ =	shalt  }
0x73: {  	_ =	shalt  }
0x74: {  	_ =	shalt  }
0x75: {  	_ =	shalt  }
0x76: {  	_ =	shalt  }
0x77: {  	_ =	shalt  }
0x78: {  	_ =	shalt  }
0x79: {  	_ =	shalt  }
0x7a: {  	_ =	shalt  }
0x7b: {  	_ =	shalt  }
0x7c: {  	_ =	shalt  }
0x7d: {  	_ =	shalt  }
0x7e: {  	_ =	shalt  }
0x7f: {  	_ =	shalt  }
0x80: {  	_ =	shalt  }
0x81: {  	_ =	shalt  }
0x82: {  	_ =	shalt  }
0x83: {  	_ =	shalt  }
0x84: {  	_ =	shalt  }
0x85: {  	_ =	shalt  }
0x86: {  	_ =	shalt  }
0x87: {  	_ =	shalt  }
.Lfunc_end0:
.L_simem_size_0:
called_computation.5_lowered:
.L_overlay_start_0:
0x88: {  	s2 =	sld [smem:$0x3FD9]  }
0x89: {  	s3 =	sld [smem:$0x3FFE];
	_ =	sdelay $0x1  }
0x8a: {  	s1 =	srdreg.scid  }
0x8b: {  	s0 =	sand.u32 $0x1, s1  }
0x8c: {  	s16 =	sshll.u32 s0, $0xA;
	s2 =	sadd.s32 s3, s2  }
0x8d: {  	s2 =	sadd.s32 s2, s16  }
0x8e: {  	[smem:$0x3FB2] =	sst s2  }
0x8f: {  	_ = 	snop  }
0x90: {  	(tm) =	ssettm $0x1  }
0x91: {  	s17 =	sld [smem:$0x3FFB];
	_ =	sdelay $0x3  }
0x92: {  	_ =	strace s17  }
0x93: {  	s2 =	sld [smem:$0x3FFC];
	_ =	sdelay $0x3  }
0x94: {  	_ =	strace s2  }
0x95: {  	s2 =	sld [smem:$0x3FFD];
	_ =	sdelay $0x3  }
0x96: {  	_ =	strace s2  }
0x97: {  	_ =	strace $0x8FFFFFFF  }
0x98: {  	s18 =	sld [smem:$0x3FDB];
	_ =	sdelay $0x1  }
0x99: {  	s19 =	simm.s32 $_scs_section_size  }
0x9a: {  	s4 =	simm.s32 $_size__tile_overlayer_lowered;
	s5 =	simm.s32 $_tile_overlayer_lowered  }
0x9b: {  	s22 =	simm.s32 $0x1BFF;
	s21 =	sshll.u32 s5, $0x1;
	s2 =	sadd.s32 s19, s18  }
0x9c: {  	s6 =	simm.s32 $0x0;
	s20 =	sshll.u32 s4, $0x1;
	s4 =	sadd.s32 s21, s2  }
0x9d: {  	[timem:s6], [sflag:s22] =	dma.local [hbm:s4], s20  }
0x9e: {  	_ =	swait.ge [sflag:s22], s20  }
0x9f: {  	s3 =	ssub.s32 $0x0, s20;
	[sflag:s22] =	ssyncset.done $0x0  }
0xa0: {  	[sflag:s22] =	ssyncadd.s32 s3;
	_ =	sdelay $0x1  }
0xa1: {  	s23 =	simm.s32 $0x1B8B  }
0xa2: {  	_ =	swait.ge [sflag:s23], $0x1  }
0xa3: {  	[sflag:s23] =	ssyncset.done $0x0  }
0xa4: {  	s25 =	simm.s32 $0x1B8E;
	s24 =	sld [smem:$0x3FFE];
	[sflag:s23] =	ssyncadd.s32 $0xFFFFFFFF  }
0xa5: {  	s26 =	simm.s32 $execute0_lowered;
	[smem:$0x3FD2] =	sst s25  }
0xa6: {  	s4 =	sshll.u32 s26, $0x1;
	_ =	strace $0x80000055;
	[dreg:$0x1] =	wrdreg $0xFFFFFFFF  }
0xa7: {  	s28 =	simm.s32 $_size_execute0_lowered;
	s2 =	sadd.s32 s2, s4;
	[dreg:$0x0] =	wrdreg $0x0  }
0xa8: {  	s4 =	sshll.u32 s28, $0x1;
	[dreg:$0x2] =	wrdreg s2  }
0xa9: {  	[dreg:$0x3] =	wrdreg s4  }
0xaa: {  	[dreg:$0x4] =	wrdreg $0xC0  }
0xab: {  	_ =	task [dreg:s6], $0x5FFFF  }
0xac: {  	[dreg:$0x1] =	wrdreg $0xFFFFFFFF  }
0xad: {  	[dreg:$0x0] =	wrdreg $0x60  }
0xae: {  	[dreg:$0x2] =	wrdreg s24  }
0xaf: {  	[dreg:$0x3] =	wrdreg $0x9  }
0xb0: {  	_ =	task.clear_ibuf [dreg:s6], $0x4FFFF;
	_ =	strace $0x90000055  }
0xb1: {  	s29 =	simm.s32 $0x9;
	_ =	strace $0x80000057  }
0xb2: {  	_ =	swait.ge [sflag:s29], $0x1  }
0xb3: {  	[sflag:s29] =	ssyncadd.s32 $0xFFFFFFFF  }
0xb4: {  	_ =	strace $0x90000057  }
0xb5: {  	_ =	sfence  }
0xb6: {  	s30 =	sld [smem:$0x0];
	_ =	sdelay $0x2  }
0xb7: {  	s31 =	sshll.u32 s1, $0xD;
	s1 =	sshrl.u32 s1, $0x2  }
0xb8: {  	s3 =	sand.u32 $0x4000, s31;
	s1 =	sadd.s32 s1, s30  }
0xb9: {  	s0 =	sor.u32 s3, s0;
	s1 =	sshll.u32 s1, $0x11  }
0xba: {  	s0 =	sor.u32 s1, s0  }
0xbb: {  	s0 =	sadd.s32 $0x8F2B, s0  }
0xbc: {  	[sflag:s0] =	ssyncadd.remote.s32 $0x1  }
0xbd: {  	_ =	sfence.sel $0xFFFF  }
0xbe: {  	[dreg:$0x0] =	wrdreg $0xFFFFFFFF;
	(pc) =	sbr.abs _section_cstart, $3  }
0xbf: {  	[dreg:$0x1] =	wrdreg $0xFFFFFFFF  }
0xc0: {  	_ =	task.clear_ibuf [dreg:s6], $0x2FFFF;
	_ =	strace $0x9FFFFFFF  }
0xc1: {  	(tm) =	ssettm $0x7FFFFFFF  }
tec
execute0_lowered:
.L_overlay_start_1:
0x0: {  	(tag) =	ssettag $0x1  }
0x1: {  	s6 =	rddreg [dreg:$0x0]  }
0x2: {  	s0 =	rddreg [dreg:$0x1];
	s1 =	simm.s32 $0x0;
	s4 =	srdreg.scid  }
0x3: {  	s12 =	simm.s32 $0x400;
	s13 =	simm.s32 $0x800;
	s14 =	simm.s32 $0x8800  }
0x4: {  	s15 =	simm.s32 $0x1;
	s16 =	simm.s32 $0x2;
	s17 =	simm.s32 $0x3  }
0x5: {  	s18 =	simm.s32 $0x0;
	[smem:$0x7FF] =	sst s1;
	s2 =	sadd.s32 $0x5000, s6  }
.Ltmp0:
0x6: {  	s3 =	sadd.s32 $0xDA9A00, s6;
	s9 =	sand.u32 $0x1, s4;
	(pc) =	sbr.rel .LBB2_1-.Ltmp0, $4  }
0x7: {  	s4 =	sadd.s32 $0x16B400, s6;
	s5 =	sadd.s32 $0x15F000, s6;
	s10 =	ssub.s32 $0x2, s9  }
0x8: {  	s7 =	sadd.s32 $0x177800, s6;
	s6 =	stileid.u32;
	s11 =	sshrl.u32 s10, $0x1  }
0x9: {  	_ =	strace $0x80000056;
	s8 =	smul.u32 $0x31000, s9;
	s10 =	ssub.s32 s10, s11  }
0xa: {  	s9 =	smul.u32 $0x620000, s9;
	s11 =	simm.s32 $0x4;
	s10 =	smax.u32 s10, $0x1  }
.LBB2_7:
0xb: {  	s18 =	sadd.s32 $0x1, s18  }
0xc: {  	p0 =	sne.s32 s18, s10  }
.Ltmp1:
0xd: {  	_ = 	snop;
	(pc) =	sbr.rel @!p0 .LBB2_8-.Ltmp1, $1  }
0xe: {  	_ =	sdelay $0x3  }
.LBB2_1:
.Ltmp2:
0xf: {  	(pc) =	sbr.rel .LBB2_2-.Ltmp2, $2  }
0x10: {  	_ =	sdelay $0x2  }
0x11: {  	s19 =	simm.s32 $0x0  }
.LBB2_6:
0x12: {  	s19 =	sadd.s32 $0x1, s19  }
0x13: {  	p0 =	sne.s32 s19, $0xD  }
.Ltmp3:
0x14: {  	_ = 	snop;
	(pc) =	sbr.rel @!p0 .LBB2_7-.Ltmp3, $1  }
0x15: {  	_ =	sdelay $0x3  }
.LBB2_2:
0x16: {  	s20 =	sshll.u32 s19, $0x4  }
0x17: {  	s20 =	sor.u32 s6, s20  }
0x18: {  	p0 =	sgt.u32 s20, $0xC3  }
.Ltmp4:
0x19: {  	_ = 	snop;
	(pc) =	sbr.rel @p0 .LBB2_6-.Ltmp4, $1  }
0x1a: {  	_ =	sdelay $0x3  }
0x1b: {  	s21 =	sshll.u32 s20, $0xA  }
0x1c: {  	s21 =	sadd.s32 s8, s21  }
0x1d: {  	s21 =	sshrl.u32 s21, $0x3  }
0x1e: {  	s23 =	simm.s32 $0x0;
	s22 =	sadd.s32 s4, s21  }
0x1f: {  	[tilespmem:s23], [sflag:$0x4] =	stream.linear.gather [hbm4b:s22+s23], $0x400, $0x38;
	[tilespmem:$0x10800] =	vst v63  }
0x20: {  	_ =	swait.ge [sflag:s11], $0x400  }
0x21: {  	[sflag:s11] =	ssyncset.done $0x0  }
0x22: {  	[sflag:s11] =	ssyncadd.s32 $0xFFFFFC00  }
0x23: {  	[tilespmem:s13], [sflag:$0x1] =	stream.indirect.gather [hbm4b:s2+s12], $0x20, s23, s12, $0xb8;
	[tilespmem:$0x10800] =	vst v63  }
0x24: {  	s21 =	sadd.s32 s5, s21  }
0x25: {  	[tilespmem:s12], [sflag:$0x4] =	stream.linear.gather [hbm4b:s21+s23], $0x400, $0x38;
	[tilespmem:$0x10800] =	vst v63  }
0x26: {  	_ =	swait.ge [sflag:s11], $0x400  }
0x27: {  	[sflag:s11] =	ssyncset.done $0x0  }
0x28: {  	[sflag:s11] =	ssyncadd.s32 $0xFFFFFC00  }
0x29: {  	[tilespmem:s14], [sflag:$0x2] =	stream.indirect.gather [hbm4b:s3+s12], $0x20, s12, s12, $0xb8;
	[tilespmem:$0x10800] =	vst v63  }
0x2a: {  	_ =	swait.ge [sflag:s15], $0x8000  }
0x2b: {  	[sflag:s15] =	ssyncset.done $0x0  }
0x2c: {  	[sflag:s15] =	ssyncadd.s32 $0xFFFF8000  }
0x2d: {  	_ =	swait.ge [sflag:s16], $0x8000  }
0x2e: {  	[sflag:s16] =	ssyncset.done $0x0  }
0x2f: {  	s21 =	simm.s32 $0x0;
	[sflag:s16] =	ssyncadd.s32 $0xFFFF8000  }
0x30: {  	v1 =	vld [tilespmem:s21+$0x8800]  }
0x31: {  	v0 =	vld [tilespmem:s21+$0x8810]  }
0x32: {  	s22 =	simm.s32 $0x80;
	v2 =	vld [tilespmem:s21+$0x800]  }
.LBB2_4:
0x33: {  	p0 =	sne.s32 s22, $0x1FF80;
	v3 =	vld [tilespmem:s21+$0x810];
	_ =	sdelay $0x2  }
.Ltmp5:
0x34: {  	(pc) =	sbr.rel @p0 .LBB2_4-.Ltmp5, $4  }
0x35: {  	s23 =	sshra.s32 s22, $0x2;
	v2 =	vadd.f32 v1, v2  }
0x36: {  	v1 =	vld [tilespmem:s23+$0x8800];
	v3 =	vadd.f32 v0, v3  }
0x37: {  	v0 =	vld [tilespmem:s23+$0x8810];
	[tilespmem:s21+$0x800] =	vst v2  }
0x38: {  	s22 =	sadd.s32 $0x80, s22;
	v2 =	vld [tilespmem:s23+$0x800];
	[tilespmem:s21+$0x810] =	vst v3;
	s21 =	smov.u32 s23  }
0x39: {  	v3 =	vld [tilespmem:s21+$0x810];
	_ =	sdelay $0x3  }
0x3a: {  	s20 =	sshll.u32 s20, $0xF;
	v1 =	vadd.f32 v1, v2  }
0x3b: {  	s20 =	sadd.s32 s9, s20;
	v0 =	vadd.f32 v0, v3  }
0x3c: {  	s20 =	sshrl.u32 s20, $0x3;
	[tilespmem:s21+$0x800] =	vst v1  }
.Ltmp6:
0x3d: {  	s20 =	sadd.s32 s7, s20;
	[tilespmem:s21+$0x810] =	vst v0;
	(pc) =	sbr.rel .LBB2_6-.Ltmp6, $4  }
0x3e: {  	[hbm4b:s20+s1] =	stream.linear.scatter [tilespmem:s13], [sflag:$0x3], $0x8000, $0x38;
	[tilespmem:$0x10800] =	vst v63  }
0x3f: {  	_ =	swait.ge [sflag:s17], $0x8000  }
0x40: {  	[sflag:s17] =	ssyncset.done $0x0  }
0x41: {  	[sflag:s17] =	ssyncadd.s32 $0xFFFF8000  }
.LBB2_8:
0x42: {  	_ =	sfence.sel $0x180000  }
0x43: {  	[bflag:$0x0] =	sbarrier.arrive $0xFFFF  }
0x44: {  	p0 =	sne.s32 s6, $0x0;
	_ =	strace $0x90000056  }
0x45: {  	s0 =	sadd.s32 @!p0 $0x100000, s0;
	[bflag:$0x2] =	sbarrier.arrive $0xFFFF  }
0x46: {  	[sflag:s0] =	ssyncadd.tile.s32 @!p0 $0x1;
	_ =	shalt  }
.Lfunc_end2:
_tile_overlayer_lowered:
.L_overlay_start_2:
0x47: {  	(tag) =	ssettag $0x2  }
0x48: {  	s0 =	rddreg [dreg:$0x0];
	s2 =	stileid.u32  }
0x49: {  	s1 =	rddreg [dreg:$0x1];
	p0 =	sne.s32 s2, $0x0  }
0x4a: {  	s3 =	rddreg [dreg:$0x2];
	[bflag:$0x3] =	sbarrier.arrive $0xFFFF;
	s2 =	simm.s32 @!p0 $0x1C03  }
0x4b: {  	[timem:s3], [sflag:s2] =	dma.local @!p0 [hbm:s0], s1  }
0x4c: {  	s0 =	simm.s32 @!p0 $0x3  }
0x4d: {  	_ =	swait.ge @!p0 [sflag:s0], s1  }
0x4e: {  	s1 =	ssub.s32 @!p0 $0x0, s1;
	[sflag:s0] =	ssyncset.done @!p0 $0x0  }
0x4f: {  	[sflag:s0] =	ssyncadd.s32 @!p0 s1  }
0x50: {  	[bflag:$0x3] =	sbarrier.arrive $0xFFFF  }
0x51: {  	_ =	shalt  }

</sc_bundles>
